<compile_context>
chip_gen: v7x
topology: tpu7x:2x2x1
jax: 0.10.2.dev20260603
libtpu: 0.0.44.dev20260713+nightly
codegen_flags: <defaults>
</compile_context>

<pallas_src>
import jax
import jax.numpy as jnp
from jax import lax
from jax.experimental import pallas as pl
from jax.experimental.pallas import tpu as pltpu
from jax.experimental.pallas import tpu_sc as plsc

_D = 64
_DP = 128
_SP = 56
_NC, _NS = 2, 16
_NW = _NC * _NS
_TPB = 8
_NBUF = 2


def _emb_body(idx_hbm, table_hbm, out_hbm, idx_v, rows_v, gsem, osem):
    wid = lax.axis_index("s") * _NC + lax.axis_index("c")
    n_tok = out_hbm.shape[0] // _NW
    n_block = n_tok // _TPB
    tok_base = wid * n_tok
    pltpu.sync_copy(idx_hbm.at[pl.ds(tok_base * _SP, n_tok * _SP)], idx_v)

    def start_gathers(blk, B):
        for k in range(_TPB):
            tok = blk * _TPB + k
            pltpu.async_copy(
                table_hbm.at[idx_v.at[pl.ds(tok * _SP, 50)]],
                rows_v.at[B].at[k],
                gsem.at[B],
            )

    def wait_gathers(blk, B):
        for k in range(_TPB):
            pltpu.make_async_copy(
                table_hbm.at[idx_v.at[pl.ds((blk * _TPB + k) * _SP, 50)]],
                rows_v.at[B].at[k],
                gsem.at[B]).wait()

    def start_out(blk, B):
        for k in range(_TPB):
            pltpu.async_copy(
                rows_v.at[B].at[k],
                out_hbm.at[tok_base + blk * _TPB + k].at[pl.ds(0, 50), pl.ds(0, _D)],
                osem.at[B])

    def wait_out(blk, B):
        for k in range(_TPB):
            pltpu.make_async_copy(
                rows_v.at[B].at[k],
                out_hbm.at[tok_base + blk * _TPB + k].at[pl.ds(0, 50), pl.ds(0, _D)],
                osem.at[B]).wait()

    for B in range(_NBUF):
        start_gathers(B, B)

    n_group = n_block // _NBUF

    def body(g, carry):
        for B in range(_NBUF):
            blk = g * _NBUF + B
            wait_gathers(blk, B)
            start_out(blk, B)
            wait_out(blk, B)
            start_gathers(blk + _NBUF, B)
        return carry

    lax.fori_loop(0, n_group - 1, body, 0)

    for B in range(_NBUF):
        blk = (n_group - 1) * _NBUF + B
        wait_gathers(blk, B)
        start_out(blk, B)
    for B in range(_NBUF):
        blk = (n_group - 1) * _NBUF + B
        wait_out(blk, B)


def kernel(token_ids, weight):
    b, s = token_ids.shape
    idxp = jnp.pad(token_ids, ((0, 0), (0, _SP - s))).reshape(-1)
    mesh = plsc.VectorSubcoreMesh(core_axis_name="c", subcore_axis_name="s")
    n_tok = b // _NW
    out_pad = pl.kernel(
        _emb_body,
        out_type=jax.ShapeDtypeStruct((b, _SP, _DP), jnp.float32),
        mesh=mesh,
        scratch_types=[
            pltpu.VMEM((n_tok * _SP,), jnp.int32),
            pltpu.VMEM((_NBUF, _TPB, 50, _D), jnp.float32),
            pltpu.SemaphoreType.DMA((_NBUF,)),
            pltpu.SemaphoreType.DMA((_NBUF,)),
        ],
        compiler_params=pltpu.CompilerParams(use_tc_tiling_on_sc=False),
    )(idxp, weight)
    return out_pad[:, :s, :_D]

# --- scband reference (transcript-rebuilt; emitter-appended) ---
"""Pipeline reference for scband-embedding-16466904613766 (READ-ONLY COPY).

The authoritative reference and input builder live on the scoring server;
editing this copy changes nothing except your own understanding.
"""

import jax, jax.numpy as jnp
import numpy as np

NUM_EMBEDDINGS = 1000000
EMBEDDING_DIM = 64

def setup_inputs(seed: int = 0) -> dict:
    key = jax.random.key(seed)
    k_idx, k_w = jax.random.split(key)
    token_ids = jax.random.randint(k_idx, (16384, 50), 0, NUM_EMBEDDINGS, dtype=jnp.int64 if jax.config.jax_enable_x64 else jnp.int32)
    # trunc_normal(mean=0, std=1, a=-3, b=3) approximated via clipped normal
    weight = jnp.clip(jax.random.normal(k_w, (NUM_EMBEDDINGS, EMBEDDING_DIM), dtype=jnp.float32), -3.0, 3.0)
    return {"token_ids": token_ids, "weight": weight}

def reference(token_ids, weight):
    # Faithful translation of: return self.weight[token_ids]
    return jnp.take(weight, token_ids, axis=0)

if __name__ == "__main__":
    import jax
    _d = setup_inputs()
    print(jax.jit(kernel)(*tuple(_d.values())))

</pallas_src>

<mosaic_0001>
#map = affine_map<(d0, d1) -> (0)>
#map1 = affine_map<(d0, d1) -> (0, 0)>
#map2 = affine_map<(d0, d1) -> (0, 0, 0)>
module attributes {stable_mosaic.version = 14 : i64} {
  func.func @_emb_body(%arg0: i32, %arg1: i32, %arg2: memref<917504xi32, #tpu.memory_space<hbm>>, %arg3: memref<1000000x64xf32, #tpu.memory_space<hbm>>, %arg4: memref<16384x56x128xf32, #tpu.memory_space<hbm>>, %arg5: memref<28672xi32, #tpu.memory_space<vmem>>, %arg6: memref<2x8x50x64xf32, #tpu.memory_space<vmem>>, %arg7: memref<2x!tpu.dma_semaphore, #tpu.memory_space<semaphore_mem>>, %arg8: memref<2x!tpu.dma_semaphore, #tpu.memory_space<semaphore_mem>>) attributes {dimension_semantics = [#tpu.dimension_semantics<core_parallel>, #tpu.dimension_semantics<subcore_parallel>], iteration_bounds = array<i64: 2, 16>, scalar_prefetch = 0 : i64, scratch_operands = 4 : i64, tpu.core_type = #tpu.core_type<sc_vector_subcore>, window_params = [{transform_indices = #map}, {transform_indices = #map1}, {transform_indices = #map2}]} {
    %mul3A = arith.constant 2 : i32
    %mul3A_0 = arith.muli %arg1, %mul3A : i32
    %add3A = arith.addi %mul3A_0, %arg0 : i32
    %mul3A_1 = arith.constant 512 : i32
    %mul3A_2 = arith.muli %add3A, %mul3A_1 : i32
    %mul3A_3 = arith.constant 56 : i32
    %mul3A_4 = arith.muli %mul3A_2, %mul3A_3 : i32
    "tpu.region"() ({
      %run_scoped3A = tpu.sem_alloc : memref<!tpu.dma_semaphore, #tpu.memory_space<semaphore_mem>>
      %dma_start3A_1928 = tpu.memref_slice %arg2[%mul3A_4] : memref<917504xi32, #tpu.memory_space<hbm>> -> memref<28672xi32, #tpu.memory_space<hbm>>
      %dma_start3A_1929 = tpu.memref_slice %arg2[%mul3A_4] : memref<917504xi32, #tpu.memory_space<hbm>> -> memref<28672xi32, #tpu.memory_space<hbm>>
      tpu.enqueue_dma source(%dma_start3A_1929 : memref<28672xi32, #tpu.memory_space<hbm>>) target(%arg5 : memref<28672xi32, #tpu.memory_space<vmem>>) target_semaphore(%run_scoped3A : memref<!tpu.dma_semaphore, #tpu.memory_space<semaphore_mem>>)
      %dma_wait3A_1930 = tpu.memref_slice %arg2[%mul3A_4] : memref<917504xi32, #tpu.memory_space<hbm>> -> memref<28672xi32, #tpu.memory_space<hbm>>
      %dma_wait3A_1931 = tpu.memref_slice %arg2[%mul3A_4] : memref<917504xi32, #tpu.memory_space<hbm>> -> memref<28672xi32, #tpu.memory_space<hbm>>
      tpu.wait_dma2 semaphore(%run_scoped3A : memref<!tpu.dma_semaphore, #tpu.memory_space<semaphore_mem>>) src(%dma_wait3A_1931 : memref<28672xi32, #tpu.memory_space<hbm>>) dst(%arg5 : memref<28672xi32, #tpu.memory_space<vmem>>)
      tpu.yield
    }) : () -> ()
    %dma_start3A = arith.constant 0 : i32
    %dma_start3A_5 = arith.constant 0 : i32
    %dma_start3A_6 = arith.constant 0 : i32
    %dma_start3A_7 = arith.constant 0 : i32
    %dma_start3A_8 = arith.constant 0 : i32
    %dma_start3A_9 = arith.constant 0 : i32
    %dma_start3A_10 = tpu.memref_slice %arg6[%dma_start3A, %dma_start3A_7, %dma_start3A_8, %dma_start3A_9] : memref<2x8x50x64xf32, #tpu.memory_space<vmem>> -> memref<1x8x50x64xf32, #tpu.memory_space<vmem>>
    %dma_start3A_11 = tpu.memref_squeeze %dma_start3A_10 : memref<1x8x50x64xf32, #tpu.memory_space<vmem>> -> memref<8x50x64xf32, #tpu.memory_space<vmem>>
    %dma_start3A_12 = arith.constant 0 : i32
    %dma_start3A_13 = arith.constant 0 : i32
    %dma_start3A_14 = tpu.memref_slice %dma_start3A_11[%dma_start3A_5, %dma_start3A_12, %dma_start3A_13] : memref<8x50x64xf32, #tpu.memory_space<vmem>> -> memref<1x50x64xf32, #tpu.memory_space<vmem>>
    %dma_start3A_15 = tpu.memref_squeeze %dma_start3A_14 : memref<1x50x64xf32, #tpu.memory_space<vmem>> -> memref<50x64xf32, #tpu.memory_space<vmem>>
    %dma_start3A_16 = arith.constant 0 : i32
    %dma_start3A_17 = tpu.memref_slice %arg5[%dma_start3A_16] : memref<28672xi32, #tpu.memory_space<vmem>> -> memref<50xi32, #tpu.memory_space<vmem>>
    %dma_start3A_18 = arith.constant 0 : i32
    %dma_start3A_19 = arith.constant 0 : i32
    %dma_start3A_20 = tpu.memref_slice %arg3[%dma_start3A_18, %dma_start3A_19] : memref<1000000x64xf32, #tpu.memory_space<hbm>> -> memref<1000000x64xf32, #tpu.memory_space<hbm>>
    %dma_start3A_21 = tpu.memref_slice %arg7[%dma_start3A_6] : memref<2x!tpu.dma_semaphore, #tpu.memory_space<semaphore_mem>> -> memref<1x!tpu.dma_semaphore, #tpu.memory_space<semaphore_mem>>
    %dma_start3A_22 = tpu.memref_squeeze %dma_start3A_21 : memref<1x!tpu.dma_semaphore, #tpu.memory_space<semaphore_mem>> -> memref<!tpu.dma_semaphore, #tpu.memory_space<semaphore_mem>>
    tpu.enqueue_indirect_dma source(%dma_start3A_20 : memref<1000000x64xf32, #tpu.memory_space<hbm>>) target(%dma_start3A_15 : memref<50x64xf32, #tpu.memory_space<vmem>>) offsets(%dma_start3A_17 : memref<50xi32, #tpu.memory_space<vmem>>) semaphore(%dma_start3A_22 : memref<!tpu.dma_semaphore, #tpu.memory_space<semaphore_mem>>)
    %dma_start3A_23 = arith.constant 0 : i32
    %dma_start3A_24 = arith.constant 1 : i32
    %dma_start3A_25 = arith.constant 0 : i32
    %dma_start3A_26 = arith.constant 0 : i32
    %dma_start3A_27 = arith.constant 0 : i32
    %dma_start3A_28 = arith.constant 0 : i32
    %dma_start3A_29 = tpu.memref_slice %arg6[%dma_start3A_23, %dma_start3A_26, %dma_start3A_27, %dma_start3A_28] : memref<2x8x50x64xf32, #tpu.memory_space<vmem>> -> memref<1x8x50x64xf32, #tpu.memory_space<vmem>>
    %dma_start3A_30 = tpu.memref_squeeze %dma_start3A_29 : memref<1x8x50x64xf32, #tpu.memory_space<vmem>> -> memref<8x50x64xf32, #tpu.memory_space<vmem>>
    %dma_start3A_31 = arith.constant 0 : i32
    %dma_start3A_32 = arith.constant 0 : i32
    %dma_start3A_33 = tpu.memref_slice %dma_start3A_30[%dma_start3A_24, %dma_start3A_31, %dma_start3A_32] : memref<8x50x64xf32, #tpu.memory_space<vmem>> -> memref<1x50x64xf32, #tpu.memory_space<vmem>>
    %dma_start3A_34 = tpu.memref_squeeze %dma_start3A_33 : memref<1x50x64xf32, #tpu.memory_space<vmem>> -> memref<50x64xf32, #tpu.memory_space<vmem>>
    %dma_start3A_35 = arith.constant 56 : i32
    %dma_start3A_36 = tpu.memref_slice %arg5[%dma_start3A_35] : memref<28672xi32, #tpu.memory_space<vmem>> -> memref<50xi32, #tpu.memory_space<vmem>>
    %dma_start3A_37 = arith.constant 0 : i32
    %dma_start3A_38 = arith.constant 0 : i32
    %dma_start3A_39 = tpu.memref_slice %arg3[%dma_start3A_37, %dma_start3A_38] : memref<1000000x64xf32, #tpu.memory_space<hbm>> -> memref<1000000x64xf32, #tpu.memory_space<hbm>>
    %dma_start3A_40 = tpu.memref_slice %arg7[%dma_start3A_25] : memref<2x!tpu.dma_semaphore, #tpu.memory_space<semaphore_mem>> -> memref<1x!tpu.dma_semaphore, #tpu.memory_space<semaphore_mem>>
    %dma_start3A_41 = tpu.memref_squeeze %dma_start3A_40 : memref<1x!tpu.dma_semaphore, #tpu.memory_space<semaphore_mem>> -> memref<!tpu.dma_semaphore, #tpu.memory_space<semaphore_mem>>
    tpu.enqueue_indirect_dma source(%dma_start3A_39 : memref<1000000x64xf32, #tpu.memory_space<hbm>>) target(%dma_start3A_34 : memref<50x64xf32, #tpu.memory_space<vmem>>) offsets(%dma_start3A_36 : memref<50xi32, #tpu.memory_space<vmem>>) semaphore(%dma_start3A_41 : memref<!tpu.dma_semaphore, #tpu.memory_space<semaphore_mem>>)
    %dma_start3A_42 = arith.constant 0 : i32
    %dma_start3A_43 = arith.constant 2 : i32
    %dma_start3A_44 = arith.constant 0 : i32
    %dma_start3A_45 = arith.constant 0 : i32
    %dma_start3A_46 = arith.constant 0 : i32
    %dma_start3A_47 = arith.constant 0 : i32
    %dma_start3A_48 = tpu.memref_slice %arg6[%dma_start3A_42, %dma_start3A_45, %dma_start3A_46, %dma_start3A_47] : memref<2x8x50x64xf32, #tpu.memory_space<vmem>> -> memref<1x8x50x64xf32, #tpu.memory_space<vmem>>
    %dma_start3A_49 = tpu.memref_squeeze %dma_start3A_48 : memref<1x8x50x64xf32, #tpu.memory_space<vmem>> -> memref<8x50x64xf32, #tpu.memory_space<vmem>>
    %dma_start3A_50 = arith.constant 0 : i32
    %dma_start3A_51 = arith.constant 0 : i32
    %dma_start3A_52 = tpu.memref_slice %dma_start3A_49[%dma_start3A_43, %dma_start3A_50, %dma_start3A_51] : memref<8x50x64xf32, #tpu.memory_space<vmem>> -> memref<1x50x64xf32, #tpu.memory_space<vmem>>
    %dma_start3A_53 = tpu.memref_squeeze %dma_start3A_52 : memref<1x50x64xf32, #tpu.memory_space<vmem>> -> memref<50x64xf32, #tpu.memory_space<vmem>>
    %dma_start3A_54 = arith.constant 112 : i32
    %dma_start3A_55 = tpu.memref_slice %arg5[%dma_start3A_54] : memref<28672xi32, #tpu.memory_space<vmem>> -> memref<50xi32, #tpu.memory_space<vmem>>
    %dma_start3A_56 = arith.constant 0 : i32
    %dma_start3A_57 = arith.constant 0 : i32
    %dma_start3A_58 = tpu.memref_slice %arg3[%dma_start3A_56, %dma_start3A_57] : memref<1000000x64xf32, #tpu.memory_space<hbm>> -> memref<1000000x64xf32, #tpu.memory_space<hbm>>
    %dma_start3A_59 = tpu.memref_slice %arg7[%dma_start3A_44] : memref<2x!tpu.dma_semaphore, #tpu.memory_space<semaphore_mem>> -> memref<1x!tpu.dma_semaphore, #tpu.memory_space<semaphore_mem>>
    %dma_start3A_60 = tpu.memref_squeeze %dma_start3A_59 : memref<1x!tpu.dma_semaphore, #tpu.memory_space<semaphore_mem>> -> memref<!tpu.dma_semaphore, #tpu.memory_space<semaphore_mem>>
    tpu.enqueue_indirect_dma source(%dma_start3A_58 : memref<1000000x64xf32, #tpu.memory_space<hbm>>) target(%dma_start3A_53 : memref<50x64xf32, #tpu.memory_space<vmem>>) offsets(%dma_start3A_55 : memref<50xi32, #tpu.memory_space<vmem>>) semaphore(%dma_start3A_60 : memref<!tpu.dma_semaphore, #tpu.memory_space<semaphore_mem>>)
    %dma_start3A_61 = arith.constant 0 : i32
    %dma_start3A_62 = arith.constant 3 : i32
    %dma_start3A_63 = arith.constant 0 : i32
    %dma_start3A_64 = arith.constant 0 : i32
    %dma_start3A_65 = arith.constant 0 : i32
    %dma_start3A_66 = arith.constant 0 : i32
    %dma_start3A_67 = tpu.memref_slice %arg6[%dma_start3A_61, %dma_start3A_64, %dma_start3A_65, %dma_start3A_66] : memref<2x8x50x64xf32, #tpu.memory_space<vmem>> -> memref<1x8x50x64xf32, #tpu.memory_space<vmem>>
    %dma_start3A_68 = tpu.memref_squeeze %dma_start3A_67 : memref<1x8x50x64xf32, #tpu.memory_space<vmem>> -> memref<8x50x64xf32, #tpu.memory_space<vmem>>
    %dma_start3A_69 = arith.constant 0 : i32
    %dma_start3A_70 = arith.constant 0 : i32
    %dma_start3A_71 = tpu.memref_slice %dma_start3A_68[%dma_start3A_62, %dma_start3A_69, %dma_start3A_70] : memref<8x50x64xf32, #tpu.memory_space<vmem>> -> memref<1x50x64xf32, #tpu.memory_space<vmem>>
    %dma_start3A_72 = tpu.memref_squeeze %dma_start3A_71 : memref<1x50x64xf32, #tpu.memory_space<vmem>> -> memref<50x64xf32, #tpu.memory_space<vmem>>
    %dma_start3A_73 = arith.constant 168 : i32
    %dma_start3A_74 = tpu.memref_slice %arg5[%dma_start3A_73] : memref<28672xi32, #tpu.memory_space<vmem>> -> memref<50xi32, #tpu.memory_space<vmem>>
    %dma_start3A_75 = arith.constant 0 : i32
    %dma_start3A_76 = arith.constant 0 : i32
    %dma_start3A_77 = tpu.memref_slice %arg3[%dma_start3A_75, %dma_start3A_76] : memref<1000000x64xf32, #tpu.memory_space<hbm>> -> memref<1000000x64xf32, #tpu.memory_space<hbm>>
    %dma_start3A_78 = tpu.memref_slice %arg7[%dma_start3A_63] : memref<2x!tpu.dma_semaphore, #tpu.memory_space<semaphore_mem>> -> memref<1x!tpu.dma_semaphore, #tpu.memory_space<semaphore_mem>>
    %dma_start3A_79 = tpu.memref_squeeze %dma_start3A_78 : memref<1x!tpu.dma_semaphore, #tpu.memory_space<semaphore_mem>> -> memref<!tpu.dma_semaphore, #tpu.memory_space<semaphore_mem>>
    tpu.enqueue_indirect_dma source(%dma_start3A_77 : memref<1000000x64xf32, #tpu.memory_space<hbm>>) target(%dma_start3A_72 : memref<50x64xf32, #tpu.memory_space<vmem>>) offsets(%dma_start3A_74 : memref<50xi32, #tpu.memory_space<vmem>>) semaphore(%dma_start3A_79 : memref<!tpu.dma_semaphore, #tpu.memory_space<semaphore_mem>>)
    %dma_start3A_80 = arith.constant 0 : i32
    %dma_start3A_81 = arith.constant 4 : i32
    %dma_start3A_82 = arith.constant 0 : i32
    %dma_start3A_83 = arith.constant 0 : i32
    %dma_start3A_84 = arith.constant 0 : i32
    %dma_start3A_85 = arith.constant 0 : i32
    %dma_start3A_86 = tpu.memref_slice %arg6[%dma_start3A_80, %dma_start3A_83, %dma_start3A_84, %dma_start3A_85] : memref<2x8x50x64xf32, #tpu.memory_space<vmem>> -> memref<1x8x50x64xf32, #tpu.memory_space<vmem>>
    %dma_start3A_87 = tpu.memref_squeeze %dma_start3A_86 : memref<1x8x50x64xf32, #tpu.memory_space<vmem>> -> memref<8x50x64xf32, #tpu.memory_space<vmem>>
    %dma_start3A_88 = arith.constant 0 : i32
    %dma_start3A_89 = arith.constant 0 : i32
    %dma_start3A_90 = tpu.memref_slice %dma_start3A_87[%dma_start3A_81, %dma_start3A_88, %dma_start3A_89] : memref<8x50x64xf32, #tpu.memory_space<vmem>> -> memref<1x50x64xf32, #tpu.memory_space<vmem>>
    %dma_start3A_91 = tpu.memref_squeeze %dma_start3A_90 : memref<1x50x64xf32, #tpu.memory_space<vmem>> -> memref<50x64xf32, #tpu.memory_space<vmem>>
    %dma_start3A_92 = arith.constant 224 : i32
    %dma_start3A_93 = tpu.memref_slice %arg5[%dma_start3A_92] : memref<28672xi32, #tpu.memory_space<vmem>> -> memref<50xi32, #tpu.memory_space<vmem>>
    %dma_start3A_94 = arith.constant 0 : i32
    %dma_start3A_95 = arith.constant 0 : i32
    %dma_start3A_96 = tpu.memref_slice %arg3[%dma_start3A_94, %dma_start3A_95] : memref<1000000x64xf32, #tpu.memory_space<hbm>> -> memref<1000000x64xf32, #tpu.memory_space<hbm>>
    %dma_start3A_97 = tpu.memref_slice %arg7[%dma_start3A_82] : memref<2x!tpu.dma_semaphore, #tpu.memory_space<semaphore_mem>> -> memref<1x!tpu.dma_semaphore, #tpu.memory_space<semaphore_mem>>
    %dma_start3A_98 = tpu.memref_squeeze %dma_start3A_97 : memref<1x!tpu.dma_semaphore, #tpu.memory_space<semaphore_mem>> -> memref<!tpu.dma_semaphore, #tpu.memory_space<semaphore_mem>>
    tpu.enqueue_indirect_dma source(%dma_start3A_96 : memref<1000000x64xf32, #tpu.memory_space<hbm>>) target(%dma_start3A_91 : memref<50x64xf32, #tpu.memory_space<vmem>>) offsets(%dma_start3A_93 : memref<50xi32, #tpu.memory_space<vmem>>) semaphore(%dma_start3A_98 : memref<!tpu.dma_semaphore, #tpu.memory_space<semaphore_mem>>)
    %dma_start3A_99 = arith.constant 0 : i32
    %dma_start3A_100 = arith.constant 5 : i32
    %dma_start3A_101 = arith.constant 0 : i32
    %dma_start3A_102 = arith.constant 0 : i32
    %dma_start3A_103 = arith.constant 0 : i32
    %dma_start3A_104 = arith.constant 0 : i32
    %dma_start3A_105 = tpu.memref_slice %arg6[%dma_start3A_99, %dma_start3A_102, %dma_start3A_103, %dma_start3A_104] : memref<2x8x50x64xf32, #tpu.memory_space<vmem>> -> memref<1x8x50x64xf32, #tpu.memory_space<vmem>>
    %dma_start3A_106 = tpu.memref_squeeze %dma_start3A_105 : memref<1x8x50x64xf32, #tpu.memory_space<vmem>> -> memref<8x50x64xf32, #tpu.memory_space<vmem>>
    %dma_start3A_107 = arith.constant 0 : i32
    %dma_start3A_108 = arith.constant 0 : i32
    %dma_start3A_109 = tpu.memref_slice %dma_start3A_106[%dma_start3A_100, %dma_start3A_107, %dma_start3A_108] : memref<8x50x64xf32, #tpu.memory_space<vmem>> -> memref<1x50x64xf32, #tpu.memory_space<vmem>>
    %dma_start3A_110 = tpu.memref_squeeze %dma_start3A_109 : memref<1x50x64xf32, #tpu.memory_space<vmem>> -> memref<50x64xf32, #tpu.memory_space<vmem>>
    %dma_start3A_111 = arith.constant 280 : i32
    %dma_start3A_112 = tpu.memref_slice %arg5[%dma_start3A_111] : memref<28672xi32, #tpu.memory_space<vmem>> -> memref<50xi32, #tpu.memory_space<vmem>>
    %dma_start3A_113 = arith.constant 0 : i32
    %dma_start3A_114 = arith.constant 0 : i32
    %dma_start3A_115 = tpu.memref_slice %arg3[%dma_start3A_113, %dma_start3A_114] : memref<1000000x64xf32, #tpu.memory_space<hbm>> -> memref<1000000x64xf32, #tpu.memory_space<hbm>>
    %dma_start3A_116 = tpu.memref_slice %arg7[%dma_start3A_101] : memref<2x!tpu.dma_semaphore, #tpu.memory_space<semaphore_mem>> -> memref<1x!tpu.dma_semaphore, #tpu.memory_space<semaphore_mem>>
    %dma_start3A_117 = tpu.memref_squeeze %dma_start3A_116 : memref<1x!tpu.dma_semaphore, #tpu.memory_space<semaphore_mem>> -> memref<!tpu.dma_semaphore, #tpu.memory_space<semaphore_mem>>
    tpu.enqueue_indirect_dma source(%dma_start3A_115 : memref<1000000x64xf32, #tpu.memory_space<hbm>>) target(%dma_start3A_110 : memref<50x64xf32, #tpu.memory_space<vmem>>) offsets(%dma_start3A_112 : memref<50xi32, #tpu.memory_space<vmem>>) semaphore(%dma_start3A_117 : memref<!tpu.dma_semaphore, #tpu.memory_space<semaphore_mem>>)
    %dma_start3A_118 = arith.constant 0 : i32
    %dma_start3A_119 = arith.constant 6 : i32
    %dma_start3A_120 = arith.constant 0 : i32
    %dma_start3A_121 = arith.constant 0 : i32
    %dma_start3A_122 = arith.constant 0 : i32
    %dma_start3A_123 = arith.constant 0 : i32
    %dma_start3A_124 = tpu.memref_slice %arg6[%dma_start3A_118, %dma_start3A_121, %dma_start3A_122, %dma_start3A_123] : memref<2x8x50x64xf32, #tpu.memory_space<vmem>> -> memref<1x8x50x64xf32, #tpu.memory_space<vmem>>
    %dma_start3A_125 = tpu.memref_squeeze %dma_start3A_124 : memref<1x8x50x64xf32, #tpu.memory_space<vmem>> -> memref<8x50x64xf32, #tpu.memory_space<vmem>>
    %dma_start3A_126 = arith.constant 0 : i32
    %dma_start3A_127 = arith.constant 0 : i32
    %dma_start3A_128 = tpu.memref_slice %dma_start3A_125[%dma_start3A_119, %dma_start3A_126, %dma_start3A_127] : memref<8x50x64xf32, #tpu.memory_space<vmem>> -> memref<1x50x64xf32, #tpu.memory_space<vmem>>
    %dma_start3A_129 = tpu.memref_squeeze %dma_start3A_128 : memref<1x50x64xf32, #tpu.memory_space<vmem>> -> memref<50x64xf32, #tpu.memory_space<vmem>>
    %dma_start3A_130 = arith.constant 336 : i32
    %dma_start3A_131 = tpu.memref_slice %arg5[%dma_start3A_130] : memref<28672xi32, #tpu.memory_space<vmem>> -> memref<50xi32, #tpu.memory_space<vmem>>
    %dma_start3A_132 = arith.constant 0 : i32
    %dma_start3A_133 = arith.constant 0 : i32
    %dma_start3A_134 = tpu.memref_slice %arg3[%dma_start3A_132, %dma_start3A_133] : memref<1000000x64xf32, #tpu.memory_space<hbm>> -> memref<1000000x64xf32, #tpu.memory_space<hbm>>
    %dma_start3A_135 = tpu.memref_slice %arg7[%dma_start3A_120] : memref<2x!tpu.dma_semaphore, #tpu.memory_space<semaphore_mem>> -> memref<1x!tpu.dma_semaphore, #tpu.memory_space<semaphore_mem>>
    %dma_start3A_136 = tpu.memref_squeeze %dma_start3A_135 : memref<1x!tpu.dma_semaphore, #tpu.memory_space<semaphore_mem>> -> memref<!tpu.dma_semaphore, #tpu.memory_space<semaphore_mem>>
    tpu.enqueue_indirect_dma source(%dma_start3A_134 : memref<1000000x64xf32, #tpu.memory_space<hbm>>) target(%dma_start3A_129 : memref<50x64xf32, #tpu.memory_space<vmem>>) offsets(%dma_start3A_131 : memref<50xi32, #tpu.memory_space<vmem>>) semaphore(%dma_start3A_136 : memref<!tpu.dma_semaphore, #tpu.memory_space<semaphore_mem>>)
    %dma_start3A_137 = arith.constant 0 : i32
    %dma_start3A_138 = arith.constant 7 : i32
    %dma_start3A_139 = arith.constant 0 : i32
    %dma_start3A_140 = arith.constant 0 : i32
    %dma_start3A_141 = arith.constant 0 : i32
    %dma_start3A_142 = arith.constant 0 : i32
    %dma_start3A_143 = tpu.memref_slice %arg6[%dma_start3A_137, %dma_start3A_140, %dma_start3A_141, %dma_start3A_142] : memref<2x8x50x64xf32, #tpu.memory_space<vmem>> -> memref<1x8x50x64xf32, #tpu.memory_space<vmem>>
    %dma_start3A_144 = tpu.memref_squeeze %dma_start3A_143 : memref<1x8x50x64xf32, #tpu.memory_space<vmem>> -> memref<8x50x64xf32, #tpu.memory_space<vmem>>
    %dma_start3A_145 = arith.constant 0 : i32
    %dma_start3A_146 = arith.constant 0 : i32
    %dma_start3A_147 = tpu.memref_slice %dma_start3A_144[%dma_start3A_138, %dma_start3A_145, %dma_start3A_146] : memref<8x50x64xf32, #tpu.memory_space<vmem>> -> memref<1x50x64xf32, #tpu.memory_space<vmem>>
    %dma_start3A_148 = tpu.memref_squeeze %dma_start3A_147 : memref<1x50x64xf32, #tpu.memory_space<vmem>> -> memref<50x64xf32, #tpu.memory_space<vmem>>
    %dma_start3A_149 = arith.constant 392 : i32
    %dma_start3A_150 = tpu.memref_slice %arg5[%dma_start3A_149] : memref<28672xi32, #tpu.memory_space<vmem>> -> memref<50xi32, #tpu.memory_space<vmem>>
    %dma_start3A_151 = arith.constant 0 : i32
    %dma_start3A_152 = arith.constant 0 : i32
    %dma_start3A_153 = tpu.memref_slice %arg3[%dma_start3A_151, %dma_start3A_152] : memref<1000000x64xf32, #tpu.memory_space<hbm>> -> memref<1000000x64xf32, #tpu.memory_space<hbm>>
    %dma_start3A_154 = tpu.memref_slice %arg7[%dma_start3A_139] : memref<2x!tpu.dma_semaphore, #tpu.memory_space<semaphore_mem>> -> memref<1x!tpu.dma_semaphore, #tpu.memory_space<semaphore_mem>>
    %dma_start3A_155 = tpu.memref_squeeze %dma_start3A_154 : memref<1x!tpu.dma_semaphore, #tpu.memory_space<semaphore_mem>> -> memref<!tpu.dma_semaphore, #tpu.memory_space<semaphore_mem>>
    tpu.enqueue_indirect_dma source(%dma_start3A_153 : memref<1000000x64xf32, #tpu.memory_space<hbm>>) target(%dma_start3A_148 : memref<50x64xf32, #tpu.memory_space<vmem>>) offsets(%dma_start3A_150 : memref<50xi32, #tpu.memory_space<vmem>>) semaphore(%dma_start3A_155 : memref<!tpu.dma_semaphore, #tpu.memory_space<semaphore_mem>>)
    %dma_start3A_156 = arith.constant 1 : i32
    %dma_start3A_157 = arith.constant 0 : i32
    %dma_start3A_158 = arith.constant 1 : i32
    %dma_start3A_159 = arith.constant 0 : i32
    %dma_start3A_160 = arith.constant 0 : i32
    %dma_start3A_161 = arith.constant 0 : i32
    %dma_start3A_162 = tpu.memref_slice %arg6[%dma_start3A_156, %dma_start3A_159, %dma_start3A_160, %dma_start3A_161] : memref<2x8x50x64xf32, #tpu.memory_space<vmem>> -> memref<1x8x50x64xf32, #tpu.memory_space<vmem>>
    %dma_start3A_163 = tpu.memref_squeeze %dma_start3A_162 : memref<1x8x50x64xf32, #tpu.memory_space<vmem>> -> memref<8x50x64xf32, #tpu.memory_space<vmem>>
    %dma_start3A_164 = arith.constant 0 : i32
    %dma_start3A_165 = arith.constant 0 : i32
    %dma_start3A_166 = tpu.memref_slice %dma_start3A_163[%dma_start3A_157, %dma_start3A_164, %dma_start3A_165] : memref<8x50x64xf32, #tpu.memory_space<vmem>> -> memref<1x50x64xf32, #tpu.memory_space<vmem>>
    %dma_start3A_167 = tpu.memref_squeeze %dma_start3A_166 : memref<1x50x64xf32, #tpu.memory_space<vmem>> -> memref<50x64xf32, #tpu.memory_space<vmem>>
    %dma_start3A_168 = arith.constant 448 : i32
    %dma_start3A_169 = tpu.memref_slice %arg5[%dma_start3A_168] : memref<28672xi32, #tpu.memory_space<vmem>> -> memref<50xi32, #tpu.memory_space<vmem>>
    %dma_start3A_170 = arith.constant 0 : i32
    %dma_start3A_171 = arith.constant 0 : i32
    %dma_start3A_172 = tpu.memref_slice %arg3[%dma_start3A_170, %dma_start3A_171] : memref<1000000x64xf32, #tpu.memory_space<hbm>> -> memref<1000000x64xf32, #tpu.memory_space<hbm>>
    %dma_start3A_173 = tpu.memref_slice %arg7[%dma_start3A_158] : memref<2x!tpu.dma_semaphore, #tpu.memory_space<semaphore_mem>> -> memref<1x!tpu.dma_semaphore, #tpu.memory_space<semaphore_mem>>
    %dma_start3A_174 = tpu.memref_squeeze %dma_start3A_173 : memref<1x!tpu.dma_semaphore, #tpu.memory_space<semaphore_mem>> -> memref<!tpu.dma_semaphore, #tpu.memory_space<semaphore_mem>>
    tpu.enqueue_indirect_dma source(%dma_start3A_172 : memref<1000000x64xf32, #tpu.memory_space<hbm>>) target(%dma_start3A_167 : memref<50x64xf32, #tpu.memory_space<vmem>>) offsets(%dma_start3A_169 : memref<50xi32, #tpu.memory_space<vmem>>) semaphore(%dma_start3A_174 : memref<!tpu.dma_semaphore, #tpu.memory_space<semaphore_mem>>)
    %dma_start3A_175 = arith.constant 1 : i32
    %dma_start3A_176 = arith.constant 1 : i32
    %dma_start3A_177 = arith.constant 1 : i32
    %dma_start3A_178 = arith.constant 0 : i32
    %dma_start3A_179 = arith.constant 0 : i32
    %dma_start3A_180 = arith.constant 0 : i32
    %dma_start3A_181 = tpu.memref_slice %arg6[%dma_start3A_175, %dma_start3A_178, %dma_start3A_179, %dma_start3A_180] : memref<2x8x50x64xf32, #tpu.memory_space<vmem>> -> memref<1x8x50x64xf32, #tpu.memory_space<vmem>>
    %dma_start3A_182 = tpu.memref_squeeze %dma_start3A_181 : memref<1x8x50x64xf32, #tpu.memory_space<vmem>> -> memref<8x50x64xf32, #tpu.memory_space<vmem>>
    %dma_start3A_183 = arith.constant 0 : i32
    %dma_start3A_184 = arith.constant 0 : i32
    %dma_start3A_185 = tpu.memref_slice %dma_start3A_182[%dma_start3A_176, %dma_start3A_183, %dma_start3A_184] : memref<8x50x64xf32, #tpu.memory_space<vmem>> -> memref<1x50x64xf32, #tpu.memory_space<vmem>>
    %dma_start3A_186 = tpu.memref_squeeze %dma_start3A_185 : memref<1x50x64xf32, #tpu.memory_space<vmem>> -> memref<50x64xf32, #tpu.memory_space<vmem>>
    %dma_start3A_187 = arith.constant 504 : i32
    %dma_start3A_188 = tpu.memref_slice %arg5[%dma_start3A_187] : memref<28672xi32, #tpu.memory_space<vmem>> -> memref<50xi32, #tpu.memory_space<vmem>>
    %dma_start3A_189 = arith.constant 0 : i32
    %dma_start3A_190 = arith.constant 0 : i32
    %dma_start3A_191 = tpu.memref_slice %arg3[%dma_start3A_189, %dma_start3A_190] : memref<1000000x64xf32, #tpu.memory_space<hbm>> -> memref<1000000x64xf32, #tpu.memory_space<hbm>>
    %dma_start3A_192 = tpu.memref_slice %arg7[%dma_start3A_177] : memref<2x!tpu.dma_semaphore, #tpu.memory_space<semaphore_mem>> -> memref<1x!tpu.dma_semaphore, #tpu.memory_space<semaphore_mem>>
    %dma_start3A_193 = tpu.memref_squeeze %dma_start3A_192 : memref<1x!tpu.dma_semaphore, #tpu.memory_space<semaphore_mem>> -> memref<!tpu.dma_semaphore, #tpu.memory_space<semaphore_mem>>
    tpu.enqueue_indirect_dma source(%dma_start3A_191 : memref<1000000x64xf32, #tpu.memory_space<hbm>>) target(%dma_start3A_186 : memref<50x64xf32, #tpu.memory_space<vmem>>) offsets(%dma_start3A_188 : memref<50xi32, #tpu.memory_space<vmem>>) semaphore(%dma_start3A_193 : memref<!tpu.dma_semaphore, #tpu.memory_space<semaphore_mem>>)
    %dma_start3A_194 = arith.constant 1 : i32
    %dma_start3A_195 = arith.constant 2 : i32
    %dma_start3A_196 = arith.constant 1 : i32
    %dma_start3A_197 = arith.constant 0 : i32
    %dma_start3A_198 = arith.constant 0 : i32
    %dma_start3A_199 = arith.constant 0 : i32
    %dma_start3A_200 = tpu.memref_slice %arg6[%dma_start3A_194, %dma_start3A_197, %dma_start3A_198, %dma_start3A_199] : memref<2x8x50x64xf32, #tpu.memory_space<vmem>> -> memref<1x8x50x64xf32, #tpu.memory_space<vmem>>
    %dma_start3A_201 = tpu.memref_squeeze %dma_start3A_200 : memref<1x8x50x64xf32, #tpu.memory_space<vmem>> -> memref<8x50x64xf32, #tpu.memory_space<vmem>>
    %dma_start3A_202 = arith.constant 0 : i32
    %dma_start3A_203 = arith.constant 0 : i32
    %dma_start3A_204 = tpu.memref_slice %dma_start3A_201[%dma_start3A_195, %dma_start3A_202, %dma_start3A_203] : memref<8x50x64xf32, #tpu.memory_space<vmem>> -> memref<1x50x64xf32, #tpu.memory_space<vmem>>
    %dma_start3A_205 = tpu.memref_squeeze %dma_start3A_204 : memref<1x50x64xf32, #tpu.memory_space<vmem>> -> memref<50x64xf32, #tpu.memory_space<vmem>>
    %dma_start3A_206 = arith.constant 560 : i32
    %dma_start3A_207 = tpu.memref_slice %arg5[%dma_start3A_206] : memref<28672xi32, #tpu.memory_space<vmem>> -> memref<50xi32, #tpu.memory_space<vmem>>
    %dma_start3A_208 = arith.constant 0 : i32
    %dma_start3A_209 = arith.constant 0 : i32
    %dma_start3A_210 = tpu.memref_slice %arg3[%dma_start3A_208, %dma_start3A_209] : memref<1000000x64xf32, #tpu.memory_space<hbm>> -> memref<1000000x64xf32, #tpu.memory_space<hbm>>
    %dma_start3A_211 = tpu.memref_slice %arg7[%dma_start3A_196] : memref<2x!tpu.dma_semaphore, #tpu.memory_space<semaphore_mem>> -> memref<1x!tpu.dma_semaphore, #tpu.memory_space<semaphore_mem>>
    %dma_start3A_212 = tpu.memref_squeeze %dma_start3A_211 : memref<1x!tpu.dma_semaphore, #tpu.memory_space<semaphore_mem>> -> memref<!tpu.dma_semaphore, #tpu.memory_space<semaphore_mem>>
    tpu.enqueue_indirect_dma source(%dma_start3A_210 : memref<1000000x64xf32, #tpu.memory_space<hbm>>) target(%dma_start3A_205 : memref<50x64xf32, #tpu.memory_space<vmem>>) offsets(%dma_start3A_207 : memref<50xi32, #tpu.memory_space<vmem>>) semaphore(%dma_start3A_212 : memref<!tpu.dma_semaphore, #tpu.memory_space<semaphore_mem>>)
    %dma_start3A_213 = arith.constant 1 : i32
    %dma_start3A_214 = arith.constant 3 : i32
    %dma_start3A_215 = arith.constant 1 : i32
    %dma_start3A_216 = arith.constant 0 : i32
    %dma_start3A_217 = arith.constant 0 : i32
    %dma_start3A_218 = arith.constant 0 : i32
    %dma_start3A_219 = tpu.memref_slice %arg6[%dma_start3A_213, %dma_start3A_216, %dma_start3A_217, %dma_start3A_218] : memref<2x8x50x64xf32, #tpu.memory_space<vmem>> -> memref<1x8x50x64xf32, #tpu.memory_space<vmem>>
    %dma_start3A_220 = tpu.memref_squeeze %dma_start3A_219 : memref<1x8x50x64xf32, #tpu.memory_space<vmem>> -> memref<8x50x64xf32, #tpu.memory_space<vmem>>
    %dma_start3A_221 = arith.constant 0 : i32
    %dma_start3A_222 = arith.constant 0 : i32
    %dma_start3A_223 = tpu.memref_slice %dma_start3A_220[%dma_start3A_214, %dma_start3A_221, %dma_start3A_222] : memref<8x50x64xf32, #tpu.memory_space<vmem>> -> memref<1x50x64xf32, #tpu.memory_space<vmem>>
    %dma_start3A_224 = tpu.memref_squeeze %dma_start3A_223 : memref<1x50x64xf32, #tpu.memory_space<vmem>> -> memref<50x64xf32, #tpu.memory_space<vmem>>
    %dma_start3A_225 = arith.constant 616 : i32
    %dma_start3A_226 = tpu.memref_slice %arg5[%dma_start3A_225] : memref<28672xi32, #tpu.memory_space<vmem>> -> memref<50xi32, #tpu.memory_space<vmem>>
    %dma_start3A_227 = arith.constant 0 : i32
    %dma_start3A_228 = arith.constant 0 : i32
    %dma_start3A_229 = tpu.memref_slice %arg3[%dma_start3A_227, %dma_start3A_228] : memref<1000000x64xf32, #tpu.memory_space<hbm>> -> memref<1000000x64xf32, #tpu.memory_space<hbm>>
    %dma_start3A_230 = tpu.memref_slice %arg7[%dma_start3A_215] : memref<2x!tpu.dma_semaphore, #tpu.memory_space<semaphore_mem>> -> memref<1x!tpu.dma_semaphore, #tpu.memory_space<semaphore_mem>>
    %dma_start3A_231 = tpu.memref_squeeze %dma_start3A_230 : memref<1x!tpu.dma_semaphore, #tpu.memory_space<semaphore_mem>> -> memref<!tpu.dma_semaphore, #tpu.memory_space<semaphore_mem>>
    tpu.enqueue_indirect_dma source(%dma_start3A_229 : memref<1000000x64xf32, #tpu.memory_space<hbm>>) target(%dma_start3A_224 : memref<50x64xf32, #tpu.memory_space<vmem>>) offsets(%dma_start3A_226 : memref<50xi32, #tpu.memory_space<vmem>>) semaphore(%dma_start3A_231 : memref<!tpu.dma_semaphore, #tpu.memory_space<semaphore_mem>>)
    %dma_start3A_232 = arith.constant 1 : i32
    %dma_start3A_233 = arith.constant 4 : i32
    %dma_start3A_234 = arith.constant 1 : i32
    %dma_start3A_235 = arith.constant 0 : i32
    %dma_start3A_236 = arith.constant 0 : i32
    %dma_start3A_237 = arith.constant 0 : i32
    %dma_start3A_238 = tpu.memref_slice %arg6[%dma_start3A_232, %dma_start3A_235, %dma_start3A_236, %dma_start3A_237] : memref<2x8x50x64xf32, #tpu.memory_space<vmem>> -> memref<1x8x50x64xf32, #tpu.memory_space<vmem>>
    %dma_start3A_239 = tpu.memref_squeeze %dma_start3A_238 : memref<1x8x50x64xf32, #tpu.memory_space<vmem>> -> memref<8x50x64xf32, #tpu.memory_space<vmem>>
    %dma_start3A_240 = arith.constant 0 : i32
    %dma_start3A_241 = arith.constant 0 : i32
    %dma_start3A_242 = tpu.memref_slice %dma_start3A_239[%dma_start3A_233, %dma_start3A_240, %dma_start3A_241] : memref<8x50x64xf32, #tpu.memory_space<vmem>> -> memref<1x50x64xf32, #tpu.memory_space<vmem>>
    %dma_start3A_243 = tpu.memref_squeeze %dma_start3A_242 : memref<1x50x64xf32, #tpu.memory_space<vmem>> -> memref<50x64xf32, #tpu.memory_space<vmem>>
    %dma_start3A_244 = arith.constant 672 : i32
    %dma_start3A_245 = tpu.memref_slice %arg5[%dma_start3A_244] : memref<28672xi32, #tpu.memory_space<vmem>> -> memref<50xi32, #tpu.memory_space<vmem>>
    %dma_start3A_246 = arith.constant 0 : i32
    %dma_start3A_247 = arith.constant 0 : i32
    %dma_start3A_248 = tpu.memref_slice %arg3[%dma_start3A_246, %dma_start3A_247] : memref<1000000x64xf32, #tpu.memory_space<hbm>> -> memref<1000000x64xf32, #tpu.memory_space<hbm>>
    %dma_start3A_249 = tpu.memref_slice %arg7[%dma_start3A_234] : memref<2x!tpu.dma_semaphore, #tpu.memory_space<semaphore_mem>> -> memref<1x!tpu.dma_semaphore, #tpu.memory_space<semaphore_mem>>
    %dma_start3A_250 = tpu.memref_squeeze %dma_start3A_249 : memref<1x!tpu.dma_semaphore, #tpu.memory_space<semaphore_mem>> -> memref<!tpu.dma_semaphore, #tpu.memory_space<semaphore_mem>>
    tpu.enqueue_indirect_dma source(%dma_start3A_248 : memref<1000000x64xf32, #tpu.memory_space<hbm>>) target(%dma_start3A_243 : memref<50x64xf32, #tpu.memory_space<vmem>>) offsets(%dma_start3A_245 : memref<50xi32, #tpu.memory_space<vmem>>) semaphore(%dma_start3A_250 : memref<!tpu.dma_semaphore, #tpu.memory_space<semaphore_mem>>)
    %dma_start3A_251 = arith.constant 1 : i32
    %dma_start3A_252 = arith.constant 5 : i32
    %dma_start3A_253 = arith.constant 1 : i32
    %dma_start3A_254 = arith.constant 0 : i32
    %dma_start3A_255 = arith.constant 0 : i32
    %dma_start3A_256 = arith.constant 0 : i32
    %dma_start3A_257 = tpu.memref_slice %arg6[%dma_start3A_251, %dma_start3A_254, %dma_start3A_255, %dma_start3A_256] : memref<2x8x50x64xf32, #tpu.memory_space<vmem>> -> memref<1x8x50x64xf32, #tpu.memory_space<vmem>>
    %dma_start3A_258 = tpu.memref_squeeze %dma_start3A_257 : memref<1x8x50x64xf32, #tpu.memory_space<vmem>> -> memref<8x50x64xf32, #tpu.memory_space<vmem>>
    %dma_start3A_259 = arith.constant 0 : i32
    %dma_start3A_260 = arith.constant 0 : i32
    %dma_start3A_261 = tpu.memref_slice %dma_start3A_258[%dma_start3A_252, %dma_start3A_259, %dma_start3A_260] : memref<8x50x64xf32, #tpu.memory_space<vmem>> -> memref<1x50x64xf32, #tpu.memory_space<vmem>>
    %dma_start3A_262 = tpu.memref_squeeze %dma_start3A_261 : memref<1x50x64xf32, #tpu.memory_space<vmem>> -> memref<50x64xf32, #tpu.memory_space<vmem>>
    %dma_start3A_263 = arith.constant 728 : i32
    %dma_start3A_264 = tpu.memref_slice %arg5[%dma_start3A_263] : memref<28672xi32, #tpu.memory_space<vmem>> -> memref<50xi32, #tpu.memory_space<vmem>>
    %dma_start3A_265 = arith.constant 0 : i32
    %dma_start3A_266 = arith.constant 0 : i32
    %dma_start3A_267 = tpu.memref_slice %arg3[%dma_start3A_265, %dma_start3A_266] : memref<1000000x64xf32, #tpu.memory_space<hbm>> -> memref<1000000x64xf32, #tpu.memory_space<hbm>>
    %dma_start3A_268 = tpu.memref_slice %arg7[%dma_start3A_253] : memref<2x!tpu.dma_semaphore, #tpu.memory_space<semaphore_mem>> -> memref<1x!tpu.dma_semaphore, #tpu.memory_space<semaphore_mem>>
    %dma_start3A_269 = tpu.memref_squeeze %dma_start3A_268 : memref<1x!tpu.dma_semaphore, #tpu.memory_space<semaphore_mem>> -> memref<!tpu.dma_semaphore, #tpu.memory_space<semaphore_mem>>
    tpu.enqueue_indirect_dma source(%dma_start3A_267 : memref<1000000x64xf32, #tpu.memory_space<hbm>>) target(%dma_start3A_262 : memref<50x64xf32, #tpu.memory_space<vmem>>) offsets(%dma_start3A_264 : memref<50xi32, #tpu.memory_space<vmem>>) semaphore(%dma_start3A_269 : memref<!tpu.dma_semaphore, #tpu.memory_space<semaphore_mem>>)
    %dma_start3A_270 = arith.constant 1 : i32
    %dma_start3A_271 = arith.constant 6 : i32
    %dma_start3A_272 = arith.constant 1 : i32
    %dma_start3A_273 = arith.constant 0 : i32
    %dma_start3A_274 = arith.constant 0 : i32
    %dma_start3A_275 = arith.constant 0 : i32
    %dma_start3A_276 = tpu.memref_slice %arg6[%dma_start3A_270, %dma_start3A_273, %dma_start3A_274, %dma_start3A_275] : memref<2x8x50x64xf32, #tpu.memory_space<vmem>> -> memref<1x8x50x64xf32, #tpu.memory_space<vmem>>
    %dma_start3A_277 = tpu.memref_squeeze %dma_start3A_276 : memref<1x8x50x64xf32, #tpu.memory_space<vmem>> -> memref<8x50x64xf32, #tpu.memory_space<vmem>>
    %dma_start3A_278 = arith.constant 0 : i32
    %dma_start3A_279 = arith.constant 0 : i32
    %dma_start3A_280 = tpu.memref_slice %dma_start3A_277[%dma_start3A_271, %dma_start3A_278, %dma_start3A_279] : memref<8x50x64xf32, #tpu.memory_space<vmem>> -> memref<1x50x64xf32, #tpu.memory_space<vmem>>
    %dma_start3A_281 = tpu.memref_squeeze %dma_start3A_280 : memref<1x50x64xf32, #tpu.memory_space<vmem>> -> memref<50x64xf32, #tpu.memory_space<vmem>>
    %dma_start3A_282 = arith.constant 784 : i32
    %dma_start3A_283 = tpu.memref_slice %arg5[%dma_start3A_282] : memref<28672xi32, #tpu.memory_space<vmem>> -> memref<50xi32, #tpu.memory_space<vmem>>
    %dma_start3A_284 = arith.constant 0 : i32
    %dma_start3A_285 = arith.constant 0 : i32
    %dma_start3A_286 = tpu.memref_slice %arg3[%dma_start3A_284, %dma_start3A_285] : memref<1000000x64xf32, #tpu.memory_space<hbm>> -> memref<1000000x64xf32, #tpu.memory_space<hbm>>
    %dma_start3A_287 = tpu.memref_slice %arg7[%dma_start3A_272] : memref<2x!tpu.dma_semaphore, #tpu.memory_space<semaphore_mem>> -> memref<1x!tpu.dma_semaphore, #tpu.memory_space<semaphore_mem>>
    %dma_start3A_288 = tpu.memref_squeeze %dma_start3A_287 : memref<1x!tpu.dma_semaphore, #tpu.memory_space<semaphore_mem>> -> memref<!tpu.dma_semaphore, #tpu.memory_space<semaphore_mem>>
    tpu.enqueue_indirect_dma source(%dma_start3A_286 : memref<1000000x64xf32, #tpu.memory_space<hbm>>) target(%dma_start3A_281 : memref<50x64xf32, #tpu.memory_space<vmem>>) offsets(%dma_start3A_283 : memref<50xi32, #tpu.memory_space<vmem>>) semaphore(%dma_start3A_288 : memref<!tpu.dma_semaphore, #tpu.memory_space<semaphore_mem>>)
    %dma_start3A_289 = arith.constant 1 : i32
    %dma_start3A_290 = arith.constant 7 : i32
    %dma_start3A_291 = arith.constant 1 : i32
    %dma_start3A_292 = arith.constant 0 : i32
    %dma_start3A_293 = arith.constant 0 : i32
    %dma_start3A_294 = arith.constant 0 : i32
    %dma_start3A_295 = tpu.memref_slice %arg6[%dma_start3A_289, %dma_start3A_292, %dma_start3A_293, %dma_start3A_294] : memref<2x8x50x64xf32, #tpu.memory_space<vmem>> -> memref<1x8x50x64xf32, #tpu.memory_space<vmem>>
    %dma_start3A_296 = tpu.memref_squeeze %dma_start3A_295 : memref<1x8x50x64xf32, #tpu.memory_space<vmem>> -> memref<8x50x64xf32, #tpu.memory_space<vmem>>
    %dma_start3A_297 = arith.constant 0 : i32
    %dma_start3A_298 = arith.constant 0 : i32
    %dma_start3A_299 = tpu.memref_slice %dma_start3A_296[%dma_start3A_290, %dma_start3A_297, %dma_start3A_298] : memref<8x50x64xf32, #tpu.memory_space<vmem>> -> memref<1x50x64xf32, #tpu.memory_space<vmem>>
    %dma_start3A_300 = tpu.memref_squeeze %dma_start3A_299 : memref<1x50x64xf32, #tpu.memory_space<vmem>> -> memref<50x64xf32, #tpu.memory_space<vmem>>
    %dma_start3A_301 = arith.constant 840 : i32
    %dma_start3A_302 = tpu.memref_slice %arg5[%dma_start3A_301] : memref<28672xi32, #tpu.memory_space<vmem>> -> memref<50xi32, #tpu.memory_space<vmem>>
    %dma_start3A_303 = arith.constant 0 : i32
    %dma_start3A_304 = arith.constant 0 : i32
    %dma_start3A_305 = tpu.memref_slice %arg3[%dma_start3A_303, %dma_start3A_304] : memref<1000000x64xf32, #tpu.memory_space<hbm>> -> memref<1000000x64xf32, #tpu.memory_space<hbm>>
    %dma_start3A_306 = tpu.memref_slice %arg7[%dma_start3A_291] : memref<2x!tpu.dma_semaphore, #tpu.memory_space<semaphore_mem>> -> memref<1x!tpu.dma_semaphore, #tpu.memory_space<semaphore_mem>>
    %dma_start3A_307 = tpu.memref_squeeze %dma_start3A_306 : memref<1x!tpu.dma_semaphore, #tpu.memory_space<semaphore_mem>> -> memref<!tpu.dma_semaphore, #tpu.memory_space<semaphore_mem>>
    tpu.enqueue_indirect_dma source(%dma_start3A_305 : memref<1000000x64xf32, #tpu.memory_space<hbm>>) target(%dma_start3A_300 : memref<50x64xf32, #tpu.memory_space<vmem>>) offsets(%dma_start3A_302 : memref<50xi32, #tpu.memory_space<vmem>>) semaphore(%dma_start3A_307 : memref<!tpu.dma_semaphore, #tpu.memory_space<semaphore_mem>>)
    %scan3A = arith.constant 0 : i32
    %scan3A_308 = arith.constant 0 : i32
    %scan3A_309 = arith.constant 31 : i32
    %scan3A_310 = arith.addi %scan3A_308, %scan3A_309 : i32
    %scan3A_311 = arith.constant 1 : i32
    scf.for %scan3A_1928 = %scan3A_308 to %scan3A_310 step %scan3A_311  : i32 {
      %mul3A_1929 = arith.constant 2 : i32
      %mul3A_1930 = arith.muli %scan3A_1928, %mul3A_1929 : i32
      %add3A_1931 = arith.constant 0 : i32
      %add3A_1932 = arith.addi %mul3A_1930, %add3A_1931 : i32
      %mul3A_1933 = arith.constant 8 : i32
      %mul3A_1934 = arith.muli %add3A_1932, %mul3A_1933 : i32
      %add3A_1935 = arith.constant 0 : i32
      %add3A_1936 = arith.addi %mul3A_1934, %add3A_1935 : i32
      %mul3A_1937 = arith.constant 56 : i32
      %mul3A_1938 = arith.muli %add3A_1936, %mul3A_1937 : i32
      %dma_wait3A_1939 = arith.constant 0 : i32
      %dma_wait3A_1940 = arith.constant 0 : i32
      %dma_wait3A_1941 = arith.constant 0 : i32
      %dma_wait3A_1942 = arith.constant 0 : i32
      %dma_wait3A_1943 = arith.constant 0 : i32
      %dma_wait3A_1944 = arith.constant 0 : i32
      %dma_wait3A_1945 = tpu.memref_slice %arg6[%dma_wait3A_1939, %dma_wait3A_1942, %dma_wait3A_1943, %dma_wait3A_1944] : memref<2x8x50x64xf32, #tpu.memory_space<vmem>> -> memref<1x8x50x64xf32, #tpu.memory_space<vmem>>
      %dma_wait3A_1946 = tpu.memref_squeeze %dma_wait3A_1945 : memref<1x8x50x64xf32, #tpu.memory_space<vmem>> -> memref<8x50x64xf32, #tpu.memory_space<vmem>>
      %dma_wait3A_1947 = arith.constant 0 : i32
      %dma_wait3A_1948 = arith.constant 0 : i32
      %dma_wait3A_1949 = tpu.memref_slice %dma_wait3A_1946[%dma_wait3A_1940, %dma_wait3A_1947, %dma_wait3A_1948] : memref<8x50x64xf32, #tpu.memory_space<vmem>> -> memref<1x50x64xf32, #tpu.memory_space<vmem>>
      %dma_wait3A_1950 = tpu.memref_squeeze %dma_wait3A_1949 : memref<1x50x64xf32, #tpu.memory_space<vmem>> -> memref<50x64xf32, #tpu.memory_space<vmem>>
      %dma_wait3A_1951 = tpu.memref_slice %arg5[%mul3A_1938] : memref<28672xi32, #tpu.memory_space<vmem>> -> memref<50xi32, #tpu.memory_space<vmem>>
      %dma_wait3A_1952 = arith.constant 0 : i32
      %dma_wait3A_1953 = arith.constant 0 : i32
      %dma_wait3A_1954 = tpu.memref_slice %arg3[%dma_wait3A_1952, %dma_wait3A_1953] : memref<1000000x64xf32, #tpu.memory_space<hbm>> -> memref<1000000x64xf32, #tpu.memory_space<hbm>>
      %dma_wait3A_1955 = tpu.memref_slice %arg7[%dma_wait3A_1941] : memref<2x!tpu.dma_semaphore, #tpu.memory_space<semaphore_mem>> -> memref<1x!tpu.dma_semaphore, #tpu.memory_space<semaphore_mem>>
      %dma_wait3A_1956 = tpu.memref_squeeze %dma_wait3A_1955 : memref<1x!tpu.dma_semaphore, #tpu.memory_space<semaphore_mem>> -> memref<!tpu.dma_semaphore, #tpu.memory_space<semaphore_mem>>
      tpu.wait_indirect_dma semaphore(%dma_wait3A_1956 : memref<!tpu.dma_semaphore, #tpu.memory_space<semaphore_mem>>) src(%dma_wait3A_1954 : memref<1000000x64xf32, #tpu.memory_space<hbm>>) dst(%dma_wait3A_1950 : memref<50x64xf32, #tpu.memory_space<vmem>>)
      %mul3A_1957 = arith.constant 8 : i32
      %mul3A_1958 = arith.muli %add3A_1932, %mul3A_1957 : i32
      %add3A_1959 = arith.constant 1 : i32
      %add3A_1960 = arith.addi %mul3A_1958, %add3A_1959 : i32
      %mul3A_1961 = arith.constant 56 : i32
      %mul3A_1962 = arith.muli %add3A_1960, %mul3A_1961 : i32
      %dma_wait3A_1963 = arith.constant 0 : i32
      %dma_wait3A_1964 = arith.constant 1 : i32
      %dma_wait3A_1965 = arith.constant 0 : i32
      %dma_wait3A_1966 = arith.constant 0 : i32
      %dma_wait3A_1967 = arith.constant 0 : i32
      %dma_wait3A_1968 = arith.constant 0 : i32
      %dma_wait3A_1969 = tpu.memref_slice %arg6[%dma_wait3A_1963, %dma_wait3A_1966, %dma_wait3A_1967, %dma_wait3A_1968] : memref<2x8x50x64xf32, #tpu.memory_space<vmem>> -> memref<1x8x50x64xf32, #tpu.memory_space<vmem>>
      %dma_wait3A_1970 = tpu.memref_squeeze %dma_wait3A_1969 : memref<1x8x50x64xf32, #tpu.memory_space<vmem>> -> memref<8x50x64xf32, #tpu.memory_space<vmem>>
      %dma_wait3A_1971 = arith.constant 0 : i32
      %dma_wait3A_1972 = arith.constant 0 : i32
      %dma_wait3A_1973 = tpu.memref_slice %dma_wait3A_1970[%dma_wait3A_1964, %dma_wait3A_1971, %dma_wait3A_1972] : memref<8x50x64xf32, #tpu.memory_space<vmem>> -> memref<1x50x64xf32, #tpu.memory_space<vmem>>
      %dma_wait3A_1974 = tpu.memref_squeeze %dma_wait3A_1973 : memref<1x50x64xf32, #tpu.memory_space<vmem>> -> memref<50x64xf32, #tpu.memory_space<vmem>>
      %dma_wait3A_1975 = tpu.memref_slice %arg5[%mul3A_1962] : memref<28672xi32, #tpu.memory_space<vmem>> -> memref<50xi32, #tpu.memory_space<vmem>>
      %dma_wait3A_1976 = arith.constant 0 : i32
      %dma_wait3A_1977 = arith.constant 0 : i32
      %dma_wait3A_1978 = tpu.memref_slice %arg3[%dma_wait3A_1976, %dma_wait3A_1977] : memref<1000000x64xf32, #tpu.memory_space<hbm>> -> memref<1000000x64xf32, #tpu.memory_space<hbm>>
      %dma_wait3A_1979 = tpu.memref_slice %arg7[%dma_wait3A_1965] : memref<2x!tpu.dma_semaphore, #tpu.memory_space<semaphore_mem>> -> memref<1x!tpu.dma_semaphore, #tpu.memory_space<semaphore_mem>>
      %dma_wait3A_1980 = tpu.memref_squeeze %dma_wait3A_1979 : memref<1x!tpu.dma_semaphore, #tpu.memory_space<semaphore_mem>> -> memref<!tpu.dma_semaphore, #tpu.memory_space<semaphore_mem>>
      tpu.wait_indirect_dma semaphore(%dma_wait3A_1980 : memref<!tpu.dma_semaphore, #tpu.memory_space<semaphore_mem>>) src(%dma_wait3A_1978 : memref<1000000x64xf32, #tpu.memory_space<hbm>>) dst(%dma_wait3A_1974 : memref<50x64xf32, #tpu.memory_space<vmem>>)
      %mul3A_1981 = arith.constant 8 : i32
      %mul3A_1982 = arith.muli %add3A_1932, %mul3A_1981 : i32
      %add3A_1983 = arith.constant 2 : i32
      %add3A_1984 = arith.addi %mul3A_1982, %add3A_1983 : i32
      %mul3A_1985 = arith.constant 56 : i32
      %mul3A_1986 = arith.muli %add3A_1984, %mul3A_1985 : i32
      %dma_wait3A_1987 = arith.constant 0 : i32
      %dma_wait3A_1988 = arith.constant 2 : i32
      %dma_wait3A_1989 = arith.constant 0 : i32
      %dma_wait3A_1990 = arith.constant 0 : i32
      %dma_wait3A_1991 = arith.constant 0 : i32
      %dma_wait3A_1992 = arith.constant 0 : i32
      %dma_wait3A_1993 = tpu.memref_slice %arg6[%dma_wait3A_1987, %dma_wait3A_1990, %dma_wait3A_1991, %dma_wait3A_1992] : memref<2x8x50x64xf32, #tpu.memory_space<vmem>> -> memref<1x8x50x64xf32, #tpu.memory_space<vmem>>
      %dma_wait3A_1994 = tpu.memref_squeeze %dma_wait3A_1993 : memref<1x8x50x64xf32, #tpu.memory_space<vmem>> -> memref<8x50x64xf32, #tpu.memory_space<vmem>>
      %dma_wait3A_1995 = arith.constant 0 : i32
      %dma_wait3A_1996 = arith.constant 0 : i32
      %dma_wait3A_1997 = tpu.memref_slice %dma_wait3A_1994[%dma_wait3A_1988, %dma_wait3A_1995, %dma_wait3A_1996] : memref<8x50x64xf32, #tpu.memory_space<vmem>> -> memref<1x50x64xf32, #tpu.memory_space<vmem>>
      %dma_wait3A_1998 = tpu.memref_squeeze %dma_wait3A_1997 : memref<1x50x64xf32, #tpu.memory_space<vmem>> -> memref<50x64xf32, #tpu.memory_space<vmem>>
      %dma_wait3A_1999 = tpu.memref_slice %arg5[%mul3A_1986] : memref<28672xi32, #tpu.memory_space<vmem>> -> memref<50xi32, #tpu.memory_space<vmem>>
      %dma_wait3A_2000 = arith.constant 0 : i32
      %dma_wait3A_2001 = arith.constant 0 : i32
      %dma_wait3A_2002 = tpu.memref_slice %arg3[%dma_wait3A_2000, %dma_wait3A_2001] : memref<1000000x64xf32, #tpu.memory_space<hbm>> -> memref<1000000x64xf32, #tpu.memory_space<hbm>>
      %dma_wait3A_2003 = tpu.memref_slice %arg7[%dma_wait3A_1989] : memref<2x!tpu.dma_semaphore, #tpu.memory_space<semaphore_mem>> -> memref<1x!tpu.dma_semaphore, #tpu.memory_space<semaphore_mem>>
      %dma_wait3A_2004 = tpu.memref_squeeze %dma_wait3A_2003 : memref<1x!tpu.dma_semaphore, #tpu.memory_space<semaphore_mem>> -> memref<!tpu.dma_semaphore, #tpu.memory_space<semaphore_mem>>
      tpu.wait_indirect_dma semaphore(%dma_wait3A_2004 : memref<!tpu.dma_semaphore, #tpu.memory_space<semaphore_mem>>) src(%dma_wait3A_2002 : memref<1000000x64xf32, #tpu.memory_space<hbm>>) dst(%dma_wait3A_1998 : memref<50x64xf32, #tpu.memory_space<vmem>>)
      %mul3A_2005 = arith.constant 8 : i32
      %mul3A_2006 = arith.muli %add3A_1932, %mul3A_2005 : i32
      %add3A_2007 = arith.constant 3 : i32
      %add3A_2008 = arith.addi %mul3A_2006, %add3A_2007 : i32
      %mul3A_2009 = arith.constant 56 : i32
      %mul3A_2010 = arith.muli %add3A_2008, %mul3A_2009 : i32
      %dma_wait3A_2011 = arith.constant 0 : i32
      %dma_wait3A_2012 = arith.constant 3 : i32
      %dma_wait3A_2013 = arith.constant 0 : i32
      %dma_wait3A_2014 = arith.constant 0 : i32
      %dma_wait3A_2015 = arith.constant 0 : i32
      %dma_wait3A_2016 = arith.constant 0 : i32
      %dma_wait3A_2017 = tpu.memref_slice %arg6[%dma_wait3A_2011, %dma_wait3A_2014, %dma_wait3A_2015, %dma_wait3A_2016] : memref<2x8x50x64xf32, #tpu.memory_space<vmem>> -> memref<1x8x50x64xf32, #tpu.memory_space<vmem>>
      %dma_wait3A_2018 = tpu.memref_squeeze %dma_wait3A_2017 : memref<1x8x50x64xf32, #tpu.memory_space<vmem>> -> memref<8x50x64xf32, #tpu.memory_space<vmem>>
      %dma_wait3A_2019 = arith.constant 0 : i32
      %dma_wait3A_2020 = arith.constant 0 : i32
      %dma_wait3A_2021 = tpu.memref_slice %dma_wait3A_2018[%dma_wait3A_2012, %dma_wait3A_2019, %dma_wait3A_2020] : memref<8x50x64xf32, #tpu.memory_space<vmem>> -> memref<1x50x64xf32, #tpu.memory_space<vmem>>
      %dma_wait3A_2022 = tpu.memref_squeeze %dma_wait3A_2021 : memref<1x50x64xf32, #tpu.memory_space<vmem>> -> memref<50x64xf32, #tpu.memory_space<vmem>>
      %dma_wait3A_2023 = tpu.memref_slice %arg5[%mul3A_2010] : memref<28672xi32, #tpu.memory_space<vmem>> -> memref<50xi32, #tpu.memory_space<vmem>>
      %dma_wait3A_2024 = arith.constant 0 : i32
      %dma_wait3A_2025 = arith.constant 0 : i32
      %dma_wait3A_2026 = tpu.memref_slice %arg3[%dma_wait3A_2024, %dma_wait3A_2025] : memref<1000000x64xf32, #tpu.memory_space<hbm>> -> memref<1000000x64xf32, #tpu.memory_space<hbm>>
      %dma_wait3A_2027 = tpu.memref_slice %arg7[%dma_wait3A_2013] : memref<2x!tpu.dma_semaphore, #tpu.memory_space<semaphore_mem>> -> memref<1x!tpu.dma_semaphore, #tpu.memory_space<semaphore_mem>>
      %dma_wait3A_2028 = tpu.memref_squeeze %dma_wait3A_2027 : memref<1x!tpu.dma_semaphore, #tpu.memory_space<semaphore_mem>> -> memref<!tpu.dma_semaphore, #tpu.memory_space<semaphore_mem>>
      tpu.wait_indirect_dma semaphore(%dma_wait3A_2028 : memref<!tpu.dma_semaphore, #tpu.memory_space<semaphore_mem>>) src(%dma_wait3A_2026 : memref<1000000x64xf32, #tpu.memory_space<hbm>>) dst(%dma_wait3A_2022 : memref<50x64xf32, #tpu.memory_space<vmem>>)
      %mul3A_2029 = arith.constant 8 : i32
      %mul3A_2030 = arith.muli %add3A_1932, %mul3A_2029 : i32
      %add3A_2031 = arith.constant 4 : i32
      %add3A_2032 = arith.addi %mul3A_2030, %add3A_2031 : i32
      %mul3A_2033 = arith.constant 56 : i32
      %mul3A_2034 = arith.muli %add3A_2032, %mul3A_2033 : i32
      %dma_wait3A_2035 = arith.constant 0 : i32
      %dma_wait3A_2036 = arith.constant 4 : i32
      %dma_wait3A_2037 = arith.constant 0 : i32
      %dma_wait3A_2038 = arith.constant 0 : i32
      %dma_wait3A_2039 = arith.constant 0 : i32
      %dma_wait3A_2040 = arith.constant 0 : i32
      %dma_wait3A_2041 = tpu.memref_slice %arg6[%dma_wait3A_2035, %dma_wait3A_2038, %dma_wait3A_2039, %dma_wait3A_2040] : memref<2x8x50x64xf32, #tpu.memory_space<vmem>> -> memref<1x8x50x64xf32, #tpu.memory_space<vmem>>
      %dma_wait3A_2042 = tpu.memref_squeeze %dma_wait3A_2041 : memref<1x8x50x64xf32, #tpu.memory_space<vmem>> -> memref<8x50x64xf32, #tpu.memory_space<vmem>>
      %dma_wait3A_2043 = arith.constant 0 : i32
      %dma_wait3A_2044 = arith.constant 0 : i32
      %dma_wait3A_2045 = tpu.memref_slice %dma_wait3A_2042[%dma_wait3A_2036, %dma_wait3A_2043, %dma_wait3A_2044] : memref<8x50x64xf32, #tpu.memory_space<vmem>> -> memref<1x50x64xf32, #tpu.memory_space<vmem>>
      %dma_wait3A_2046 = tpu.memref_squeeze %dma_wait3A_2045 : memref<1x50x64xf32, #tpu.memory_space<vmem>> -> memref<50x64xf32, #tpu.memory_space<vmem>>
      %dma_wait3A_2047 = tpu.memref_slice %arg5[%mul3A_2034] : memref<28672xi32, #tpu.memory_space<vmem>> -> memref<50xi32, #tpu.memory_space<vmem>>
      %dma_wait3A_2048 = arith.constant 0 : i32
      %dma_wait3A_2049 = arith.constant 0 : i32
      %dma_wait3A_2050 = tpu.memref_slice %arg3[%dma_wait3A_2048, %dma_wait3A_2049] : memref<1000000x64xf32, #tpu.memory_space<hbm>> -> memref<1000000x64xf32, #tpu.memory_space<hbm>>
      %dma_wait3A_2051 = tpu.memref_slice %arg7[%dma_wait3A_2037] : memref<2x!tpu.dma_semaphore, #tpu.memory_space<semaphore_mem>> -> memref<1x!tpu.dma_semaphore, #tpu.memory_space<semaphore_mem>>
      %dma_wait3A_2052 = tpu.memref_squeeze %dma_wait3A_2051 : memref<1x!tpu.dma_semaphore, #tpu.memory_space<semaphore_mem>> -> memref<!tpu.dma_semaphore, #tpu.memory_space<semaphore_mem>>
      tpu.wait_indirect_dma semaphore(%dma_wait3A_2052 : memref<!tpu.dma_semaphore, #tpu.memory_space<semaphore_mem>>) src(%dma_wait3A_2050 : memref<1000000x64xf32, #tpu.memory_space<hbm>>) dst(%dma_wait3A_2046 : memref<50x64xf32, #tpu.memory_space<vmem>>)
      %mul3A_2053 = arith.constant 8 : i32
      %mul3A_2054 = arith.muli %add3A_1932, %mul3A_2053 : i32
      %add3A_2055 = arith.constant 5 : i32
      %add3A_2056 = arith.addi %mul3A_2054, %add3A_2055 : i32
      %mul3A_2057 = arith.constant 56 : i32
      %mul3A_2058 = arith.muli %add3A_2056, %mul3A_2057 : i32
      %dma_wait3A_2059 = arith.constant 0 : i32
      %dma_wait3A_2060 = arith.constant 5 : i32
      %dma_wait3A_2061 = arith.constant 0 : i32
      %dma_wait3A_2062 = arith.constant 0 : i32
      %dma_wait3A_2063 = arith.constant 0 : i32
      %dma_wait3A_2064 = arith.constant 0 : i32
      %dma_wait3A_2065 = tpu.memref_slice %arg6[%dma_wait3A_2059, %dma_wait3A_2062, %dma_wait3A_2063, %dma_wait3A_2064] : memref<2x8x50x64xf32, #tpu.memory_space<vmem>> -> memref<1x8x50x64xf32, #tpu.memory_space<vmem>>
      %dma_wait3A_2066 = tpu.memref_squeeze %dma_wait3A_2065 : memref<1x8x50x64xf32, #tpu.memory_space<vmem>> -> memref<8x50x64xf32, #tpu.memory_space<vmem>>
      %dma_wait3A_2067 = arith.constant 0 : i32
      %dma_wait3A_2068 = arith.constant 0 : i32
      %dma_wait3A_2069 = tpu.memref_slice %dma_wait3A_2066[%dma_wait3A_2060, %dma_wait3A_2067, %dma_wait3A_2068] : memref<8x50x64xf32, #tpu.memory_space<vmem>> -> memref<1x50x64xf32, #tpu.memory_space<vmem>>
      %dma_wait3A_2070 = tpu.memref_squeeze %dma_wait3A_2069 : memref<1x50x64xf32, #tpu.memory_space<vmem>> -> memref<50x64xf32, #tpu.memory_space<vmem>>
      %dma_wait3A_2071 = tpu.memref_slice %arg5[%mul3A_2058] : memref<28672xi32, #tpu.memory_space<vmem>> -> memref<50xi32, #tpu.memory_space<vmem>>
      %dma_wait3A_2072 = arith.constant 0 : i32
      %dma_wait3A_2073 = arith.constant 0 : i32
      %dma_wait3A_2074 = tpu.memref_slice %arg3[%dma_wait3A_2072, %dma_wait3A_2073] : memref<1000000x64xf32, #tpu.memory_space<hbm>> -> memref<1000000x64xf32, #tpu.memory_space<hbm>>
      %dma_wait3A_2075 = tpu.memref_slice %arg7[%dma_wait3A_2061] : memref<2x!tpu.dma_semaphore, #tpu.memory_space<semaphore_mem>> -> memref<1x!tpu.dma_semaphore, #tpu.memory_space<semaphore_mem>>
      %dma_wait3A_2076 = tpu.memref_squeeze %dma_wait3A_2075 : memref<1x!tpu.dma_semaphore, #tpu.memory_space<semaphore_mem>> -> memref<!tpu.dma_semaphore, #tpu.memory_space<semaphore_mem>>
      tpu.wait_indirect_dma semaphore(%dma_wait3A_2076 : memref<!tpu.dma_semaphore, #tpu.memory_space<semaphore_mem>>) src(%dma_wait3A_2074 : memref<1000000x64xf32, #tpu.memory_space<hbm>>) dst(%dma_wait3A_2070 : memref<50x64xf32, #tpu.memory_space<vmem>>)
      %mul3A_2077 = arith.constant 8 : i32
      %mul3A_2078 = arith.muli %add3A_1932, %mul3A_2077 : i32
      %add3A_2079 = arith.constant 6 : i32
      %add3A_2080 = arith.addi %mul3A_2078, %add3A_2079 : i32
      %mul3A_2081 = arith.constant 56 : i32
      %mul3A_2082 = arith.muli %add3A_2080, %mul3A_2081 : i32
      %dma_wait3A_2083 = arith.constant 0 : i32
      %dma_wait3A_2084 = arith.constant 6 : i32
      %dma_wait3A_2085 = arith.constant 0 : i32
      %dma_wait3A_2086 = arith.constant 0 : i32
      %dma_wait3A_2087 = arith.constant 0 : i32
      %dma_wait3A_2088 = arith.constant 0 : i32
      %dma_wait3A_2089 = tpu.memref_slice %arg6[%dma_wait3A_2083, %dma_wait3A_2086, %dma_wait3A_2087, %dma_wait3A_2088] : memref<2x8x50x64xf32, #tpu.memory_space<vmem>> -> memref<1x8x50x64xf32, #tpu.memory_space<vmem>>
      %dma_wait3A_2090 = tpu.memref_squeeze %dma_wait3A_2089 : memref<1x8x50x64xf32, #tpu.memory_space<vmem>> -> memref<8x50x64xf32, #tpu.memory_space<vmem>>
      %dma_wait3A_2091 = arith.constant 0 : i32
      %dma_wait3A_2092 = arith.constant 0 : i32
      %dma_wait3A_2093 = tpu.memref_slice %dma_wait3A_2090[%dma_wait3A_2084, %dma_wait3A_2091, %dma_wait3A_2092] : memref<8x50x64xf32, #tpu.memory_space<vmem>> -> memref<1x50x64xf32, #tpu.memory_space<vmem>>
      %dma_wait3A_2094 = tpu.memref_squeeze %dma_wait3A_2093 : memref<1x50x64xf32, #tpu.memory_space<vmem>> -> memref<50x64xf32, #tpu.memory_space<vmem>>
      %dma_wait3A_2095 = tpu.memref_slice %arg5[%mul3A_2082] : memref<28672xi32, #tpu.memory_space<vmem>> -> memref<50xi32, #tpu.memory_space<vmem>>
      %dma_wait3A_2096 = arith.constant 0 : i32
      %dma_wait3A_2097 = arith.constant 0 : i32
      %dma_wait3A_2098 = tpu.memref_slice %arg3[%dma_wait3A_2096, %dma_wait3A_2097] : memref<1000000x64xf32, #tpu.memory_space<hbm>> -> memref<1000000x64xf32, #tpu.memory_space<hbm>>
      %dma_wait3A_2099 = tpu.memref_slice %arg7[%dma_wait3A_2085] : memref<2x!tpu.dma_semaphore, #tpu.memory_space<semaphore_mem>> -> memref<1x!tpu.dma_semaphore, #tpu.memory_space<semaphore_mem>>
      %dma_wait3A_2100 = tpu.memref_squeeze %dma_wait3A_2099 : memref<1x!tpu.dma_semaphore, #tpu.memory_space<semaphore_mem>> -> memref<!tpu.dma_semaphore, #tpu.memory_space<semaphore_mem>>
      tpu.wait_indirect_dma semaphore(%dma_wait3A_2100 : memref<!tpu.dma_semaphore, #tpu.memory_space<semaphore_mem>>) src(%dma_wait3A_2098 : memref<1000000x64xf32, #tpu.memory_space<hbm>>) dst(%dma_wait3A_2094 : memref<50x64xf32, #tpu.memory_space<vmem>>)
      %mul3A_2101 = arith.constant 8 : i32
      %mul3A_2102 = arith.muli %add3A_1932, %mul3A_2101 : i32
      %add3A_2103 = arith.constant 7 : i32
      %add3A_2104 = arith.addi %mul3A_2102, %add3A_2103 : i32
      %mul3A_2105 = arith.constant 56 : i32
      %mul3A_2106 = arith.muli %add3A_2104, %mul3A_2105 : i32
      %dma_wait3A_2107 = arith.constant 0 : i32
      %dma_wait3A_2108 = arith.constant 7 : i32
      %dma_wait3A_2109 = arith.constant 0 : i32
      %dma_wait3A_2110 = arith.constant 0 : i32
      %dma_wait3A_2111 = arith.constant 0 : i32
      %dma_wait3A_2112 = arith.constant 0 : i32
      %dma_wait3A_2113 = tpu.memref_slice %arg6[%dma_wait3A_2107, %dma_wait3A_2110, %dma_wait3A_2111, %dma_wait3A_2112] : memref<2x8x50x64xf32, #tpu.memory_space<vmem>> -> memref<1x8x50x64xf32, #tpu.memory_space<vmem>>
      %dma_wait3A_2114 = tpu.memref_squeeze %dma_wait3A_2113 : memref<1x8x50x64xf32, #tpu.memory_space<vmem>> -> memref<8x50x64xf32, #tpu.memory_space<vmem>>
      %dma_wait3A_2115 = arith.constant 0 : i32
      %dma_wait3A_2116 = arith.constant 0 : i32
      %dma_wait3A_2117 = tpu.memref_slice %dma_wait3A_2114[%dma_wait3A_2108, %dma_wait3A_2115, %dma_wait3A_2116] : memref<8x50x64xf32, #tpu.memory_space<vmem>> -> memref<1x50x64xf32, #tpu.memory_space<vmem>>
      %dma_wait3A_2118 = tpu.memref_squeeze %dma_wait3A_2117 : memref<1x50x64xf32, #tpu.memory_space<vmem>> -> memref<50x64xf32, #tpu.memory_space<vmem>>
      %dma_wait3A_2119 = tpu.memref_slice %arg5[%mul3A_2106] : memref<28672xi32, #tpu.memory_space<vmem>> -> memref<50xi32, #tpu.memory_space<vmem>>
      %dma_wait3A_2120 = arith.constant 0 : i32
      %dma_wait3A_2121 = arith.constant 0 : i32
      %dma_wait3A_2122 = tpu.memref_slice %arg3[%dma_wait3A_2120, %dma_wait3A_2121] : memref<1000000x64xf32, #tpu.memory_space<hbm>> -> memref<1000000x64xf32, #tpu.memory_space<hbm>>
      %dma_wait3A_2123 = tpu.memref_slice %arg7[%dma_wait3A_2109] : memref<2x!tpu.dma_semaphore, #tpu.memory_space<semaphore_mem>> -> memref<1x!tpu.dma_semaphore, #tpu.memory_space<semaphore_mem>>
      %dma_wait3A_2124 = tpu.memref_squeeze %dma_wait3A_2123 : memref<1x!tpu.dma_semaphore, #tpu.memory_space<semaphore_mem>> -> memref<!tpu.dma_semaphore, #tpu.memory_space<semaphore_mem>>
      tpu.wait_indirect_dma semaphore(%dma_wait3A_2124 : memref<!tpu.dma_semaphore, #tpu.memory_space<semaphore_mem>>) src(%dma_wait3A_2122 : memref<1000000x64xf32, #tpu.memory_space<hbm>>) dst(%dma_wait3A_2118 : memref<50x64xf32, #tpu.memory_space<vmem>>)
      %mul3A_2125 = arith.constant 8 : i32
      %mul3A_2126 = arith.muli %add3A_1932, %mul3A_2125 : i32
      %add3A_2127 = arith.addi %mul3A_2, %mul3A_2126 : i32
      %add3A_2128 = arith.constant 0 : i32
      %add3A_2129 = arith.addi %add3A_2127, %add3A_2128 : i32
      %dma_start3A_2130 = arith.constant 0 : i32
      %dma_start3A_2131 = arith.constant 0 : i32
      %dma_start3A_2132 = arith.constant 0 : i32
      %dma_start3A_2133 = arith.constant 0 : i32
      %dma_start3A_2134 = arith.constant 0 : i32
      %dma_start3A_2135 = arith.constant 0 : i32
      %dma_start3A_2136 = tpu.memref_slice %arg6[%dma_start3A_2130, %dma_start3A_2133, %dma_start3A_2134, %dma_start3A_2135] : memref<2x8x50x64xf32, #tpu.memory_space<vmem>> -> memref<1x8x50x64xf32, #tpu.memory_space<vmem>>
      %dma_start3A_2137 = tpu.memref_squeeze %dma_start3A_2136 : memref<1x8x50x64xf32, #tpu.memory_space<vmem>> -> memref<8x50x64xf32, #tpu.memory_space<vmem>>
      %dma_start3A_2138 = arith.constant 0 : i32
      %dma_start3A_2139 = arith.constant 0 : i32
      %dma_start3A_2140 = tpu.memref_slice %dma_start3A_2137[%dma_start3A_2131, %dma_start3A_2138, %dma_start3A_2139] : memref<8x50x64xf32, #tpu.memory_space<vmem>> -> memref<1x50x64xf32, #tpu.memory_space<vmem>>
      %dma_start3A_2141 = tpu.memref_squeeze %dma_start3A_2140 : memref<1x50x64xf32, #tpu.memory_space<vmem>> -> memref<50x64xf32, #tpu.memory_space<vmem>>
      %dma_start3A_2142 = arith.constant 0 : i32
      %dma_start3A_2143 = arith.constant 0 : i32
      %dma_start3A_2144 = tpu.memref_slice %arg4[%add3A_2129, %dma_start3A_2142, %dma_start3A_2143] : memref<16384x56x128xf32, #tpu.memory_space<hbm>> -> memref<1x56x128xf32, #tpu.memory_space<hbm>>
      %dma_start3A_2145 = tpu.memref_squeeze %dma_start3A_2144 : memref<1x56x128xf32, #tpu.memory_space<hbm>> -> memref<56x128xf32, #tpu.memory_space<hbm>>
      %dma_start3A_2146 = arith.constant 0 : i32
      %dma_start3A_2147 = arith.constant 0 : i32
      %dma_start3A_2148 = tpu.memref_slice %dma_start3A_2145[%dma_start3A_2146, %dma_start3A_2147] : memref<56x128xf32, #tpu.memory_space<hbm>> -> memref<50x64xf32, #tpu.memory_space<hbm>>
      %dma_start3A_2149 = tpu.memref_slice %arg8[%dma_start3A_2132] : memref<2x!tpu.dma_semaphore, #tpu.memory_space<semaphore_mem>> -> memref<1x!tpu.dma_semaphore, #tpu.memory_space<semaphore_mem>>
      %dma_start3A_2150 = tpu.memref_squeeze %dma_start3A_2149 : memref<1x!tpu.dma_semaphore, #tpu.memory_space<semaphore_mem>> -> memref<!tpu.dma_semaphore, #tpu.memory_space<semaphore_mem>>
      %dma_start3A_2151 = arith.constant 0 : i32
      %dma_start3A_2152 = arith.constant 0 : i32
      %dma_start3A_2153 = tpu.memref_slice %arg4[%add3A_2129, %dma_start3A_2151, %dma_start3A_2152] : memref<16384x56x128xf32, #tpu.memory_space<hbm>> -> memref<1x56x128xf32, #tpu.memory_space<hbm>>
      %dma_start3A_2154 = tpu.memref_squeeze %dma_start3A_2153 : memref<1x56x128xf32, #tpu.memory_space<hbm>> -> memref<56x128xf32, #tpu.memory_space<hbm>>
      %dma_start3A_2155 = arith.constant 0 : i32
      %dma_start3A_2156 = arith.constant 0 : i32
      %dma_start3A_2157 = tpu.memref_slice %dma_start3A_2154[%dma_start3A_2155, %dma_start3A_2156] : memref<56x128xf32, #tpu.memory_space<hbm>> -> memref<50x64xf32, #tpu.memory_space<hbm>>
      %dma_start3A_2158 = arith.constant 0 : i32
      %dma_start3A_2159 = arith.constant 0 : i32
      %dma_start3A_2160 = arith.constant 0 : i32
      %dma_start3A_2161 = tpu.memref_slice %arg6[%dma_start3A_2130, %dma_start3A_2158, %dma_start3A_2159, %dma_start3A_2160] : memref<2x8x50x64xf32, #tpu.memory_space<vmem>> -> memref<1x8x50x64xf32, #tpu.memory_space<vmem>>
      %dma_start3A_2162 = tpu.memref_squeeze %dma_start3A_2161 : memref<1x8x50x64xf32, #tpu.memory_space<vmem>> -> memref<8x50x64xf32, #tpu.memory_space<vmem>>
      %dma_start3A_2163 = arith.constant 0 : i32
      %dma_start3A_2164 = arith.constant 0 : i32
      %dma_start3A_2165 = tpu.memref_slice %dma_start3A_2162[%dma_start3A_2131, %dma_start3A_2163, %dma_start3A_2164] : memref<8x50x64xf32, #tpu.memory_space<vmem>> -> memref<1x50x64xf32, #tpu.memory_space<vmem>>
      %dma_start3A_2166 = tpu.memref_squeeze %dma_start3A_2165 : memref<1x50x64xf32, #tpu.memory_space<vmem>> -> memref<50x64xf32, #tpu.memory_space<vmem>>
      tpu.enqueue_dma source(%dma_start3A_2166 : memref<50x64xf32, #tpu.memory_space<vmem>>) target(%dma_start3A_2157 : memref<50x64xf32, #tpu.memory_space<hbm>>) target_semaphore(%dma_start3A_2150 : memref<!tpu.dma_semaphore, #tpu.memory_space<semaphore_mem>>)
      %mul3A_2167 = arith.constant 8 : i32
      %mul3A_2168 = arith.muli %add3A_1932, %mul3A_2167 : i32
      %add3A_2169 = arith.addi %mul3A_2, %mul3A_2168 : i32
      %add3A_2170 = arith.constant 1 : i32
      %add3A_2171 = arith.addi %add3A_2169, %add3A_2170 : i32
      %dma_start3A_2172 = arith.constant 0 : i32
      %dma_start3A_2173 = arith.constant 1 : i32
      %dma_start3A_2174 = arith.constant 0 : i32
      %dma_start3A_2175 = arith.constant 0 : i32
      %dma_start3A_2176 = arith.constant 0 : i32
      %dma_start3A_2177 = arith.constant 0 : i32
      %dma_start3A_2178 = tpu.memref_slice %arg6[%dma_start3A_2172, %dma_start3A_2175, %dma_start3A_2176, %dma_start3A_2177] : memref<2x8x50x64xf32, #tpu.memory_space<vmem>> -> memref<1x8x50x64xf32, #tpu.memory_space<vmem>>
      %dma_start3A_2179 = tpu.memref_squeeze %dma_start3A_2178 : memref<1x8x50x64xf32, #tpu.memory_space<vmem>> -> memref<8x50x64xf32, #tpu.memory_space<vmem>>
      %dma_start3A_2180 = arith.constant 0 : i32
      %dma_start3A_2181 = arith.constant 0 : i32
      %dma_start3A_2182 = tpu.memref_slice %dma_start3A_2179[%dma_start3A_2173, %dma_start3A_2180, %dma_start3A_2181] : memref<8x50x64xf32, #tpu.memory_space<vmem>> -> memref<1x50x64xf32, #tpu.memory_space<vmem>>
      %dma_start3A_2183 = tpu.memref_squeeze %dma_start3A_2182 : memref<1x50x64xf32, #tpu.memory_space<vmem>> -> memref<50x64xf32, #tpu.memory_space<vmem>>
      %dma_start3A_2184 = arith.constant 0 : i32
      %dma_start3A_2185 = arith.constant 0 : i32
      %dma_start3A_2186 = tpu.memref_slice %arg4[%add3A_2171, %dma_start3A_2184, %dma_start3A_2185] : memref<16384x56x128xf32, #tpu.memory_space<hbm>> -> memref<1x56x128xf32, #tpu.memory_space<hbm>>
      %dma_start3A_2187 = tpu.memref_squeeze %dma_start3A_2186 : memref<1x56x128xf32, #tpu.memory_space<hbm>> -> memref<56x128xf32, #tpu.memory_space<hbm>>
      %dma_start3A_2188 = arith.constant 0 : i32
      %dma_start3A_2189 = arith.constant 0 : i32
      %dma_start3A_2190 = tpu.memref_slice %dma_start3A_2187[%dma_start3A_2188, %dma_start3A_2189] : memref<56x128xf32, #tpu.memory_space<hbm>> -> memref<50x64xf32, #tpu.memory_space<hbm>>
      %dma_start3A_2191 = tpu.memref_slice %arg8[%dma_start3A_2174] : memref<2x!tpu.dma_semaphore, #tpu.memory_space<semaphore_mem>> -> memref<1x!tpu.dma_semaphore, #tpu.memory_space<semaphore_mem>>
      %dma_start3A_2192 = tpu.memref_squeeze %dma_start3A_2191 : memref<1x!tpu.dma_semaphore, #tpu.memory_space<semaphore_mem>> -> memref<!tpu.dma_semaphore, #tpu.memory_space<semaphore_mem>>
      %dma_start3A_2193 = arith.constant 0 : i32
      %dma_start3A_2194 = arith.constant 0 : i32
      %dma_start3A_2195 = tpu.memref_slice %arg4[%add3A_2171, %dma_start3A_2193, %dma_start3A_2194] : memref<16384x56x128xf32, #tpu.memory_space<hbm>> -> memref<1x56x128xf32, #tpu.memory_space<hbm>>
      %dma_start3A_2196 = tpu.memref_squeeze %dma_start3A_2195 : memref<1x56x128xf32, #tpu.memory_space<hbm>> -> memref<56x128xf32, #tpu.memory_space<hbm>>
      %dma_start3A_2197 = arith.constant 0 : i32
      %dma_start3A_2198 = arith.constant 0 : i32
      %dma_start3A_2199 = tpu.memref_slice %dma_start3A_2196[%dma_start3A_2197, %dma_start3A_2198] : memref<56x128xf32, #tpu.memory_space<hbm>> -> memref<50x64xf32, #tpu.memory_space<hbm>>
      %dma_start3A_2200 = arith.constant 0 : i32
      %dma_start3A_2201 = arith.constant 0 : i32
      %dma_start3A_2202 = arith.constant 0 : i32
      %dma_start3A_2203 = tpu.memref_slice %arg6[%dma_start3A_2172, %dma_start3A_2200, %dma_start3A_2201, %dma_start3A_2202] : memref<2x8x50x64xf32, #tpu.memory_space<vmem>> -> memref<1x8x50x64xf32, #tpu.memory_space<vmem>>
      %dma_start3A_2204 = tpu.memref_squeeze %dma_start3A_2203 : memref<1x8x50x64xf32, #tpu.memory_space<vmem>> -> memref<8x50x64xf32, #tpu.memory_space<vmem>>
      %dma_start3A_2205 = arith.constant 0 : i32
      %dma_start3A_2206 = arith.constant 0 : i32
      %dma_start3A_2207 = tpu.memref_slice %dma_start3A_2204[%dma_start3A_2173, %dma_start3A_2205, %dma_start3A_2206] : memref<8x50x64xf32, #tpu.memory_space<vmem>> -> memref<1x50x64xf32, #tpu.memory_space<vmem>>
      %dma_start3A_2208 = tpu.memref_squeeze %dma_start3A_2207 : memref<1x50x64xf32, #tpu.memory_space<vmem>> -> memref<50x64xf32, #tpu.memory_space<vmem>>
      tpu.enqueue_dma source(%dma_start3A_2208 : memref<50x64xf32, #tpu.memory_space<vmem>>) target(%dma_start3A_2199 : memref<50x64xf32, #tpu.memory_space<hbm>>) target_semaphore(%dma_start3A_2192 : memref<!tpu.dma_semaphore, #tpu.memory_space<semaphore_mem>>)
      %mul3A_2209 = arith.constant 8 : i32
      %mul3A_2210 = arith.muli %add3A_1932, %mul3A_2209 : i32
      %add3A_2211 = arith.addi %mul3A_2, %mul3A_2210 : i32
      %add3A_2212 = arith.constant 2 : i32
      %add3A_2213 = arith.addi %add3A_2211, %add3A_2212 : i32
      %dma_start3A_2214 = arith.constant 0 : i32
      %dma_start3A_2215 = arith.constant 2 : i32
      %dma_start3A_2216 = arith.constant 0 : i32
      %dma_start3A_2217 = arith.constant 0 : i32
      %dma_start3A_2218 = arith.constant 0 : i32
      %dma_start3A_2219 = arith.constant 0 : i32
      %dma_start3A_2220 = tpu.memref_slice %arg6[%dma_start3A_2214, %dma_start3A_2217, %dma_start3A_2218, %dma_start3A_2219] : memref<2x8x50x64xf32, #tpu.memory_space<vmem>> -> memref<1x8x50x64xf32, #tpu.memory_space<vmem>>
      %dma_start3A_2221 = tpu.memref_squeeze %dma_start3A_2220 : memref<1x8x50x64xf32, #tpu.memory_space<vmem>> -> memref<8x50x64xf32, #tpu.memory_space<vmem>>
      %dma_start3A_2222 = arith.constant 0 : i32
      %dma_start3A_2223 = arith.constant 0 : i32
      %dma_start3A_2224 = tpu.memref_slice %dma_start3A_2221[%dma_start3A_2215, %dma_start3A_2222, %dma_start3A_2223] : memref<8x50x64xf32, #tpu.memory_space<vmem>> -> memref<1x50x64xf32, #tpu.memory_space<vmem>>
      %dma_start3A_2225 = tpu.memref_squeeze %dma_start3A_2224 : memref<1x50x64xf32, #tpu.memory_space<vmem>> -> memref<50x64xf32, #tpu.memory_space<vmem>>
      %dma_start3A_2226 = arith.constant 0 : i32
      %dma_start3A_2227 = arith.constant 0 : i32
      %dma_start3A_2228 = tpu.memref_slice %arg4[%add3A_2213, %dma_start3A_2226, %dma_start3A_2227] : memref<16384x56x128xf32, #tpu.memory_space<hbm>> -> memref<1x56x128xf32, #tpu.memory_space<hbm>>
      %dma_start3A_2229 = tpu.memref_squeeze %dma_start3A_2228 : memref<1x56x128xf32, #tpu.memory_space<hbm>> -> memref<56x128xf32, #tpu.memory_space<hbm>>
      %dma_start3A_2230 = arith.constant 0 : i32
      %dma_start3A_2231 = arith.constant 0 : i32
      %dma_start3A_2232 = tpu.memref_slice %dma_start3A_2229[%dma_start3A_2230, %dma_start3A_2231] : memref<56x128xf32, #tpu.memory_space<hbm>> -> memref<50x64xf32, #tpu.memory_space<hbm>>
      %dma_start3A_2233 = tpu.memref_slice %arg8[%dma_start3A_2216] : memref<2x!tpu.dma_semaphore, #tpu.memory_space<semaphore_mem>> -> memref<1x!tpu.dma_semaphore, #tpu.memory_space<semaphore_mem>>
      %dma_start3A_2234 = tpu.memref_squeeze %dma_start3A_2233 : memref<1x!tpu.dma_semaphore, #tpu.memory_space<semaphore_mem>> -> memref<!tpu.dma_semaphore, #tpu.memory_space<semaphore_mem>>
      %dma_start3A_2235 = arith.constant 0 : i32
      %dma_start3A_2236 = arith.constant 0 : i32
      %dma_start3A_2237 = tpu.memref_slice %arg4[%add3A_2213, %dma_start3A_2235, %dma_start3A_2236] : memref<16384x56x128xf32, #tpu.memory_space<hbm>> -> memref<1x56x128xf32, #tpu.memory_space<hbm>>
      %dma_start3A_2238 = tpu.memref_squeeze %dma_start3A_2237 : memref<1x56x128xf32, #tpu.memory_space<hbm>> -> memref<56x128xf32, #tpu.memory_space<hbm>>
      %dma_start3A_2239 = arith.constant 0 : i32
      %dma_start3A_2240 = arith.constant 0 : i32
      %dma_start3A_2241 = tpu.memref_slice %dma_start3A_2238[%dma_start3A_2239, %dma_start3A_2240] : memref<56x128xf32, #tpu.memory_space<hbm>> -> memref<50x64xf32, #tpu.memory_space<hbm>>
      %dma_start3A_2242 = arith.constant 0 : i32
      %dma_start3A_2243 = arith.constant 0 : i32
      %dma_start3A_2244 = arith.constant 0 : i32
      %dma_start3A_2245 = tpu.memref_slice %arg6[%dma_start3A_2214, %dma_start3A_2242, %dma_start3A_2243, %dma_start3A_2244] : memref<2x8x50x64xf32, #tpu.memory_space<vmem>> -> memref<1x8x50x64xf32, #tpu.memory_space<vmem>>
      %dma_start3A_2246 = tpu.memref_squeeze %dma_start3A_2245 : memref<1x8x50x64xf32, #tpu.memory_space<vmem>> -> memref<8x50x64xf32, #tpu.memory_space<vmem>>
      %dma_start3A_2247 = arith.constant 0 : i32
      %dma_start3A_2248 = arith.constant 0 : i32
      %dma_start3A_2249 = tpu.memref_slice %dma_start3A_2246[%dma_start3A_2215, %dma_start3A_2247, %dma_start3A_2248] : memref<8x50x64xf32, #tpu.memory_space<vmem>> -> memref<1x50x64xf32, #tpu.memory_space<vmem>>
      %dma_start3A_2250 = tpu.memref_squeeze %dma_start3A_2249 : memref<1x50x64xf32, #tpu.memory_space<vmem>> -> memref<50x64xf32, #tpu.memory_space<vmem>>
      tpu.enqueue_dma source(%dma_start3A_2250 : memref<50x64xf32, #tpu.memory_space<vmem>>) target(%dma_start3A_2241 : memref<50x64xf32, #tpu.memory_space<hbm>>) target_semaphore(%dma_start3A_2234 : memref<!tpu.dma_semaphore, #tpu.memory_space<semaphore_mem>>)
      %mul3A_2251 = arith.constant 8 : i32
      %mul3A_2252 = arith.muli %add3A_1932, %mul3A_2251 : i32
      %add3A_2253 = arith.addi %mul3A_2, %mul3A_2252 : i32
      %add3A_2254 = arith.constant 3 : i32
      %add3A_2255 = arith.addi %add3A_2253, %add3A_2254 : i32
      %dma_start3A_2256 = arith.constant 0 : i32
      %dma_start3A_2257 = arith.constant 3 : i32
      %dma_start3A_2258 = arith.constant 0 : i32
      %dma_start3A_2259 = arith.constant 0 : i32
      %dma_start3A_2260 = arith.constant 0 : i32
      %dma_start3A_2261 = arith.constant 0 : i32
      %dma_start3A_2262 = tpu.memref_slice %arg6[%dma_start3A_2256, %dma_start3A_2259, %dma_start3A_2260, %dma_start3A_2261] : memref<2x8x50x64xf32, #tpu.memory_space<vmem>> -> memref<1x8x50x64xf32, #tpu.memory_space<vmem>>
      %dma_start3A_2263 = tpu.memref_squeeze %dma_start3A_2262 : memref<1x8x50x64xf32, #tpu.memory_space<vmem>> -> memref<8x50x64xf32, #tpu.memory_space<vmem>>
      %dma_start3A_2264 = arith.constant 0 : i32
      %dma_start3A_2265 = arith.constant 0 : i32
      %dma_start3A_2266 = tpu.memref_slice %dma_start3A_2263[%dma_start3A_2257, %dma_start3A_2264, %dma_start3A_2265] : memref<8x50x64xf32, #tpu.memory_space<vmem>> -> memref<1x50x64xf32, #tpu.memory_space<vmem>>
      %dma_start3A_2267 = tpu.memref_squeeze %dma_start3A_2266 : memref<1x50x64xf32, #tpu.memory_space<vmem>> -> memref<50x64xf32, #tpu.memory_space<vmem>>
      %dma_start3A_2268 = arith.constant 0 : i32
      %dma_start3A_2269 = arith.constant 0 : i32
      %dma_start3A_2270 = tpu.memref_slice %arg4[%add3A_2255, %dma_start3A_2268, %dma_start3A_2269] : memref<16384x56x128xf32, #tpu.memory_space<hbm>> -> memref<1x56x128xf32, #tpu.memory_space<hbm>>
      %dma_start3A_2271 = tpu.memref_squeeze %dma_start3A_2270 : memref<1x56x128xf32, #tpu.memory_space<hbm>> -> memref<56x128xf32, #tpu.memory_space<hbm>>
      %dma_start3A_2272 = arith.constant 0 : i32
      %dma_start3A_2273 = arith.constant 0 : i32
      %dma_start3A_2274 = tpu.memref_slice %dma_start3A_2271[%dma_start3A_2272, %dma_start3A_2273] : memref<56x128xf32, #tpu.memory_space<hbm>> -> memref<50x64xf32, #tpu.memory_space<hbm>>
      %dma_start3A_2275 = tpu.memref_slice %arg8[%dma_start3A_2258] : memref<2x!tpu.dma_semaphore, #tpu.memory_space<semaphore_mem>> -> memref<1x!tpu.dma_semaphore, #tpu.memory_space<semaphore_mem>>
      %dma_start3A_2276 = tpu.memref_squeeze %dma_start3A_2275 : memref<1x!tpu.dma_semaphore, #tpu.memory_space<semaphore_mem>> -> memref<!tpu.dma_semaphore, #tpu.memory_space<semaphore_mem>>
      %dma_start3A_2277 = arith.constant 0 : i32
      %dma_start3A_2278 = arith.constant 0 : i32
      %dma_start3A_2279 = tpu.memref_slice %arg4[%add3A_2255, %dma_start3A_2277, %dma_start3A_2278] : memref<16384x56x128xf32, #tpu.memory_space<hbm>> -> memref<1x56x128xf32, #tpu.memory_space<hbm>>
      %dma_start3A_2280 = tpu.memref_squeeze %dma_start3A_2279 : memref<1x56x128xf32, #tpu.memory_space<hbm>> -> memref<56x128xf32, #tpu.memory_space<hbm>>
      %dma_start3A_2281 = arith.constant 0 : i32
      %dma_start3A_2282 = arith.constant 0 : i32
      %dma_start3A_2283 = tpu.memref_slice %dma_start3A_2280[%dma_start3A_2281, %dma_start3A_2282] : memref<56x128xf32, #tpu.memory_space<hbm>> -> memref<50x64xf32, #tpu.memory_space<hbm>>
      %dma_start3A_2284 = arith.constant 0 : i32
      %dma_start3A_2285 = arith.constant 0 : i32
      %dma_start3A_2286 = arith.constant 0 : i32
      %dma_start3A_2287 = tpu.memref_slice %arg6[%dma_start3A_2256, %dma_start3A_2284, %dma_start3A_2285, %dma_start3A_2286] : memref<2x8x50x64xf32, #tpu.memory_space<vmem>> -> memref<1x8x50x64xf32, #tpu.memory_space<vmem>>
      %dma_start3A_2288 = tpu.memref_squeeze %dma_start3A_2287 : memref<1x8x50x64xf32, #tpu.memory_space<vmem>> -> memref<8x50x64xf32, #tpu.memory_space<vmem>>
      %dma_start3A_2289 = arith.constant 0 : i32
      %dma_start3A_2290 = arith.constant 0 : i32
      %dma_start3A_2291 = tpu.memref_slice %dma_start3A_2288[%dma_start3A_2257, %dma_start3A_2289, %dma_start3A_2290] : memref<8x50x64xf32, #tpu.memory_space<vmem>> -> memref<1x50x64xf32, #tpu.memory_space<vmem>>
      %dma_start3A_2292 = tpu.memref_squeeze %dma_start3A_2291 : memref<1x50x64xf32, #tpu.memory_space<vmem>> -> memref<50x64xf32, #tpu.memory_space<vmem>>
      tpu.enqueue_dma source(%dma_start3A_2292 : memref<50x64xf32, #tpu.memory_space<vmem>>) target(%dma_start3A_2283 : memref<50x64xf32, #tpu.memory_space<hbm>>) target_semaphore(%dma_start3A_2276 : memref<!tpu.dma_semaphore, #tpu.memory_space<semaphore_mem>>)
      %mul3A_2293 = arith.constant 8 : i32
      %mul3A_2294 = arith.muli %add3A_1932, %mul3A_2293 : i32
      %add3A_2295 = arith.addi %mul3A_2, %mul3A_2294 : i32
      %add3A_2296 = arith.constant 4 : i32
      %add3A_2297 = arith.addi %add3A_2295, %add3A_2296 : i32
      %dma_start3A_2298 = arith.constant 0 : i32
      %dma_start3A_2299 = arith.constant 4 : i32
      %dma_start3A_2300 = arith.constant 0 : i32
      %dma_start3A_2301 = arith.constant 0 : i32
      %dma_start3A_2302 = arith.constant 0 : i32
      %dma_start3A_2303 = arith.constant 0 : i32
      %dma_start3A_2304 = tpu.memref_slice %arg6[%dma_start3A_2298, %dma_start3A_2301, %dma_start3A_2302, %dma_start3A_2303] : memref<2x8x50x64xf32, #tpu.memory_space<vmem>> -> memref<1x8x50x64xf32, #tpu.memory_space<vmem>>
      %dma_start3A_2305 = tpu.memref_squeeze %dma_start3A_2304 : memref<1x8x50x64xf32, #tpu.memory_space<vmem>> -> memref<8x50x64xf32, #tpu.memory_space<vmem>>
      %dma_start3A_2306 = arith.constant 0 : i32
      %dma_start3A_2307 = arith.constant 0 : i32
      %dma_start3A_2308 = tpu.memref_slice %dma_start3A_2305[%dma_start3A_2299, %dma_start3A_2306, %dma_start3A_2307] : memref<8x50x64xf32, #tpu.memory_space<vmem>> -> memref<1x50x64xf32, #tpu.memory_space<vmem>>
      %dma_start3A_2309 = tpu.memref_squeeze %dma_start3A_2308 : memref<1x50x64xf32, #tpu.memory_space<vmem>> -> memref<50x64xf32, #tpu.memory_space<vmem>>
      %dma_start3A_2310 = arith.constant 0 : i32
      %dma_start3A_2311 = arith.constant 0 : i32
      %dma_start3A_2312 = tpu.memref_slice %arg4[%add3A_2297, %dma_start3A_2310, %dma_start3A_2311] : memref<16384x56x128xf32, #tpu.memory_space<hbm>> -> memref<1x56x128xf32, #tpu.memory_space<hbm>>
      %dma_start3A_2313 = tpu.memref_squeeze %dma_start3A_2312 : memref<1x56x128xf32, #tpu.memory_space<hbm>> -> memref<56x128xf32, #tpu.memory_space<hbm>>
      %dma_start3A_2314 = arith.constant 0 : i32
      %dma_start3A_2315 = arith.constant 0 : i32
      %dma_start3A_2316 = tpu.memref_slice %dma_start3A_2313[%dma_start3A_2314, %dma_start3A_2315] : memref<56x128xf32, #tpu.memory_space<hbm>> -> memref<50x64xf32, #tpu.memory_space<hbm>>
      %dma_start3A_2317 = tpu.memref_slice %arg8[%dma_start3A_2300] : memref<2x!tpu.dma_semaphore, #tpu.memory_space<semaphore_mem>> -> memref<1x!tpu.dma_semaphore, #tpu.memory_space<semaphore_mem>>
      %dma_start3A_2318 = tpu.memref_squeeze %dma_start3A_2317 : memref<1x!tpu.dma_semaphore, #tpu.memory_space<semaphore_mem>> -> memref<!tpu.dma_semaphore, #tpu.memory_space<semaphore_mem>>
      %dma_start3A_2319 = arith.constant 0 : i32
      %dma_start3A_2320 = arith.constant 0 : i32
      %dma_start3A_2321 = tpu.memref_slice %arg4[%add3A_2297, %dma_start3A_2319, %dma_start3A_2320] : memref<16384x56x128xf32, #tpu.memory_space<hbm>> -> memref<1x56x128xf32, #tpu.memory_space<hbm>>
      %dma_start3A_2322 = tpu.memref_squeeze %dma_start3A_2321 : memref<1x56x128xf32, #tpu.memory_space<hbm>> -> memref<56x128xf32, #tpu.memory_space<hbm>>
      %dma_start3A_2323 = arith.constant 0 : i32
      %dma_start3A_2324 = arith.constant 0 : i32
      %dma_start3A_2325 = tpu.memref_slice %dma_start3A_2322[%dma_start3A_2323, %dma_start3A_2324] : memref<56x128xf32, #tpu.memory_space<hbm>> -> memref<50x64xf32, #tpu.memory_space<hbm>>
      %dma_start3A_2326 = arith.constant 0 : i32
      %dma_start3A_2327 = arith.constant 0 : i32
      %dma_start3A_2328 = arith.constant 0 : i32
      %dma_start3A_2329 = tpu.memref_slice %arg6[%dma_start3A_2298, %dma_start3A_2326, %dma_start3A_2327, %dma_start3A_2328] : memref<2x8x50x64xf32, #tpu.memory_space<vmem>> -> memref<1x8x50x64xf32, #tpu.memory_space<vmem>>
      %dma_start3A_2330 = tpu.memref_squeeze %dma_start3A_2329 : memref<1x8x50x64xf32, #tpu.memory_space<vmem>> -> memref<8x50x64xf32, #tpu.memory_space<vmem>>
      %dma_start3A_2331 = arith.constant 0 : i32
      %dma_start3A_2332 = arith.constant 0 : i32
      %dma_start3A_2333 = tpu.memref_slice %dma_start3A_2330[%dma_start3A_2299, %dma_start3A_2331, %dma_start3A_2332] : memref<8x50x64xf32, #tpu.memory_space<vmem>> -> memref<1x50x64xf32, #tpu.memory_space<vmem>>
      %dma_start3A_2334 = tpu.memref_squeeze %dma_start3A_2333 : memref<1x50x64xf32, #tpu.memory_space<vmem>> -> memref<50x64xf32, #tpu.memory_space<vmem>>
      tpu.enqueue_dma source(%dma_start3A_2334 : memref<50x64xf32, #tpu.memory_space<vmem>>) target(%dma_start3A_2325 : memref<50x64xf32, #tpu.memory_space<hbm>>) target_semaphore(%dma_start3A_2318 : memref<!tpu.dma_semaphore, #tpu.memory_space<semaphore_mem>>)
      %mul3A_2335 = arith.constant 8 : i32
      %mul3A_2336 = arith.muli %add3A_1932, %mul3A_2335 : i32
      %add3A_2337 = arith.addi %mul3A_2, %mul3A_2336 : i32
      %add3A_2338 = arith.constant 5 : i32
      %add3A_2339 = arith.addi %add3A_2337, %add3A_2338 : i32
      %dma_start3A_2340 = arith.constant 0 : i32
      %dma_start3A_2341 = arith.constant 5 : i32
      %dma_start3A_2342 = arith.constant 0 : i32
      %dma_start3A_2343 = arith.constant 0 : i32
      %dma_start3A_2344 = arith.constant 0 : i32
      %dma_start3A_2345 = arith.constant 0 : i32
      %dma_start3A_2346 = tpu.memref_slice %arg6[%dma_start3A_2340, %dma_start3A_2343, %dma_start3A_2344, %dma_start3A_2345] : memref<2x8x50x64xf32, #tpu.memory_space<vmem>> -> memref<1x8x50x64xf32, #tpu.memory_space<vmem>>
      %dma_start3A_2347 = tpu.memref_squeeze %dma_start3A_2346 : memref<1x8x50x64xf32, #tpu.memory_space<vmem>> -> memref<8x50x64xf32, #tpu.memory_space<vmem>>
      %dma_start3A_2348 = arith.constant 0 : i32
      %dma_start3A_2349 = arith.constant 0 : i32
      %dma_start3A_2350 = tpu.memref_slice %dma_start3A_2347[%dma_start3A_2341, %dma_start3A_2348, %dma_start3A_2349] : memref<8x50x64xf32, #tpu.memory_space<vmem>> -> memref<1x50x64xf32, #tpu.memory_space<vmem>>
      %dma_start3A_2351 = tpu.memref_squeeze %dma_start3A_2350 : memref<1x50x64xf32, #tpu.memory_space<vmem>> -> memref<50x64xf32, #tpu.memory_space<vmem>>
      %dma_start3A_2352 = arith.constant 0 : i32
      %dma_start3A_2353 = arith.constant 0 : i32
      %dma_start3A_2354 = tpu.memref_slice %arg4[%add3A_2339, %dma_start3A_2352, %dma_start3A_2353] : memref<16384x56x128xf32, #tpu.memory_space<hbm>> -> memref<1x56x128xf32, #tpu.memory_space<hbm>>
      %dma_start3A_2355 = tpu.memref_squeeze %dma_start3A_2354 : memref<1x56x128xf32, #tpu.memory_space<hbm>> -> memref<56x128xf32, #tpu.memory_space<hbm>>
      %dma_start3A_2356 = arith.constant 0 : i32
      %dma_start3A_2357 = arith.constant 0 : i32
      %dma_start3A_2358 = tpu.memref_slice %dma_start3A_2355[%dma_start3A_2356, %dma_start3A_2357] : memref<56x128xf32, #tpu.memory_space<hbm>> -> memref<50x64xf32, #tpu.memory_space<hbm>>
      %dma_start3A_2359 = tpu.memref_slice %arg8[%dma_start3A_2342] : memref<2x!tpu.dma_semaphore, #tpu.memory_space<semaphore_mem>> -> memref<1x!tpu.dma_semaphore, #tpu.memory_space<semaphore_mem>>
      %dma_start3A_2360 = tpu.memref_squeeze %dma_start3A_2359 : memref<1x!tpu.dma_semaphore, #tpu.memory_space<semaphore_mem>> -> memref<!tpu.dma_semaphore, #tpu.memory_space<semaphore_mem>>
      %dma_start3A_2361 = arith.constant 0 : i32
      %dma_start3A_2362 = arith.constant 0 : i32
      %dma_start3A_2363 = tpu.memref_slice %arg4[%add3A_2339, %dma_start3A_2361, %dma_start3A_2362] : memref<16384x56x128xf32, #tpu.memory_space<hbm>> -> memref<1x56x128xf32, #tpu.memory_space<hbm>>
      %dma_start3A_2364 = tpu.memref_squeeze %dma_start3A_2363 : memref<1x56x128xf32, #tpu.memory_space<hbm>> -> memref<56x128xf32, #tpu.memory_space<hbm>>
      %dma_start3A_2365 = arith.constant 0 : i32
      %dma_start3A_2366 = arith.constant 0 : i32
      %dma_start3A_2367 = tpu.memref_slice %dma_start3A_2364[%dma_start3A_2365, %dma_start3A_2366] : memref<56x128xf32, #tpu.memory_space<hbm>> -> memref<50x64xf32, #tpu.memory_space<hbm>>
      %dma_start3A_2368 = arith.constant 0 : i32
      %dma_start3A_2369 = arith.constant 0 : i32
      %dma_start3A_2370 = arith.constant 0 : i32
      %dma_start3A_2371 = tpu.memref_slice %arg6[%dma_start3A_2340, %dma_start3A_2368, %dma_start3A_2369, %dma_start3A_2370] : memref<2x8x50x64xf32, #tpu.memory_space<vmem>> -> memref<1x8x50x64xf32, #tpu.memory_space<vmem>>
      %dma_start3A_2372 = tpu.memref_squeeze %dma_start3A_2371 : memref<1x8x50x64xf32, #tpu.memory_space<vmem>> -> memref<8x50x64xf32, #tpu.memory_space<vmem>>
      %dma_start3A_2373 = arith.constant 0 : i32
      %dma_start3A_2374 = arith.constant 0 : i32
      %dma_start3A_2375 = tpu.memref_slice %dma_start3A_2372[%dma_start3A_2341, %dma_start3A_2373, %dma_start3A_2374] : memref<8x50x64xf32, #tpu.memory_space<vmem>> -> memref<1x50x64xf32, #tpu.memory_space<vmem>>
      %dma_start3A_2376 = tpu.memref_squeeze %dma_start3A_2375 : memref<1x50x64xf32, #tpu.memory_space<vmem>> -> memref<50x64xf32, #tpu.memory_space<vmem>>
      tpu.enqueue_dma source(%dma_start3A_2376 : memref<50x64xf32, #tpu.memory_space<vmem>>) target(%dma_start3A_2367 : memref<50x64xf32, #tpu.memory_space<hbm>>) target_semaphore(%dma_start3A_2360 : memref<!tpu.dma_semaphore, #tpu.memory_space<semaphore_mem>>)
      %mul3A_2377 = arith.constant 8 : i32
      %mul3A_2378 = arith.muli %add3A_1932, %mul3A_2377 : i32
      %add3A_2379 = arith.addi %mul3A_2, %mul3A_2378 : i32
      %add3A_2380 = arith.constant 6 : i32
      %add3A_2381 = arith.addi %add3A_2379, %add3A_2380 : i32
      %dma_start3A_2382 = arith.constant 0 : i32
      %dma_start3A_2383 = arith.constant 6 : i32
      %dma_start3A_2384 = arith.constant 0 : i32
      %dma_start3A_2385 = arith.constant 0 : i32
      %dma_start3A_2386 = arith.constant 0 : i32
      %dma_start3A_2387 = arith.constant 0 : i32
      %dma_start3A_2388 = tpu.memref_slice %arg6[%dma_start3A_2382, %dma_start3A_2385, %dma_start3A_2386, %dma_start3A_2387] : memref<2x8x50x64xf32, #tpu.memory_space<vmem>> -> memref<1x8x50x64xf32, #tpu.memory_space<vmem>>
      %dma_start3A_2389 = tpu.memref_squeeze %dma_start3A_2388 : memref<1x8x50x64xf32, #tpu.memory_space<vmem>> -> memref<8x50x64xf32, #tpu.memory_space<vmem>>
      %dma_start3A_2390 = arith.constant 0 : i32
      %dma_start3A_2391 = arith.constant 0 : i32
      %dma_start3A_2392 = tpu.memref_slice %dma_start3A_2389[%dma_start3A_2383, %dma_start3A_2390, %dma_start3A_2391] : memref<8x50x64xf32, #tpu.memory_space<vmem>> -> memref<1x50x64xf32, #tpu.memory_space<vmem>>
      %dma_start3A_2393 = tpu.memref_squeeze %dma_start3A_2392 : memref<1x50x64xf32, #tpu.memory_space<vmem>> -> memref<50x64xf32, #tpu.memory_space<vmem>>
      %dma_start3A_2394 = arith.constant 0 : i32
      %dma_start3A_2395 = arith.constant 0 : i32
      %dma_start3A_2396 = tpu.memref_slice %arg4[%add3A_2381, %dma_start3A_2394, %dma_start3A_2395] : memref<16384x56x128xf32, #tpu.memory_space<hbm>> -> memref<1x56x128xf32, #tpu.memory_space<hbm>>
      %dma_start3A_2397 = tpu.memref_squeeze %dma_start3A_2396 : memref<1x56x128xf32, #tpu.memory_space<hbm>> -> memref<56x128xf32, #tpu.memory_space<hbm>>
      %dma_start3A_2398 = arith.constant 0 : i32
      %dma_start3A_2399 = arith.constant 0 : i32
      %dma_start3A_2400 = tpu.memref_slice %dma_start3A_2397[%dma_start3A_2398, %dma_start3A_2399] : memref<56x128xf32, #tpu.memory_space<hbm>> -> memref<50x64xf32, #tpu.memory_space<hbm>>
      %dma_start3A_2401 = tpu.memref_slice %arg8[%dma_start3A_2384] : memref<2x!tpu.dma_semaphore, #tpu.memory_space<semaphore_mem>> -> memref<1x!tpu.dma_semaphore, #tpu.memory_space<semaphore_mem>>
      %dma_start3A_2402 = tpu.memref_squeeze %dma_start3A_2401 : memref<1x!tpu.dma_semaphore, #tpu.memory_space<semaphore_mem>> -> memref<!tpu.dma_semaphore, #tpu.memory_space<semaphore_mem>>
      %dma_start3A_2403 = arith.constant 0 : i32
      %dma_start3A_2404 = arith.constant 0 : i32
      %dma_start3A_2405 = tpu.memref_slice %arg4[%add3A_2381, %dma_start3A_2403, %dma_start3A_2404] : memref<16384x56x128xf32, #tpu.memory_space<hbm>> -> memref<1x56x128xf32, #tpu.memory_space<hbm>>
      %dma_start3A_2406 = tpu.memref_squeeze %dma_start3A_2405 : memref<1x56x128xf32, #tpu.memory_space<hbm>> -> memref<56x128xf32, #tpu.memory_space<hbm>>
      %dma_start3A_2407 = arith.constant 0 : i32
      %dma_start3A_2408 = arith.constant 0 : i32
      %dma_start3A_2409 = tpu.memref_slice %dma_start3A_2406[%dma_start3A_2407, %dma_start3A_2408] : memref<56x128xf32, #tpu.memory_space<hbm>> -> memref<50x64xf32, #tpu.memory_space<hbm>>
      %dma_start3A_2410 = arith.constant 0 : i32
      %dma_start3A_2411 = arith.constant 0 : i32
      %dma_start3A_2412 = arith.constant 0 : i32
      %dma_start3A_2413 = tpu.memref_slice %arg6[%dma_start3A_2382, %dma_start3A_2410, %dma_start3A_2411, %dma_start3A_2412] : memref<2x8x50x64xf32, #tpu.memory_space<vmem>> -> memref<1x8x50x64xf32, #tpu.memory_space<vmem>>
      %dma_start3A_2414 = tpu.memref_squeeze %dma_start3A_2413 : memref<1x8x50x64xf32, #tpu.memory_space<vmem>> -> memref<8x50x64xf32, #tpu.memory_space<vmem>>
      %dma_start3A_2415 = arith.constant 0 : i32
      %dma_start3A_2416 = arith.constant 0 : i32
      %dma_start3A_2417 = tpu.memref_slice %dma_start3A_2414[%dma_start3A_2383, %dma_start3A_2415, %dma_start3A_2416] : memref<8x50x64xf32, #tpu.memory_space<vmem>> -> memref<1x50x64xf32, #tpu.memory_space<vmem>>
      %dma_start3A_2418 = tpu.memref_squeeze %dma_start3A_2417 : memref<1x50x64xf32, #tpu.memory_space<vmem>> -> memref<50x64xf32, #tpu.memory_space<vmem>>
      tpu.enqueue_dma source(%dma_start3A_2418 : memref<50x64xf32, #tpu.memory_space<vmem>>) target(%dma_start3A_2409 : memref<50x64xf32, #tpu.memory_space<hbm>>) target_semaphore(%dma_start3A_2402 : memref<!tpu.dma_semaphore, #tpu.memory_space<semaphore_mem>>)
      %mul3A_2419 = arith.constant 8 : i32
      %mul3A_2420 = arith.muli %add3A_1932, %mul3A_2419 : i32
      %add3A_2421 = arith.addi %mul3A_2, %mul3A_2420 : i32
      %add3A_2422 = arith.constant 7 : i32
      %add3A_2423 = arith.addi %add3A_2421, %add3A_2422 : i32
      %dma_start3A_2424 = arith.constant 0 : i32
      %dma_start3A_2425 = arith.constant 7 : i32
      %dma_start3A_2426 = arith.constant 0 : i32
      %dma_start3A_2427 = arith.constant 0 : i32
      %dma_start3A_2428 = arith.constant 0 : i32
      %dma_start3A_2429 = arith.constant 0 : i32
      %dma_start3A_2430 = tpu.memref_slice %arg6[%dma_start3A_2424, %dma_start3A_2427, %dma_start3A_2428, %dma_start3A_2429] : memref<2x8x50x64xf32, #tpu.memory_space<vmem>> -> memref<1x8x50x64xf32, #tpu.memory_space<vmem>>
      %dma_start3A_2431 = tpu.memref_squeeze %dma_start3A_2430 : memref<1x8x50x64xf32, #tpu.memory_space<vmem>> -> memref<8x50x64xf32, #tpu.memory_space<vmem>>
      %dma_start3A_2432 = arith.constant 0 : i32
      %dma_start3A_2433 = arith.constant 0 : i32
      %dma_start3A_2434 = tpu.memref_slice %dma_start3A_2431[%dma_start3A_2425, %dma_start3A_2432, %dma_start3A_2433] : memref<8x50x64xf32, #tpu.memory_space<vmem>> -> memref<1x50x64xf32, #tpu.memory_space<vmem>>
      %dma_start3A_2435 = tpu.memref_squeeze %dma_start3A_2434 : memref<1x50x64xf32, #tpu.memory_space<vmem>> -> memref<50x64xf32, #tpu.memory_space<vmem>>
      %dma_start3A_2436 = arith.constant 0 : i32
      %dma_start3A_2437 = arith.constant 0 : i32
      %dma_start3A_2438 = tpu.memref_slice %arg4[%add3A_2423, %dma_start3A_2436, %dma_start3A_2437] : memref<16384x56x128xf32, #tpu.memory_space<hbm>> -> memref<1x56x128xf32, #tpu.memory_space<hbm>>
      %dma_start3A_2439 = tpu.memref_squeeze %dma_start3A_2438 : memref<1x56x128xf32, #tpu.memory_space<hbm>> -> memref<56x128xf32, #tpu.memory_space<hbm>>
      %dma_start3A_2440 = arith.constant 0 : i32
      %dma_start3A_2441 = arith.constant 0 : i32
      %dma_start3A_2442 = tpu.memref_slice %dma_start3A_2439[%dma_start3A_2440, %dma_start3A_2441] : memref<56x128xf32, #tpu.memory_space<hbm>> -> memref<50x64xf32, #tpu.memory_space<hbm>>
      %dma_start3A_2443 = tpu.memref_slice %arg8[%dma_start3A_2426] : memref<2x!tpu.dma_semaphore, #tpu.memory_space<semaphore_mem>> -> memref<1x!tpu.dma_semaphore, #tpu.memory_space<semaphore_mem>>
      %dma_start3A_2444 = tpu.memref_squeeze %dma_start3A_2443 : memref<1x!tpu.dma_semaphore, #tpu.memory_space<semaphore_mem>> -> memref<!tpu.dma_semaphore, #tpu.memory_space<semaphore_mem>>
      %dma_start3A_2445 = arith.constant 0 : i32
      %dma_start3A_2446 = arith.constant 0 : i32
      %dma_start3A_2447 = tpu.memref_slice %arg4[%add3A_2423, %dma_start3A_2445, %dma_start3A_2446] : memref<16384x56x128xf32, #tpu.memory_space<hbm>> -> memref<1x56x128xf32, #tpu.memory_space<hbm>>
      %dma_start3A_2448 = tpu.memref_squeeze %dma_start3A_2447 : memref<1x56x128xf32, #tpu.memory_space<hbm>> -> memref<56x128xf32, #tpu.memory_space<hbm>>
      %dma_start3A_2449 = arith.constant 0 : i32
      %dma_start3A_2450 = arith.constant 0 : i32
      %dma_start3A_2451 = tpu.memref_slice %dma_start3A_2448[%dma_start3A_2449, %dma_start3A_2450] : memref<56x128xf32, #tpu.memory_space<hbm>> -> memref<50x64xf32, #tpu.memory_space<hbm>>
      %dma_start3A_2452 = arith.constant 0 : i32
      %dma_start3A_2453 = arith.constant 0 : i32
      %dma_start3A_2454 = arith.constant 0 : i32
      %dma_start3A_2455 = tpu.memref_slice %arg6[%dma_start3A_2424, %dma_start3A_2452, %dma_start3A_2453, %dma_start3A_2454] : memref<2x8x50x64xf32, #tpu.memory_space<vmem>> -> memref<1x8x50x64xf32, #tpu.memory_space<vmem>>
      %dma_start3A_2456 = tpu.memref_squeeze %dma_start3A_2455 : memref<1x8x50x64xf32, #tpu.memory_space<vmem>> -> memref<8x50x64xf32, #tpu.memory_space<vmem>>
      %dma_start3A_2457 = arith.constant 0 : i32
      %dma_start3A_2458 = arith.constant 0 : i32
      %dma_start3A_2459 = tpu.memref_slice %dma_start3A_2456[%dma_start3A_2425, %dma_start3A_2457, %dma_start3A_2458] : memref<8x50x64xf32, #tpu.memory_space<vmem>> -> memref<1x50x64xf32, #tpu.memory_space<vmem>>
      %dma_start3A_2460 = tpu.memref_squeeze %dma_start3A_2459 : memref<1x50x64xf32, #tpu.memory_space<vmem>> -> memref<50x64xf32, #tpu.memory_space<vmem>>
      tpu.enqueue_dma source(%dma_start3A_2460 : memref<50x64xf32, #tpu.memory_space<vmem>>) target(%dma_start3A_2451 : memref<50x64xf32, #tpu.memory_space<hbm>>) target_semaphore(%dma_start3A_2444 : memref<!tpu.dma_semaphore, #tpu.memory_space<semaphore_mem>>)
      %mul3A_2461 = arith.constant 8 : i32
      %mul3A_2462 = arith.muli %add3A_1932, %mul3A_2461 : i32
      %add3A_2463 = arith.addi %mul3A_2, %mul3A_2462 : i32
      %add3A_2464 = arith.constant 0 : i32
      %add3A_2465 = arith.addi %add3A_2463, %add3A_2464 : i32
      %dma_wait3A_2466 = arith.constant 0 : i32
      %dma_wait3A_2467 = arith.constant 0 : i32
      %dma_wait3A_2468 = arith.constant 0 : i32
      %dma_wait3A_2469 = arith.constant 0 : i32
      %dma_wait3A_2470 = arith.constant 0 : i32
      %dma_wait3A_2471 = arith.constant 0 : i32
      %dma_wait3A_2472 = tpu.memref_slice %arg6[%dma_wait3A_2466, %dma_wait3A_2469, %dma_wait3A_2470, %dma_wait3A_2471] : memref<2x8x50x64xf32, #tpu.memory_space<vmem>> -> memref<1x8x50x64xf32, #tpu.memory_space<vmem>>
      %dma_wait3A_2473 = tpu.memref_squeeze %dma_wait3A_2472 : memref<1x8x50x64xf32, #tpu.memory_space<vmem>> -> memref<8x50x64xf32, #tpu.memory_space<vmem>>
      %dma_wait3A_2474 = arith.constant 0 : i32
      %dma_wait3A_2475 = arith.constant 0 : i32
      %dma_wait3A_2476 = tpu.memref_slice %dma_wait3A_2473[%dma_wait3A_2467, %dma_wait3A_2474, %dma_wait3A_2475] : memref<8x50x64xf32, #tpu.memory_space<vmem>> -> memref<1x50x64xf32, #tpu.memory_space<vmem>>
      %dma_wait3A_2477 = tpu.memref_squeeze %dma_wait3A_2476 : memref<1x50x64xf32, #tpu.memory_space<vmem>> -> memref<50x64xf32, #tpu.memory_space<vmem>>
      %dma_wait3A_2478 = arith.constant 0 : i32
      %dma_wait3A_2479 = arith.constant 0 : i32
      %dma_wait3A_2480 = tpu.memref_slice %arg4[%add3A_2465, %dma_wait3A_2478, %dma_wait3A_2479] : memref<16384x56x128xf32, #tpu.memory_space<hbm>> -> memref<1x56x128xf32, #tpu.memory_space<hbm>>
      %dma_wait3A_2481 = tpu.memref_squeeze %dma_wait3A_2480 : memref<1x56x128xf32, #tpu.memory_space<hbm>> -> memref<56x128xf32, #tpu.memory_space<hbm>>
      %dma_wait3A_2482 = arith.constant 0 : i32
      %dma_wait3A_2483 = arith.constant 0 : i32
      %dma_wait3A_2484 = tpu.memref_slice %dma_wait3A_2481[%dma_wait3A_2482, %dma_wait3A_2483] : memref<56x128xf32, #tpu.memory_space<hbm>> -> memref<50x64xf32, #tpu.memory_space<hbm>>
      %dma_wait3A_2485 = tpu.memref_slice %arg8[%dma_wait3A_2468] : memref<2x!tpu.dma_semaphore, #tpu.memory_space<semaphore_mem>> -> memref<1x!tpu.dma_semaphore, #tpu.memory_space<semaphore_mem>>
      %dma_wait3A_2486 = tpu.memref_squeeze %dma_wait3A_2485 : memref<1x!tpu.dma_semaphore, #tpu.memory_space<semaphore_mem>> -> memref<!tpu.dma_semaphore, #tpu.memory_space<semaphore_mem>>
      %dma_wait3A_2487 = arith.constant 0 : i32
      %dma_wait3A_2488 = arith.constant 0 : i32
      %dma_wait3A_2489 = tpu.memref_slice %arg4[%add3A_2465, %dma_wait3A_2487, %dma_wait3A_2488] : memref<16384x56x128xf32, #tpu.memory_space<hbm>> -> memref<1x56x128xf32, #tpu.memory_space<hbm>>
      %dma_wait3A_2490 = tpu.memref_squeeze %dma_wait3A_2489 : memref<1x56x128xf32, #tpu.memory_space<hbm>> -> memref<56x128xf32, #tpu.memory_space<hbm>>
      %dma_wait3A_2491 = arith.constant 0 : i32
      %dma_wait3A_2492 = arith.constant 0 : i32
      %dma_wait3A_2493 = tpu.memref_slice %dma_wait3A_2490[%dma_wait3A_2491, %dma_wait3A_2492] : memref<56x128xf32, #tpu.memory_space<hbm>> -> memref<50x64xf32, #tpu.memory_space<hbm>>
      %dma_wait3A_2494 = arith.constant 0 : i32
      %dma_wait3A_2495 = arith.constant 0 : i32
      %dma_wait3A_2496 = arith.constant 0 : i32
      %dma_wait3A_2497 = tpu.memref_slice %arg6[%dma_wait3A_2466, %dma_wait3A_2494, %dma_wait3A_2495, %dma_wait3A_2496] : memref<2x8x50x64xf32, #tpu.memory_space<vmem>> -> memref<1x8x50x64xf32, #tpu.memory_space<vmem>>
      %dma_wait3A_2498 = tpu.memref_squeeze %dma_wait3A_2497 : memref<1x8x50x64xf32, #tpu.memory_space<vmem>> -> memref<8x50x64xf32, #tpu.memory_space<vmem>>
      %dma_wait3A_2499 = arith.constant 0 : i32
      %dma_wait3A_2500 = arith.constant 0 : i32
      %dma_wait3A_2501 = tpu.memref_slice %dma_wait3A_2498[%dma_wait3A_2467, %dma_wait3A_2499, %dma_wait3A_2500] : memref<8x50x64xf32, #tpu.memory_space<vmem>> -> memref<1x50x64xf32, #tpu.memory_space<vmem>>
      %dma_wait3A_2502 = tpu.memref_squeeze %dma_wait3A_2501 : memref<1x50x64xf32, #tpu.memory_space<vmem>> -> memref<50x64xf32, #tpu.memory_space<vmem>>
      tpu.wait_dma2 semaphore(%dma_wait3A_2486 : memref<!tpu.dma_semaphore, #tpu.memory_space<semaphore_mem>>) src(%dma_wait3A_2502 : memref<50x64xf32, #tpu.memory_space<vmem>>) dst(%dma_wait3A_2493 : memref<50x64xf32, #tpu.memory_space<hbm>>)
      %mul3A_2503 = arith.constant 8 : i32
      %mul3A_2504 = arith.muli %add3A_1932, %mul3A_2503 : i32
      %add3A_2505 = arith.addi %mul3A_2, %mul3A_2504 : i32
      %add3A_2506 = arith.constant 1 : i32
      %add3A_2507 = arith.addi %add3A_2505, %add3A_2506 : i32
      %dma_wait3A_2508 = arith.constant 0 : i32
      %dma_wait3A_2509 = arith.constant 1 : i32
      %dma_wait3A_2510 = arith.constant 0 : i32
      %dma_wait3A_2511 = arith.constant 0 : i32
      %dma_wait3A_2512 = arith.constant 0 : i32
      %dma_wait3A_2513 = arith.constant 0 : i32
      %dma_wait3A_2514 = tpu.memref_slice %arg6[%dma_wait3A_2508, %dma_wait3A_2511, %dma_wait3A_2512, %dma_wait3A_2513] : memref<2x8x50x64xf32, #tpu.memory_space<vmem>> -> memref<1x8x50x64xf32, #tpu.memory_space<vmem>>
      %dma_wait3A_2515 = tpu.memref_squeeze %dma_wait3A_2514 : memref<1x8x50x64xf32, #tpu.memory_space<vmem>> -> memref<8x50x64xf32, #tpu.memory_space<vmem>>
      %dma_wait3A_2516 = arith.constant 0 : i32
      %dma_wait3A_2517 = arith.constant 0 : i32
      %dma_wait3A_2518 = tpu.memref_slice %dma_wait3A_2515[%dma_wait3A_2509, %dma_wait3A_2516, %dma_wait3A_2517] : memref<8x50x64xf32, #tpu.memory_space<vmem>> -> memref<1x50x64xf32, #tpu.memory_space<vmem>>
      %dma_wait3A_2519 = tpu.memref_squeeze %dma_wait3A_2518 : memref<1x50x64xf32, #tpu.memory_space<vmem>> -> memref<50x64xf32, #tpu.memory_space<vmem>>
      %dma_wait3A_2520 = arith.constant 0 : i32
      %dma_wait3A_2521 = arith.constant 0 : i32
      %dma_wait3A_2522 = tpu.memref_slice %arg4[%add3A_2507, %dma_wait3A_2520, %dma_wait3A_2521] : memref<16384x56x128xf32, #tpu.memory_space<hbm>> -> memref<1x56x128xf32, #tpu.memory_space<hbm>>
      %dma_wait3A_2523 = tpu.memref_squeeze %dma_wait3A_2522 : memref<1x56x128xf32, #tpu.memory_space<hbm>> -> memref<56x128xf32, #tpu.memory_space<hbm>>
      %dma_wait3A_2524 = arith.constant 0 : i32
      %dma_wait3A_2525 = arith.constant 0 : i32
      %dma_wait3A_2526 = tpu.memref_slice %dma_wait3A_2523[%dma_wait3A_2524, %dma_wait3A_2525] : memref<56x128xf32, #tpu.memory_space<hbm>> -> memref<50x64xf32, #tpu.memory_space<hbm>>
      %dma_wait3A_2527 = tpu.memref_slice %arg8[%dma_wait3A_2510] : memref<2x!tpu.dma_semaphore, #tpu.memory_space<semaphore_mem>> -> memref<1x!tpu.dma_semaphore, #tpu.memory_space<semaphore_mem>>
      %dma_wait3A_2528 = tpu.memref_squeeze %dma_wait3A_2527 : memref<1x!tpu.dma_semaphore, #tpu.memory_space<semaphore_mem>> -> memref<!tpu.dma_semaphore, #tpu.memory_space<semaphore_mem>>
      %dma_wait3A_2529 = arith.constant 0 : i32
      %dma_wait3A_2530 = arith.constant 0 : i32
      %dma_wait3A_2531 = tpu.memref_slice %arg4[%add3A_2507, %dma_wait3A_2529, %dma_wait3A_2530] : memref<16384x56x128xf32, #tpu.memory_space<hbm>> -> memref<1x56x128xf32, #tpu.memory_space<hbm>>
      %dma_wait3A_2532 = tpu.memref_squeeze %dma_wait3A_2531 : memref<1x56x128xf32, #tpu.memory_space<hbm>> -> memref<56x128xf32, #tpu.memory_space<hbm>>
      %dma_wait3A_2533 = arith.constant 0 : i32
      %dma_wait3A_2534 = arith.constant 0 : i32
      %dma_wait3A_2535 = tpu.memref_slice %dma_wait3A_2532[%dma_wait3A_2533, %dma_wait3A_2534] : memref<56x128xf32, #tpu.memory_space<hbm>> -> memref<50x64xf32, #tpu.memory_space<hbm>>
      %dma_wait3A_2536 = arith.constant 0 : i32
      %dma_wait3A_2537 = arith.constant 0 : i32
      %dma_wait3A_2538 = arith.constant 0 : i32
      %dma_wait3A_2539 = tpu.memref_slice %arg6[%dma_wait3A_2508, %dma_wait3A_2536, %dma_wait3A_2537, %dma_wait3A_2538] : memref<2x8x50x64xf32, #tpu.memory_space<vmem>> -> memref<1x8x50x64xf32, #tpu.memory_space<vmem>>
      %dma_wait3A_2540 = tpu.memref_squeeze %dma_wait3A_2539 : memref<1x8x50x64xf32, #tpu.memory_space<vmem>> -> memref<8x50x64xf32, #tpu.memory_space<vmem>>
      %dma_wait3A_2541 = arith.constant 0 : i32
      %dma_wait3A_2542 = arith.constant 0 : i32
      %dma_wait3A_2543 = tpu.memref_slice %dma_wait3A_2540[%dma_wait3A_2509, %dma_wait3A_2541, %dma_wait3A_2542] : memref<8x50x64xf32, #tpu.memory_space<vmem>> -> memref<1x50x64xf32, #tpu.memory_space<vmem>>
      %dma_wait3A_2544 = tpu.memref_squeeze %dma_wait3A_2543 : memref<1x50x64xf32, #tpu.memory_space<vmem>> -> memref<50x64xf32, #tpu.memory_space<vmem>>
      tpu.wait_dma2 semaphore(%dma_wait3A_2528 : memref<!tpu.dma_semaphore, #tpu.memory_space<semaphore_mem>>) src(%dma_wait3A_2544 : memref<50x64xf32, #tpu.memory_space<vmem>>) dst(%dma_wait3A_2535 : memref<50x64xf32, #tpu.memory_space<hbm>>)
      %mul3A_2545 = arith.constant 8 : i32
      %mul3A_2546 = arith.muli %add3A_1932, %mul3A_2545 : i32
      %add3A_2547 = arith.addi %mul3A_2, %mul3A_2546 : i32
      %add3A_2548 = arith.constant 2 : i32
      %add3A_2549 = arith.addi %add3A_2547, %add3A_2548 : i32
      %dma_wait3A_2550 = arith.constant 0 : i32
      %dma_wait3A_2551 = arith.constant 2 : i32
      %dma_wait3A_2552 = arith.constant 0 : i32
      %dma_wait3A_2553 = arith.constant 0 : i32
      %dma_wait3A_2554 = arith.constant 0 : i32
      %dma_wait3A_2555 = arith.constant 0 : i32
      %dma_wait3A_2556 = tpu.memref_slice %arg6[%dma_wait3A_2550, %dma_wait3A_2553, %dma_wait3A_2554, %dma_wait3A_2555] : memref<2x8x50x64xf32, #tpu.memory_space<vmem>> -> memref<1x8x50x64xf32, #tpu.memory_space<vmem>>
      %dma_wait3A_2557 = tpu.memref_squeeze %dma_wait3A_2556 : memref<1x8x50x64xf32, #tpu.memory_space<vmem>> -> memref<8x50x64xf32, #tpu.memory_space<vmem>>
      %dma_wait3A_2558 = arith.constant 0 : i32
      %dma_wait3A_2559 = arith.constant 0 : i32
      %dma_wait3A_2560 = tpu.memref_slice %dma_wait3A_2557[%dma_wait3A_2551, %dma_wait3A_2558, %dma_wait3A_2559] : memref<8x50x64xf32, #tpu.memory_space<vmem>> -> memref<1x50x64xf32, #tpu.memory_space<vmem>>
      %dma_wait3A_2561 = tpu.memref_squeeze %dma_wait3A_2560 : memref<1x50x64xf32, #tpu.memory_space<vmem>> -> memref<50x64xf32, #tpu.memory_space<vmem>>
      %dma_wait3A_2562 = arith.constant 0 : i32
      %dma_wait3A_2563 = arith.constant 0 : i32
      %dma_wait3A_2564 = tpu.memref_slice %arg4[%add3A_2549, %dma_wait3A_2562, %dma_wait3A_2563] : memref<16384x56x128xf32, #tpu.memory_space<hbm>> -> memref<1x56x128xf32, #tpu.memory_space<hbm>>
      %dma_wait3A_2565 = tpu.memref_squeeze %dma_wait3A_2564 : memref<1x56x128xf32, #tpu.memory_space<hbm>> -> memref<56x128xf32, #tpu.memory_space<hbm>>
      %dma_wait3A_2566 = arith.constant 0 : i32
      %dma_wait3A_2567 = arith.constant 0 : i32
      %dma_wait3A_2568 = tpu.memref_slice %dma_wait3A_2565[%dma_wait3A_2566, %dma_wait3A_2567] : memref<56x128xf32, #tpu.memory_space<hbm>> -> memref<50x64xf32, #tpu.memory_space<hbm>>
      %dma_wait3A_2569 = tpu.memref_slice %arg8[%dma_wait3A_2552] : memref<2x!tpu.dma_semaphore, #tpu.memory_space<semaphore_mem>> -> memref<1x!tpu.dma_semaphore, #tpu.memory_space<semaphore_mem>>
      %dma_wait3A_2570 = tpu.memref_squeeze %dma_wait3A_2569 : memref<1x!tpu.dma_semaphore, #tpu.memory_space<semaphore_mem>> -> memref<!tpu.dma_semaphore, #tpu.memory_space<semaphore_mem>>
      %dma_wait3A_2571 = arith.constant 0 : i32
      %dma_wait3A_2572 = arith.constant 0 : i32
      %dma_wait3A_2573 = tpu.memref_slice %arg4[%add3A_2549, %dma_wait3A_2571, %dma_wait3A_2572] : memref<16384x56x128xf32, #tpu.memory_space<hbm>> -> memref<1x56x128xf32, #tpu.memory_space<hbm>>
      %dma_wait3A_2574 = tpu.memref_squeeze %dma_wait3A_2573 : memref<1x56x128xf32, #tpu.memory_space<hbm>> -> memref<56x128xf32, #tpu.memory_space<hbm>>
      %dma_wait3A_2575 = arith.constant 0 : i32
      %dma_wait3A_2576 = arith.constant 0 : i32
      %dma_wait3A_2577 = tpu.memref_slice %dma_wait3A_2574[%dma_wait3A_2575, %dma_wait3A_2576] : memref<56x128xf32, #tpu.memory_space<hbm>> -> memref<50x64xf32, #tpu.memory_space<hbm>>
      %dma_wait3A_2578 = arith.constant 0 : i32
      %dma_wait3A_2579 = arith.constant 0 : i32
      %dma_wait3A_2580 = arith.constant 0 : i32
      %dma_wait3A_2581 = tpu.memref_slice %arg6[%dma_wait3A_2550, %dma_wait3A_2578, %dma_wait3A_2579, %dma_wait3A_2580] : memref<2x8x50x64xf32, #tpu.memory_space<vmem>> -> memref<1x8x50x64xf32, #tpu.memory_space<vmem>>
      %dma_wait3A_2582 = tpu.memref_squeeze %dma_wait3A_2581 : memref<1x8x50x64xf32, #tpu.memory_space<vmem>> -> memref<8x50x64xf32, #tpu.memory_space<vmem>>
      %dma_wait3A_2583 = arith.constant 0 : i32
      %dma_wait3A_2584 = arith.constant 0 : i32
      %dma_wait3A_2585 = tpu.memref_slice %dma_wait3A_2582[%dma_wait3A_2551, %dma_wait3A_2583, %dma_wait3A_2584] : memref<8x50x64xf32, #tpu.memory_space<vmem>> -> memref<1x50x64xf32, #tpu.memory_space<vmem>>
      %dma_wait3A_2586 = tpu.memref_squeeze %dma_wait3A_2585 : memref<1x50x64xf32, #tpu.memory_space<vmem>> -> memref<50x64xf32, #tpu.memory_space<vmem>>
      tpu.wait_dma2 semaphore(%dma_wait3A_2570 : memref<!tpu.dma_semaphore, #tpu.memory_space<semaphore_mem>>) src(%dma_wait3A_2586 : memref<50x64xf32, #tpu.memory_space<vmem>>) dst(%dma_wait3A_2577 : memref<50x64xf32, #tpu.memory_space<hbm>>)
      %mul3A_2587 = arith.constant 8 : i32
      %mul3A_2588 = arith.muli %add3A_1932, %mul3A_2587 : i32
      %add3A_2589 = arith.addi %mul3A_2, %mul3A_2588 : i32
      %add3A_2590 = arith.constant 3 : i32
      %add3A_2591 = arith.addi %add3A_2589, %add3A_2590 : i32
      %dma_wait3A_2592 = arith.constant 0 : i32
      %dma_wait3A_2593 = arith.constant 3 : i32
      %dma_wait3A_2594 = arith.constant 0 : i32
      %dma_wait3A_2595 = arith.constant 0 : i32
      %dma_wait3A_2596 = arith.constant 0 : i32
      %dma_wait3A_2597 = arith.constant 0 : i32
      %dma_wait3A_2598 = tpu.memref_slice %arg6[%dma_wait3A_2592, %dma_wait3A_2595, %dma_wait3A_2596, %dma_wait3A_2597] : memref<2x8x50x64xf32, #tpu.memory_space<vmem>> -> memref<1x8x50x64xf32, #tpu.memory_space<vmem>>
      %dma_wait3A_2599 = tpu.memref_squeeze %dma_wait3A_2598 : memref<1x8x50x64xf32, #tpu.memory_space<vmem>> -> memref<8x50x64xf32, #tpu.memory_space<vmem>>
      %dma_wait3A_2600 = arith.constant 0 : i32
      %dma_wait3A_2601 = arith.constant 0 : i32
      %dma_wait3A_2602 = tpu.memref_slice %dma_wait3A_2599[%dma_wait3A_2593, %dma_wait3A_2600, %dma_wait3A_2601] : memref<8x50x64xf32, #tpu.memory_space<vmem>> -> memref<1x50x64xf32, #tpu.memory_space<vmem>>
      %dma_wait3A_2603 = tpu.memref_squeeze %dma_wait3A_2602 : memref<1x50x64xf32, #tpu.memory_space<vmem>> -> memref<50x64xf32, #tpu.memory_space<vmem>>
      %dma_wait3A_2604 = arith.constant 0 : i32
      %dma_wait3A_2605 = arith.constant 0 : i32
      %dma_wait3A_2606 = tpu.memref_slice %arg4[%add3A_2591, %dma_wait3A_2604, %dma_wait3A_2605] : memref<16384x56x128xf32, #tpu.memory_space<hbm>> -> memref<1x56x128xf32, #tpu.memory_space<hbm>>
      %dma_wait3A_2607 = tpu.memref_squeeze %dma_wait3A_2606 : memref<1x56x128xf32, #tpu.memory_space<hbm>> -> memref<56x128xf32, #tpu.memory_space<hbm>>
      %dma_wait3A_2608 = arith.constant 0 : i32
      %dma_wait3A_2609 = arith.constant 0 : i32
      %dma_wait3A_2610 = tpu.memref_slice %dma_wait3A_2607[%dma_wait3A_2608, %dma_wait3A_2609] : memref<56x128xf32, #tpu.memory_space<hbm>> -> memref<50x64xf32, #tpu.memory_space<hbm>>
      %dma_wait3A_2611 = tpu.memref_slice %arg8[%dma_wait3A_2594] : memref<2x!tpu.dma_semaphore, #tpu.memory_space<semaphore_mem>> -> memref<1x!tpu.dma_semaphore, #tpu.memory_space<semaphore_mem>>
      %dma_wait3A_2612 = tpu.memref_squeeze %dma_wait3A_2611 : memref<1x!tpu.dma_semaphore, #tpu.memory_space<semaphore_mem>> -> memref<!tpu.dma_semaphore, #tpu.memory_space<semaphore_mem>>
      %dma_wait3A_2613 = arith.constant 0 : i32
      %dma_wait3A_2614 = arith.constant 0 : i32
      %dma_wait3A_2615 = tpu.memref_slice %arg4[%add3A_2591, %dma_wait3A_2613, %dma_wait3A_2614] : memref<16384x56x128xf32, #tpu.memory_space<hbm>> -> memref<1x56x128xf32, #tpu.memory_space<hbm>>
      %dma_wait3A_2616 = tpu.memref_squeeze %dma_wait3A_2615 : memref<1x56x128xf32, #tpu.memory_space<hbm>> -> memref<56x128xf32, #tpu.memory_space<hbm>>
      %dma_wait3A_2617 = arith.constant 0 : i32
      %dma_wait3A_2618 = arith.constant 0 : i32
      %dma_wait3A_2619 = tpu.memref_slice %dma_wait3A_2616[%dma_wait3A_2617, %dma_wait3A_2618] : memref<56x128xf32, #tpu.memory_space<hbm>> -> memref<50x64xf32, #tpu.memory_space<hbm>>
      %dma_wait3A_2620 = arith.constant 0 : i32
      %dma_wait3A_2621 = arith.constant 0 : i32
      %dma_wait3A_2622 = arith.constant 0 : i32
      %dma_wait3A_2623 = tpu.memref_slice %arg6[%dma_wait3A_2592, %dma_wait3A_2620, %dma_wait3A_2621, %dma_wait3A_2622] : memref<2x8x50x64xf32, #tpu.memory_space<vmem>> -> memref<1x8x50x64xf32, #tpu.memory_space<vmem>>
      %dma_wait3A_2624 = tpu.memref_squeeze %dma_wait3A_2623 : memref<1x8x50x64xf32, #tpu.memory_space<vmem>> -> memref<8x50x64xf32, #tpu.memory_space<vmem>>
      %dma_wait3A_2625 = arith.constant 0 : i32
      %dma_wait3A_2626 = arith.constant 0 : i32
      %dma_wait3A_2627 = tpu.memref_slice %dma_wait3A_2624[%dma_wait3A_2593, %dma_wait3A_2625, %dma_wait3A_2626] : memref<8x50x64xf32, #tpu.memory_space<vmem>> -> memref<1x50x64xf32, #tpu.memory_space<vmem>>
      %dma_wait3A_2628 = tpu.memref_squeeze %dma_wait3A_2627 : memref<1x50x64xf32, #tpu.memory_space<vmem>> -> memref<50x64xf32, #tpu.memory_space<vmem>>
      tpu.wait_dma2 semaphore(%dma_wait3A_2612 : memref<!tpu.dma_semaphore, #tpu.memory_space<semaphore_mem>>) src(%dma_wait3A_2628 : memref<50x64xf32, #tpu.memory_space<vmem>>) dst(%dma_wait3A_2619 : memref<50x64xf32, #tpu.memory_space<hbm>>)
      %mul3A_2629 = arith.constant 8 : i32
      %mul3A_2630 = arith.muli %add3A_1932, %mul3A_2629 : i32
      %add3A_2631 = arith.addi %mul3A_2, %mul3A_2630 : i32
      %add3A_2632 = arith.constant 4 : i32
      %add3A_2633 = arith.addi %add3A_2631, %add3A_2632 : i32
      %dma_wait3A_2634 = arith.constant 0 : i32
      %dma_wait3A_2635 = arith.constant 4 : i32
      %dma_wait3A_2636 = arith.constant 0 : i32
      %dma_wait3A_2637 = arith.constant 0 : i32
      %dma_wait3A_2638 = arith.constant 0 : i32
      %dma_wait3A_2639 = arith.constant 0 : i32
      %dma_wait3A_2640 = tpu.memref_slice %arg6[%dma_wait3A_2634, %dma_wait3A_2637, %dma_wait3A_2638, %dma_wait3A_2639] : memref<2x8x50x64xf32, #tpu.memory_space<vmem>> -> memref<1x8x50x64xf32, #tpu.memory_space<vmem>>
      %dma_wait3A_2641 = tpu.memref_squeeze %dma_wait3A_2640 : memref<1x8x50x64xf32, #tpu.memory_space<vmem>> -> memref<8x50x64xf32, #tpu.memory_space<vmem>>
      %dma_wait3A_2642 = arith.constant 0 : i32
      %dma_wait3A_2643 = arith.constant 0 : i32
      %dma_wait3A_2644 = tpu.memref_slice %dma_wait3A_2641[%dma_wait3A_2635, %dma_wait3A_2642, %dma_wait3A_2643] : memref<8x50x64xf32, #tpu.memory_space<vmem>> -> memref<1x50x64xf32, #tpu.memory_space<vmem>>
      %dma_wait3A_2645 = tpu.memref_squeeze %dma_wait3A_2644 : memref<1x50x64xf32, #tpu.memory_space<vmem>> -> memref<50x64xf32, #tpu.memory_space<vmem>>
      %dma_wait3A_2646 = arith.constant 0 : i32
      %dma_wait3A_2647 = arith.constant 0 : i32
      %dma_wait3A_2648 = tpu.memref_slice %arg4[%add3A_2633, %dma_wait3A_2646, %dma_wait3A_2647] : memref<16384x56x128xf32, #tpu.memory_space<hbm>> -> memref<1x56x128xf32, #tpu.memory_space<hbm>>
      %dma_wait3A_2649 = tpu.memref_squeeze %dma_wait3A_2648 : memref<1x56x128xf32, #tpu.memory_space<hbm>> -> memref<56x128xf32, #tpu.memory_space<hbm>>
      %dma_wait3A_2650 = arith.constant 0 : i32
      %dma_wait3A_2651 = arith.constant 0 : i32
      %dma_wait3A_2652 = tpu.memref_slice %dma_wait3A_2649[%dma_wait3A_2650, %dma_wait3A_2651] : memref<56x128xf32, #tpu.memory_space<hbm>> -> memref<50x64xf32, #tpu.memory_space<hbm>>
      %dma_wait3A_2653 = tpu.memref_slice %arg8[%dma_wait3A_2636] : memref<2x!tpu.dma_semaphore, #tpu.memory_space<semaphore_mem>> -> memref<1x!tpu.dma_semaphore, #tpu.memory_space<semaphore_mem>>
      %dma_wait3A_2654 = tpu.memref_squeeze %dma_wait3A_2653 : memref<1x!tpu.dma_semaphore, #tpu.memory_space<semaphore_mem>> -> memref<!tpu.dma_semaphore, #tpu.memory_space<semaphore_mem>>
      %dma_wait3A_2655 = arith.constant 0 : i32
      %dma_wait3A_2656 = arith.constant 0 : i32
      %dma_wait3A_2657 = tpu.memref_slice %arg4[%add3A_2633, %dma_wait3A_2655, %dma_wait3A_2656] : memref<16384x56x128xf32, #tpu.memory_space<hbm>> -> memref<1x56x128xf32, #tpu.memory_space<hbm>>
      %dma_wait3A_2658 = tpu.memref_squeeze %dma_wait3A_2657 : memref<1x56x128xf32, #tpu.memory_space<hbm>> -> memref<56x128xf32, #tpu.memory_space<hbm>>
      %dma_wait3A_2659 = arith.constant 0 : i32
      %dma_wait3A_2660 = arith.constant 0 : i32
      %dma_wait3A_2661 = tpu.memref_slice %dma_wait3A_2658[%dma_wait3A_2659, %dma_wait3A_2660] : memref<56x128xf32, #tpu.memory_space<hbm>> -> memref<50x64xf32, #tpu.memory_space<hbm>>
      %dma_wait3A_2662 = arith.constant 0 : i32
      %dma_wait3A_2663 = arith.constant 0 : i32
      %dma_wait3A_2664 = arith.constant 0 : i32
      %dma_wait3A_2665 = tpu.memref_slice %arg6[%dma_wait3A_2634, %dma_wait3A_2662, %dma_wait3A_2663, %dma_wait3A_2664] : memref<2x8x50x64xf32, #tpu.memory_space<vmem>> -> memref<1x8x50x64xf32, #tpu.memory_space<vmem>>
      %dma_wait3A_2666 = tpu.memref_squeeze %dma_wait3A_2665 : memref<1x8x50x64xf32, #tpu.memory_space<vmem>> -> memref<8x50x64xf32, #tpu.memory_space<vmem>>
      %dma_wait3A_2667 = arith.constant 0 : i32
      %dma_wait3A_2668 = arith.constant 0 : i32
      %dma_wait3A_2669 = tpu.memref_slice %dma_wait3A_2666[%dma_wait3A_2635, %dma_wait3A_2667, %dma_wait3A_2668] : memref<8x50x64xf32, #tpu.memory_space<vmem>> -> memref<1x50x64xf32, #tpu.memory_space<vmem>>
      %dma_wait3A_2670 = tpu.memref_squeeze %dma_wait3A_2669 : memref<1x50x64xf32, #tpu.memory_space<vmem>> -> memref<50x64xf32, #tpu.memory_space<vmem>>
      tpu.wait_dma2 semaphore(%dma_wait3A_2654 : memref<!tpu.dma_semaphore, #tpu.memory_space<semaphore_mem>>) src(%dma_wait3A_2670 : memref<50x64xf32, #tpu.memory_space<vmem>>) dst(%dma_wait3A_2661 : memref<50x64xf32, #tpu.memory_space<hbm>>)
      %mul3A_2671 = arith.constant 8 : i32
      %mul3A_2672 = arith.muli %add3A_1932, %mul3A_2671 : i32
      %add3A_2673 = arith.addi %mul3A_2, %mul3A_2672 : i32
      %add3A_2674 = arith.constant 5 : i32
      %add3A_2675 = arith.addi %add3A_2673, %add3A_2674 : i32
      %dma_wait3A_2676 = arith.constant 0 : i32
      %dma_wait3A_2677 = arith.constant 5 : i32
      %dma_wait3A_2678 = arith.constant 0 : i32
      %dma_wait3A_2679 = arith.constant 0 : i32
      %dma_wait3A_2680 = arith.constant 0 : i32
      %dma_wait3A_2681 = arith.constant 0 : i32
      %dma_wait3A_2682 = tpu.memref_slice %arg6[%dma_wait3A_2676, %dma_wait3A_2679, %dma_wait3A_2680, %dma_wait3A_2681] : memref<2x8x50x64xf32, #tpu.memory_space<vmem>> -> memref<1x8x50x64xf32, #tpu.memory_space<vmem>>
      %dma_wait3A_2683 = tpu.memref_squeeze %dma_wait3A_2682 : memref<1x8x50x64xf32, #tpu.memory_space<vmem>> -> memref<8x50x64xf32, #tpu.memory_space<vmem>>
      %dma_wait3A_2684 = arith.constant 0 : i32
      %dma_wait3A_2685 = arith.constant 0 : i32
      %dma_wait3A_2686 = tpu.memref_slice %dma_wait3A_2683[%dma_wait3A_2677, %dma_wait3A_2684, %dma_wait3A_2685] : memref<8x50x64xf32, #tpu.memory_space<vmem>> -> memref<1x50x64xf32, #tpu.memory_space<vmem>>
      %dma_wait3A_2687 = tpu.memref_squeeze %dma_wait3A_2686 : memref<1x50x64xf32, #tpu.memory_space<vmem>> -> memref<50x64xf32, #tpu.memory_space<vmem>>
      %dma_wait3A_2688 = arith.constant 0 : i32
      %dma_wait3A_2689 = arith.constant 0 : i32
      %dma_wait3A_2690 = tpu.memref_slice %arg4[%add3A_2675, %dma_wait3A_2688, %dma_wait3A_2689] : memref<16384x56x128xf32, #tpu.memory_space<hbm>> -> memref<1x56x128xf32, #tpu.memory_space<hbm>>
      %dma_wait3A_2691 = tpu.memref_squeeze %dma_wait3A_2690 : memref<1x56x128xf32, #tpu.memory_space<hbm>> -> memref<56x128xf32, #tpu.memory_space<hbm>>
      %dma_wait3A_2692 = arith.constant 0 : i32
      %dma_wait3A_2693 = arith.constant 0 : i32
      %dma_wait3A_2694 = tpu.memref_slice %dma_wait3A_2691[%dma_wait3A_2692, %dma_wait3A_2693] : memref<56x128xf32, #tpu.memory_space<hbm>> -> memref<50x64xf32, #tpu.memory_space<hbm>>
      %dma_wait3A_2695 = tpu.memref_slice %arg8[%dma_wait3A_2678] : memref<2x!tpu.dma_semaphore, #tpu.memory_space<semaphore_mem>> -> memref<1x!tpu.dma_semaphore, #tpu.memory_space<semaphore_mem>>
      %dma_wait3A_2696 = tpu.memref_squeeze %dma_wait3A_2695 : memref<1x!tpu.dma_semaphore, #tpu.memory_space<semaphore_mem>> -> memref<!tpu.dma_semaphore, #tpu.memory_space<semaphore_mem>>
      %dma_wait3A_2697 = arith.constant 0 : i32
      %dma_wait3A_2698 = arith.constant 0 : i32
      %dma_wait3A_2699 = tpu.memref_slice %arg4[%add3A_2675, %dma_wait3A_2697, %dma_wait3A_2698] : memref<16384x56x128xf32, #tpu.memory_space<hbm>> -> memref<1x56x128xf32, #tpu.memory_space<hbm>>
      %dma_wait3A_2700 = tpu.memref_squeeze %dma_wait3A_2699 : memref<1x56x128xf32, #tpu.memory_space<hbm>> -> memref<56x128xf32, #tpu.memory_space<hbm>>
      %dma_wait3A_2701 = arith.constant 0 : i32
      %dma_wait3A_2702 = arith.constant 0 : i32
      %dma_wait3A_2703 = tpu.memref_slice %dma_wait3A_2700[%dma_wait3A_2701, %dma_wait3A_2702] : memref<56x128xf32, #tpu.memory_space<hbm>> -> memref<50x64xf32, #tpu.memory_space<hbm>>
      %dma_wait3A_2704 = arith.constant 0 : i32
      %dma_wait3A_2705 = arith.constant 0 : i32
      %dma_wait3A_2706 = arith.constant 0 : i32
      %dma_wait3A_2707 = tpu.memref_slice %arg6[%dma_wait3A_2676, %dma_wait3A_2704, %dma_wait3A_2705, %dma_wait3A_2706] : memref<2x8x50x64xf32, #tpu.memory_space<vmem>> -> memref<1x8x50x64xf32, #tpu.memory_space<vmem>>
      %dma_wait3A_2708 = tpu.memref_squeeze %dma_wait3A_2707 : memref<1x8x50x64xf32, #tpu.memory_space<vmem>> -> memref<8x50x64xf32, #tpu.memory_space<vmem>>
      %dma_wait3A_2709 = arith.constant 0 : i32
      %dma_wait3A_2710 = arith.constant 0 : i32
      %dma_wait3A_2711 = tpu.memref_slice %dma_wait3A_2708[%dma_wait3A_2677, %dma_wait3A_2709, %dma_wait3A_2710] : memref<8x50x64xf32, #tpu.memory_space<vmem>> -> memref<1x50x64xf32, #tpu.memory_space<vmem>>
      %dma_wait3A_2712 = tpu.memref_squeeze %dma_wait3A_2711 : memref<1x50x64xf32, #tpu.memory_space<vmem>> -> memref<50x64xf32, #tpu.memory_space<vmem>>
      tpu.wait_dma2 semaphore(%dma_wait3A_2696 : memref<!tpu.dma_semaphore, #tpu.memory_space<semaphore_mem>>) src(%dma_wait3A_2712 : memref<50x64xf32, #tpu.memory_space<vmem>>) dst(%dma_wait3A_2703 : memref<50x64xf32, #tpu.memory_space<hbm>>)
      %mul3A_2713 = arith.constant 8 : i32
      %mul3A_2714 = arith.muli %add3A_1932, %mul3A_2713 : i32
      %add3A_2715 = arith.addi %mul3A_2, %mul3A_2714 : i32
      %add3A_2716 = arith.constant 6 : i32
      %add3A_2717 = arith.addi %add3A_2715, %add3A_2716 : i32
      %dma_wait3A_2718 = arith.constant 0 : i32
      %dma_wait3A_2719 = arith.constant 6 : i32
      %dma_wait3A_2720 = arith.constant 0 : i32
      %dma_wait3A_2721 = arith.constant 0 : i32
      %dma_wait3A_2722 = arith.constant 0 : i32
      %dma_wait3A_2723 = arith.constant 0 : i32
      %dma_wait3A_2724 = tpu.memref_slice %arg6[%dma_wait3A_2718, %dma_wait3A_2721, %dma_wait3A_2722, %dma_wait3A_2723] : memref<2x8x50x64xf32, #tpu.memory_space<vmem>> -> memref<1x8x50x64xf32, #tpu.memory_space<vmem>>
      %dma_wait3A_2725 = tpu.memref_squeeze %dma_wait3A_2724 : memref<1x8x50x64xf32, #tpu.memory_space<vmem>> -> memref<8x50x64xf32, #tpu.memory_space<vmem>>
      %dma_wait3A_2726 = arith.constant 0 : i32
      %dma_wait3A_2727 = arith.constant 0 : i32
      %dma_wait3A_2728 = tpu.memref_slice %dma_wait3A_2725[%dma_wait3A_2719, %dma_wait3A_2726, %dma_wait3A_2727] : memref<8x50x64xf32, #tpu.memory_space<vmem>> -> memref<1x50x64xf32, #tpu.memory_space<vmem>>
      %dma_wait3A_2729 = tpu.memref_squeeze %dma_wait3A_2728 : memref<1x50x64xf32, #tpu.memory_space<vmem>> -> memref<50x64xf32, #tpu.memory_space<vmem>>
      %dma_wait3A_2730 = arith.constant 0 : i32
      %dma_wait3A_2731 = arith.constant 0 : i32
      %dma_wait3A_2732 = tpu.memref_slice %arg4[%add3A_2717, %dma_wait3A_2730, %dma_wait3A_2731] : memref<16384x56x128xf32, #tpu.memory_space<hbm>> -> memref<1x56x128xf32, #tpu.memory_space<hbm>>
      %dma_wait3A_2733 = tpu.memref_squeeze %dma_wait3A_2732 : memref<1x56x128xf32, #tpu.memory_space<hbm>> -> memref<56x128xf32, #tpu.memory_space<hbm>>
      %dma_wait3A_2734 = arith.constant 0 : i32
      %dma_wait3A_2735 = arith.constant 0 : i32
      %dma_wait3A_2736 = tpu.memref_slice %dma_wait3A_2733[%dma_wait3A_2734, %dma_wait3A_2735] : memref<56x128xf32, #tpu.memory_space<hbm>> -> memref<50x64xf32, #tpu.memory_space<hbm>>
      %dma_wait3A_2737 = tpu.memref_slice %arg8[%dma_wait3A_2720] : memref<2x!tpu.dma_semaphore, #tpu.memory_space<semaphore_mem>> -> memref<1x!tpu.dma_semaphore, #tpu.memory_space<semaphore_mem>>
      %dma_wait3A_2738 = tpu.memref_squeeze %dma_wait3A_2737 : memref<1x!tpu.dma_semaphore, #tpu.memory_space<semaphore_mem>> -> memref<!tpu.dma_semaphore, #tpu.memory_space<semaphore_mem>>
      %dma_wait3A_2739 = arith.constant 0 : i32
      %dma_wait3A_2740 = arith.constant 0 : i32
      %dma_wait3A_2741 = tpu.memref_slice %arg4[%add3A_2717, %dma_wait3A_2739, %dma_wait3A_2740] : memref<16384x56x128xf32, #tpu.memory_space<hbm>> -> memref<1x56x128xf32, #tpu.memory_space<hbm>>
      %dma_wait3A_2742 = tpu.memref_squeeze %dma_wait3A_2741 : memref<1x56x128xf32, #tpu.memory_space<hbm>> -> memref<56x128xf32, #tpu.memory_space<hbm>>
      %dma_wait3A_2743 = arith.constant 0 : i32
      %dma_wait3A_2744 = arith.constant 0 : i32
      %dma_wait3A_2745 = tpu.memref_slice %dma_wait3A_2742[%dma_wait3A_2743, %dma_wait3A_2744] : memref<56x128xf32, #tpu.memory_space<hbm>> -> memref<50x64xf32, #tpu.memory_space<hbm>>
      %dma_wait3A_2746 = arith.constant 0 : i32
      %dma_wait3A_2747 = arith.constant 0 : i32
      %dma_wait3A_2748 = arith.constant 0 : i32
      %dma_wait3A_2749 = tpu.memref_slice %arg6[%dma_wait3A_2718, %dma_wait3A_2746, %dma_wait3A_2747, %dma_wait3A_2748] : memref<2x8x50x64xf32, #tpu.memory_space<vmem>> -> memref<1x8x50x64xf32, #tpu.memory_space<vmem>>
      %dma_wait3A_2750 = tpu.memref_squeeze %dma_wait3A_2749 : memref<1x8x50x64xf32, #tpu.memory_space<vmem>> -> memref<8x50x64xf32, #tpu.memory_space<vmem>>
      %dma_wait3A_2751 = arith.constant 0 : i32
      %dma_wait3A_2752 = arith.constant 0 : i32
      %dma_wait3A_2753 = tpu.memref_slice %dma_wait3A_2750[%dma_wait3A_2719, %dma_wait3A_2751, %dma_wait3A_2752] : memref<8x50x64xf32, #tpu.memory_space<vmem>> -> memref<1x50x64xf32, #tpu.memory_space<vmem>>
      %dma_wait3A_2754 = tpu.memref_squeeze %dma_wait3A_2753 : memref<1x50x64xf32, #tpu.memory_space<vmem>> -> memref<50x64xf32, #tpu.memory_space<vmem>>
      tpu.wait_dma2 semaphore(%dma_wait3A_2738 : memref<!tpu.dma_semaphore, #tpu.memory_space<semaphore_mem>>) src(%dma_wait3A_2754 : memref<50x64xf32, #tpu.memory_space<vmem>>) dst(%dma_wait3A_2745 : memref<50x64xf32, #tpu.memory_space<hbm>>)
      %mul3A_2755 = arith.constant 8 : i32
      %mul3A_2756 = arith.muli %add3A_1932, %mul3A_2755 : i32
      %add3A_2757 = arith.addi %mul3A_2, %mul3A_2756 : i32
      %add3A_2758 = arith.constant 7 : i32
      %add3A_2759 = arith.addi %add3A_2757, %add3A_2758 : i32
      %dma_wait3A_2760 = arith.constant 0 : i32
      %dma_wait3A_2761 = arith.constant 7 : i32
      %dma_wait3A_2762 = arith.constant 0 : i32
      %dma_wait3A_2763 = arith.constant 0 : i32
      %dma_wait3A_2764 = arith.constant 0 : i32
      %dma_wait3A_2765 = arith.constant 0 : i32
      %dma_wait3A_2766 = tpu.memref_slice %arg6[%dma_wait3A_2760, %dma_wait3A_2763, %dma_wait3A_2764, %dma_wait3A_2765] : memref<2x8x50x64xf32, #tpu.memory_space<vmem>> -> memref<1x8x50x64xf32, #tpu.memory_space<vmem>>
      %dma_wait3A_2767 = tpu.memref_squeeze %dma_wait3A_2766 : memref<1x8x50x64xf32, #tpu.memory_space<vmem>> -> memref<8x50x64xf32, #tpu.memory_space<vmem>>
      %dma_wait3A_2768 = arith.constant 0 : i32
      %dma_wait3A_2769 = arith.constant 0 : i32
      %dma_wait3A_2770 = tpu.memref_slice %dma_wait3A_2767[%dma_wait3A_2761, %dma_wait3A_2768, %dma_wait3A_2769] : memref<8x50x64xf32, #tpu.memory_space<vmem>> -> memref<1x50x64xf32, #tpu.memory_space<vmem>>
      %dma_wait3A_2771 = tpu.memref_squeeze %dma_wait3A_2770 : memref<1x50x64xf32, #tpu.memory_space<vmem>> -> memref<50x64xf32, #tpu.memory_space<vmem>>
      %dma_wait3A_2772 = arith.constant 0 : i32
      %dma_wait3A_2773 = arith.constant 0 : i32
      %dma_wait3A_2774 = tpu.memref_slice %arg4[%add3A_2759, %dma_wait3A_2772, %dma_wait3A_2773] : memref<16384x56x128xf32, #tpu.memory_space<hbm>> -> memref<1x56x128xf32, #tpu.memory_space<hbm>>
      %dma_wait3A_2775 = tpu.memref_squeeze %dma_wait3A_2774 : memref<1x56x128xf32, #tpu.memory_space<hbm>> -> memref<56x128xf32, #tpu.memory_space<hbm>>
      %dma_wait3A_2776 = arith.constant 0 : i32
      %dma_wait3A_2777 = arith.constant 0 : i32
      %dma_wait3A_2778 = tpu.memref_slice %dma_wait3A_2775[%dma_wait3A_2776, %dma_wait3A_2777] : memref<56x128xf32, #tpu.memory_space<hbm>> -> memref<50x64xf32, #tpu.memory_space<hbm>>
      %dma_wait3A_2779 = tpu.memref_slice %arg8[%dma_wait3A_2762] : memref<2x!tpu.dma_semaphore, #tpu.memory_space<semaphore_mem>> -> memref<1x!tpu.dma_semaphore, #tpu.memory_space<semaphore_mem>>
      %dma_wait3A_2780 = tpu.memref_squeeze %dma_wait3A_2779 : memref<1x!tpu.dma_semaphore, #tpu.memory_space<semaphore_mem>> -> memref<!tpu.dma_semaphore, #tpu.memory_space<semaphore_mem>>
      %dma_wait3A_2781 = arith.constant 0 : i32
      %dma_wait3A_2782 = arith.constant 0 : i32
      %dma_wait3A_2783 = tpu.memref_slice %arg4[%add3A_2759, %dma_wait3A_2781, %dma_wait3A_2782] : memref<16384x56x128xf32, #tpu.memory_space<hbm>> -> memref<1x56x128xf32, #tpu.memory_space<hbm>>
      %dma_wait3A_2784 = tpu.memref_squeeze %dma_wait3A_2783 : memref<1x56x128xf32, #tpu.memory_space<hbm>> -> memref<56x128xf32, #tpu.memory_space<hbm>>
      %dma_wait3A_2785 = arith.constant 0 : i32
      %dma_wait3A_2786 = arith.constant 0 : i32
      %dma_wait3A_2787 = tpu.memref_slice %dma_wait3A_2784[%dma_wait3A_2785, %dma_wait3A_2786] : memref<56x128xf32, #tpu.memory_space<hbm>> -> memref<50x64xf32, #tpu.memory_space<hbm>>
      %dma_wait3A_2788 = arith.constant 0 : i32
      %dma_wait3A_2789 = arith.constant 0 : i32
      %dma_wait3A_2790 = arith.constant 0 : i32
      %dma_wait3A_2791 = tpu.memref_slice %arg6[%dma_wait3A_2760, %dma_wait3A_2788, %dma_wait3A_2789, %dma_wait3A_2790] : memref<2x8x50x64xf32, #tpu.memory_space<vmem>> -> memref<1x8x50x64xf32, #tpu.memory_space<vmem>>
      %dma_wait3A_2792 = tpu.memref_squeeze %dma_wait3A_2791 : memref<1x8x50x64xf32, #tpu.memory_space<vmem>> -> memref<8x50x64xf32, #tpu.memory_space<vmem>>
      %dma_wait3A_2793 = arith.constant 0 : i32
      %dma_wait3A_2794 = arith.constant 0 : i32
      %dma_wait3A_2795 = tpu.memref_slice %dma_wait3A_2792[%dma_wait3A_2761, %dma_wait3A_2793, %dma_wait3A_2794] : memref<8x50x64xf32, #tpu.memory_space<vmem>> -> memref<1x50x64xf32, #tpu.memory_space<vmem>>
      %dma_wait3A_2796 = tpu.memref_squeeze %dma_wait3A_2795 : memref<1x50x64xf32, #tpu.memory_space<vmem>> -> memref<50x64xf32, #tpu.memory_space<vmem>>
      tpu.wait_dma2 semaphore(%dma_wait3A_2780 : memref<!tpu.dma_semaphore, #tpu.memory_space<semaphore_mem>>) src(%dma_wait3A_2796 : memref<50x64xf32, #tpu.memory_space<vmem>>) dst(%dma_wait3A_2787 : memref<50x64xf32, #tpu.memory_space<hbm>>)
      %add3A_2797 = arith.constant 2 : i32
      %add3A_2798 = arith.addi %add3A_1932, %add3A_2797 : i32
      %mul3A_2799 = arith.constant 8 : i32
      %mul3A_2800 = arith.muli %add3A_2798, %mul3A_2799 : i32
      %add3A_2801 = arith.constant 0 : i32
      %add3A_2802 = arith.addi %mul3A_2800, %add3A_2801 : i32
      %mul3A_2803 = arith.constant 56 : i32
      %mul3A_2804 = arith.muli %add3A_2802, %mul3A_2803 : i32
      %dma_start3A_2805 = arith.constant 0 : i32
      %dma_start3A_2806 = arith.constant 0 : i32
      %dma_start3A_2807 = arith.constant 0 : i32
      %dma_start3A_2808 = arith.constant 0 : i32
      %dma_start3A_2809 = arith.constant 0 : i32
      %dma_start3A_2810 = arith.constant 0 : i32
      %dma_start3A_2811 = tpu.memref_slice %arg6[%dma_start3A_2805, %dma_start3A_2808, %dma_start3A_2809, %dma_start3A_2810] : memref<2x8x50x64xf32, #tpu.memory_space<vmem>> -> memref<1x8x50x64xf32, #tpu.memory_space<vmem>>
      %dma_start3A_2812 = tpu.memref_squeeze %dma_start3A_2811 : memref<1x8x50x64xf32, #tpu.memory_space<vmem>> -> memref<8x50x64xf32, #tpu.memory_space<vmem>>
      %dma_start3A_2813 = arith.constant 0 : i32
      %dma_start3A_2814 = arith.constant 0 : i32
      %dma_start3A_2815 = tpu.memref_slice %dma_start3A_2812[%dma_start3A_2806, %dma_start3A_2813, %dma_start3A_2814] : memref<8x50x64xf32, #tpu.memory_space<vmem>> -> memref<1x50x64xf32, #tpu.memory_space<vmem>>
      %dma_start3A_2816 = tpu.memref_squeeze %dma_start3A_2815 : memref<1x50x64xf32, #tpu.memory_space<vmem>> -> memref<50x64xf32, #tpu.memory_space<vmem>>
      %dma_start3A_2817 = tpu.memref_slice %arg5[%mul3A_2804] : memref<28672xi32, #tpu.memory_space<vmem>> -> memref<50xi32, #tpu.memory_space<vmem>>
      %dma_start3A_2818 = arith.constant 0 : i32
      %dma_start3A_2819 = arith.constant 0 : i32
      %dma_start3A_2820 = tpu.memref_slice %arg3[%dma_start3A_2818, %dma_start3A_2819] : memref<1000000x64xf32, #tpu.memory_space<hbm>> -> memref<1000000x64xf32, #tpu.memory_space<hbm>>
      %dma_start3A_2821 = tpu.memref_slice %arg7[%dma_start3A_2807] : memref<2x!tpu.dma_semaphore, #tpu.memory_space<semaphore_mem>> -> memref<1x!tpu.dma_semaphore, #tpu.memory_space<semaphore_mem>>
      %dma_start3A_2822 = tpu.memref_squeeze %dma_start3A_2821 : memref<1x!tpu.dma_semaphore, #tpu.memory_space<semaphore_mem>> -> memref<!tpu.dma_semaphore, #tpu.memory_space<semaphore_mem>>
      tpu.enqueue_indirect_dma source(%dma_start3A_2820 : memref<1000000x64xf32, #tpu.memory_space<hbm>>) target(%dma_start3A_2816 : memref<50x64xf32, #tpu.memory_space<vmem>>) offsets(%dma_start3A_2817 : memref<50xi32, #tpu.memory_space<vmem>>) semaphore(%dma_start3A_2822 : memref<!tpu.dma_semaphore, #tpu.memory_space<semaphore_mem>>)
      %mul3A_2823 = arith.constant 8 : i32
      %mul3A_2824 = arith.muli %add3A_2798, %mul3A_2823 : i32
      %add3A_2825 = arith.constant 1 : i32
      %add3A_2826 = arith.addi %mul3A_2824, %add3A_2825 : i32
      %mul3A_2827 = arith.constant 56 : i32
      %mul3A_2828 = arith.muli %add3A_2826, %mul3A_2827 : i32
      %dma_start3A_2829 = arith.constant 0 : i32
      %dma_start3A_2830 = arith.constant 1 : i32
      %dma_start3A_2831 = arith.constant 0 : i32
      %dma_start3A_2832 = arith.constant 0 : i32
      %dma_start3A_2833 = arith.constant 0 : i32
      %dma_start3A_2834 = arith.constant 0 : i32
      %dma_start3A_2835 = tpu.memref_slice %arg6[%dma_start3A_2829, %dma_start3A_2832, %dma_start3A_2833, %dma_start3A_2834] : memref<2x8x50x64xf32, #tpu.memory_space<vmem>> -> memref<1x8x50x64xf32, #tpu.memory_space<vmem>>
      %dma_start3A_2836 = tpu.memref_squeeze %dma_start3A_2835 : memref<1x8x50x64xf32, #tpu.memory_space<vmem>> -> memref<8x50x64xf32, #tpu.memory_space<vmem>>
      %dma_start3A_2837 = arith.constant 0 : i32
      %dma_start3A_2838 = arith.constant 0 : i32
      %dma_start3A_2839 = tpu.memref_slice %dma_start3A_2836[%dma_start3A_2830, %dma_start3A_2837, %dma_start3A_2838] : memref<8x50x64xf32, #tpu.memory_space<vmem>> -> memref<1x50x64xf32, #tpu.memory_space<vmem>>
      %dma_start3A_2840 = tpu.memref_squeeze %dma_start3A_2839 : memref<1x50x64xf32, #tpu.memory_space<vmem>> -> memref<50x64xf32, #tpu.memory_space<vmem>>
      %dma_start3A_2841 = tpu.memref_slice %arg5[%mul3A_2828] : memref<28672xi32, #tpu.memory_space<vmem>> -> memref<50xi32, #tpu.memory_space<vmem>>
      %dma_start3A_2842 = arith.constant 0 : i32
      %dma_start3A_2843 = arith.constant 0 : i32
      %dma_start3A_2844 = tpu.memref_slice %arg3[%dma_start3A_2842, %dma_start3A_2843] : memref<1000000x64xf32, #tpu.memory_space<hbm>> -> memref<1000000x64xf32, #tpu.memory_space<hbm>>
      %dma_start3A_2845 = tpu.memref_slice %arg7[%dma_start3A_2831] : memref<2x!tpu.dma_semaphore, #tpu.memory_space<semaphore_mem>> -> memref<1x!tpu.dma_semaphore, #tpu.memory_space<semaphore_mem>>
      %dma_start3A_2846 = tpu.memref_squeeze %dma_start3A_2845 : memref<1x!tpu.dma_semaphore, #tpu.memory_space<semaphore_mem>> -> memref<!tpu.dma_semaphore, #tpu.memory_space<semaphore_mem>>
      tpu.enqueue_indirect_dma source(%dma_start3A_2844 : memref<1000000x64xf32, #tpu.memory_space<hbm>>) target(%dma_start3A_2840 : memref<50x64xf32, #tpu.memory_space<vmem>>) offsets(%dma_start3A_2841 : memref<50xi32, #tpu.memory_space<vmem>>) semaphore(%dma_start3A_2846 : memref<!tpu.dma_semaphore, #tpu.memory_space<semaphore_mem>>)
      %mul3A_2847 = arith.constant 8 : i32
      %mul3A_2848 = arith.muli %add3A_2798, %mul3A_2847 : i32
      %add3A_2849 = arith.constant 2 : i32
      %add3A_2850 = arith.addi %mul3A_2848, %add3A_2849 : i32
      %mul3A_2851 = arith.constant 56 : i32
      %mul3A_2852 = arith.muli %add3A_2850, %mul3A_2851 : i32
      %dma_start3A_2853 = arith.constant 0 : i32
      %dma_start3A_2854 = arith.constant 2 : i32
      %dma_start3A_2855 = arith.constant 0 : i32
      %dma_start3A_2856 = arith.constant 0 : i32
      %dma_start3A_2857 = arith.constant 0 : i32
      %dma_start3A_2858 = arith.constant 0 : i32
      %dma_start3A_2859 = tpu.memref_slice %arg6[%dma_start3A_2853, %dma_start3A_2856, %dma_start3A_2857, %dma_start3A_2858] : memref<2x8x50x64xf32, #tpu.memory_space<vmem>> -> memref<1x8x50x64xf32, #tpu.memory_space<vmem>>
      %dma_start3A_2860 = tpu.memref_squeeze %dma_start3A_2859 : memref<1x8x50x64xf32, #tpu.memory_space<vmem>> -> memref<8x50x64xf32, #tpu.memory_space<vmem>>
      %dma_start3A_2861 = arith.constant 0 : i32
      %dma_start3A_2862 = arith.constant 0 : i32
      %dma_start3A_2863 = tpu.memref_slice %dma_start3A_2860[%dma_start3A_2854, %dma_start3A_2861, %dma_start3A_2862] : memref<8x50x64xf32, #tpu.memory_space<vmem>> -> memref<1x50x64xf32, #tpu.memory_space<vmem>>
      %dma_start3A_2864 = tpu.memref_squeeze %dma_start3A_2863 : memref<1x50x64xf32, #tpu.memory_space<vmem>> -> memref<50x64xf32, #tpu.memory_space<vmem>>
      %dma_start3A_2865 = tpu.memref_slice %arg5[%mul3A_2852] : memref<28672xi32, #tpu.memory_space<vmem>> -> memref<50xi32, #tpu.memory_space<vmem>>
      %dma_start3A_2866 = arith.constant 0 : i32
      %dma_start3A_2867 = arith.constant 0 : i32
      %dma_start3A_2868 = tpu.memref_slice %arg3[%dma_start3A_2866, %dma_start3A_2867] : memref<1000000x64xf32, #tpu.memory_space<hbm>> -> memref<1000000x64xf32, #tpu.memory_space<hbm>>
      %dma_start3A_2869 = tpu.memref_slice %arg7[%dma_start3A_2855] : memref<2x!tpu.dma_semaphore, #tpu.memory_space<semaphore_mem>> -> memref<1x!tpu.dma_semaphore, #tpu.memory_space<semaphore_mem>>
      %dma_start3A_2870 = tpu.memref_squeeze %dma_start3A_2869 : memref<1x!tpu.dma_semaphore, #tpu.memory_space<semaphore_mem>> -> memref<!tpu.dma_semaphore, #tpu.memory_space<semaphore_mem>>
      tpu.enqueue_indirect_dma source(%dma_start3A_2868 : memref<1000000x64xf32, #tpu.memory_space<hbm>>) target(%dma_start3A_2864 : memref<50x64xf32, #tpu.memory_space<vmem>>) offsets(%dma_start3A_2865 : memref<50xi32, #tpu.memory_space<vmem>>) semaphore(%dma_start3A_2870 : memref<!tpu.dma_semaphore, #tpu.memory_space<semaphore_mem>>)
      %mul3A_2871 = arith.constant 8 : i32
      %mul3A_2872 = arith.muli %add3A_2798, %mul3A_2871 : i32
      %add3A_2873 = arith.constant 3 : i32
      %add3A_2874 = arith.addi %mul3A_2872, %add3A_2873 : i32
      %mul3A_2875 = arith.constant 56 : i32
      %mul3A_2876 = arith.muli %add3A_2874, %mul3A_2875 : i32
      %dma_start3A_2877 = arith.constant 0 : i32
      %dma_start3A_2878 = arith.constant 3 : i32
      %dma_start3A_2879 = arith.constant 0 : i32
      %dma_start3A_2880 = arith.constant 0 : i32
      %dma_start3A_2881 = arith.constant 0 : i32
      %dma_start3A_2882 = arith.constant 0 : i32
      %dma_start3A_2883 = tpu.memref_slice %arg6[%dma_start3A_2877, %dma_start3A_2880, %dma_start3A_2881, %dma_start3A_2882] : memref<2x8x50x64xf32, #tpu.memory_space<vmem>> -> memref<1x8x50x64xf32, #tpu.memory_space<vmem>>
      %dma_start3A_2884 = tpu.memref_squeeze %dma_start3A_2883 : memref<1x8x50x64xf32, #tpu.memory_space<vmem>> -> memref<8x50x64xf32, #tpu.memory_space<vmem>>
      %dma_start3A_2885 = arith.constant 0 : i32
      %dma_start3A_2886 = arith.constant 0 : i32
      %dma_start3A_2887 = tpu.memref_slice %dma_start3A_2884[%dma_start3A_2878, %dma_start3A_2885, %dma_start3A_2886] : memref<8x50x64xf32, #tpu.memory_space<vmem>> -> memref<1x50x64xf32, #tpu.memory_space<vmem>>
      %dma_start3A_2888 = tpu.memref_squeeze %dma_start3A_2887 : memref<1x50x64xf32, #tpu.memory_space<vmem>> -> memref<50x64xf32, #tpu.memory_space<vmem>>
      %dma_start3A_2889 = tpu.memref_slice %arg5[%mul3A_2876] : memref<28672xi32, #tpu.memory_space<vmem>> -> memref<50xi32, #tpu.memory_space<vmem>>
      %dma_start3A_2890 = arith.constant 0 : i32
      %dma_start3A_2891 = arith.constant 0 : i32
      %dma_start3A_2892 = tpu.memref_slice %arg3[%dma_start3A_2890, %dma_start3A_2891] : memref<1000000x64xf32, #tpu.memory_space<hbm>> -> memref<1000000x64xf32, #tpu.memory_space<hbm>>
      %dma_start3A_2893 = tpu.memref_slice %arg7[%dma_start3A_2879] : memref<2x!tpu.dma_semaphore, #tpu.memory_space<semaphore_mem>> -> memref<1x!tpu.dma_semaphore, #tpu.memory_space<semaphore_mem>>
      %dma_start3A_2894 = tpu.memref_squeeze %dma_start3A_2893 : memref<1x!tpu.dma_semaphore, #tpu.memory_space<semaphore_mem>> -> memref<!tpu.dma_semaphore, #tpu.memory_space<semaphore_mem>>
      tpu.enqueue_indirect_dma source(%dma_start3A_2892 : memref<1000000x64xf32, #tpu.memory_space<hbm>>) target(%dma_start3A_2888 : memref<50x64xf32, #tpu.memory_space<vmem>>) offsets(%dma_start3A_2889 : memref<50xi32, #tpu.memory_space<vmem>>) semaphore(%dma_start3A_2894 : memref<!tpu.dma_semaphore, #tpu.memory_space<semaphore_mem>>)
      %mul3A_2895 = arith.constant 8 : i32
      %mul3A_2896 = arith.muli %add3A_2798, %mul3A_2895 : i32
      %add3A_2897 = arith.constant 4 : i32
      %add3A_2898 = arith.addi %mul3A_2896, %add3A_2897 : i32
      %mul3A_2899 = arith.constant 56 : i32
      %mul3A_2900 = arith.muli %add3A_2898, %mul3A_2899 : i32
      %dma_start3A_2901 = arith.constant 0 : i32
      %dma_start3A_2902 = arith.constant 4 : i32
      %dma_start3A_2903 = arith.constant 0 : i32
      %dma_start3A_2904 = arith.constant 0 : i32
      %dma_start3A_2905 = arith.constant 0 : i32
      %dma_start3A_2906 = arith.constant 0 : i32
      %dma_start3A_2907 = tpu.memref_slice %arg6[%dma_start3A_2901, %dma_start3A_2904, %dma_start3A_2905, %dma_start3A_2906] : memref<2x8x50x64xf32, #tpu.memory_space<vmem>> -> memref<1x8x50x64xf32, #tpu.memory_space<vmem>>
      %dma_start3A_2908 = tpu.memref_squeeze %dma_start3A_2907 : memref<1x8x50x64xf32, #tpu.memory_space<vmem>> -> memref<8x50x64xf32, #tpu.memory_space<vmem>>
      %dma_start3A_2909 = arith.constant 0 : i32
      %dma_start3A_2910 = arith.constant 0 : i32
      %dma_start3A_2911 = tpu.memref_slice %dma_start3A_2908[%dma_start3A_2902, %dma_start3A_2909, %dma_start3A_2910] : memref<8x50x64xf32, #tpu.memory_space<vmem>> -> memref<1x50x64xf32, #tpu.memory_space<vmem>>
      %dma_start3A_2912 = tpu.memref_squeeze %dma_start3A_2911 : memref<1x50x64xf32, #tpu.memory_space<vmem>> -> memref<50x64xf32, #tpu.memory_space<vmem>>
      %dma_start3A_2913 = tpu.memref_slice %arg5[%mul3A_2900] : memref<28672xi32, #tpu.memory_space<vmem>> -> memref<50xi32, #tpu.memory_space<vmem>>
      %dma_start3A_2914 = arith.constant 0 : i32
      %dma_start3A_2915 = arith.constant 0 : i32
      %dma_start3A_2916 = tpu.memref_slice %arg3[%dma_start3A_2914, %dma_start3A_2915] : memref<1000000x64xf32, #tpu.memory_space<hbm>> -> memref<1000000x64xf32, #tpu.memory_space<hbm>>
      %dma_start3A_2917 = tpu.memref_slice %arg7[%dma_start3A_2903] : memref<2x!tpu.dma_semaphore, #tpu.memory_space<semaphore_mem>> -> memref<1x!tpu.dma_semaphore, #tpu.memory_space<semaphore_mem>>
      %dma_start3A_2918 = tpu.memref_squeeze %dma_start3A_2917 : memref<1x!tpu.dma_semaphore, #tpu.memory_space<semaphore_mem>> -> memref<!tpu.dma_semaphore, #tpu.memory_space<semaphore_mem>>
      tpu.enqueue_indirect_dma source(%dma_start3A_2916 : memref<1000000x64xf32, #tpu.memory_space<hbm>>) target(%dma_start3A_2912 : memref<50x64xf32, #tpu.memory_space<vmem>>) offsets(%dma_start3A_2913 : memref<50xi32, #tpu.memory_space<vmem>>) semaphore(%dma_start3A_2918 : memref<!tpu.dma_semaphore, #tpu.memory_space<semaphore_mem>>)
      %mul3A_2919 = arith.constant 8 : i32
      %mul3A_2920 = arith.muli %add3A_2798, %mul3A_2919 : i32
      %add3A_2921 = arith.constant 5 : i32
      %add3A_2922 = arith.addi %mul3A_2920, %add3A_2921 : i32
      %mul3A_2923 = arith.constant 56 : i32
      %mul3A_2924 = arith.muli %add3A_2922, %mul3A_2923 : i32
      %dma_start3A_2925 = arith.constant 0 : i32
      %dma_start3A_2926 = arith.constant 5 : i32
      %dma_start3A_2927 = arith.constant 0 : i32
      %dma_start3A_2928 = arith.constant 0 : i32
      %dma_start3A_2929 = arith.constant 0 : i32
      %dma_start3A_2930 = arith.constant 0 : i32
      %dma_start3A_2931 = tpu.memref_slice %arg6[%dma_start3A_2925, %dma_start3A_2928, %dma_start3A_2929, %dma_start3A_2930] : memref<2x8x50x64xf32, #tpu.memory_space<vmem>> -> memref<1x8x50x64xf32, #tpu.memory_space<vmem>>
      %dma_start3A_2932 = tpu.memref_squeeze %dma_start3A_2931 : memref<1x8x50x64xf32, #tpu.memory_space<vmem>> -> memref<8x50x64xf32, #tpu.memory_space<vmem>>
      %dma_start3A_2933 = arith.constant 0 : i32
      %dma_start3A_2934 = arith.constant 0 : i32
      %dma_start3A_2935 = tpu.memref_slice %dma_start3A_2932[%dma_start3A_2926, %dma_start3A_2933, %dma_start3A_2934] : memref<8x50x64xf32, #tpu.memory_space<vmem>> -> memref<1x50x64xf32, #tpu.memory_space<vmem>>
      %dma_start3A_2936 = tpu.memref_squeeze %dma_start3A_2935 : memref<1x50x64xf32, #tpu.memory_space<vmem>> -> memref<50x64xf32, #tpu.memory_space<vmem>>
      %dma_start3A_2937 = tpu.memref_slice %arg5[%mul3A_2924] : memref<28672xi32, #tpu.memory_space<vmem>> -> memref<50xi32, #tpu.memory_space<vmem>>
      %dma_start3A_2938 = arith.constant 0 : i32
      %dma_start3A_2939 = arith.constant 0 : i32
      %dma_start3A_2940 = tpu.memref_slice %arg3[%dma_start3A_2938, %dma_start3A_2939] : memref<1000000x64xf32, #tpu.memory_space<hbm>> -> memref<1000000x64xf32, #tpu.memory_space<hbm>>
      %dma_start3A_2941 = tpu.memref_slice %arg7[%dma_start3A_2927] : memref<2x!tpu.dma_semaphore, #tpu.memory_space<semaphore_mem>> -> memref<1x!tpu.dma_semaphore, #tpu.memory_space<semaphore_mem>>
      %dma_start3A_2942 = tpu.memref_squeeze %dma_start3A_2941 : memref<1x!tpu.dma_semaphore, #tpu.memory_space<semaphore_mem>> -> memref<!tpu.dma_semaphore, #tpu.memory_space<semaphore_mem>>
      tpu.enqueue_indirect_dma source(%dma_start3A_2940 : memref<1000000x64xf32, #tpu.memory_space<hbm>>) target(%dma_start3A_2936 : memref<50x64xf32, #tpu.memory_space<vmem>>) offsets(%dma_start3A_2937 : memref<50xi32, #tpu.memory_space<vmem>>) semaphore(%dma_start3A_2942 : memref<!tpu.dma_semaphore, #tpu.memory_space<semaphore_mem>>)
      %mul3A_2943 = arith.constant 8 : i32
      %mul3A_2944 = arith.muli %add3A_2798, %mul3A_2943 : i32
      %add3A_2945 = arith.constant 6 : i32
      %add3A_2946 = arith.addi %mul3A_2944, %add3A_2945 : i32
      %mul3A_2947 = arith.constant 56 : i32
      %mul3A_2948 = arith.muli %add3A_2946, %mul3A_2947 : i32
      %dma_start3A_2949 = arith.constant 0 : i32
      %dma_start3A_2950 = arith.constant 6 : i32
      %dma_start3A_2951 = arith.constant 0 : i32
      %dma_start3A_2952 = arith.constant 0 : i32
      %dma_start3A_2953 = arith.constant 0 : i32
      %dma_start3A_2954 = arith.constant 0 : i32
      %dma_start3A_2955 = tpu.memref_slice %arg6[%dma_start3A_2949, %dma_start3A_2952, %dma_start3A_2953, %dma_start3A_2954] : memref<2x8x50x64xf32, #tpu.memory_space<vmem>> -> memref<1x8x50x64xf32, #tpu.memory_space<vmem>>
      %dma_start3A_2956 = tpu.memref_squeeze %dma_start3A_2955 : memref<1x8x50x64xf32, #tpu.memory_space<vmem>> -> memref<8x50x64xf32, #tpu.memory_space<vmem>>
      %dma_start3A_2957 = arith.constant 0 : i32
      %dma_start3A_2958 = arith.constant 0 : i32
      %dma_start3A_2959 = tpu.memref_slice %dma_start3A_2956[%dma_start3A_2950, %dma_start3A_2957, %dma_start3A_2958] : memref<8x50x64xf32, #tpu.memory_space<vmem>> -> memref<1x50x64xf32, #tpu.memory_space<vmem>>
      %dma_start3A_2960 = tpu.memref_squeeze %dma_start3A_2959 : memref<1x50x64xf32, #tpu.memory_space<vmem>> -> memref<50x64xf32, #tpu.memory_space<vmem>>
      %dma_start3A_2961 = tpu.memref_slice %arg5[%mul3A_2948] : memref<28672xi32, #tpu.memory_space<vmem>> -> memref<50xi32, #tpu.memory_space<vmem>>
      %dma_start3A_2962 = arith.constant 0 : i32
      %dma_start3A_2963 = arith.constant 0 : i32
      %dma_start3A_2964 = tpu.memref_slice %arg3[%dma_start3A_2962, %dma_start3A_2963] : memref<1000000x64xf32, #tpu.memory_space<hbm>> -> memref<1000000x64xf32, #tpu.memory_space<hbm>>
      %dma_start3A_2965 = tpu.memref_slice %arg7[%dma_start3A_2951] : memref<2x!tpu.dma_semaphore, #tpu.memory_space<semaphore_mem>> -> memref<1x!tpu.dma_semaphore, #tpu.memory_space<semaphore_mem>>
      %dma_start3A_2966 = tpu.memref_squeeze %dma_start3A_2965 : memref<1x!tpu.dma_semaphore, #tpu.memory_space<semaphore_mem>> -> memref<!tpu.dma_semaphore, #tpu.memory_space<semaphore_mem>>
      tpu.enqueue_indirect_dma source(%dma_start3A_2964 : memref<1000000x64xf32, #tpu.memory_space<hbm>>) target(%dma_start3A_2960 : memref<50x64xf32, #tpu.memory_space<vmem>>) offsets(%dma_start3A_2961 : memref<50xi32, #tpu.memory_space<vmem>>) semaphore(%dma_start3A_2966 : memref<!tpu.dma_semaphore, #tpu.memory_space<semaphore_mem>>)
      %mul3A_2967 = arith.constant 8 : i32
      %mul3A_2968 = arith.muli %add3A_2798, %mul3A_2967 : i32
      %add3A_2969 = arith.constant 7 : i32
      %add3A_2970 = arith.addi %mul3A_2968, %add3A_2969 : i32
      %mul3A_2971 = arith.constant 56 : i32
      %mul3A_2972 = arith.muli %add3A_2970, %mul3A_2971 : i32
      %dma_start3A_2973 = arith.constant 0 : i32
      %dma_start3A_2974 = arith.constant 7 : i32
      %dma_start3A_2975 = arith.constant 0 : i32
      %dma_start3A_2976 = arith.constant 0 : i32
      %dma_start3A_2977 = arith.constant 0 : i32
      %dma_start3A_2978 = arith.constant 0 : i32
      %dma_start3A_2979 = tpu.memref_slice %arg6[%dma_start3A_2973, %dma_start3A_2976, %dma_start3A_2977, %dma_start3A_2978] : memref<2x8x50x64xf32, #tpu.memory_space<vmem>> -> memref<1x8x50x64xf32, #tpu.memory_space<vmem>>
      %dma_start3A_2980 = tpu.memref_squeeze %dma_start3A_2979 : memref<1x8x50x64xf32, #tpu.memory_space<vmem>> -> memref<8x50x64xf32, #tpu.memory_space<vmem>>
      %dma_start3A_2981 = arith.constant 0 : i32
      %dma_start3A_2982 = arith.constant 0 : i32
      %dma_start3A_2983 = tpu.memref_slice %dma_start3A_2980[%dma_start3A_2974, %dma_start3A_2981, %dma_start3A_2982] : memref<8x50x64xf32, #tpu.memory_space<vmem>> -> memref<1x50x64xf32, #tpu.memory_space<vmem>>
      %dma_start3A_2984 = tpu.memref_squeeze %dma_start3A_2983 : memref<1x50x64xf32, #tpu.memory_space<vmem>> -> memref<50x64xf32, #tpu.memory_space<vmem>>
      %dma_start3A_2985 = tpu.memref_slice %arg5[%mul3A_2972] : memref<28672xi32, #tpu.memory_space<vmem>> -> memref<50xi32, #tpu.memory_space<vmem>>
      %dma_start3A_2986 = arith.constant 0 : i32
      %dma_start3A_2987 = arith.constant 0 : i32
      %dma_start3A_2988 = tpu.memref_slice %arg3[%dma_start3A_2986, %dma_start3A_2987] : memref<1000000x64xf32, #tpu.memory_space<hbm>> -> memref<1000000x64xf32, #tpu.memory_space<hbm>>
      %dma_start3A_2989 = tpu.memref_slice %arg7[%dma_start3A_2975] : memref<2x!tpu.dma_semaphore, #tpu.memory_space<semaphore_mem>> -> memref<1x!tpu.dma_semaphore, #tpu.memory_space<semaphore_mem>>
      %dma_start3A_2990 = tpu.memref_squeeze %dma_start3A_2989 : memref<1x!tpu.dma_semaphore, #tpu.memory_space<semaphore_mem>> -> memref<!tpu.dma_semaphore, #tpu.memory_space<semaphore_mem>>
      tpu.enqueue_indirect_dma source(%dma_start3A_2988 : memref<1000000x64xf32, #tpu.memory_space<hbm>>) target(%dma_start3A_2984 : memref<50x64xf32, #tpu.memory_space<vmem>>) offsets(%dma_start3A_2985 : memref<50xi32, #tpu.memory_space<vmem>>) semaphore(%dma_start3A_2990 : memref<!tpu.dma_semaphore, #tpu.memory_space<semaphore_mem>>)
      %mul3A_2991 = arith.constant 2 : i32
      %mul3A_2992 = arith.muli %scan3A_1928, %mul3A_2991 : i32
      %add3A_2993 = arith.constant 1 : i32
      %add3A_2994 = arith.addi %mul3A_2992, %add3A_2993 : i32
      %mul3A_2995 = arith.constant 8 : i32
      %mul3A_2996 = arith.muli %add3A_2994, %mul3A_2995 : i32
      %add3A_2997 = arith.constant 0 : i32
      %add3A_2998 = arith.addi %mul3A_2996, %add3A_2997 : i32
      %mul3A_2999 = arith.constant 56 : i32
      %mul3A_3000 = arith.muli %add3A_2998, %mul3A_2999 : i32
      %dma_wait3A_3001 = arith.constant 1 : i32
      %dma_wait3A_3002 = arith.constant 0 : i32
      %dma_wait3A_3003 = arith.constant 1 : i32
      %dma_wait3A_3004 = arith.constant 0 : i32
      %dma_wait3A_3005 = arith.constant 0 : i32
      %dma_wait3A_3006 = arith.constant 0 : i32
      %dma_wait3A_3007 = tpu.memref_slice %arg6[%dma_wait3A_3001, %dma_wait3A_3004, %dma_wait3A_3005, %dma_wait3A_3006] : memref<2x8x50x64xf32, #tpu.memory_space<vmem>> -> memref<1x8x50x64xf32, #tpu.memory_space<vmem>>
      %dma_wait3A_3008 = tpu.memref_squeeze %dma_wait3A_3007 : memref<1x8x50x64xf32, #tpu.memory_space<vmem>> -> memref<8x50x64xf32, #tpu.memory_space<vmem>>
      %dma_wait3A_3009 = arith.constant 0 : i32
      %dma_wait3A_3010 = arith.constant 0 : i32
      %dma_wait3A_3011 = tpu.memref_slice %dma_wait3A_3008[%dma_wait3A_3002, %dma_wait3A_3009, %dma_wait3A_3010] : memref<8x50x64xf32, #tpu.memory_space<vmem>> -> memref<1x50x64xf32, #tpu.memory_space<vmem>>
      %dma_wait3A_3012 = tpu.memref_squeeze %dma_wait3A_3011 : memref<1x50x64xf32, #tpu.memory_space<vmem>> -> memref<50x64xf32, #tpu.memory_space<vmem>>
      %dma_wait3A_3013 = tpu.memref_slice %arg5[%mul3A_3000] : memref<28672xi32, #tpu.memory_space<vmem>> -> memref<50xi32, #tpu.memory_space<vmem>>
      %dma_wait3A_3014 = arith.constant 0 : i32
      %dma_wait3A_3015 = arith.constant 0 : i32
      %dma_wait3A_3016 = tpu.memref_slice %arg3[%dma_wait3A_3014, %dma_wait3A_3015] : memref<1000000x64xf32, #tpu.memory_space<hbm>> -> memref<1000000x64xf32, #tpu.memory_space<hbm>>
      %dma_wait3A_3017 = tpu.memref_slice %arg7[%dma_wait3A_3003] : memref<2x!tpu.dma_semaphore, #tpu.memory_space<semaphore_mem>> -> memref<1x!tpu.dma_semaphore, #tpu.memory_space<semaphore_mem>>
      %dma_wait3A_3018 = tpu.memref_squeeze %dma_wait3A_3017 : memref<1x!tpu.dma_semaphore, #tpu.memory_space<semaphore_mem>> -> memref<!tpu.dma_semaphore, #tpu.memory_space<semaphore_mem>>
      tpu.wait_indirect_dma semaphore(%dma_wait3A_3018 : memref<!tpu.dma_semaphore, #tpu.memory_space<semaphore_mem>>) src(%dma_wait3A_3016 : memref<1000000x64xf32, #tpu.memory_space<hbm>>) dst(%dma_wait3A_3012 : memref<50x64xf32, #tpu.memory_space<vmem>>)
      %mul3A_3019 = arith.constant 8 : i32
      %mul3A_3020 = arith.muli %add3A_2994, %mul3A_3019 : i32
      %add3A_3021 = arith.constant 1 : i32
      %add3A_3022 = arith.addi %mul3A_3020, %add3A_3021 : i32
      %mul3A_3023 = arith.constant 56 : i32
      %mul3A_3024 = arith.muli %add3A_3022, %mul3A_3023 : i32
      %dma_wait3A_3025 = arith.constant 1 : i32
      %dma_wait3A_3026 = arith.constant 1 : i32
      %dma_wait3A_3027 = arith.constant 1 : i32
      %dma_wait3A_3028 = arith.constant 0 : i32
      %dma_wait3A_3029 = arith.constant 0 : i32
      %dma_wait3A_3030 = arith.constant 0 : i32
      %dma_wait3A_3031 = tpu.memref_slice %arg6[%dma_wait3A_3025, %dma_wait3A_3028, %dma_wait3A_3029, %dma_wait3A_3030] : memref<2x8x50x64xf32, #tpu.memory_space<vmem>> -> memref<1x8x50x64xf32, #tpu.memory_space<vmem>>
      %dma_wait3A_3032 = tpu.memref_squeeze %dma_wait3A_3031 : memref<1x8x50x64xf32, #tpu.memory_space<vmem>> -> memref<8x50x64xf32, #tpu.memory_space<vmem>>
      %dma_wait3A_3033 = arith.constant 0 : i32
      %dma_wait3A_3034 = arith.constant 0 : i32
      %dma_wait3A_3035 = tpu.memref_slice %dma_wait3A_3032[%dma_wait3A_3026, %dma_wait3A_3033, %dma_wait3A_3034] : memref<8x50x64xf32, #tpu.memory_space<vmem>> -> memref<1x50x64xf32, #tpu.memory_space<vmem>>
      %dma_wait3A_3036 = tpu.memref_squeeze %dma_wait3A_3035 : memref<1x50x64xf32, #tpu.memory_space<vmem>> -> memref<50x64xf32, #tpu.memory_space<vmem>>
      %dma_wait3A_3037 = tpu.memref_slice %arg5[%mul3A_3024] : memref<28672xi32, #tpu.memory_space<vmem>> -> memref<50xi32, #tpu.memory_space<vmem>>
      %dma_wait3A_3038 = arith.constant 0 : i32
      %dma_wait3A_3039 = arith.constant 0 : i32
      %dma_wait3A_3040 = tpu.memref_slice %arg3[%dma_wait3A_3038, %dma_wait3A_3039] : memref<1000000x64xf32, #tpu.memory_space<hbm>> -> memref<1000000x64xf32, #tpu.memory_space<hbm>>
      %dma_wait3A_3041 = tpu.memref_slice %arg7[%dma_wait3A_3027] : memref<2x!tpu.dma_semaphore, #tpu.memory_space<semaphore_mem>> -> memref<1x!tpu.dma_semaphore, #tpu.memory_space<semaphore_mem>>
      %dma_wait3A_3042 = tpu.memref_squeeze %dma_wait3A_3041 : memref<1x!tpu.dma_semaphore, #tpu.memory_space<semaphore_mem>> -> memref<!tpu.dma_semaphore, #tpu.memory_space<semaphore_mem>>
      tpu.wait_indirect_dma semaphore(%dma_wait3A_3042 : memref<!tpu.dma_semaphore, #tpu.memory_space<semaphore_mem>>) src(%dma_wait3A_3040 : memref<1000000x64xf32, #tpu.memory_space<hbm>>) dst(%dma_wait3A_3036 : memref<50x64xf32, #tpu.memory_space<vmem>>)
      %mul3A_3043 = arith.constant 8 : i32
      %mul3A_3044 = arith.muli %add3A_2994, %mul3A_3043 : i32
      %add3A_3045 = arith.constant 2 : i32
      %add3A_3046 = arith.addi %mul3A_3044, %add3A_3045 : i32
      %mul3A_3047 = arith.constant 56 : i32
      %mul3A_3048 = arith.muli %add3A_3046, %mul3A_3047 : i32
      %dma_wait3A_3049 = arith.constant 1 : i32
      %dma_wait3A_3050 = arith.constant 2 : i32
      %dma_wait3A_3051 = arith.constant 1 : i32
      %dma_wait3A_3052 = arith.constant 0 : i32
      %dma_wait3A_3053 = arith.constant 0 : i32
      %dma_wait3A_3054 = arith.constant 0 : i32
      %dma_wait3A_3055 = tpu.memref_slice %arg6[%dma_wait3A_3049, %dma_wait3A_3052, %dma_wait3A_3053, %dma_wait3A_3054] : memref<2x8x50x64xf32, #tpu.memory_space<vmem>> -> memref<1x8x50x64xf32, #tpu.memory_space<vmem>>
      %dma_wait3A_3056 = tpu.memref_squeeze %dma_wait3A_3055 : memref<1x8x50x64xf32, #tpu.memory_space<vmem>> -> memref<8x50x64xf32, #tpu.memory_space<vmem>>
      %dma_wait3A_3057 = arith.constant 0 : i32
      %dma_wait3A_3058 = arith.constant 0 : i32
      %dma_wait3A_3059 = tpu.memref_slice %dma_wait3A_3056[%dma_wait3A_3050, %dma_wait3A_3057, %dma_wait3A_3058] : memref<8x50x64xf32, #tpu.memory_space<vmem>> -> memref<1x50x64xf32, #tpu.memory_space<vmem>>
      %dma_wait3A_3060 = tpu.memref_squeeze %dma_wait3A_3059 : memref<1x50x64xf32, #tpu.memory_space<vmem>> -> memref<50x64xf32, #tpu.memory_space<vmem>>
      %dma_wait3A_3061 = tpu.memref_slice %arg5[%mul3A_3048] : memref<28672xi32, #tpu.memory_space<vmem>> -> memref<50xi32, #tpu.memory_space<vmem>>
      %dma_wait3A_3062 = arith.constant 0 : i32
      %dma_wait3A_3063 = arith.constant 0 : i32
      %dma_wait3A_3064 = tpu.memref_slice %arg3[%dma_wait3A_3062, %dma_wait3A_3063] : memref<1000000x64xf32, #tpu.memory_space<hbm>> -> memref<1000000x64xf32, #tpu.memory_space<hbm>>
      %dma_wait3A_3065 = tpu.memref_slice %arg7[%dma_wait3A_3051] : memref<2x!tpu.dma_semaphore, #tpu.memory_space<semaphore_mem>> -> memref<1x!tpu.dma_semaphore, #tpu.memory_space<semaphore_mem>>
      %dma_wait3A_3066 = tpu.memref_squeeze %dma_wait3A_3065 : memref<1x!tpu.dma_semaphore, #tpu.memory_space<semaphore_mem>> -> memref<!tpu.dma_semaphore, #tpu.memory_space<semaphore_mem>>
      tpu.wait_indirect_dma semaphore(%dma_wait3A_3066 : memref<!tpu.dma_semaphore, #tpu.memory_space<semaphore_mem>>) src(%dma_wait3A_3064 : memref<1000000x64xf32, #tpu.memory_space<hbm>>) dst(%dma_wait3A_3060 : memref<50x64xf32, #tpu.memory_space<vmem>>)
      %mul3A_3067 = arith.constant 8 : i32
      %mul3A_3068 = arith.muli %add3A_2994, %mul3A_3067 : i32
      %add3A_3069 = arith.constant 3 : i32
      %add3A_3070 = arith.addi %mul3A_3068, %add3A_3069 : i32
      %mul3A_3071 = arith.constant 56 : i32
      %mul3A_3072 = arith.muli %add3A_3070, %mul3A_3071 : i32
      %dma_wait3A_3073 = arith.constant 1 : i32
      %dma_wait3A_3074 = arith.constant 3 : i32
      %dma_wait3A_3075 = arith.constant 1 : i32
      %dma_wait3A_3076 = arith.constant 0 : i32
      %dma_wait3A_3077 = arith.constant 0 : i32
      %dma_wait3A_3078 = arith.constant 0 : i32
      %dma_wait3A_3079 = tpu.memref_slice %arg6[%dma_wait3A_3073, %dma_wait3A_3076, %dma_wait3A_3077, %dma_wait3A_3078] : memref<2x8x50x64xf32, #tpu.memory_space<vmem>> -> memref<1x8x50x64xf32, #tpu.memory_space<vmem>>
      %dma_wait3A_3080 = tpu.memref_squeeze %dma_wait3A_3079 : memref<1x8x50x64xf32, #tpu.memory_space<vmem>> -> memref<8x50x64xf32, #tpu.memory_space<vmem>>
      %dma_wait3A_3081 = arith.constant 0 : i32
      %dma_wait3A_3082 = arith.constant 0 : i32
      %dma_wait3A_3083 = tpu.memref_slice %dma_wait3A_3080[%dma_wait3A_3074, %dma_wait3A_3081, %dma_wait3A_3082] : memref<8x50x64xf32, #tpu.memory_space<vmem>> -> memref<1x50x64xf32, #tpu.memory_space<vmem>>
      %dma_wait3A_3084 = tpu.memref_squeeze %dma_wait3A_3083 : memref<1x50x64xf32, #tpu.memory_space<vmem>> -> memref<50x64xf32, #tpu.memory_space<vmem>>
      %dma_wait3A_3085 = tpu.memref_slice %arg5[%mul3A_3072] : memref<28672xi32, #tpu.memory_space<vmem>> -> memref<50xi32, #tpu.memory_space<vmem>>
      %dma_wait3A_3086 = arith.constant 0 : i32
      %dma_wait3A_3087 = arith.constant 0 : i32
      %dma_wait3A_3088 = tpu.memref_slice %arg3[%dma_wait3A_3086, %dma_wait3A_3087] : memref<1000000x64xf32, #tpu.memory_space<hbm>> -> memref<1000000x64xf32, #tpu.memory_space<hbm>>
      %dma_wait3A_3089 = tpu.memref_slice %arg7[%dma_wait3A_3075] : memref<2x!tpu.dma_semaphore, #tpu.memory_space<semaphore_mem>> -> memref<1x!tpu.dma_semaphore, #tpu.memory_space<semaphore_mem>>
      %dma_wait3A_3090 = tpu.memref_squeeze %dma_wait3A_3089 : memref<1x!tpu.dma_semaphore, #tpu.memory_space<semaphore_mem>> -> memref<!tpu.dma_semaphore, #tpu.memory_space<semaphore_mem>>
      tpu.wait_indirect_dma semaphore(%dma_wait3A_3090 : memref<!tpu.dma_semaphore, #tpu.memory_space<semaphore_mem>>) src(%dma_wait3A_3088 : memref<1000000x64xf32, #tpu.memory_space<hbm>>) dst(%dma_wait3A_3084 : memref<50x64xf32, #tpu.memory_space<vmem>>)
      %mul3A_3091 = arith.constant 8 : i32
      %mul3A_3092 = arith.muli %add3A_2994, %mul3A_3091 : i32
      %add3A_3093 = arith.constant 4 : i32
      %add3A_3094 = arith.addi %mul3A_3092, %add3A_3093 : i32
      %mul3A_3095 = arith.constant 56 : i32
      %mul3A_3096 = arith.muli %add3A_3094, %mul3A_3095 : i32
      %dma_wait3A_3097 = arith.constant 1 : i32
      %dma_wait3A_3098 = arith.constant 4 : i32
      %dma_wait3A_3099 = arith.constant 1 : i32
      %dma_wait3A_3100 = arith.constant 0 : i32
      %dma_wait3A_3101 = arith.constant 0 : i32
      %dma_wait3A_3102 = arith.constant 0 : i32
      %dma_wait3A_3103 = tpu.memref_slice %arg6[%dma_wait3A_3097, %dma_wait3A_3100, %dma_wait3A_3101, %dma_wait3A_3102] : memref<2x8x50x64xf32, #tpu.memory_space<vmem>> -> memref<1x8x50x64xf32, #tpu.memory_space<vmem>>
      %dma_wait3A_3104 = tpu.memref_squeeze %dma_wait3A_3103 : memref<1x8x50x64xf32, #tpu.memory_space<vmem>> -> memref<8x50x64xf32, #tpu.memory_space<vmem>>
      %dma_wait3A_3105 = arith.constant 0 : i32
      %dma_wait3A_3106 = arith.constant 0 : i32
      %dma_wait3A_3107 = tpu.memref_slice %dma_wait3A_3104[%dma_wait3A_3098, %dma_wait3A_3105, %dma_wait3A_3106] : memref<8x50x64xf32, #tpu.memory_space<vmem>> -> memref<1x50x64xf32, #tpu.memory_space<vmem>>
      %dma_wait3A_3108 = tpu.memref_squeeze %dma_wait3A_3107 : memref<1x50x64xf32, #tpu.memory_space<vmem>> -> memref<50x64xf32, #tpu.memory_space<vmem>>
      %dma_wait3A_3109 = tpu.memref_slice %arg5[%mul3A_3096] : memref<28672xi32, #tpu.memory_space<vmem>> -> memref<50xi32, #tpu.memory_space<vmem>>
      %dma_wait3A_3110 = arith.constant 0 : i32
      %dma_wait3A_3111 = arith.constant 0 : i32
      %dma_wait3A_3112 = tpu.memref_slice %arg3[%dma_wait3A_3110, %dma_wait3A_3111] : memref<1000000x64xf32, #tpu.memory_space<hbm>> -> memref<1000000x64xf32, #tpu.memory_space<hbm>>
      %dma_wait3A_3113 = tpu.memref_slice %arg7[%dma_wait3A_3099] : memref<2x!tpu.dma_semaphore, #tpu.memory_space<semaphore_mem>> -> memref<1x!tpu.dma_semaphore, #tpu.memory_space<semaphore_mem>>
      %dma_wait3A_3114 = tpu.memref_squeeze %dma_wait3A_3113 : memref<1x!tpu.dma_semaphore, #tpu.memory_space<semaphore_mem>> -> memref<!tpu.dma_semaphore, #tpu.memory_space<semaphore_mem>>
      tpu.wait_indirect_dma semaphore(%dma_wait3A_3114 : memref<!tpu.dma_semaphore, #tpu.memory_space<semaphore_mem>>) src(%dma_wait3A_3112 : memref<1000000x64xf32, #tpu.memory_space<hbm>>) dst(%dma_wait3A_3108 : memref<50x64xf32, #tpu.memory_space<vmem>>)
      %mul3A_3115 = arith.constant 8 : i32
      %mul3A_3116 = arith.muli %add3A_2994, %mul3A_3115 : i32
      %add3A_3117 = arith.constant 5 : i32
      %add3A_3118 = arith.addi %mul3A_3116, %add3A_3117 : i32
      %mul3A_3119 = arith.constant 56 : i32
      %mul3A_3120 = arith.muli %add3A_3118, %mul3A_3119 : i32
      %dma_wait3A_3121 = arith.constant 1 : i32
      %dma_wait3A_3122 = arith.constant 5 : i32
      %dma_wait3A_3123 = arith.constant 1 : i32
      %dma_wait3A_3124 = arith.constant 0 : i32
      %dma_wait3A_3125 = arith.constant 0 : i32
      %dma_wait3A_3126 = arith.constant 0 : i32
      %dma_wait3A_3127 = tpu.memref_slice %arg6[%dma_wait3A_3121, %dma_wait3A_3124, %dma_wait3A_3125, %dma_wait3A_3126] : memref<2x8x50x64xf32, #tpu.memory_space<vmem>> -> memref<1x8x50x64xf32, #tpu.memory_space<vmem>>
      %dma_wait3A_3128 = tpu.memref_squeeze %dma_wait3A_3127 : memref<1x8x50x64xf32, #tpu.memory_space<vmem>> -> memref<8x50x64xf32, #tpu.memory_space<vmem>>
      %dma_wait3A_3129 = arith.constant 0 : i32
      %dma_wait3A_3130 = arith.constant 0 : i32
      %dma_wait3A_3131 = tpu.memref_slice %dma_wait3A_3128[%dma_wait3A_3122, %dma_wait3A_3129, %dma_wait3A_3130] : memref<8x50x64xf32, #tpu.memory_space<vmem>> -> memref<1x50x64xf32, #tpu.memory_space<vmem>>
      %dma_wait3A_3132 = tpu.memref_squeeze %dma_wait3A_3131 : memref<1x50x64xf32, #tpu.memory_space<vmem>> -> memref<50x64xf32, #tpu.memory_space<vmem>>
      %dma_wait3A_3133 = tpu.memref_slice %arg5[%mul3A_3120] : memref<28672xi32, #tpu.memory_space<vmem>> -> memref<50xi32, #tpu.memory_space<vmem>>
      %dma_wait3A_3134 = arith.constant 0 : i32
      %dma_wait3A_3135 = arith.constant 0 : i32
      %dma_wait3A_3136 = tpu.memref_slice %arg3[%dma_wait3A_3134, %dma_wait3A_3135] : memref<1000000x64xf32, #tpu.memory_space<hbm>> -> memref<1000000x64xf32, #tpu.memory_space<hbm>>
      %dma_wait3A_3137 = tpu.memref_slice %arg7[%dma_wait3A_3123] : memref<2x!tpu.dma_semaphore, #tpu.memory_space<semaphore_mem>> -> memref<1x!tpu.dma_semaphore, #tpu.memory_space<semaphore_mem>>
      %dma_wait3A_3138 = tpu.memref_squeeze %dma_wait3A_3137 : memref<1x!tpu.dma_semaphore, #tpu.memory_space<semaphore_mem>> -> memref<!tpu.dma_semaphore, #tpu.memory_space<semaphore_mem>>
      tpu.wait_indirect_dma semaphore(%dma_wait3A_3138 : memref<!tpu.dma_semaphore, #tpu.memory_space<semaphore_mem>>) src(%dma_wait3A_3136 : memref<1000000x64xf32, #tpu.memory_space<hbm>>) dst(%dma_wait3A_3132 : memref<50x64xf32, #tpu.memory_space<vmem>>)
      %mul3A_3139 = arith.constant 8 : i32
      %mul3A_3140 = arith.muli %add3A_2994, %mul3A_3139 : i32
      %add3A_3141 = arith.constant 6 : i32
      %add3A_3142 = arith.addi %mul3A_3140, %add3A_3141 : i32
      %mul3A_3143 = arith.constant 56 : i32
      %mul3A_3144 = arith.muli %add3A_3142, %mul3A_3143 : i32
      %dma_wait3A_3145 = arith.constant 1 : i32
      %dma_wait3A_3146 = arith.constant 6 : i32
      %dma_wait3A_3147 = arith.constant 1 : i32
      %dma_wait3A_3148 = arith.constant 0 : i32
      %dma_wait3A_3149 = arith.constant 0 : i32
      %dma_wait3A_3150 = arith.constant 0 : i32
      %dma_wait3A_3151 = tpu.memref_slice %arg6[%dma_wait3A_3145, %dma_wait3A_3148, %dma_wait3A_3149, %dma_wait3A_3150] : memref<2x8x50x64xf32, #tpu.memory_space<vmem>> -> memref<1x8x50x64xf32, #tpu.memory_space<vmem>>
      %dma_wait3A_3152 = tpu.memref_squeeze %dma_wait3A_3151 : memref<1x8x50x64xf32, #tpu.memory_space<vmem>> -> memref<8x50x64xf32, #tpu.memory_space<vmem>>
      %dma_wait3A_3153 = arith.constant 0 : i32
      %dma_wait3A_3154 = arith.constant 0 : i32
      %dma_wait3A_3155 = tpu.memref_slice %dma_wait3A_3152[%dma_wait3A_3146, %dma_wait3A_3153, %dma_wait3A_3154] : memref<8x50x64xf32, #tpu.memory_space<vmem>> -> memref<1x50x64xf32, #tpu.memory_space<vmem>>
      %dma_wait3A_3156 = tpu.memref_squeeze %dma_wait3A_3155 : memref<1x50x64xf32, #tpu.memory_space<vmem>> -> memref<50x64xf32, #tpu.memory_space<vmem>>
      %dma_wait3A_3157 = tpu.memref_slice %arg5[%mul3A_3144] : memref<28672xi32, #tpu.memory_space<vmem>> -> memref<50xi32, #tpu.memory_space<vmem>>
      %dma_wait3A_3158 = arith.constant 0 : i32
      %dma_wait3A_3159 = arith.constant 0 : i32
      %dma_wait3A_3160 = tpu.memref_slice %arg3[%dma_wait3A_3158, %dma_wait3A_3159] : memref<1000000x64xf32, #tpu.memory_space<hbm>> -> memref<1000000x64xf32, #tpu.memory_space<hbm>>
      %dma_wait3A_3161 = tpu.memref_slice %arg7[%dma_wait3A_3147] : memref<2x!tpu.dma_semaphore, #tpu.memory_space<semaphore_mem>> -> memref<1x!tpu.dma_semaphore, #tpu.memory_space<semaphore_mem>>
      %dma_wait3A_3162 = tpu.memref_squeeze %dma_wait3A_3161 : memref<1x!tpu.dma_semaphore, #tpu.memory_space<semaphore_mem>> -> memref<!tpu.dma_semaphore, #tpu.memory_space<semaphore_mem>>
      tpu.wait_indirect_dma semaphore(%dma_wait3A_3162 : memref<!tpu.dma_semaphore, #tpu.memory_space<semaphore_mem>>) src(%dma_wait3A_3160 : memref<1000000x64xf32, #tpu.memory_space<hbm>>) dst(%dma_wait3A_3156 : memref<50x64xf32, #tpu.memory_space<vmem>>)
      %mul3A_3163 = arith.constant 8 : i32
      %mul3A_3164 = arith.muli %add3A_2994, %mul3A_3163 : i32
      %add3A_3165 = arith.constant 7 : i32
      %add3A_3166 = arith.addi %mul3A_3164, %add3A_3165 : i32
      %mul3A_3167 = arith.constant 56 : i32
      %mul3A_3168 = arith.muli %add3A_3166, %mul3A_3167 : i32
      %dma_wait3A_3169 = arith.constant 1 : i32
      %dma_wait3A_3170 = arith.constant 7 : i32
      %dma_wait3A_3171 = arith.constant 1 : i32
      %dma_wait3A_3172 = arith.constant 0 : i32
      %dma_wait3A_3173 = arith.constant 0 : i32
      %dma_wait3A_3174 = arith.constant 0 : i32
      %dma_wait3A_3175 = tpu.memref_slice %arg6[%dma_wait3A_3169, %dma_wait3A_3172, %dma_wait3A_3173, %dma_wait3A_3174] : memref<2x8x50x64xf32, #tpu.memory_space<vmem>> -> memref<1x8x50x64xf32, #tpu.memory_space<vmem>>
      %dma_wait3A_3176 = tpu.memref_squeeze %dma_wait3A_3175 : memref<1x8x50x64xf32, #tpu.memory_space<vmem>> -> memref<8x50x64xf32, #tpu.memory_space<vmem>>
      %dma_wait3A_3177 = arith.constant 0 : i32
      %dma_wait3A_3178 = arith.constant 0 : i32
      %dma_wait3A_3179 = tpu.memref_slice %dma_wait3A_3176[%dma_wait3A_3170, %dma_wait3A_3177, %dma_wait3A_3178] : memref<8x50x64xf32, #tpu.memory_space<vmem>> -> memref<1x50x64xf32, #tpu.memory_space<vmem>>
      %dma_wait3A_3180 = tpu.memref_squeeze %dma_wait3A_3179 : memref<1x50x64xf32, #tpu.memory_space<vmem>> -> memref<50x64xf32, #tpu.memory_space<vmem>>
      %dma_wait3A_3181 = tpu.memref_slice %arg5[%mul3A_3168] : memref<28672xi32, #tpu.memory_space<vmem>> -> memref<50xi32, #tpu.memory_space<vmem>>
      %dma_wait3A_3182 = arith.constant 0 : i32
      %dma_wait3A_3183 = arith.constant 0 : i32
      %dma_wait3A_3184 = tpu.memref_slice %arg3[%dma_wait3A_3182, %dma_wait3A_3183] : memref<1000000x64xf32, #tpu.memory_space<hbm>> -> memref<1000000x64xf32, #tpu.memory_space<hbm>>
      %dma_wait3A_3185 = tpu.memref_slice %arg7[%dma_wait3A_3171] : memref<2x!tpu.dma_semaphore, #tpu.memory_space<semaphore_mem>> -> memref<1x!tpu.dma_semaphore, #tpu.memory_space<semaphore_mem>>
      %dma_wait3A_3186 = tpu.memref_squeeze %dma_wait3A_3185 : memref<1x!tpu.dma_semaphore, #tpu.memory_space<semaphore_mem>> -> memref<!tpu.dma_semaphore, #tpu.memory_space<semaphore_mem>>
      tpu.wait_indirect_dma semaphore(%dma_wait3A_3186 : memref<!tpu.dma_semaphore, #tpu.memory_space<semaphore_mem>>) src(%dma_wait3A_3184 : memref<1000000x64xf32, #tpu.memory_space<hbm>>) dst(%dma_wait3A_3180 : memref<50x64xf32, #tpu.memory_space<vmem>>)
      %mul3A_3187 = arith.constant 8 : i32
      %mul3A_3188 = arith.muli %add3A_2994, %mul3A_3187 : i32
      %add3A_3189 = arith.addi %mul3A_2, %mul3A_3188 : i32
      %add3A_3190 = arith.constant 0 : i32
      %add3A_3191 = arith.addi %add3A_3189, %add3A_3190 : i32
      %dma_start3A_3192 = arith.constant 1 : i32
      %dma_start3A_3193 = arith.constant 0 : i32
      %dma_start3A_3194 = arith.constant 1 : i32
      %dma_start3A_3195 = arith.constant 0 : i32
      %dma_start3A_3196 = arith.constant 0 : i32
      %dma_start3A_3197 = arith.constant 0 : i32
      %dma_start3A_3198 = tpu.memref_slice %arg6[%dma_start3A_3192, %dma_start3A_3195, %dma_start3A_3196, %dma_start3A_3197] : memref<2x8x50x64xf32, #tpu.memory_space<vmem>> -> memref<1x8x50x64xf32, #tpu.memory_space<vmem>>
      %dma_start3A_3199 = tpu.memref_squeeze %dma_start3A_3198 : memref<1x8x50x64xf32, #tpu.memory_space<vmem>> -> memref<8x50x64xf32, #tpu.memory_space<vmem>>
      %dma_start3A_3200 = arith.constant 0 : i32
      %dma_start3A_3201 = arith.constant 0 : i32
      %dma_start3A_3202 = tpu.memref_slice %dma_start3A_3199[%dma_start3A_3193, %dma_start3A_3200, %dma_start3A_3201] : memref<8x50x64xf32, #tpu.memory_space<vmem>> -> memref<1x50x64xf32, #tpu.memory_space<vmem>>
      %dma_start3A_3203 = tpu.memref_squeeze %dma_start3A_3202 : memref<1x50x64xf32, #tpu.memory_space<vmem>> -> memref<50x64xf32, #tpu.memory_space<vmem>>
      %dma_start3A_3204 = arith.constant 0 : i32
      %dma_start3A_3205 = arith.constant 0 : i32
      %dma_start3A_3206 = tpu.memref_slice %arg4[%add3A_3191, %dma_start3A_3204, %dma_start3A_3205] : memref<16384x56x128xf32, #tpu.memory_space<hbm>> -> memref<1x56x128xf32, #tpu.memory_space<hbm>>
      %dma_start3A_3207 = tpu.memref_squeeze %dma_start3A_3206 : memref<1x56x128xf32, #tpu.memory_space<hbm>> -> memref<56x128xf32, #tpu.memory_space<hbm>>
      %dma_start3A_3208 = arith.constant 0 : i32
      %dma_start3A_3209 = arith.constant 0 : i32
      %dma_start3A_3210 = tpu.memref_slice %dma_start3A_3207[%dma_start3A_3208, %dma_start3A_3209] : memref<56x128xf32, #tpu.memory_space<hbm>> -> memref<50x64xf32, #tpu.memory_space<hbm>>
      %dma_start3A_3211 = tpu.memref_slice %arg8[%dma_start3A_3194] : memref<2x!tpu.dma_semaphore, #tpu.memory_space<semaphore_mem>> -> memref<1x!tpu.dma_semaphore, #tpu.memory_space<semaphore_mem>>
      %dma_start3A_3212 = tpu.memref_squeeze %dma_start3A_3211 : memref<1x!tpu.dma_semaphore, #tpu.memory_space<semaphore_mem>> -> memref<!tpu.dma_semaphore, #tpu.memory_space<semaphore_mem>>
      %dma_start3A_3213 = arith.constant 0 : i32
      %dma_start3A_3214 = arith.constant 0 : i32
      %dma_start3A_3215 = tpu.memref_slice %arg4[%add3A_3191, %dma_start3A_3213, %dma_start3A_3214] : memref<16384x56x128xf32, #tpu.memory_space<hbm>> -> memref<1x56x128xf32, #tpu.memory_space<hbm>>
      %dma_start3A_3216 = tpu.memref_squeeze %dma_start3A_3215 : memref<1x56x128xf32, #tpu.memory_space<hbm>> -> memref<56x128xf32, #tpu.memory_space<hbm>>
      %dma_start3A_3217 = arith.constant 0 : i32
      %dma_start3A_3218 = arith.constant 0 : i32
      %dma_start3A_3219 = tpu.memref_slice %dma_start3A_3216[%dma_start3A_3217, %dma_start3A_3218] : memref<56x128xf32, #tpu.memory_space<hbm>> -> memref<50x64xf32, #tpu.memory_space<hbm>>
      %dma_start3A_3220 = arith.constant 0 : i32
      %dma_start3A_3221 = arith.constant 0 : i32
      %dma_start3A_3222 = arith.constant 0 : i32
      %dma_start3A_3223 = tpu.memref_slice %arg6[%dma_start3A_3192, %dma_start3A_3220, %dma_start3A_3221, %dma_start3A_3222] : memref<2x8x50x64xf32, #tpu.memory_space<vmem>> -> memref<1x8x50x64xf32, #tpu.memory_space<vmem>>
      %dma_start3A_3224 = tpu.memref_squeeze %dma_start3A_3223 : memref<1x8x50x64xf32, #tpu.memory_space<vmem>> -> memref<8x50x64xf32, #tpu.memory_space<vmem>>
      %dma_start3A_3225 = arith.constant 0 : i32
      %dma_start3A_3226 = arith.constant 0 : i32
      %dma_start3A_3227 = tpu.memref_slice %dma_start3A_3224[%dma_start3A_3193, %dma_start3A_3225, %dma_start3A_3226] : memref<8x50x64xf32, #tpu.memory_space<vmem>> -> memref<1x50x64xf32, #tpu.memory_space<vmem>>
      %dma_start3A_3228 = tpu.memref_squeeze %dma_start3A_3227 : memref<1x50x64xf32, #tpu.memory_space<vmem>> -> memref<50x64xf32, #tpu.memory_space<vmem>>
      tpu.enqueue_dma source(%dma_start3A_3228 : memref<50x64xf32, #tpu.memory_space<vmem>>) target(%dma_start3A_3219 : memref<50x64xf32, #tpu.memory_space<hbm>>) target_semaphore(%dma_start3A_3212 : memref<!tpu.dma_semaphore, #tpu.memory_space<semaphore_mem>>)
      %mul3A_3229 = arith.constant 8 : i32
      %mul3A_3230 = arith.muli %add3A_2994, %mul3A_3229 : i32
      %add3A_3231 = arith.addi %mul3A_2, %mul3A_3230 : i32
      %add3A_3232 = arith.constant 1 : i32
      %add3A_3233 = arith.addi %add3A_3231, %add3A_3232 : i32
      %dma_start3A_3234 = arith.constant 1 : i32
      %dma_start3A_3235 = arith.constant 1 : i32
      %dma_start3A_3236 = arith.constant 1 : i32
      %dma_start3A_3237 = arith.constant 0 : i32
      %dma_start3A_3238 = arith.constant 0 : i32
      %dma_start3A_3239 = arith.constant 0 : i32
      %dma_start3A_3240 = tpu.memref_slice %arg6[%dma_start3A_3234, %dma_start3A_3237, %dma_start3A_3238, %dma_start3A_3239] : memref<2x8x50x64xf32, #tpu.memory_space<vmem>> -> memref<1x8x50x64xf32, #tpu.memory_space<vmem>>
      %dma_start3A_3241 = tpu.memref_squeeze %dma_start3A_3240 : memref<1x8x50x64xf32, #tpu.memory_space<vmem>> -> memref<8x50x64xf32, #tpu.memory_space<vmem>>
      %dma_start3A_3242 = arith.constant 0 : i32
      %dma_start3A_3243 = arith.constant 0 : i32
      %dma_start3A_3244 = tpu.memref_slice %dma_start3A_3241[%dma_start3A_3235, %dma_start3A_3242, %dma_start3A_3243] : memref<8x50x64xf32, #tpu.memory_space<vmem>> -> memref<1x50x64xf32, #tpu.memory_space<vmem>>
      %dma_start3A_3245 = tpu.memref_squeeze %dma_start3A_3244 : memref<1x50x64xf32, #tpu.memory_space<vmem>> -> memref<50x64xf32, #tpu.memory_space<vmem>>
      %dma_start3A_3246 = arith.constant 0 : i32
      %dma_start3A_3247 = arith.constant 0 : i32
      %dma_start3A_3248 = tpu.memref_slice %arg4[%add3A_3233, %dma_start3A_3246, %dma_start3A_3247] : memref<16384x56x128xf32, #tpu.memory_space<hbm>> -> memref<1x56x128xf32, #tpu.memory_space<hbm>>
      %dma_start3A_3249 = tpu.memref_squeeze %dma_start3A_3248 : memref<1x56x128xf32, #tpu.memory_space<hbm>> -> memref<56x128xf32, #tpu.memory_space<hbm>>
      %dma_start3A_3250 = arith.constant 0 : i32
      %dma_start3A_3251 = arith.constant 0 : i32
      %dma_start3A_3252 = tpu.memref_slice %dma_start3A_3249[%dma_start3A_3250, %dma_start3A_3251] : memref<56x128xf32, #tpu.memory_space<hbm>> -> memref<50x64xf32, #tpu.memory_space<hbm>>
      %dma_start3A_3253 = tpu.memref_slice %arg8[%dma_start3A_3236] : memref<2x!tpu.dma_semaphore, #tpu.memory_space<semaphore_mem>> -> memref<1x!tpu.dma_semaphore, #tpu.memory_space<semaphore_mem>>
      %dma_start3A_3254 = tpu.memref_squeeze %dma_start3A_3253 : memref<1x!tpu.dma_semaphore, #tpu.memory_space<semaphore_mem>> -> memref<!tpu.dma_semaphore, #tpu.memory_space<semaphore_mem>>
      %dma_start3A_3255 = arith.constant 0 : i32
      %dma_start3A_3256 = arith.constant 0 : i32
      %dma_start3A_3257 = tpu.memref_slice %arg4[%add3A_3233, %dma_start3A_3255, %dma_start3A_3256] : memref<16384x56x128xf32, #tpu.memory_space<hbm>> -> memref<1x56x128xf32, #tpu.memory_space<hbm>>
      %dma_start3A_3258 = tpu.memref_squeeze %dma_start3A_3257 : memref<1x56x128xf32, #tpu.memory_space<hbm>> -> memref<56x128xf32, #tpu.memory_space<hbm>>
      %dma_start3A_3259 = arith.constant 0 : i32
      %dma_start3A_3260 = arith.constant 0 : i32
      %dma_start3A_3261 = tpu.memref_slice %dma_start3A_3258[%dma_start3A_3259, %dma_start3A_3260] : memref<56x128xf32, #tpu.memory_space<hbm>> -> memref<50x64xf32, #tpu.memory_space<hbm>>
      %dma_start3A_3262 = arith.constant 0 : i32
      %dma_start3A_3263 = arith.constant 0 : i32
      %dma_start3A_3264 = arith.constant 0 : i32
      %dma_start3A_3265 = tpu.memref_slice %arg6[%dma_start3A_3234, %dma_start3A_3262, %dma_start3A_3263, %dma_start3A_3264] : memref<2x8x50x64xf32, #tpu.memory_space<vmem>> -> memref<1x8x50x64xf32, #tpu.memory_space<vmem>>
      %dma_start3A_3266 = tpu.memref_squeeze %dma_start3A_3265 : memref<1x8x50x64xf32, #tpu.memory_space<vmem>> -> memref<8x50x64xf32, #tpu.memory_space<vmem>>
      %dma_start3A_3267 = arith.constant 0 : i32
      %dma_start3A_3268 = arith.constant 0 : i32
      %dma_start3A_3269 = tpu.memref_slice %dma_start3A_3266[%dma_start3A_3235, %dma_start3A_3267, %dma_start3A_3268] : memref<8x50x64xf32, #tpu.memory_space<vmem>> -> memref<1x50x64xf32, #tpu.memory_space<vmem>>
      %dma_start3A_3270 = tpu.memref_squeeze %dma_start3A_3269 : memref<1x50x64xf32, #tpu.memory_space<vmem>> -> memref<50x64xf32, #tpu.memory_space<vmem>>
      tpu.enqueue_dma source(%dma_start3A_3270 : memref<50x64xf32, #tpu.memory_space<vmem>>) target(%dma_start3A_3261 : memref<50x64xf32, #tpu.memory_space<hbm>>) target_semaphore(%dma_start3A_3254 : memref<!tpu.dma_semaphore, #tpu.memory_space<semaphore_mem>>)
      %mul3A_3271 = arith.constant 8 : i32
      %mul3A_3272 = arith.muli %add3A_2994, %mul3A_3271 : i32
      %add3A_3273 = arith.addi %mul3A_2, %mul3A_3272 : i32
      %add3A_3274 = arith.constant 2 : i32
      %add3A_3275 = arith.addi %add3A_3273, %add3A_3274 : i32
      %dma_start3A_3276 = arith.constant 1 : i32
      %dma_start3A_3277 = arith.constant 2 : i32
      %dma_start3A_3278 = arith.constant 1 : i32
      %dma_start3A_3279 = arith.constant 0 : i32
      %dma_start3A_3280 = arith.constant 0 : i32
      %dma_start3A_3281 = arith.constant 0 : i32
      %dma_start3A_3282 = tpu.memref_slice %arg6[%dma_start3A_3276, %dma_start3A_3279, %dma_start3A_3280, %dma_start3A_3281] : memref<2x8x50x64xf32, #tpu.memory_space<vmem>> -> memref<1x8x50x64xf32, #tpu.memory_space<vmem>>
      %dma_start3A_3283 = tpu.memref_squeeze %dma_start3A_3282 : memref<1x8x50x64xf32, #tpu.memory_space<vmem>> -> memref<8x50x64xf32, #tpu.memory_space<vmem>>
      %dma_start3A_3284 = arith.constant 0 : i32
      %dma_start3A_3285 = arith.constant 0 : i32
      %dma_start3A_3286 = tpu.memref_slice %dma_start3A_3283[%dma_start3A_3277, %dma_start3A_3284, %dma_start3A_3285] : memref<8x50x64xf32, #tpu.memory_space<vmem>> -> memref<1x50x64xf32, #tpu.memory_space<vmem>>
      %dma_start3A_3287 = tpu.memref_squeeze %dma_start3A_3286 : memref<1x50x64xf32, #tpu.memory_space<vmem>> -> memref<50x64xf32, #tpu.memory_space<vmem>>
      %dma_start3A_3288 = arith.constant 0 : i32
      %dma_start3A_3289 = arith.constant 0 : i32
      %dma_start3A_3290 = tpu.memref_slice %arg4[%add3A_3275, %dma_start3A_3288, %dma_start3A_3289] : memref<16384x56x128xf32, #tpu.memory_space<hbm>> -> memref<1x56x128xf32, #tpu.memory_space<hbm>>
      %dma_start3A_3291 = tpu.memref_squeeze %dma_start3A_3290 : memref<1x56x128xf32, #tpu.memory_space<hbm>> -> memref<56x128xf32, #tpu.memory_space<hbm>>
      %dma_start3A_3292 = arith.constant 0 : i32
      %dma_start3A_3293 = arith.constant 0 : i32
      %dma_start3A_3294 = tpu.memref_slice %dma_start3A_3291[%dma_start3A_3292, %dma_start3A_3293] : memref<56x128xf32, #tpu.memory_space<hbm>> -> memref<50x64xf32, #tpu.memory_space<hbm>>
      %dma_start3A_3295 = tpu.memref_slice %arg8[%dma_start3A_3278] : memref<2x!tpu.dma_semaphore, #tpu.memory_space<semaphore_mem>> -> memref<1x!tpu.dma_semaphore, #tpu.memory_space<semaphore_mem>>
      %dma_start3A_3296 = tpu.memref_squeeze %dma_start3A_3295 : memref<1x!tpu.dma_semaphore, #tpu.memory_space<semaphore_mem>> -> memref<!tpu.dma_semaphore, #tpu.memory_space<semaphore_mem>>
      %dma_start3A_3297 = arith.constant 0 : i32
      %dma_start3A_3298 = arith.constant 0 : i32
      %dma_start3A_3299 = tpu.memref_slice %arg4[%add3A_3275, %dma_start3A_3297, %dma_start3A_3298] : memref<16384x56x128xf32, #tpu.memory_space<hbm>> -> memref<1x56x128xf32, #tpu.memory_space<hbm>>
      %dma_start3A_3300 = tpu.memref_squeeze %dma_start3A_3299 : memref<1x56x128xf32, #tpu.memory_space<hbm>> -> memref<56x128xf32, #tpu.memory_space<hbm>>
      %dma_start3A_3301 = arith.constant 0 : i32
      %dma_start3A_3302 = arith.constant 0 : i32
      %dma_start3A_3303 = tpu.memref_slice %dma_start3A_3300[%dma_start3A_3301, %dma_start3A_3302] : memref<56x128xf32, #tpu.memory_space<hbm>> -> memref<50x64xf32, #tpu.memory_space<hbm>>
      %dma_start3A_3304 = arith.constant 0 : i32
      %dma_start3A_3305 = arith.constant 0 : i32
      %dma_start3A_3306 = arith.constant 0 : i32
      %dma_start3A_3307 = tpu.memref_slice %arg6[%dma_start3A_3276, %dma_start3A_3304, %dma_start3A_3305, %dma_start3A_3306] : memref<2x8x50x64xf32, #tpu.memory_space<vmem>> -> memref<1x8x50x64xf32, #tpu.memory_space<vmem>>
      %dma_start3A_3308 = tpu.memref_squeeze %dma_start3A_3307 : memref<1x8x50x64xf32, #tpu.memory_space<vmem>> -> memref<8x50x64xf32, #tpu.memory_space<vmem>>
      %dma_start3A_3309 = arith.constant 0 : i32
      %dma_start3A_3310 = arith.constant 0 : i32
      %dma_start3A_3311 = tpu.memref_slice %dma_start3A_3308[%dma_start3A_3277, %dma_start3A_3309, %dma_start3A_3310] : memref<8x50x64xf32, #tpu.memory_space<vmem>> -> memref<1x50x64xf32, #tpu.memory_space<vmem>>
      %dma_start3A_3312 = tpu.memref_squeeze %dma_start3A_3311 : memref<1x50x64xf32, #tpu.memory_space<vmem>> -> memref<50x64xf32, #tpu.memory_space<vmem>>
      tpu.enqueue_dma source(%dma_start3A_3312 : memref<50x64xf32, #tpu.memory_space<vmem>>) target(%dma_start3A_3303 : memref<50x64xf32, #tpu.memory_space<hbm>>) target_semaphore(%dma_start3A_3296 : memref<!tpu.dma_semaphore, #tpu.memory_space<semaphore_mem>>)
      %mul3A_3313 = arith.constant 8 : i32
      %mul3A_3314 = arith.muli %add3A_2994, %mul3A_3313 : i32
      %add3A_3315 = arith.addi %mul3A_2, %mul3A_3314 : i32
      %add3A_3316 = arith.constant 3 : i32
      %add3A_3317 = arith.addi %add3A_3315, %add3A_3316 : i32
      %dma_start3A_3318 = arith.constant 1 : i32
      %dma_start3A_3319 = arith.constant 3 : i32
      %dma_start3A_3320 = arith.constant 1 : i32
      %dma_start3A_3321 = arith.constant 0 : i32
      %dma_start3A_3322 = arith.constant 0 : i32
      %dma_start3A_3323 = arith.constant 0 : i32
      %dma_start3A_3324 = tpu.memref_slice %arg6[%dma_start3A_3318, %dma_start3A_3321, %dma_start3A_3322, %dma_start3A_3323] : memref<2x8x50x64xf32, #tpu.memory_space<vmem>> -> memref<1x8x50x64xf32, #tpu.memory_space<vmem>>
      %dma_start3A_3325 = tpu.memref_squeeze %dma_start3A_3324 : memref<1x8x50x64xf32, #tpu.memory_space<vmem>> -> memref<8x50x64xf32, #tpu.memory_space<vmem>>
      %dma_start3A_3326 = arith.constant 0 : i32
      %dma_start3A_3327 = arith.constant 0 : i32
      %dma_start3A_3328 = tpu.memref_slice %dma_start3A_3325[%dma_start3A_3319, %dma_start3A_3326, %dma_start3A_3327] : memref<8x50x64xf32, #tpu.memory_space<vmem>> -> memref<1x50x64xf32, #tpu.memory_space<vmem>>
      %dma_start3A_3329 = tpu.memref_squeeze %dma_start3A_3328 : memref<1x50x64xf32, #tpu.memory_space<vmem>> -> memref<50x64xf32, #tpu.memory_space<vmem>>
      %dma_start3A_3330 = arith.constant 0 : i32
      %dma_start3A_3331 = arith.constant 0 : i32
      %dma_start3A_3332 = tpu.memref_slice %arg4[%add3A_3317, %dma_start3A_3330, %dma_start3A_3331] : memref<16384x56x128xf32, #tpu.memory_space<hbm>> -> memref<1x56x128xf32, #tpu.memory_space<hbm>>
      %dma_start3A_3333 = tpu.memref_squeeze %dma_start3A_3332 : memref<1x56x128xf32, #tpu.memory_space<hbm>> -> memref<56x128xf32, #tpu.memory_space<hbm>>
      %dma_start3A_3334 = arith.constant 0 : i32
      %dma_start3A_3335 = arith.constant 0 : i32
      %dma_start3A_3336 = tpu.memref_slice %dma_start3A_3333[%dma_start3A_3334, %dma_start3A_3335] : memref<56x128xf32, #tpu.memory_space<hbm>> -> memref<50x64xf32, #tpu.memory_space<hbm>>
      %dma_start3A_3337 = tpu.memref_slice %arg8[%dma_start3A_3320] : memref<2x!tpu.dma_semaphore, #tpu.memory_space<semaphore_mem>> -> memref<1x!tpu.dma_semaphore, #tpu.memory_space<semaphore_mem>>
      %dma_start3A_3338 = tpu.memref_squeeze %dma_start3A_3337 : memref<1x!tpu.dma_semaphore, #tpu.memory_space<semaphore_mem>> -> memref<!tpu.dma_semaphore, #tpu.memory_space<semaphore_mem>>
      %dma_start3A_3339 = arith.constant 0 : i32
      %dma_start3A_3340 = arith.constant 0 : i32
      %dma_start3A_3341 = tpu.memref_slice %arg4[%add3A_3317, %dma_start3A_3339, %dma_start3A_3340] : memref<16384x56x128xf32, #tpu.memory_space<hbm>> -> memref<1x56x128xf32, #tpu.memory_space<hbm>>
      %dma_start3A_3342 = tpu.memref_squeeze %dma_start3A_3341 : memref<1x56x128xf32, #tpu.memory_space<hbm>> -> memref<56x128xf32, #tpu.memory_space<hbm>>
      %dma_start3A_3343 = arith.constant 0 : i32
      %dma_start3A_3344 = arith.constant 0 : i32
      %dma_start3A_3345 = tpu.memref_slice %dma_start3A_3342[%dma_start3A_3343, %dma_start3A_3344] : memref<56x128xf32, #tpu.memory_space<hbm>> -> memref<50x64xf32, #tpu.memory_space<hbm>>
      %dma_start3A_3346 = arith.constant 0 : i32
      %dma_start3A_3347 = arith.constant 0 : i32
      %dma_start3A_3348 = arith.constant 0 : i32
      %dma_start3A_3349 = tpu.memref_slice %arg6[%dma_start3A_3318, %dma_start3A_3346, %dma_start3A_3347, %dma_start3A_3348] : memref<2x8x50x64xf32, #tpu.memory_space<vmem>> -> memref<1x8x50x64xf32, #tpu.memory_space<vmem>>
      %dma_start3A_3350 = tpu.memref_squeeze %dma_start3A_3349 : memref<1x8x50x64xf32, #tpu.memory_space<vmem>> -> memref<8x50x64xf32, #tpu.memory_space<vmem>>
      %dma_start3A_3351 = arith.constant 0 : i32
      %dma_start3A_3352 = arith.constant 0 : i32
      %dma_start3A_3353 = tpu.memref_slice %dma_start3A_3350[%dma_start3A_3319, %dma_start3A_3351, %dma_start3A_3352] : memref<8x50x64xf32, #tpu.memory_space<vmem>> -> memref<1x50x64xf32, #tpu.memory_space<vmem>>
      %dma_start3A_3354 = tpu.memref_squeeze %dma_start3A_3353 : memref<1x50x64xf32, #tpu.memory_space<vmem>> -> memref<50x64xf32, #tpu.memory_space<vmem>>
      tpu.enqueue_dma source(%dma_start3A_3354 : memref<50x64xf32, #tpu.memory_space<vmem>>) target(%dma_start3A_3345 : memref<50x64xf32, #tpu.memory_space<hbm>>) target_semaphore(%dma_start3A_3338 : memref<!tpu.dma_semaphore, #tpu.memory_space<semaphore_mem>>)
      %mul3A_3355 = arith.constant 8 : i32
      %mul3A_3356 = arith.muli %add3A_2994, %mul3A_3355 : i32
      %add3A_3357 = arith.addi %mul3A_2, %mul3A_3356 : i32
      %add3A_3358 = arith.constant 4 : i32
      %add3A_3359 = arith.addi %add3A_3357, %add3A_3358 : i32
      %dma_start3A_3360 = arith.constant 1 : i32
      %dma_start3A_3361 = arith.constant 4 : i32
      %dma_start3A_3362 = arith.constant 1 : i32
      %dma_start3A_3363 = arith.constant 0 : i32
      %dma_start3A_3364 = arith.constant 0 : i32
      %dma_start3A_3365 = arith.constant 0 : i32
      %dma_start3A_3366 = tpu.memref_slice %arg6[%dma_start3A_3360, %dma_start3A_3363, %dma_start3A_3364, %dma_start3A_3365] : memref<2x8x50x64xf32, #tpu.memory_space<vmem>> -> memref<1x8x50x64xf32, #tpu.memory_space<vmem>>
      %dma_start3A_3367 = tpu.memref_squeeze %dma_start3A_3366 : memref<1x8x50x64xf32, #tpu.memory_space<vmem>> -> memref<8x50x64xf32, #tpu.memory_space<vmem>>
      %dma_start3A_3368 = arith.constant 0 : i32
      %dma_start3A_3369 = arith.constant 0 : i32
      %dma_start3A_3370 = tpu.memref_slice %dma_start3A_3367[%dma_start3A_3361, %dma_start3A_3368, %dma_start3A_3369] : memref<8x50x64xf32, #tpu.memory_space<vmem>> -> memref<1x50x64xf32, #tpu.memory_space<vmem>>
      %dma_start3A_3371 = tpu.memref_squeeze %dma_start3A_3370 : memref<1x50x64xf32, #tpu.memory_space<vmem>> -> memref<50x64xf32, #tpu.memory_space<vmem>>
      %dma_start3A_3372 = arith.constant 0 : i32
      %dma_start3A_3373 = arith.constant 0 : i32
      %dma_start3A_3374 = tpu.memref_slice %arg4[%add3A_3359, %dma_start3A_3372, %dma_start3A_3373] : memref<16384x56x128xf32, #tpu.memory_space<hbm>> -> memref<1x56x128xf32, #tpu.memory_space<hbm>>
      %dma_start3A_3375 = tpu.memref_squeeze %dma_start3A_3374 : memref<1x56x128xf32, #tpu.memory_space<hbm>> -> memref<56x128xf32, #tpu.memory_space<hbm>>
      %dma_start3A_3376 = arith.constant 0 : i32
      %dma_start3A_3377 = arith.constant 0 : i32
      %dma_start3A_3378 = tpu.memref_slice %dma_start3A_3375[%dma_start3A_3376, %dma_start3A_3377] : memref<56x128xf32, #tpu.memory_space<hbm>> -> memref<50x64xf32, #tpu.memory_space<hbm>>
      %dma_start3A_3379 = tpu.memref_slice %arg8[%dma_start3A_3362] : memref<2x!tpu.dma_semaphore, #tpu.memory_space<semaphore_mem>> -> memref<1x!tpu.dma_semaphore, #tpu.memory_space<semaphore_mem>>
      %dma_start3A_3380 = tpu.memref_squeeze %dma_start3A_3379 : memref<1x!tpu.dma_semaphore, #tpu.memory_space<semaphore_mem>> -> memref<!tpu.dma_semaphore, #tpu.memory_space<semaphore_mem>>
      %dma_start3A_3381 = arith.constant 0 : i32
      %dma_start3A_3382 = arith.constant 0 : i32
      %dma_start3A_3383 = tpu.memref_slice %arg4[%add3A_3359, %dma_start3A_3381, %dma_start3A_3382] : memref<16384x56x128xf32, #tpu.memory_space<hbm>> -> memref<1x56x128xf32, #tpu.memory_space<hbm>>
      %dma_start3A_3384 = tpu.memref_squeeze %dma_start3A_3383 : memref<1x56x128xf32, #tpu.memory_space<hbm>> -> memref<56x128xf32, #tpu.memory_space<hbm>>
      %dma_start3A_3385 = arith.constant 0 : i32
      %dma_start3A_3386 = arith.constant 0 : i32
      %dma_start3A_3387 = tpu.memref_slice %dma_start3A_3384[%dma_start3A_3385, %dma_start3A_3386] : memref<56x128xf32, #tpu.memory_space<hbm>> -> memref<50x64xf32, #tpu.memory_space<hbm>>
      %dma_start3A_3388 = arith.constant 0 : i32
      %dma_start3A_3389 = arith.constant 0 : i32
      %dma_start3A_3390 = arith.constant 0 : i32
      %dma_start3A_3391 = tpu.memref_slice %arg6[%dma_start3A_3360, %dma_start3A_3388, %dma_start3A_3389, %dma_start3A_3390] : memref<2x8x50x64xf32, #tpu.memory_space<vmem>> -> memref<1x8x50x64xf32, #tpu.memory_space<vmem>>
      %dma_start3A_3392 = tpu.memref_squeeze %dma_start3A_3391 : memref<1x8x50x64xf32, #tpu.memory_space<vmem>> -> memref<8x50x64xf32, #tpu.memory_space<vmem>>
      %dma_start3A_3393 = arith.constant 0 : i32
      %dma_start3A_3394 = arith.constant 0 : i32
      %dma_start3A_3395 = tpu.memref_slice %dma_start3A_3392[%dma_start3A_3361, %dma_start3A_3393, %dma_start3A_3394] : memref<8x50x64xf32, #tpu.memory_space<vmem>> -> memref<1x50x64xf32, #tpu.memory_space<vmem>>
      %dma_start3A_3396 = tpu.memref_squeeze %dma_start3A_3395 : memref<1x50x64xf32, #tpu.memory_space<vmem>> -> memref<50x64xf32, #tpu.memory_space<vmem>>
      tpu.enqueue_dma source(%dma_start3A_3396 : memref<50x64xf32, #tpu.memory_space<vmem>>) target(%dma_start3A_3387 : memref<50x64xf32, #tpu.memory_space<hbm>>) target_semaphore(%dma_start3A_3380 : memref<!tpu.dma_semaphore, #tpu.memory_space<semaphore_mem>>)
      %mul3A_3397 = arith.constant 8 : i32
      %mul3A_3398 = arith.muli %add3A_2994, %mul3A_3397 : i32
      %add3A_3399 = arith.addi %mul3A_2, %mul3A_3398 : i32
      %add3A_3400 = arith.constant 5 : i32
      %add3A_3401 = arith.addi %add3A_3399, %add3A_3400 : i32
      %dma_start3A_3402 = arith.constant 1 : i32
      %dma_start3A_3403 = arith.constant 5 : i32
      %dma_start3A_3404 = arith.constant 1 : i32
      %dma_start3A_3405 = arith.constant 0 : i32
      %dma_start3A_3406 = arith.constant 0 : i32
      %dma_start3A_3407 = arith.constant 0 : i32
      %dma_start3A_3408 = tpu.memref_slice %arg6[%dma_start3A_3402, %dma_start3A_3405, %dma_start3A_3406, %dma_start3A_3407] : memref<2x8x50x64xf32, #tpu.memory_space<vmem>> -> memref<1x8x50x64xf32, #tpu.memory_space<vmem>>
      %dma_start3A_3409 = tpu.memref_squeeze %dma_start3A_3408 : memref<1x8x50x64xf32, #tpu.memory_space<vmem>> -> memref<8x50x64xf32, #tpu.memory_space<vmem>>
      %dma_start3A_3410 = arith.constant 0 : i32
      %dma_start3A_3411 = arith.constant 0 : i32
      %dma_start3A_3412 = tpu.memref_slice %dma_start3A_3409[%dma_start3A_3403, %dma_start3A_3410, %dma_start3A_3411] : memref<8x50x64xf32, #tpu.memory_space<vmem>> -> memref<1x50x64xf32, #tpu.memory_space<vmem>>
      %dma_start3A_3413 = tpu.memref_squeeze %dma_start3A_3412 : memref<1x50x64xf32, #tpu.memory_space<vmem>> -> memref<50x64xf32, #tpu.memory_space<vmem>>
      %dma_start3A_3414 = arith.constant 0 : i32
      %dma_start3A_3415 = arith.constant 0 : i32
      %dma_start3A_3416 = tpu.memref_slice %arg4[%add3A_3401, %dma_start3A_3414, %dma_start3A_3415] : memref<16384x56x128xf32, #tpu.memory_space<hbm>> -> memref<1x56x128xf32, #tpu.memory_space<hbm>>
      %dma_start3A_3417 = tpu.memref_squeeze %dma_start3A_3416 : memref<1x56x128xf32, #tpu.memory_space<hbm>> -> memref<56x128xf32, #tpu.memory_space<hbm>>
      %dma_start3A_3418 = arith.constant 0 : i32
      %dma_start3A_3419 = arith.constant 0 : i32
      %dma_start3A_3420 = tpu.memref_slice %dma_start3A_3417[%dma_start3A_3418, %dma_start3A_3419] : memref<56x128xf32, #tpu.memory_space<hbm>> -> memref<50x64xf32, #tpu.memory_space<hbm>>
      %dma_start3A_3421 = tpu.memref_slice %arg8[%dma_start3A_3404] : memref<2x!tpu.dma_semaphore, #tpu.memory_space<semaphore_mem>> -> memref<1x!tpu.dma_semaphore, #tpu.memory_space<semaphore_mem>>
      %dma_start3A_3422 = tpu.memref_squeeze %dma_start3A_3421 : memref<1x!tpu.dma_semaphore, #tpu.memory_space<semaphore_mem>> -> memref<!tpu.dma_semaphore, #tpu.memory_space<semaphore_mem>>
      %dma_start3A_3423 = arith.constant 0 : i32
      %dma_start3A_3424 = arith.constant 0 : i32
      %dma_start3A_3425 = tpu.memref_slice %arg4[%add3A_3401, %dma_start3A_3423, %dma_start3A_3424] : memref<16384x56x128xf32, #tpu.memory_space<hbm>> -> memref<1x56x128xf32, #tpu.memory_space<hbm>>
      %dma_start3A_3426 = tpu.memref_squeeze %dma_start3A_3425 : memref<1x56x128xf32, #tpu.memory_space<hbm>> -> memref<56x128xf32, #tpu.memory_space<hbm>>
      %dma_start3A_3427 = arith.constant 0 : i32
      %dma_start3A_3428 = arith.constant 0 : i32
      %dma_start3A_3429 = tpu.memref_slice %dma_start3A_3426[%dma_start3A_3427, %dma_start3A_3428] : memref<56x128xf32, #tpu.memory_space<hbm>> -> memref<50x64xf32, #tpu.memory_space<hbm>>
      %dma_start3A_3430 = arith.constant 0 : i32
      %dma_start3A_3431 = arith.constant 0 : i32
      %dma_start3A_3432 = arith.constant 0 : i32
      %dma_start3A_3433 = tpu.memref_slice %arg6[%dma_start3A_3402, %dma_start3A_3430, %dma_start3A_3431, %dma_start3A_3432] : memref<2x8x50x64xf32, #tpu.memory_space<vmem>> -> memref<1x8x50x64xf32, #tpu.memory_space<vmem>>
      %dma_start3A_3434 = tpu.memref_squeeze %dma_start3A_3433 : memref<1x8x50x64xf32, #tpu.memory_space<vmem>> -> memref<8x50x64xf32, #tpu.memory_space<vmem>>
      %dma_start3A_3435 = arith.constant 0 : i32
      %dma_start3A_3436 = arith.constant 0 : i32
      %dma_start3A_3437 = tpu.memref_slice %dma_start3A_3434[%dma_start3A_3403, %dma_start3A_3435, %dma_start3A_3436] : memref<8x50x64xf32, #tpu.memory_space<vmem>> -> memref<1x50x64xf32, #tpu.memory_space<vmem>>
      %dma_start3A_3438 = tpu.memref_squeeze %dma_start3A_3437 : memref<1x50x64xf32, #tpu.memory_space<vmem>> -> memref<50x64xf32, #tpu.memory_space<vmem>>
      tpu.enqueue_dma source(%dma_start3A_3438 : memref<50x64xf32, #tpu.memory_space<vmem>>) target(%dma_start3A_3429 : memref<50x64xf32, #tpu.memory_space<hbm>>) target_semaphore(%dma_start3A_3422 : memref<!tpu.dma_semaphore, #tpu.memory_space<semaphore_mem>>)
      %mul3A_3439 = arith.constant 8 : i32
      %mul3A_3440 = arith.muli %add3A_2994, %mul3A_3439 : i32
      %add3A_3441 = arith.addi %mul3A_2, %mul3A_3440 : i32
      %add3A_3442 = arith.constant 6 : i32
      %add3A_3443 = arith.addi %add3A_3441, %add3A_3442 : i32
      %dma_start3A_3444 = arith.constant 1 : i32
      %dma_start3A_3445 = arith.constant 6 : i32
      %dma_start3A_3446 = arith.constant 1 : i32
      %dma_start3A_3447 = arith.constant 0 : i32
      %dma_start3A_3448 = arith.constant 0 : i32
      %dma_start3A_3449 = arith.constant 0 : i32
      %dma_start3A_3450 = tpu.memref_slice %arg6[%dma_start3A_3444, %dma_start3A_3447, %dma_start3A_3448, %dma_start3A_3449] : memref<2x8x50x64xf32, #tpu.memory_space<vmem>> -> memref<1x8x50x64xf32, #tpu.memory_space<vmem>>
      %dma_start3A_3451 = tpu.memref_squeeze %dma_start3A_3450 : memref<1x8x50x64xf32, #tpu.memory_space<vmem>> -> memref<8x50x64xf32, #tpu.memory_space<vmem>>
      %dma_start3A_3452 = arith.constant 0 : i32
      %dma_start3A_3453 = arith.constant 0 : i32
      %dma_start3A_3454 = tpu.memref_slice %dma_start3A_3451[%dma_start3A_3445, %dma_start3A_3452, %dma_start3A_3453] : memref<8x50x64xf32, #tpu.memory_space<vmem>> -> memref<1x50x64xf32, #tpu.memory_space<vmem>>
      %dma_start3A_3455 = tpu.memref_squeeze %dma_start3A_3454 : memref<1x50x64xf32, #tpu.memory_space<vmem>> -> memref<50x64xf32, #tpu.memory_space<vmem>>
      %dma_start3A_3456 = arith.constant 0 : i32
      %dma_start3A_3457 = arith.constant 0 : i32
      %dma_start3A_3458 = tpu.memref_slice %arg4[%add3A_3443, %dma_start3A_3456, %dma_start3A_3457] : memref<16384x56x128xf32, #tpu.memory_space<hbm>> -> memref<1x56x128xf32, #tpu.memory_space<hbm>>
      %dma_start3A_3459 = tpu.memref_squeeze %dma_start3A_3458 : memref<1x56x128xf32, #tpu.memory_space<hbm>> -> memref<56x128xf32, #tpu.memory_space<hbm>>
      %dma_start3A_3460 = arith.constant 0 : i32
      %dma_start3A_3461 = arith.constant 0 : i32
      %dma_start3A_3462 = tpu.memref_slice %dma_start3A_3459[%dma_start3A_3460, %dma_start3A_3461] : memref<56x128xf32, #tpu.memory_space<hbm>> -> memref<50x64xf32, #tpu.memory_space<hbm>>
      %dma_start3A_3463 = tpu.memref_slice %arg8[%dma_start3A_3446] : memref<2x!tpu.dma_semaphore, #tpu.memory_space<semaphore_mem>> -> memref<1x!tpu.dma_semaphore, #tpu.memory_space<semaphore_mem>>
      %dma_start3A_3464 = tpu.memref_squeeze %dma_start3A_3463 : memref<1x!tpu.dma_semaphore, #tpu.memory_space<semaphore_mem>> -> memref<!tpu.dma_semaphore, #tpu.memory_space<semaphore_mem>>
      %dma_start3A_3465 = arith.constant 0 : i32
      %dma_start3A_3466 = arith.constant 0 : i32
      %dma_start3A_3467 = tpu.memref_slice %arg4[%add3A_3443, %dma_start3A_3465, %dma_start3A_3466] : memref<16384x56x128xf32, #tpu.memory_space<hbm>> -> memref<1x56x128xf32, #tpu.memory_space<hbm>>
      %dma_start3A_3468 = tpu.memref_squeeze %dma_start3A_3467 : memref<1x56x128xf32, #tpu.memory_space<hbm>> -> memref<56x128xf32, #tpu.memory_space<hbm>>
      %dma_start3A_3469 = arith.constant 0 : i32
      %dma_start3A_3470 = arith.constant 0 : i32
      %dma_start3A_3471 = tpu.memref_slice %dma_start3A_3468[%dma_start3A_3469, %dma_start3A_3470] : memref<56x128xf32, #tpu.memory_space<hbm>> -> memref<50x64xf32, #tpu.memory_space<hbm>>
      %dma_start3A_3472 = arith.constant 0 : i32
      %dma_start3A_3473 = arith.constant 0 : i32
      %dma_start3A_3474 = arith.constant 0 : i32
      %dma_start3A_3475 = tpu.memref_slice %arg6[%dma_start3A_3444, %dma_start3A_3472, %dma_start3A_3473, %dma_start3A_3474] : memref<2x8x50x64xf32, #tpu.memory_space<vmem>> -> memref<1x8x50x64xf32, #tpu.memory_space<vmem>>
      %dma_start3A_3476 = tpu.memref_squeeze %dma_start3A_3475 : memref<1x8x50x64xf32, #tpu.memory_space<vmem>> -> memref<8x50x64xf32, #tpu.memory_space<vmem>>
      %dma_start3A_3477 = arith.constant 0 : i32
      %dma_start3A_3478 = arith.constant 0 : i32
      %dma_start3A_3479 = tpu.memref_slice %dma_start3A_3476[%dma_start3A_3445, %dma_start3A_3477, %dma_start3A_3478] : memref<8x50x64xf32, #tpu.memory_space<vmem>> -> memref<1x50x64xf32, #tpu.memory_space<vmem>>
      %dma_start3A_3480 = tpu.memref_squeeze %dma_start3A_3479 : memref<1x50x64xf32, #tpu.memory_space<vmem>> -> memref<50x64xf32, #tpu.memory_space<vmem>>
      tpu.enqueue_dma source(%dma_start3A_3480 : memref<50x64xf32, #tpu.memory_space<vmem>>) target(%dma_start3A_3471 : memref<50x64xf32, #tpu.memory_space<hbm>>) target_semaphore(%dma_start3A_3464 : memref<!tpu.dma_semaphore, #tpu.memory_space<semaphore_mem>>)
      %mul3A_3481 = arith.constant 8 : i32
      %mul3A_3482 = arith.muli %add3A_2994, %mul3A_3481 : i32
      %add3A_3483 = arith.addi %mul3A_2, %mul3A_3482 : i32
      %add3A_3484 = arith.constant 7 : i32
      %add3A_3485 = arith.addi %add3A_3483, %add3A_3484 : i32
      %dma_start3A_3486 = arith.constant 1 : i32
      %dma_start3A_3487 = arith.constant 7 : i32
      %dma_start3A_3488 = arith.constant 1 : i32
      %dma_start3A_3489 = arith.constant 0 : i32
      %dma_start3A_3490 = arith.constant 0 : i32
      %dma_start3A_3491 = arith.constant 0 : i32
      %dma_start3A_3492 = tpu.memref_slice %arg6[%dma_start3A_3486, %dma_start3A_3489, %dma_start3A_3490, %dma_start3A_3491] : memref<2x8x50x64xf32, #tpu.memory_space<vmem>> -> memref<1x8x50x64xf32, #tpu.memory_space<vmem>>
      %dma_start3A_3493 = tpu.memref_squeeze %dma_start3A_3492 : memref<1x8x50x64xf32, #tpu.memory_space<vmem>> -> memref<8x50x64xf32, #tpu.memory_space<vmem>>
      %dma_start3A_3494 = arith.constant 0 : i32
      %dma_start3A_3495 = arith.constant 0 : i32
      %dma_start3A_3496 = tpu.memref_slice %dma_start3A_3493[%dma_start3A_3487, %dma_start3A_3494, %dma_start3A_3495] : memref<8x50x64xf32, #tpu.memory_space<vmem>> -> memref<1x50x64xf32, #tpu.memory_space<vmem>>
      %dma_start3A_3497 = tpu.memref_squeeze %dma_start3A_3496 : memref<1x50x64xf32, #tpu.memory_space<vmem>> -> memref<50x64xf32, #tpu.memory_space<vmem>>
      %dma_start3A_3498 = arith.constant 0 : i32
      %dma_start3A_3499 = arith.constant 0 : i32
      %dma_start3A_3500 = tpu.memref_slice %arg4[%add3A_3485, %dma_start3A_3498, %dma_start3A_3499] : memref<16384x56x128xf32, #tpu.memory_space<hbm>> -> memref<1x56x128xf32, #tpu.memory_space<hbm>>
      %dma_start3A_3501 = tpu.memref_squeeze %dma_start3A_3500 : memref<1x56x128xf32, #tpu.memory_space<hbm>> -> memref<56x128xf32, #tpu.memory_space<hbm>>
      %dma_start3A_3502 = arith.constant 0 : i32
      %dma_start3A_3503 = arith.constant 0 : i32
      %dma_start3A_3504 = tpu.memref_slice %dma_start3A_3501[%dma_start3A_3502, %dma_start3A_3503] : memref<56x128xf32, #tpu.memory_space<hbm>> -> memref<50x64xf32, #tpu.memory_space<hbm>>
      %dma_start3A_3505 = tpu.memref_slice %arg8[%dma_start3A_3488] : memref<2x!tpu.dma_semaphore, #tpu.memory_space<semaphore_mem>> -> memref<1x!tpu.dma_semaphore, #tpu.memory_space<semaphore_mem>>
      %dma_start3A_3506 = tpu.memref_squeeze %dma_start3A_3505 : memref<1x!tpu.dma_semaphore, #tpu.memory_space<semaphore_mem>> -> memref<!tpu.dma_semaphore, #tpu.memory_space<semaphore_mem>>
      %dma_start3A_3507 = arith.constant 0 : i32
      %dma_start3A_3508 = arith.constant 0 : i32
      %dma_start3A_3509 = tpu.memref_slice %arg4[%add3A_3485, %dma_start3A_3507, %dma_start3A_3508] : memref<16384x56x128xf32, #tpu.memory_space<hbm>> -> memref<1x56x128xf32, #tpu.memory_space<hbm>>
      %dma_start3A_3510 = tpu.memref_squeeze %dma_start3A_3509 : memref<1x56x128xf32, #tpu.memory_space<hbm>> -> memref<56x128xf32, #tpu.memory_space<hbm>>
      %dma_start3A_3511 = arith.constant 0 : i32
      %dma_start3A_3512 = arith.constant 0 : i32
      %dma_start3A_3513 = tpu.memref_slice %dma_start3A_3510[%dma_start3A_3511, %dma_start3A_3512] : memref<56x128xf32, #tpu.memory_space<hbm>> -> memref<50x64xf32, #tpu.memory_space<hbm>>
      %dma_start3A_3514 = arith.constant 0 : i32
      %dma_start3A_3515 = arith.constant 0 : i32
      %dma_start3A_3516 = arith.constant 0 : i32
      %dma_start3A_3517 = tpu.memref_slice %arg6[%dma_start3A_3486, %dma_start3A_3514, %dma_start3A_3515, %dma_start3A_3516] : memref<2x8x50x64xf32, #tpu.memory_space<vmem>> -> memref<1x8x50x64xf32, #tpu.memory_space<vmem>>
      %dma_start3A_3518 = tpu.memref_squeeze %dma_start3A_3517 : memref<1x8x50x64xf32, #tpu.memory_space<vmem>> -> memref<8x50x64xf32, #tpu.memory_space<vmem>>
      %dma_start3A_3519 = arith.constant 0 : i32
      %dma_start3A_3520 = arith.constant 0 : i32
      %dma_start3A_3521 = tpu.memref_slice %dma_start3A_3518[%dma_start3A_3487, %dma_start3A_3519, %dma_start3A_3520] : memref<8x50x64xf32, #tpu.memory_space<vmem>> -> memref<1x50x64xf32, #tpu.memory_space<vmem>>
      %dma_start3A_3522 = tpu.memref_squeeze %dma_start3A_3521 : memref<1x50x64xf32, #tpu.memory_space<vmem>> -> memref<50x64xf32, #tpu.memory_space<vmem>>
      tpu.enqueue_dma source(%dma_start3A_3522 : memref<50x64xf32, #tpu.memory_space<vmem>>) target(%dma_start3A_3513 : memref<50x64xf32, #tpu.memory_space<hbm>>) target_semaphore(%dma_start3A_3506 : memref<!tpu.dma_semaphore, #tpu.memory_space<semaphore_mem>>)
      %mul3A_3523 = arith.constant 8 : i32
      %mul3A_3524 = arith.muli %add3A_2994, %mul3A_3523 : i32
      %add3A_3525 = arith.addi %mul3A_2, %mul3A_3524 : i32
      %add3A_3526 = arith.constant 0 : i32
      %add3A_3527 = arith.addi %add3A_3525, %add3A_3526 : i32
      %dma_wait3A_3528 = arith.constant 1 : i32
      %dma_wait3A_3529 = arith.constant 0 : i32
      %dma_wait3A_3530 = arith.constant 1 : i32
      %dma_wait3A_3531 = arith.constant 0 : i32
      %dma_wait3A_3532 = arith.constant 0 : i32
      %dma_wait3A_3533 = arith.constant 0 : i32
      %dma_wait3A_3534 = tpu.memref_slice %arg6[%dma_wait3A_3528, %dma_wait3A_3531, %dma_wait3A_3532, %dma_wait3A_3533] : memref<2x8x50x64xf32, #tpu.memory_space<vmem>> -> memref<1x8x50x64xf32, #tpu.memory_space<vmem>>
      %dma_wait3A_3535 = tpu.memref_squeeze %dma_wait3A_3534 : memref<1x8x50x64xf32, #tpu.memory_space<vmem>> -> memref<8x50x64xf32, #tpu.memory_space<vmem>>
      %dma_wait3A_3536 = arith.constant 0 : i32
      %dma_wait3A_3537 = arith.constant 0 : i32
      %dma_wait3A_3538 = tpu.memref_slice %dma_wait3A_3535[%dma_wait3A_3529, %dma_wait3A_3536, %dma_wait3A_3537] : memref<8x50x64xf32, #tpu.memory_space<vmem>> -> memref<1x50x64xf32, #tpu.memory_space<vmem>>
      %dma_wait3A_3539 = tpu.memref_squeeze %dma_wait3A_3538 : memref<1x50x64xf32, #tpu.memory_space<vmem>> -> memref<50x64xf32, #tpu.memory_space<vmem>>
      %dma_wait3A_3540 = arith.constant 0 : i32
      %dma_wait3A_3541 = arith.constant 0 : i32
      %dma_wait3A_3542 = tpu.memref_slice %arg4[%add3A_3527, %dma_wait3A_3540, %dma_wait3A_3541] : memref<16384x56x128xf32, #tpu.memory_space<hbm>> -> memref<1x56x128xf32, #tpu.memory_space<hbm>>
      %dma_wait3A_3543 = tpu.memref_squeeze %dma_wait3A_3542 : memref<1x56x128xf32, #tpu.memory_space<hbm>> -> memref<56x128xf32, #tpu.memory_space<hbm>>
      %dma_wait3A_3544 = arith.constant 0 : i32
      %dma_wait3A_3545 = arith.constant 0 : i32
      %dma_wait3A_3546 = tpu.memref_slice %dma_wait3A_3543[%dma_wait3A_3544, %dma_wait3A_3545] : memref<56x128xf32, #tpu.memory_space<hbm>> -> memref<50x64xf32, #tpu.memory_space<hbm>>
      %dma_wait3A_3547 = tpu.memref_slice %arg8[%dma_wait3A_3530] : memref<2x!tpu.dma_semaphore, #tpu.memory_space<semaphore_mem>> -> memref<1x!tpu.dma_semaphore, #tpu.memory_space<semaphore_mem>>
      %dma_wait3A_3548 = tpu.memref_squeeze %dma_wait3A_3547 : memref<1x!tpu.dma_semaphore, #tpu.memory_space<semaphore_mem>> -> memref<!tpu.dma_semaphore, #tpu.memory_space<semaphore_mem>>
      %dma_wait3A_3549 = arith.constant 0 : i32
      %dma_wait3A_3550 = arith.constant 0 : i32
      %dma_wait3A_3551 = tpu.memref_slice %arg4[%add3A_3527, %dma_wait3A_3549, %dma_wait3A_3550] : memref<16384x56x128xf32, #tpu.memory_space<hbm>> -> memref<1x56x128xf32, #tpu.memory_space<hbm>>
      %dma_wait3A_3552 = tpu.memref_squeeze %dma_wait3A_3551 : memref<1x56x128xf32, #tpu.memory_space<hbm>> -> memref<56x128xf32, #tpu.memory_space<hbm>>
      %dma_wait3A_3553 = arith.constant 0 : i32
      %dma_wait3A_3554 = arith.constant 0 : i32
      %dma_wait3A_3555 = tpu.memref_slice %dma_wait3A_3552[%dma_wait3A_3553, %dma_wait3A_3554] : memref<56x128xf32, #tpu.memory_space<hbm>> -> memref<50x64xf32, #tpu.memory_space<hbm>>
      %dma_wait3A_3556 = arith.constant 0 : i32
      %dma_wait3A_3557 = arith.constant 0 : i32
      %dma_wait3A_3558 = arith.constant 0 : i32
      %dma_wait3A_3559 = tpu.memref_slice %arg6[%dma_wait3A_3528, %dma_wait3A_3556, %dma_wait3A_3557, %dma_wait3A_3558] : memref<2x8x50x64xf32, #tpu.memory_space<vmem>> -> memref<1x8x50x64xf32, #tpu.memory_space<vmem>>
      %dma_wait3A_3560 = tpu.memref_squeeze %dma_wait3A_3559 : memref<1x8x50x64xf32, #tpu.memory_space<vmem>> -> memref<8x50x64xf32, #tpu.memory_space<vmem>>
      %dma_wait3A_3561 = arith.constant 0 : i32
      %dma_wait3A_3562 = arith.constant 0 : i32
      %dma_wait3A_3563 = tpu.memref_slice %dma_wait3A_3560[%dma_wait3A_3529, %dma_wait3A_3561, %dma_wait3A_3562] : memref<8x50x64xf32, #tpu.memory_space<vmem>> -> memref<1x50x64xf32, #tpu.memory_space<vmem>>
      %dma_wait3A_3564 = tpu.memref_squeeze %dma_wait3A_3563 : memref<1x50x64xf32, #tpu.memory_space<vmem>> -> memref<50x64xf32, #tpu.memory_space<vmem>>
      tpu.wait_dma2 semaphore(%dma_wait3A_3548 : memref<!tpu.dma_semaphore, #tpu.memory_space<semaphore_mem>>) src(%dma_wait3A_3564 : memref<50x64xf32, #tpu.memory_space<vmem>>) dst(%dma_wait3A_3555 : memref<50x64xf32, #tpu.memory_space<hbm>>)
      %mul3A_3565 = arith.constant 8 : i32
      %mul3A_3566 = arith.muli %add3A_2994, %mul3A_3565 : i32
      %add3A_3567 = arith.addi %mul3A_2, %mul3A_3566 : i32
      %add3A_3568 = arith.constant 1 : i32
      %add3A_3569 = arith.addi %add3A_3567, %add3A_3568 : i32
      %dma_wait3A_3570 = arith.constant 1 : i32
      %dma_wait3A_3571 = arith.constant 1 : i32
      %dma_wait3A_3572 = arith.constant 1 : i32
      %dma_wait3A_3573 = arith.constant 0 : i32
      %dma_wait3A_3574 = arith.constant 0 : i32
      %dma_wait3A_3575 = arith.constant 0 : i32
      %dma_wait3A_3576 = tpu.memref_slice %arg6[%dma_wait3A_3570, %dma_wait3A_3573, %dma_wait3A_3574, %dma_wait3A_3575] : memref<2x8x50x64xf32, #tpu.memory_space<vmem>> -> memref<1x8x50x64xf32, #tpu.memory_space<vmem>>
      %dma_wait3A_3577 = tpu.memref_squeeze %dma_wait3A_3576 : memref<1x8x50x64xf32, #tpu.memory_space<vmem>> -> memref<8x50x64xf32, #tpu.memory_space<vmem>>
      %dma_wait3A_3578 = arith.constant 0 : i32
      %dma_wait3A_3579 = arith.constant 0 : i32
      %dma_wait3A_3580 = tpu.memref_slice %dma_wait3A_3577[%dma_wait3A_3571, %dma_wait3A_3578, %dma_wait3A_3579] : memref<8x50x64xf32, #tpu.memory_space<vmem>> -> memref<1x50x64xf32, #tpu.memory_space<vmem>>
      %dma_wait3A_3581 = tpu.memref_squeeze %dma_wait3A_3580 : memref<1x50x64xf32, #tpu.memory_space<vmem>> -> memref<50x64xf32, #tpu.memory_space<vmem>>
      %dma_wait3A_3582 = arith.constant 0 : i32
      %dma_wait3A_3583 = arith.constant 0 : i32
      %dma_wait3A_3584 = tpu.memref_slice %arg4[%add3A_3569, %dma_wait3A_3582, %dma_wait3A_3583] : memref<16384x56x128xf32, #tpu.memory_space<hbm>> -> memref<1x56x128xf32, #tpu.memory_space<hbm>>
      %dma_wait3A_3585 = tpu.memref_squeeze %dma_wait3A_3584 : memref<1x56x128xf32, #tpu.memory_space<hbm>> -> memref<56x128xf32, #tpu.memory_space<hbm>>
      %dma_wait3A_3586 = arith.constant 0 : i32
      %dma_wait3A_3587 = arith.constant 0 : i32
      %dma_wait3A_3588 = tpu.memref_slice %dma_wait3A_3585[%dma_wait3A_3586, %dma_wait3A_3587] : memref<56x128xf32, #tpu.memory_space<hbm>> -> memref<50x64xf32, #tpu.memory_space<hbm>>
      %dma_wait3A_3589 = tpu.memref_slice %arg8[%dma_wait3A_3572] : memref<2x!tpu.dma_semaphore, #tpu.memory_space<semaphore_mem>> -> memref<1x!tpu.dma_semaphore, #tpu.memory_space<semaphore_mem>>
      %dma_wait3A_3590 = tpu.memref_squeeze %dma_wait3A_3589 : memref<1x!tpu.dma_semaphore, #tpu.memory_space<semaphore_mem>> -> memref<!tpu.dma_semaphore, #tpu.memory_space<semaphore_mem>>
      %dma_wait3A_3591 = arith.constant 0 : i32
      %dma_wait3A_3592 = arith.constant 0 : i32
      %dma_wait3A_3593 = tpu.memref_slice %arg4[%add3A_3569, %dma_wait3A_3591, %dma_wait3A_3592] : memref<16384x56x128xf32, #tpu.memory_space<hbm>> -> memref<1x56x128xf32, #tpu.memory_space<hbm>>
      %dma_wait3A_3594 = tpu.memref_squeeze %dma_wait3A_3593 : memref<1x56x128xf32, #tpu.memory_space<hbm>> -> memref<56x128xf32, #tpu.memory_space<hbm>>
      %dma_wait3A_3595 = arith.constant 0 : i32
      %dma_wait3A_3596 = arith.constant 0 : i32
      %dma_wait3A_3597 = tpu.memref_slice %dma_wait3A_3594[%dma_wait3A_3595, %dma_wait3A_3596] : memref<56x128xf32, #tpu.memory_space<hbm>> -> memref<50x64xf32, #tpu.memory_space<hbm>>
      %dma_wait3A_3598 = arith.constant 0 : i32
      %dma_wait3A_3599 = arith.constant 0 : i32
      %dma_wait3A_3600 = arith.constant 0 : i32
      %dma_wait3A_3601 = tpu.memref_slice %arg6[%dma_wait3A_3570, %dma_wait3A_3598, %dma_wait3A_3599, %dma_wait3A_3600] : memref<2x8x50x64xf32, #tpu.memory_space<vmem>> -> memref<1x8x50x64xf32, #tpu.memory_space<vmem>>
      %dma_wait3A_3602 = tpu.memref_squeeze %dma_wait3A_3601 : memref<1x8x50x64xf32, #tpu.memory_space<vmem>> -> memref<8x50x64xf32, #tpu.memory_space<vmem>>
      %dma_wait3A_3603 = arith.constant 0 : i32
      %dma_wait3A_3604 = arith.constant 0 : i32
      %dma_wait3A_3605 = tpu.memref_slice %dma_wait3A_3602[%dma_wait3A_3571, %dma_wait3A_3603, %dma_wait3A_3604] : memref<8x50x64xf32, #tpu.memory_space<vmem>> -> memref<1x50x64xf32, #tpu.memory_space<vmem>>
      %dma_wait3A_3606 = tpu.memref_squeeze %dma_wait3A_3605 : memref<1x50x64xf32, #tpu.memory_space<vmem>> -> memref<50x64xf32, #tpu.memory_space<vmem>>
      tpu.wait_dma2 semaphore(%dma_wait3A_3590 : memref<!tpu.dma_semaphore, #tpu.memory_space<semaphore_mem>>) src(%dma_wait3A_3606 : memref<50x64xf32, #tpu.memory_space<vmem>>) dst(%dma_wait3A_3597 : memref<50x64xf32, #tpu.memory_space<hbm>>)
      %mul3A_3607 = arith.constant 8 : i32
      %mul3A_3608 = arith.muli %add3A_2994, %mul3A_3607 : i32
      %add3A_3609 = arith.addi %mul3A_2, %mul3A_3608 : i32
      %add3A_3610 = arith.constant 2 : i32
      %add3A_3611 = arith.addi %add3A_3609, %add3A_3610 : i32
      %dma_wait3A_3612 = arith.constant 1 : i32
      %dma_wait3A_3613 = arith.constant 2 : i32
      %dma_wait3A_3614 = arith.constant 1 : i32
      %dma_wait3A_3615 = arith.constant 0 : i32
      %dma_wait3A_3616 = arith.constant 0 : i32
      %dma_wait3A_3617 = arith.constant 0 : i32
      %dma_wait3A_3618 = tpu.memref_slice %arg6[%dma_wait3A_3612, %dma_wait3A_3615, %dma_wait3A_3616, %dma_wait3A_3617] : memref<2x8x50x64xf32, #tpu.memory_space<vmem>> -> memref<1x8x50x64xf32, #tpu.memory_space<vmem>>
      %dma_wait3A_3619 = tpu.memref_squeeze %dma_wait3A_3618 : memref<1x8x50x64xf32, #tpu.memory_space<vmem>> -> memref<8x50x64xf32, #tpu.memory_space<vmem>>
      %dma_wait3A_3620 = arith.constant 0 : i32
      %dma_wait3A_3621 = arith.constant 0 : i32
      %dma_wait3A_3622 = tpu.memref_slice %dma_wait3A_3619[%dma_wait3A_3613, %dma_wait3A_3620, %dma_wait3A_3621] : memref<8x50x64xf32, #tpu.memory_space<vmem>> -> memref<1x50x64xf32, #tpu.memory_space<vmem>>
      %dma_wait3A_3623 = tpu.memref_squeeze %dma_wait3A_3622 : memref<1x50x64xf32, #tpu.memory_space<vmem>> -> memref<50x64xf32, #tpu.memory_space<vmem>>
      %dma_wait3A_3624 = arith.constant 0 : i32
      %dma_wait3A_3625 = arith.constant 0 : i32
      %dma_wait3A_3626 = tpu.memref_slice %arg4[%add3A_3611, %dma_wait3A_3624, %dma_wait3A_3625] : memref<16384x56x128xf32, #tpu.memory_space<hbm>> -> memref<1x56x128xf32, #tpu.memory_space<hbm>>
      %dma_wait3A_3627 = tpu.memref_squeeze %dma_wait3A_3626 : memref<1x56x128xf32, #tpu.memory_space<hbm>> -> memref<56x128xf32, #tpu.memory_space<hbm>>
      %dma_wait3A_3628 = arith.constant 0 : i32
      %dma_wait3A_3629 = arith.constant 0 : i32
      %dma_wait3A_3630 = tpu.memref_slice %dma_wait3A_3627[%dma_wait3A_3628, %dma_wait3A_3629] : memref<56x128xf32, #tpu.memory_space<hbm>> -> memref<50x64xf32, #tpu.memory_space<hbm>>
      %dma_wait3A_3631 = tpu.memref_slice %arg8[%dma_wait3A_3614] : memref<2x!tpu.dma_semaphore, #tpu.memory_space<semaphore_mem>> -> memref<1x!tpu.dma_semaphore, #tpu.memory_space<semaphore_mem>>
      %dma_wait3A_3632 = tpu.memref_squeeze %dma_wait3A_3631 : memref<1x!tpu.dma_semaphore, #tpu.memory_space<semaphore_mem>> -> memref<!tpu.dma_semaphore, #tpu.memory_space<semaphore_mem>>
      %dma_wait3A_3633 = arith.constant 0 : i32
      %dma_wait3A_3634 = arith.constant 0 : i32
      %dma_wait3A_3635 = tpu.memref_slice %arg4[%add3A_3611, %dma_wait3A_3633, %dma_wait3A_3634] : memref<16384x56x128xf32, #tpu.memory_space<hbm>> -> memref<1x56x128xf32, #tpu.memory_space<hbm>>
      %dma_wait3A_3636 = tpu.memref_squeeze %dma_wait3A_3635 : memref<1x56x128xf32, #tpu.memory_space<hbm>> -> memref<56x128xf32, #tpu.memory_space<hbm>>
      %dma_wait3A_3637 = arith.constant 0 : i32
      %dma_wait3A_3638 = arith.constant 0 : i32
      %dma_wait3A_3639 = tpu.memref_slice %dma_wait3A_3636[%dma_wait3A_3637, %dma_wait3A_3638] : memref<56x128xf32, #tpu.memory_space<hbm>> -> memref<50x64xf32, #tpu.memory_space<hbm>>
      %dma_wait3A_3640 = arith.constant 0 : i32
      %dma_wait3A_3641 = arith.constant 0 : i32
      %dma_wait3A_3642 = arith.constant 0 : i32
      %dma_wait3A_3643 = tpu.memref_slice %arg6[%dma_wait3A_3612, %dma_wait3A_3640, %dma_wait3A_3641, %dma_wait3A_3642] : memref<2x8x50x64xf32, #tpu.memory_space<vmem>> -> memref<1x8x50x64xf32, #tpu.memory_space<vmem>>
      %dma_wait3A_3644 = tpu.memref_squeeze %dma_wait3A_3643 : memref<1x8x50x64xf32, #tpu.memory_space<vmem>> -> memref<8x50x64xf32, #tpu.memory_space<vmem>>
      %dma_wait3A_3645 = arith.constant 0 : i32
      %dma_wait3A_3646 = arith.constant 0 : i32
      %dma_wait3A_3647 = tpu.memref_slice %dma_wait3A_3644[%dma_wait3A_3613, %dma_wait3A_3645, %dma_wait3A_3646] : memref<8x50x64xf32, #tpu.memory_space<vmem>> -> memref<1x50x64xf32, #tpu.memory_space<vmem>>
      %dma_wait3A_3648 = tpu.memref_squeeze %dma_wait3A_3647 : memref<1x50x64xf32, #tpu.memory_space<vmem>> -> memref<50x64xf32, #tpu.memory_space<vmem>>
      tpu.wait_dma2 semaphore(%dma_wait3A_3632 : memref<!tpu.dma_semaphore, #tpu.memory_space<semaphore_mem>>) src(%dma_wait3A_3648 : memref<50x64xf32, #tpu.memory_space<vmem>>) dst(%dma_wait3A_3639 : memref<50x64xf32, #tpu.memory_space<hbm>>)
      %mul3A_3649 = arith.constant 8 : i32
      %mul3A_3650 = arith.muli %add3A_2994, %mul3A_3649 : i32
      %add3A_3651 = arith.addi %mul3A_2, %mul3A_3650 : i32
      %add3A_3652 = arith.constant 3 : i32
      %add3A_3653 = arith.addi %add3A_3651, %add3A_3652 : i32
      %dma_wait3A_3654 = arith.constant 1 : i32
      %dma_wait3A_3655 = arith.constant 3 : i32
      %dma_wait3A_3656 = arith.constant 1 : i32
      %dma_wait3A_3657 = arith.constant 0 : i32
      %dma_wait3A_3658 = arith.constant 0 : i32
      %dma_wait3A_3659 = arith.constant 0 : i32
      %dma_wait3A_3660 = tpu.memref_slice %arg6[%dma_wait3A_3654, %dma_wait3A_3657, %dma_wait3A_3658, %dma_wait3A_3659] : memref<2x8x50x64xf32, #tpu.memory_space<vmem>> -> memref<1x8x50x64xf32, #tpu.memory_space<vmem>>
      %dma_wait3A_3661 = tpu.memref_squeeze %dma_wait3A_3660 : memref<1x8x50x64xf32, #tpu.memory_space<vmem>> -> memref<8x50x64xf32, #tpu.memory_space<vmem>>
      %dma_wait3A_3662 = arith.constant 0 : i32
      %dma_wait3A_3663 = arith.constant 0 : i32
      %dma_wait3A_3664 = tpu.memref_slice %dma_wait3A_3661[%dma_wait3A_3655, %dma_wait3A_3662, %dma_wait3A_3663] : memref<8x50x64xf32, #tpu.memory_space<vmem>> -> memref<1x50x64xf32, #tpu.memory_space<vmem>>
      %dma_wait3A_3665 = tpu.memref_squeeze %dma_wait3A_3664 : memref<1x50x64xf32, #tpu.memory_space<vmem>> -> memref<50x64xf32, #tpu.memory_space<vmem>>
      %dma_wait3A_3666 = arith.constant 0 : i32
      %dma_wait3A_3667 = arith.constant 0 : i32
      %dma_wait3A_3668 = tpu.memref_slice %arg4[%add3A_3653, %dma_wait3A_3666, %dma_wait3A_3667] : memref<16384x56x128xf32, #tpu.memory_space<hbm>> -> memref<1x56x128xf32, #tpu.memory_space<hbm>>
      %dma_wait3A_3669 = tpu.memref_squeeze %dma_wait3A_3668 : memref<1x56x128xf32, #tpu.memory_space<hbm>> -> memref<56x128xf32, #tpu.memory_space<hbm>>
      %dma_wait3A_3670 = arith.constant 0 : i32
      %dma_wait3A_3671 = arith.constant 0 : i32
      %dma_wait3A_3672 = tpu.memref_slice %dma_wait3A_3669[%dma_wait3A_3670, %dma_wait3A_3671] : memref<56x128xf32, #tpu.memory_space<hbm>> -> memref<50x64xf32, #tpu.memory_space<hbm>>
      %dma_wait3A_3673 = tpu.memref_slice %arg8[%dma_wait3A_3656] : memref<2x!tpu.dma_semaphore, #tpu.memory_space<semaphore_mem>> -> memref<1x!tpu.dma_semaphore, #tpu.memory_space<semaphore_mem>>
      %dma_wait3A_3674 = tpu.memref_squeeze %dma_wait3A_3673 : memref<1x!tpu.dma_semaphore, #tpu.memory_space<semaphore_mem>> -> memref<!tpu.dma_semaphore, #tpu.memory_space<semaphore_mem>>
      %dma_wait3A_3675 = arith.constant 0 : i32
      %dma_wait3A_3676 = arith.constant 0 : i32
      %dma_wait3A_3677 = tpu.memref_slice %arg4[%add3A_3653, %dma_wait3A_3675, %dma_wait3A_3676] : memref<16384x56x128xf32, #tpu.memory_space<hbm>> -> memref<1x56x128xf32, #tpu.memory_space<hbm>>
      %dma_wait3A_3678 = tpu.memref_squeeze %dma_wait3A_3677 : memref<1x56x128xf32, #tpu.memory_space<hbm>> -> memref<56x128xf32, #tpu.memory_space<hbm>>
      %dma_wait3A_3679 = arith.constant 0 : i32
      %dma_wait3A_3680 = arith.constant 0 : i32
      %dma_wait3A_3681 = tpu.memref_slice %dma_wait3A_3678[%dma_wait3A_3679, %dma_wait3A_3680] : memref<56x128xf32, #tpu.memory_space<hbm>> -> memref<50x64xf32, #tpu.memory_space<hbm>>
      %dma_wait3A_3682 = arith.constant 0 : i32
      %dma_wait3A_3683 = arith.constant 0 : i32
      %dma_wait3A_3684 = arith.constant 0 : i32
      %dma_wait3A_3685 = tpu.memref_slice %arg6[%dma_wait3A_3654, %dma_wait3A_3682, %dma_wait3A_3683, %dma_wait3A_3684] : memref<2x8x50x64xf32, #tpu.memory_space<vmem>> -> memref<1x8x50x64xf32, #tpu.memory_space<vmem>>
      %dma_wait3A_3686 = tpu.memref_squeeze %dma_wait3A_3685 : memref<1x8x50x64xf32, #tpu.memory_space<vmem>> -> memref<8x50x64xf32, #tpu.memory_space<vmem>>
      %dma_wait3A_3687 = arith.constant 0 : i32
      %dma_wait3A_3688 = arith.constant 0 : i32
      %dma_wait3A_3689 = tpu.memref_slice %dma_wait3A_3686[%dma_wait3A_3655, %dma_wait3A_3687, %dma_wait3A_3688] : memref<8x50x64xf32, #tpu.memory_space<vmem>> -> memref<1x50x64xf32, #tpu.memory_space<vmem>>
      %dma_wait3A_3690 = tpu.memref_squeeze %dma_wait3A_3689 : memref<1x50x64xf32, #tpu.memory_space<vmem>> -> memref<50x64xf32, #tpu.memory_space<vmem>>
      tpu.wait_dma2 semaphore(%dma_wait3A_3674 : memref<!tpu.dma_semaphore, #tpu.memory_space<semaphore_mem>>) src(%dma_wait3A_3690 : memref<50x64xf32, #tpu.memory_space<vmem>>) dst(%dma_wait3A_3681 : memref<50x64xf32, #tpu.memory_space<hbm>>)
      %mul3A_3691 = arith.constant 8 : i32
      %mul3A_3692 = arith.muli %add3A_2994, %mul3A_3691 : i32
      %add3A_3693 = arith.addi %mul3A_2, %mul3A_3692 : i32
      %add3A_3694 = arith.constant 4 : i32
      %add3A_3695 = arith.addi %add3A_3693, %add3A_3694 : i32
      %dma_wait3A_3696 = arith.constant 1 : i32
      %dma_wait3A_3697 = arith.constant 4 : i32
      %dma_wait3A_3698 = arith.constant 1 : i32
      %dma_wait3A_3699 = arith.constant 0 : i32
      %dma_wait3A_3700 = arith.constant 0 : i32
      %dma_wait3A_3701 = arith.constant 0 : i32
      %dma_wait3A_3702 = tpu.memref_slice %arg6[%dma_wait3A_3696, %dma_wait3A_3699, %dma_wait3A_3700, %dma_wait3A_3701] : memref<2x8x50x64xf32, #tpu.memory_space<vmem>> -> memref<1x8x50x64xf32, #tpu.memory_space<vmem>>
      %dma_wait3A_3703 = tpu.memref_squeeze %dma_wait3A_3702 : memref<1x8x50x64xf32, #tpu.memory_space<vmem>> -> memref<8x50x64xf32, #tpu.memory_space<vmem>>
      %dma_wait3A_3704 = arith.constant 0 : i32
      %dma_wait3A_3705 = arith.constant 0 : i32
      %dma_wait3A_3706 = tpu.memref_slice %dma_wait3A_3703[%dma_wait3A_3697, %dma_wait3A_3704, %dma_wait3A_3705] : memref<8x50x64xf32, #tpu.memory_space<vmem>> -> memref<1x50x64xf32, #tpu.memory_space<vmem>>
      %dma_wait3A_3707 = tpu.memref_squeeze %dma_wait3A_3706 : memref<1x50x64xf32, #tpu.memory_space<vmem>> -> memref<50x64xf32, #tpu.memory_space<vmem>>
      %dma_wait3A_3708 = arith.constant 0 : i32
      %dma_wait3A_3709 = arith.constant 0 : i32
      %dma_wait3A_3710 = tpu.memref_slice %arg4[%add3A_3695, %dma_wait3A_3708, %dma_wait3A_3709] : memref<16384x56x128xf32, #tpu.memory_space<hbm>> -> memref<1x56x128xf32, #tpu.memory_space<hbm>>
      %dma_wait3A_3711 = tpu.memref_squeeze %dma_wait3A_3710 : memref<1x56x128xf32, #tpu.memory_space<hbm>> -> memref<56x128xf32, #tpu.memory_space<hbm>>
      %dma_wait3A_3712 = arith.constant 0 : i32
      %dma_wait3A_3713 = arith.constant 0 : i32
      %dma_wait3A_3714 = tpu.memref_slice %dma_wait3A_3711[%dma_wait3A_3712, %dma_wait3A_3713] : memref<56x128xf32, #tpu.memory_space<hbm>> -> memref<50x64xf32, #tpu.memory_space<hbm>>
      %dma_wait3A_3715 = tpu.memref_slice %arg8[%dma_wait3A_3698] : memref<2x!tpu.dma_semaphore, #tpu.memory_space<semaphore_mem>> -> memref<1x!tpu.dma_semaphore, #tpu.memory_space<semaphore_mem>>
      %dma_wait3A_3716 = tpu.memref_squeeze %dma_wait3A_3715 : memref<1x!tpu.dma_semaphore, #tpu.memory_space<semaphore_mem>> -> memref<!tpu.dma_semaphore, #tpu.memory_space<semaphore_mem>>
      %dma_wait3A_3717 = arith.constant 0 : i32
      %dma_wait3A_3718 = arith.constant 0 : i32
      %dma_wait3A_3719 = tpu.memref_slice %arg4[%add3A_3695, %dma_wait3A_3717, %dma_wait3A_3718] : memref<16384x56x128xf32, #tpu.memory_space<hbm>> -> memref<1x56x128xf32, #tpu.memory_space<hbm>>
      %dma_wait3A_3720 = tpu.memref_squeeze %dma_wait3A_3719 : memref<1x56x128xf32, #tpu.memory_space<hbm>> -> memref<56x128xf32, #tpu.memory_space<hbm>>
      %dma_wait3A_3721 = arith.constant 0 : i32
      %dma_wait3A_3722 = arith.constant 0 : i32
      %dma_wait3A_3723 = tpu.memref_slice %dma_wait3A_3720[%dma_wait3A_3721, %dma_wait3A_3722] : memref<56x128xf32, #tpu.memory_space<hbm>> -> memref<50x64xf32, #tpu.memory_space<hbm>>
      %dma_wait3A_3724 = arith.constant 0 : i32
      %dma_wait3A_3725 = arith.constant 0 : i32
      %dma_wait3A_3726 = arith.constant 0 : i32
      %dma_wait3A_3727 = tpu.memref_slice %arg6[%dma_wait3A_3696, %dma_wait3A_3724, %dma_wait3A_3725, %dma_wait3A_3726] : memref<2x8x50x64xf32, #tpu.memory_space<vmem>> -> memref<1x8x50x64xf32, #tpu.memory_space<vmem>>
      %dma_wait3A_3728 = tpu.memref_squeeze %dma_wait3A_3727 : memref<1x8x50x64xf32, #tpu.memory_space<vmem>> -> memref<8x50x64xf32, #tpu.memory_space<vmem>>
      %dma_wait3A_3729 = arith.constant 0 : i32
      %dma_wait3A_3730 = arith.constant 0 : i32
      %dma_wait3A_3731 = tpu.memref_slice %dma_wait3A_3728[%dma_wait3A_3697, %dma_wait3A_3729, %dma_wait3A_3730] : memref<8x50x64xf32, #tpu.memory_space<vmem>> -> memref<1x50x64xf32, #tpu.memory_space<vmem>>
      %dma_wait3A_3732 = tpu.memref_squeeze %dma_wait3A_3731 : memref<1x50x64xf32, #tpu.memory_space<vmem>> -> memref<50x64xf32, #tpu.memory_space<vmem>>
      tpu.wait_dma2 semaphore(%dma_wait3A_3716 : memref<!tpu.dma_semaphore, #tpu.memory_space<semaphore_mem>>) src(%dma_wait3A_3732 : memref<50x64xf32, #tpu.memory_space<vmem>>) dst(%dma_wait3A_3723 : memref<50x64xf32, #tpu.memory_space<hbm>>)
      %mul3A_3733 = arith.constant 8 : i32
      %mul3A_3734 = arith.muli %add3A_2994, %mul3A_3733 : i32
      %add3A_3735 = arith.addi %mul3A_2, %mul3A_3734 : i32
      %add3A_3736 = arith.constant 5 : i32
      %add3A_3737 = arith.addi %add3A_3735, %add3A_3736 : i32
      %dma_wait3A_3738 = arith.constant 1 : i32
      %dma_wait3A_3739 = arith.constant 5 : i32
      %dma_wait3A_3740 = arith.constant 1 : i32
      %dma_wait3A_3741 = arith.constant 0 : i32
      %dma_wait3A_3742 = arith.constant 0 : i32
      %dma_wait3A_3743 = arith.constant 0 : i32
      %dma_wait3A_3744 = tpu.memref_slice %arg6[%dma_wait3A_3738, %dma_wait3A_3741, %dma_wait3A_3742, %dma_wait3A_3743] : memref<2x8x50x64xf32, #tpu.memory_space<vmem>> -> memref<1x8x50x64xf32, #tpu.memory_space<vmem>>
      %dma_wait3A_3745 = tpu.memref_squeeze %dma_wait3A_3744 : memref<1x8x50x64xf32, #tpu.memory_space<vmem>> -> memref<8x50x64xf32, #tpu.memory_space<vmem>>
      %dma_wait3A_3746 = arith.constant 0 : i32
      %dma_wait3A_3747 = arith.constant 0 : i32
      %dma_wait3A_3748 = tpu.memref_slice %dma_wait3A_3745[%dma_wait3A_3739, %dma_wait3A_3746, %dma_wait3A_3747] : memref<8x50x64xf32, #tpu.memory_space<vmem>> -> memref<1x50x64xf32, #tpu.memory_space<vmem>>
      %dma_wait3A_3749 = tpu.memref_squeeze %dma_wait3A_3748 : memref<1x50x64xf32, #tpu.memory_space<vmem>> -> memref<50x64xf32, #tpu.memory_space<vmem>>
      %dma_wait3A_3750 = arith.constant 0 : i32
      %dma_wait3A_3751 = arith.constant 0 : i32
      %dma_wait3A_3752 = tpu.memref_slice %arg4[%add3A_3737, %dma_wait3A_3750, %dma_wait3A_3751] : memref<16384x56x128xf32, #tpu.memory_space<hbm>> -> memref<1x56x128xf32, #tpu.memory_space<hbm>>
      %dma_wait3A_3753 = tpu.memref_squeeze %dma_wait3A_3752 : memref<1x56x128xf32, #tpu.memory_space<hbm>> -> memref<56x128xf32, #tpu.memory_space<hbm>>
      %dma_wait3A_3754 = arith.constant 0 : i32
      %dma_wait3A_3755 = arith.constant 0 : i32
      %dma_wait3A_3756 = tpu.memref_slice %dma_wait3A_3753[%dma_wait3A_3754, %dma_wait3A_3755] : memref<56x128xf32, #tpu.memory_space<hbm>> -> memref<50x64xf32, #tpu.memory_space<hbm>>
      %dma_wait3A_3757 = tpu.memref_slice %arg8[%dma_wait3A_3740] : memref<2x!tpu.dma_semaphore, #tpu.memory_space<semaphore_mem>> -> memref<1x!tpu.dma_semaphore, #tpu.memory_space<semaphore_mem>>
      %dma_wait3A_3758 = tpu.memref_squeeze %dma_wait3A_3757 : memref<1x!tpu.dma_semaphore, #tpu.memory_space<semaphore_mem>> -> memref<!tpu.dma_semaphore, #tpu.memory_space<semaphore_mem>>
      %dma_wait3A_3759 = arith.constant 0 : i32
      %dma_wait3A_3760 = arith.constant 0 : i32
      %dma_wait3A_3761 = tpu.memref_slice %arg4[%add3A_3737, %dma_wait3A_3759, %dma_wait3A_3760] : memref<16384x56x128xf32, #tpu.memory_space<hbm>> -> memref<1x56x128xf32, #tpu.memory_space<hbm>>
      %dma_wait3A_3762 = tpu.memref_squeeze %dma_wait3A_3761 : memref<1x56x128xf32, #tpu.memory_space<hbm>> -> memref<56x128xf32, #tpu.memory_space<hbm>>
      %dma_wait3A_3763 = arith.constant 0 : i32
      %dma_wait3A_3764 = arith.constant 0 : i32
      %dma_wait3A_3765 = tpu.memref_slice %dma_wait3A_3762[%dma_wait3A_3763, %dma_wait3A_3764] : memref<56x128xf32, #tpu.memory_space<hbm>> -> memref<50x64xf32, #tpu.memory_space<hbm>>
      %dma_wait3A_3766 = arith.constant 0 : i32
      %dma_wait3A_3767 = arith.constant 0 : i32
      %dma_wait3A_3768 = arith.constant 0 : i32
      %dma_wait3A_3769 = tpu.memref_slice %arg6[%dma_wait3A_3738, %dma_wait3A_3766, %dma_wait3A_3767, %dma_wait3A_3768] : memref<2x8x50x64xf32, #tpu.memory_space<vmem>> -> memref<1x8x50x64xf32, #tpu.memory_space<vmem>>
      %dma_wait3A_3770 = tpu.memref_squeeze %dma_wait3A_3769 : memref<1x8x50x64xf32, #tpu.memory_space<vmem>> -> memref<8x50x64xf32, #tpu.memory_space<vmem>>
      %dma_wait3A_3771 = arith.constant 0 : i32
      %dma_wait3A_3772 = arith.constant 0 : i32
      %dma_wait3A_3773 = tpu.memref_slice %dma_wait3A_3770[%dma_wait3A_3739, %dma_wait3A_3771, %dma_wait3A_3772] : memref<8x50x64xf32, #tpu.memory_space<vmem>> -> memref<1x50x64xf32, #tpu.memory_space<vmem>>
      %dma_wait3A_3774 = tpu.memref_squeeze %dma_wait3A_3773 : memref<1x50x64xf32, #tpu.memory_space<vmem>> -> memref<50x64xf32, #tpu.memory_space<vmem>>
      tpu.wait_dma2 semaphore(%dma_wait3A_3758 : memref<!tpu.dma_semaphore, #tpu.memory_space<semaphore_mem>>) src(%dma_wait3A_3774 : memref<50x64xf32, #tpu.memory_space<vmem>>) dst(%dma_wait3A_3765 : memref<50x64xf32, #tpu.memory_space<hbm>>)
      %mul3A_3775 = arith.constant 8 : i32
      %mul3A_3776 = arith.muli %add3A_2994, %mul3A_3775 : i32
      %add3A_3777 = arith.addi %mul3A_2, %mul3A_3776 : i32
      %add3A_3778 = arith.constant 6 : i32
      %add3A_3779 = arith.addi %add3A_3777, %add3A_3778 : i32
      %dma_wait3A_3780 = arith.constant 1 : i32
      %dma_wait3A_3781 = arith.constant 6 : i32
      %dma_wait3A_3782 = arith.constant 1 : i32
      %dma_wait3A_3783 = arith.constant 0 : i32
      %dma_wait3A_3784 = arith.constant 0 : i32
      %dma_wait3A_3785 = arith.constant 0 : i32
      %dma_wait3A_3786 = tpu.memref_slice %arg6[%dma_wait3A_3780, %dma_wait3A_3783, %dma_wait3A_3784, %dma_wait3A_3785] : memref<2x8x50x64xf32, #tpu.memory_space<vmem>> -> memref<1x8x50x64xf32, #tpu.memory_space<vmem>>
      %dma_wait3A_3787 = tpu.memref_squeeze %dma_wait3A_3786 : memref<1x8x50x64xf32, #tpu.memory_space<vmem>> -> memref<8x50x64xf32, #tpu.memory_space<vmem>>
      %dma_wait3A_3788 = arith.constant 0 : i32
      %dma_wait3A_3789 = arith.constant 0 : i32
      %dma_wait3A_3790 = tpu.memref_slice %dma_wait3A_3787[%dma_wait3A_3781, %dma_wait3A_3788, %dma_wait3A_3789] : memref<8x50x64xf32, #tpu.memory_space<vmem>> -> memref<1x50x64xf32, #tpu.memory_space<vmem>>
      %dma_wait3A_3791 = tpu.memref_squeeze %dma_wait3A_3790 : memref<1x50x64xf32, #tpu.memory_space<vmem>> -> memref<50x64xf32, #tpu.memory_space<vmem>>
      %dma_wait3A_3792 = arith.constant 0 : i32
      %dma_wait3A_3793 = arith.constant 0 : i32
      %dma_wait3A_3794 = tpu.memref_slice %arg4[%add3A_3779, %dma_wait3A_3792, %dma_wait3A_3793] : memref<16384x56x128xf32, #tpu.memory_space<hbm>> -> memref<1x56x128xf32, #tpu.memory_space<hbm>>
      %dma_wait3A_3795 = tpu.memref_squeeze %dma_wait3A_3794 : memref<1x56x128xf32, #tpu.memory_space<hbm>> -> memref<56x128xf32, #tpu.memory_space<hbm>>
      %dma_wait3A_3796 = arith.constant 0 : i32
      %dma_wait3A_3797 = arith.constant 0 : i32
      %dma_wait3A_3798 = tpu.memref_slice %dma_wait3A_3795[%dma_wait3A_3796, %dma_wait3A_3797] : memref<56x128xf32, #tpu.memory_space<hbm>> -> memref<50x64xf32, #tpu.memory_space<hbm>>
      %dma_wait3A_3799 = tpu.memref_slice %arg8[%dma_wait3A_3782] : memref<2x!tpu.dma_semaphore, #tpu.memory_space<semaphore_mem>> -> memref<1x!tpu.dma_semaphore, #tpu.memory_space<semaphore_mem>>
      %dma_wait3A_3800 = tpu.memref_squeeze %dma_wait3A_3799 : memref<1x!tpu.dma_semaphore, #tpu.memory_space<semaphore_mem>> -> memref<!tpu.dma_semaphore, #tpu.memory_space<semaphore_mem>>
      %dma_wait3A_3801 = arith.constant 0 : i32
      %dma_wait3A_3802 = arith.constant 0 : i32
      %dma_wait3A_3803 = tpu.memref_slice %arg4[%add3A_3779, %dma_wait3A_3801, %dma_wait3A_3802] : memref<16384x56x128xf32, #tpu.memory_space<hbm>> -> memref<1x56x128xf32, #tpu.memory_space<hbm>>
      %dma_wait3A_3804 = tpu.memref_squeeze %dma_wait3A_3803 : memref<1x56x128xf32, #tpu.memory_space<hbm>> -> memref<56x128xf32, #tpu.memory_space<hbm>>
      %dma_wait3A_3805 = arith.constant 0 : i32
      %dma_wait3A_3806 = arith.constant 0 : i32
      %dma_wait3A_3807 = tpu.memref_slice %dma_wait3A_3804[%dma_wait3A_3805, %dma_wait3A_3806] : memref<56x128xf32, #tpu.memory_space<hbm>> -> memref<50x64xf32, #tpu.memory_space<hbm>>
      %dma_wait3A_3808 = arith.constant 0 : i32
      %dma_wait3A_3809 = arith.constant 0 : i32
      %dma_wait3A_3810 = arith.constant 0 : i32
      %dma_wait3A_3811 = tpu.memref_slice %arg6[%dma_wait3A_3780, %dma_wait3A_3808, %dma_wait3A_3809, %dma_wait3A_3810] : memref<2x8x50x64xf32, #tpu.memory_space<vmem>> -> memref<1x8x50x64xf32, #tpu.memory_space<vmem>>
      %dma_wait3A_3812 = tpu.memref_squeeze %dma_wait3A_3811 : memref<1x8x50x64xf32, #tpu.memory_space<vmem>> -> memref<8x50x64xf32, #tpu.memory_space<vmem>>
      %dma_wait3A_3813 = arith.constant 0 : i32
      %dma_wait3A_3814 = arith.constant 0 : i32
      %dma_wait3A_3815 = tpu.memref_slice %dma_wait3A_3812[%dma_wait3A_3781, %dma_wait3A_3813, %dma_wait3A_3814] : memref<8x50x64xf32, #tpu.memory_space<vmem>> -> memref<1x50x64xf32, #tpu.memory_space<vmem>>
      %dma_wait3A_3816 = tpu.memref_squeeze %dma_wait3A_3815 : memref<1x50x64xf32, #tpu.memory_space<vmem>> -> memref<50x64xf32, #tpu.memory_space<vmem>>
      tpu.wait_dma2 semaphore(%dma_wait3A_3800 : memref<!tpu.dma_semaphore, #tpu.memory_space<semaphore_mem>>) src(%dma_wait3A_3816 : memref<50x64xf32, #tpu.memory_space<vmem>>) dst(%dma_wait3A_3807 : memref<50x64xf32, #tpu.memory_space<hbm>>)
      %mul3A_3817 = arith.constant 8 : i32
      %mul3A_3818 = arith.muli %add3A_2994, %mul3A_3817 : i32
      %add3A_3819 = arith.addi %mul3A_2, %mul3A_3818 : i32
      %add3A_3820 = arith.constant 7 : i32
      %add3A_3821 = arith.addi %add3A_3819, %add3A_3820 : i32
      %dma_wait3A_3822 = arith.constant 1 : i32
      %dma_wait3A_3823 = arith.constant 7 : i32
      %dma_wait3A_3824 = arith.constant 1 : i32
      %dma_wait3A_3825 = arith.constant 0 : i32
      %dma_wait3A_3826 = arith.constant 0 : i32
      %dma_wait3A_3827 = arith.constant 0 : i32
      %dma_wait3A_3828 = tpu.memref_slice %arg6[%dma_wait3A_3822, %dma_wait3A_3825, %dma_wait3A_3826, %dma_wait3A_3827] : memref<2x8x50x64xf32, #tpu.memory_space<vmem>> -> memref<1x8x50x64xf32, #tpu.memory_space<vmem>>
      %dma_wait3A_3829 = tpu.memref_squeeze %dma_wait3A_3828 : memref<1x8x50x64xf32, #tpu.memory_space<vmem>> -> memref<8x50x64xf32, #tpu.memory_space<vmem>>
      %dma_wait3A_3830 = arith.constant 0 : i32
      %dma_wait3A_3831 = arith.constant 0 : i32
      %dma_wait3A_3832 = tpu.memref_slice %dma_wait3A_3829[%dma_wait3A_3823, %dma_wait3A_3830, %dma_wait3A_3831] : memref<8x50x64xf32, #tpu.memory_space<vmem>> -> memref<1x50x64xf32, #tpu.memory_space<vmem>>
      %dma_wait3A_3833 = tpu.memref_squeeze %dma_wait3A_3832 : memref<1x50x64xf32, #tpu.memory_space<vmem>> -> memref<50x64xf32, #tpu.memory_space<vmem>>
      %dma_wait3A_3834 = arith.constant 0 : i32
      %dma_wait3A_3835 = arith.constant 0 : i32
      %dma_wait3A_3836 = tpu.memref_slice %arg4[%add3A_3821, %dma_wait3A_3834, %dma_wait3A_3835] : memref<16384x56x128xf32, #tpu.memory_space<hbm>> -> memref<1x56x128xf32, #tpu.memory_space<hbm>>
      %dma_wait3A_3837 = tpu.memref_squeeze %dma_wait3A_3836 : memref<1x56x128xf32, #tpu.memory_space<hbm>> -> memref<56x128xf32, #tpu.memory_space<hbm>>
      %dma_wait3A_3838 = arith.constant 0 : i32
      %dma_wait3A_3839 = arith.constant 0 : i32
      %dma_wait3A_3840 = tpu.memref_slice %dma_wait3A_3837[%dma_wait3A_3838, %dma_wait3A_3839] : memref<56x128xf32, #tpu.memory_space<hbm>> -> memref<50x64xf32, #tpu.memory_space<hbm>>
      %dma_wait3A_3841 = tpu.memref_slice %arg8[%dma_wait3A_3824] : memref<2x!tpu.dma_semaphore, #tpu.memory_space<semaphore_mem>> -> memref<1x!tpu.dma_semaphore, #tpu.memory_space<semaphore_mem>>
      %dma_wait3A_3842 = tpu.memref_squeeze %dma_wait3A_3841 : memref<1x!tpu.dma_semaphore, #tpu.memory_space<semaphore_mem>> -> memref<!tpu.dma_semaphore, #tpu.memory_space<semaphore_mem>>
      %dma_wait3A_3843 = arith.constant 0 : i32
      %dma_wait3A_3844 = arith.constant 0 : i32
      %dma_wait3A_3845 = tpu.memref_slice %arg4[%add3A_3821, %dma_wait3A_3843, %dma_wait3A_3844] : memref<16384x56x128xf32, #tpu.memory_space<hbm>> -> memref<1x56x128xf32, #tpu.memory_space<hbm>>
      %dma_wait3A_3846 = tpu.memref_squeeze %dma_wait3A_3845 : memref<1x56x128xf32, #tpu.memory_space<hbm>> -> memref<56x128xf32, #tpu.memory_space<hbm>>
      %dma_wait3A_3847 = arith.constant 0 : i32
      %dma_wait3A_3848 = arith.constant 0 : i32
      %dma_wait3A_3849 = tpu.memref_slice %dma_wait3A_3846[%dma_wait3A_3847, %dma_wait3A_3848] : memref<56x128xf32, #tpu.memory_space<hbm>> -> memref<50x64xf32, #tpu.memory_space<hbm>>
      %dma_wait3A_3850 = arith.constant 0 : i32
      %dma_wait3A_3851 = arith.constant 0 : i32
      %dma_wait3A_3852 = arith.constant 0 : i32
      %dma_wait3A_3853 = tpu.memref_slice %arg6[%dma_wait3A_3822, %dma_wait3A_3850, %dma_wait3A_3851, %dma_wait3A_3852] : memref<2x8x50x64xf32, #tpu.memory_space<vmem>> -> memref<1x8x50x64xf32, #tpu.memory_space<vmem>>
      %dma_wait3A_3854 = tpu.memref_squeeze %dma_wait3A_3853 : memref<1x8x50x64xf32, #tpu.memory_space<vmem>> -> memref<8x50x64xf32, #tpu.memory_space<vmem>>
      %dma_wait3A_3855 = arith.constant 0 : i32
      %dma_wait3A_3856 = arith.constant 0 : i32
      %dma_wait3A_3857 = tpu.memref_slice %dma_wait3A_3854[%dma_wait3A_3823, %dma_wait3A_3855, %dma_wait3A_3856] : memref<8x50x64xf32, #tpu.memory_space<vmem>> -> memref<1x50x64xf32, #tpu.memory_space<vmem>>
      %dma_wait3A_3858 = tpu.memref_squeeze %dma_wait3A_3857 : memref<1x50x64xf32, #tpu.memory_space<vmem>> -> memref<50x64xf32, #tpu.memory_space<vmem>>
      tpu.wait_dma2 semaphore(%dma_wait3A_3842 : memref<!tpu.dma_semaphore, #tpu.memory_space<semaphore_mem>>) src(%dma_wait3A_3858 : memref<50x64xf32, #tpu.memory_space<vmem>>) dst(%dma_wait3A_3849 : memref<50x64xf32, #tpu.memory_space<hbm>>)
      %add3A_3859 = arith.constant 2 : i32
      %add3A_3860 = arith.addi %add3A_2994, %add3A_3859 : i32
      %mul3A_3861 = arith.constant 8 : i32
      %mul3A_3862 = arith.muli %add3A_3860, %mul3A_3861 : i32
      %add3A_3863 = arith.constant 0 : i32
      %add3A_3864 = arith.addi %mul3A_3862, %add3A_3863 : i32
      %mul3A_3865 = arith.constant 56 : i32
      %mul3A_3866 = arith.muli %add3A_3864, %mul3A_3865 : i32
      %dma_start3A_3867 = arith.constant 1 : i32
      %dma_start3A_3868 = arith.constant 0 : i32
      %dma_start3A_3869 = arith.constant 1 : i32
      %dma_start3A_3870 = arith.constant 0 : i32
      %dma_start3A_3871 = arith.constant 0 : i32
      %dma_start3A_3872 = arith.constant 0 : i32
      %dma_start3A_3873 = tpu.memref_slice %arg6[%dma_start3A_3867, %dma_start3A_3870, %dma_start3A_3871, %dma_start3A_3872] : memref<2x8x50x64xf32, #tpu.memory_space<vmem>> -> memref<1x8x50x64xf32, #tpu.memory_space<vmem>>
      %dma_start3A_3874 = tpu.memref_squeeze %dma_start3A_3873 : memref<1x8x50x64xf32, #tpu.memory_space<vmem>> -> memref<8x50x64xf32, #tpu.memory_space<vmem>>
      %dma_start3A_3875 = arith.constant 0 : i32
      %dma_start3A_3876 = arith.constant 0 : i32
      %dma_start3A_3877 = tpu.memref_slice %dma_start3A_3874[%dma_start3A_3868, %dma_start3A_3875, %dma_start3A_3876] : memref<8x50x64xf32, #tpu.memory_space<vmem>> -> memref<1x50x64xf32, #tpu.memory_space<vmem>>
      %dma_start3A_3878 = tpu.memref_squeeze %dma_start3A_3877 : memref<1x50x64xf32, #tpu.memory_space<vmem>> -> memref<50x64xf32, #tpu.memory_space<vmem>>
      %dma_start3A_3879 = tpu.memref_slice %arg5[%mul3A_3866] : memref<28672xi32, #tpu.memory_space<vmem>> -> memref<50xi32, #tpu.memory_space<vmem>>
      %dma_start3A_3880 = arith.constant 0 : i32
      %dma_start3A_3881 = arith.constant 0 : i32
      %dma_start3A_3882 = tpu.memref_slice %arg3[%dma_start3A_3880, %dma_start3A_3881] : memref<1000000x64xf32, #tpu.memory_space<hbm>> -> memref<1000000x64xf32, #tpu.memory_space<hbm>>
      %dma_start3A_3883 = tpu.memref_slice %arg7[%dma_start3A_3869] : memref<2x!tpu.dma_semaphore, #tpu.memory_space<semaphore_mem>> -> memref<1x!tpu.dma_semaphore, #tpu.memory_space<semaphore_mem>>
      %dma_start3A_3884 = tpu.memref_squeeze %dma_start3A_3883 : memref<1x!tpu.dma_semaphore, #tpu.memory_space<semaphore_mem>> -> memref<!tpu.dma_semaphore, #tpu.memory_space<semaphore_mem>>
      tpu.enqueue_indirect_dma source(%dma_start3A_3882 : memref<1000000x64xf32, #tpu.memory_space<hbm>>) target(%dma_start3A_3878 : memref<50x64xf32, #tpu.memory_space<vmem>>) offsets(%dma_start3A_3879 : memref<50xi32, #tpu.memory_space<vmem>>) semaphore(%dma_start3A_3884 : memref<!tpu.dma_semaphore, #tpu.memory_space<semaphore_mem>>)
      %mul3A_3885 = arith.constant 8 : i32
      %mul3A_3886 = arith.muli %add3A_3860, %mul3A_3885 : i32
      %add3A_3887 = arith.constant 1 : i32
      %add3A_3888 = arith.addi %mul3A_3886, %add3A_3887 : i32
      %mul3A_3889 = arith.constant 56 : i32
      %mul3A_3890 = arith.muli %add3A_3888, %mul3A_3889 : i32
      %dma_start3A_3891 = arith.constant 1 : i32
      %dma_start3A_3892 = arith.constant 1 : i32
      %dma_start3A_3893 = arith.constant 1 : i32
      %dma_start3A_3894 = arith.constant 0 : i32
      %dma_start3A_3895 = arith.constant 0 : i32
      %dma_start3A_3896 = arith.constant 0 : i32
      %dma_start3A_3897 = tpu.memref_slice %arg6[%dma_start3A_3891, %dma_start3A_3894, %dma_start3A_3895, %dma_start3A_3896] : memref<2x8x50x64xf32, #tpu.memory_space<vmem>> -> memref<1x8x50x64xf32, #tpu.memory_space<vmem>>
      %dma_start3A_3898 = tpu.memref_squeeze %dma_start3A_3897 : memref<1x8x50x64xf32, #tpu.memory_space<vmem>> -> memref<8x50x64xf32, #tpu.memory_space<vmem>>
      %dma_start3A_3899 = arith.constant 0 : i32
      %dma_start3A_3900 = arith.constant 0 : i32
      %dma_start3A_3901 = tpu.memref_slice %dma_start3A_3898[%dma_start3A_3892, %dma_start3A_3899, %dma_start3A_3900] : memref<8x50x64xf32, #tpu.memory_space<vmem>> -> memref<1x50x64xf32, #tpu.memory_space<vmem>>
      %dma_start3A_3902 = tpu.memref_squeeze %dma_start3A_3901 : memref<1x50x64xf32, #tpu.memory_space<vmem>> -> memref<50x64xf32, #tpu.memory_space<vmem>>
      %dma_start3A_3903 = tpu.memref_slice %arg5[%mul3A_3890] : memref<28672xi32, #tpu.memory_space<vmem>> -> memref<50xi32, #tpu.memory_space<vmem>>
      %dma_start3A_3904 = arith.constant 0 : i32
      %dma_start3A_3905 = arith.constant 0 : i32
      %dma_start3A_3906 = tpu.memref_slice %arg3[%dma_start3A_3904, %dma_start3A_3905] : memref<1000000x64xf32, #tpu.memory_space<hbm>> -> memref<1000000x64xf32, #tpu.memory_space<hbm>>
      %dma_start3A_3907 = tpu.memref_slice %arg7[%dma_start3A_3893] : memref<2x!tpu.dma_semaphore, #tpu.memory_space<semaphore_mem>> -> memref<1x!tpu.dma_semaphore, #tpu.memory_space<semaphore_mem>>
      %dma_start3A_3908 = tpu.memref_squeeze %dma_start3A_3907 : memref<1x!tpu.dma_semaphore, #tpu.memory_space<semaphore_mem>> -> memref<!tpu.dma_semaphore, #tpu.memory_space<semaphore_mem>>
      tpu.enqueue_indirect_dma source(%dma_start3A_3906 : memref<1000000x64xf32, #tpu.memory_space<hbm>>) target(%dma_start3A_3902 : memref<50x64xf32, #tpu.memory_space<vmem>>) offsets(%dma_start3A_3903 : memref<50xi32, #tpu.memory_space<vmem>>) semaphore(%dma_start3A_3908 : memref<!tpu.dma_semaphore, #tpu.memory_space<semaphore_mem>>)
      %mul3A_3909 = arith.constant 8 : i32
      %mul3A_3910 = arith.muli %add3A_3860, %mul3A_3909 : i32
      %add3A_3911 = arith.constant 2 : i32
      %add3A_3912 = arith.addi %mul3A_3910, %add3A_3911 : i32
      %mul3A_3913 = arith.constant 56 : i32
      %mul3A_3914 = arith.muli %add3A_3912, %mul3A_3913 : i32
      %dma_start3A_3915 = arith.constant 1 : i32
      %dma_start3A_3916 = arith.constant 2 : i32
      %dma_start3A_3917 = arith.constant 1 : i32
      %dma_start3A_3918 = arith.constant 0 : i32
      %dma_start3A_3919 = arith.constant 0 : i32
      %dma_start3A_3920 = arith.constant 0 : i32
      %dma_start3A_3921 = tpu.memref_slice %arg6[%dma_start3A_3915, %dma_start3A_3918, %dma_start3A_3919, %dma_start3A_3920] : memref<2x8x50x64xf32, #tpu.memory_space<vmem>> -> memref<1x8x50x64xf32, #tpu.memory_space<vmem>>
      %dma_start3A_3922 = tpu.memref_squeeze %dma_start3A_3921 : memref<1x8x50x64xf32, #tpu.memory_space<vmem>> -> memref<8x50x64xf32, #tpu.memory_space<vmem>>
      %dma_start3A_3923 = arith.constant 0 : i32
      %dma_start3A_3924 = arith.constant 0 : i32
      %dma_start3A_3925 = tpu.memref_slice %dma_start3A_3922[%dma_start3A_3916, %dma_start3A_3923, %dma_start3A_3924] : memref<8x50x64xf32, #tpu.memory_space<vmem>> -> memref<1x50x64xf32, #tpu.memory_space<vmem>>
      %dma_start3A_3926 = tpu.memref_squeeze %dma_start3A_3925 : memref<1x50x64xf32, #tpu.memory_space<vmem>> -> memref<50x64xf32, #tpu.memory_space<vmem>>
      %dma_start3A_3927 = tpu.memref_slice %arg5[%mul3A_3914] : memref<28672xi32, #tpu.memory_space<vmem>> -> memref<50xi32, #tpu.memory_space<vmem>>
      %dma_start3A_3928 = arith.constant 0 : i32
      %dma_start3A_3929 = arith.constant 0 : i32
      %dma_start3A_3930 = tpu.memref_slice %arg3[%dma_start3A_3928, %dma_start3A_3929] : memref<1000000x64xf32, #tpu.memory_space<hbm>> -> memref<1000000x64xf32, #tpu.memory_space<hbm>>
      %dma_start3A_3931 = tpu.memref_slice %arg7[%dma_start3A_3917] : memref<2x!tpu.dma_semaphore, #tpu.memory_space<semaphore_mem>> -> memref<1x!tpu.dma_semaphore, #tpu.memory_space<semaphore_mem>>
      %dma_start3A_3932 = tpu.memref_squeeze %dma_start3A_3931 : memref<1x!tpu.dma_semaphore, #tpu.memory_space<semaphore_mem>> -> memref<!tpu.dma_semaphore, #tpu.memory_space<semaphore_mem>>
      tpu.enqueue_indirect_dma source(%dma_start3A_3930 : memref<1000000x64xf32, #tpu.memory_space<hbm>>) target(%dma_start3A_3926 : memref<50x64xf32, #tpu.memory_space<vmem>>) offsets(%dma_start3A_3927 : memref<50xi32, #tpu.memory_space<vmem>>) semaphore(%dma_start3A_3932 : memref<!tpu.dma_semaphore, #tpu.memory_space<semaphore_mem>>)
      %mul3A_3933 = arith.constant 8 : i32
      %mul3A_3934 = arith.muli %add3A_3860, %mul3A_3933 : i32
      %add3A_3935 = arith.constant 3 : i32
      %add3A_3936 = arith.addi %mul3A_3934, %add3A_3935 : i32
      %mul3A_3937 = arith.constant 56 : i32
      %mul3A_3938 = arith.muli %add3A_3936, %mul3A_3937 : i32
      %dma_start3A_3939 = arith.constant 1 : i32
      %dma_start3A_3940 = arith.constant 3 : i32
      %dma_start3A_3941 = arith.constant 1 : i32
      %dma_start3A_3942 = arith.constant 0 : i32
      %dma_start3A_3943 = arith.constant 0 : i32
      %dma_start3A_3944 = arith.constant 0 : i32
      %dma_start3A_3945 = tpu.memref_slice %arg6[%dma_start3A_3939, %dma_start3A_3942, %dma_start3A_3943, %dma_start3A_3944] : memref<2x8x50x64xf32, #tpu.memory_space<vmem>> -> memref<1x8x50x64xf32, #tpu.memory_space<vmem>>
      %dma_start3A_3946 = tpu.memref_squeeze %dma_start3A_3945 : memref<1x8x50x64xf32, #tpu.memory_space<vmem>> -> memref<8x50x64xf32, #tpu.memory_space<vmem>>
      %dma_start3A_3947 = arith.constant 0 : i32
      %dma_start3A_3948 = arith.constant 0 : i32
      %dma_start3A_3949 = tpu.memref_slice %dma_start3A_3946[%dma_start3A_3940, %dma_start3A_3947, %dma_start3A_3948] : memref<8x50x64xf32, #tpu.memory_space<vmem>> -> memref<1x50x64xf32, #tpu.memory_space<vmem>>
      %dma_start3A_3950 = tpu.memref_squeeze %dma_start3A_3949 : memref<1x50x64xf32, #tpu.memory_space<vmem>> -> memref<50x64xf32, #tpu.memory_space<vmem>>
      %dma_start3A_3951 = tpu.memref_slice %arg5[%mul3A_3938] : memref<28672xi32, #tpu.memory_space<vmem>> -> memref<50xi32, #tpu.memory_space<vmem>>
      %dma_start3A_3952 = arith.constant 0 : i32
      %dma_start3A_3953 = arith.constant 0 : i32
      %dma_start3A_3954 = tpu.memref_slice %arg3[%dma_start3A_3952, %dma_start3A_3953] : memref<1000000x64xf32, #tpu.memory_space<hbm>> -> memref<1000000x64xf32, #tpu.memory_space<hbm>>
      %dma_start3A_3955 = tpu.memref_slice %arg7[%dma_start3A_3941] : memref<2x!tpu.dma_semaphore, #tpu.memory_space<semaphore_mem>> -> memref<1x!tpu.dma_semaphore, #tpu.memory_space<semaphore_mem>>
      %dma_start3A_3956 = tpu.memref_squeeze %dma_start3A_3955 : memref<1x!tpu.dma_semaphore, #tpu.memory_space<semaphore_mem>> -> memref<!tpu.dma_semaphore, #tpu.memory_space<semaphore_mem>>
      tpu.enqueue_indirect_dma source(%dma_start3A_3954 : memref<1000000x64xf32, #tpu.memory_space<hbm>>) target(%dma_start3A_3950 : memref<50x64xf32, #tpu.memory_space<vmem>>) offsets(%dma_start3A_3951 : memref<50xi32, #tpu.memory_space<vmem>>) semaphore(%dma_start3A_3956 : memref<!tpu.dma_semaphore, #tpu.memory_space<semaphore_mem>>)
      %mul3A_3957 = arith.constant 8 : i32
      %mul3A_3958 = arith.muli %add3A_3860, %mul3A_3957 : i32
      %add3A_3959 = arith.constant 4 : i32
      %add3A_3960 = arith.addi %mul3A_3958, %add3A_3959 : i32
      %mul3A_3961 = arith.constant 56 : i32
      %mul3A_3962 = arith.muli %add3A_3960, %mul3A_3961 : i32
      %dma_start3A_3963 = arith.constant 1 : i32
      %dma_start3A_3964 = arith.constant 4 : i32
      %dma_start3A_3965 = arith.constant 1 : i32
      %dma_start3A_3966 = arith.constant 0 : i32
      %dma_start3A_3967 = arith.constant 0 : i32
      %dma_start3A_3968 = arith.constant 0 : i32
      %dma_start3A_3969 = tpu.memref_slice %arg6[%dma_start3A_3963, %dma_start3A_3966, %dma_start3A_3967, %dma_start3A_3968] : memref<2x8x50x64xf32, #tpu.memory_space<vmem>> -> memref<1x8x50x64xf32, #tpu.memory_space<vmem>>
      %dma_start3A_3970 = tpu.memref_squeeze %dma_start3A_3969 : memref<1x8x50x64xf32, #tpu.memory_space<vmem>> -> memref<8x50x64xf32, #tpu.memory_space<vmem>>
      %dma_start3A_3971 = arith.constant 0 : i32
      %dma_start3A_3972 = arith.constant 0 : i32
      %dma_start3A_3973 = tpu.memref_slice %dma_start3A_3970[%dma_start3A_3964, %dma_start3A_3971, %dma_start3A_3972] : memref<8x50x64xf32, #tpu.memory_space<vmem>> -> memref<1x50x64xf32, #tpu.memory_space<vmem>>
      %dma_start3A_3974 = tpu.memref_squeeze %dma_start3A_3973 : memref<1x50x64xf32, #tpu.memory_space<vmem>> -> memref<50x64xf32, #tpu.memory_space<vmem>>
      %dma_start3A_3975 = tpu.memref_slice %arg5[%mul3A_3962] : memref<28672xi32, #tpu.memory_space<vmem>> -> memref<50xi32, #tpu.memory_space<vmem>>
      %dma_start3A_3976 = arith.constant 0 : i32
      %dma_start3A_3977 = arith.constant 0 : i32
      %dma_start3A_3978 = tpu.memref_slice %arg3[%dma_start3A_3976, %dma_start3A_3977] : memref<1000000x64xf32, #tpu.memory_space<hbm>> -> memref<1000000x64xf32, #tpu.memory_space<hbm>>
      %dma_start3A_3979 = tpu.memref_slice %arg7[%dma_start3A_3965] : memref<2x!tpu.dma_semaphore, #tpu.memory_space<semaphore_mem>> -> memref<1x!tpu.dma_semaphore, #tpu.memory_space<semaphore_mem>>
      %dma_start3A_3980 = tpu.memref_squeeze %dma_start3A_3979 : memref<1x!tpu.dma_semaphore, #tpu.memory_space<semaphore_mem>> -> memref<!tpu.dma_semaphore, #tpu.memory_space<semaphore_mem>>
      tpu.enqueue_indirect_dma source(%dma_start3A_3978 : memref<1000000x64xf32, #tpu.memory_space<hbm>>) target(%dma_start3A_3974 : memref<50x64xf32, #tpu.memory_space<vmem>>) offsets(%dma_start3A_3975 : memref<50xi32, #tpu.memory_space<vmem>>) semaphore(%dma_start3A_3980 : memref<!tpu.dma_semaphore, #tpu.memory_space<semaphore_mem>>)
      %mul3A_3981 = arith.constant 8 : i32
      %mul3A_3982 = arith.muli %add3A_3860, %mul3A_3981 : i32
      %add3A_3983 = arith.constant 5 : i32
      %add3A_3984 = arith.addi %mul3A_3982, %add3A_3983 : i32
      %mul3A_3985 = arith.constant 56 : i32
      %mul3A_3986 = arith.muli %add3A_3984, %mul3A_3985 : i32
      %dma_start3A_3987 = arith.constant 1 : i32
      %dma_start3A_3988 = arith.constant 5 : i32
      %dma_start3A_3989 = arith.constant 1 : i32
      %dma_start3A_3990 = arith.constant 0 : i32
      %dma_start3A_3991 = arith.constant 0 : i32
      %dma_start3A_3992 = arith.constant 0 : i32
      %dma_start3A_3993 = tpu.memref_slice %arg6[%dma_start3A_3987, %dma_start3A_3990, %dma_start3A_3991, %dma_start3A_3992] : memref<2x8x50x64xf32, #tpu.memory_space<vmem>> -> memref<1x8x50x64xf32, #tpu.memory_space<vmem>>
      %dma_start3A_3994 = tpu.memref_squeeze %dma_start3A_3993 : memref<1x8x50x64xf32, #tpu.memory_space<vmem>> -> memref<8x50x64xf32, #tpu.memory_space<vmem>>
      %dma_start3A_3995 = arith.constant 0 : i32
      %dma_start3A_3996 = arith.constant 0 : i32
      %dma_start3A_3997 = tpu.memref_slice %dma_start3A_3994[%dma_start3A_3988, %dma_start3A_3995, %dma_start3A_3996] : memref<8x50x64xf32, #tpu.memory_space<vmem>> -> memref<1x50x64xf32, #tpu.memory_space<vmem>>
      %dma_start3A_3998 = tpu.memref_squeeze %dma_start3A_3997 : memref<1x50x64xf32, #tpu.memory_space<vmem>> -> memref<50x64xf32, #tpu.memory_space<vmem>>
      %dma_start3A_3999 = tpu.memref_slice %arg5[%mul3A_3986] : memref<28672xi32, #tpu.memory_space<vmem>> -> memref<50xi32, #tpu.memory_space<vmem>>
      %dma_start3A_4000 = arith.constant 0 : i32
      %dma_start3A_4001 = arith.constant 0 : i32
      %dma_start3A_4002 = tpu.memref_slice %arg3[%dma_start3A_4000, %dma_start3A_4001] : memref<1000000x64xf32, #tpu.memory_space<hbm>> -> memref<1000000x64xf32, #tpu.memory_space<hbm>>
      %dma_start3A_4003 = tpu.memref_slice %arg7[%dma_start3A_3989] : memref<2x!tpu.dma_semaphore, #tpu.memory_space<semaphore_mem>> -> memref<1x!tpu.dma_semaphore, #tpu.memory_space<semaphore_mem>>
      %dma_start3A_4004 = tpu.memref_squeeze %dma_start3A_4003 : memref<1x!tpu.dma_semaphore, #tpu.memory_space<semaphore_mem>> -> memref<!tpu.dma_semaphore, #tpu.memory_space<semaphore_mem>>
      tpu.enqueue_indirect_dma source(%dma_start3A_4002 : memref<1000000x64xf32, #tpu.memory_space<hbm>>) target(%dma_start3A_3998 : memref<50x64xf32, #tpu.memory_space<vmem>>) offsets(%dma_start3A_3999 : memref<50xi32, #tpu.memory_space<vmem>>) semaphore(%dma_start3A_4004 : memref<!tpu.dma_semaphore, #tpu.memory_space<semaphore_mem>>)
      %mul3A_4005 = arith.constant 8 : i32
      %mul3A_4006 = arith.muli %add3A_3860, %mul3A_4005 : i32
      %add3A_4007 = arith.constant 6 : i32
      %add3A_4008 = arith.addi %mul3A_4006, %add3A_4007 : i32
      %mul3A_4009 = arith.constant 56 : i32
      %mul3A_4010 = arith.muli %add3A_4008, %mul3A_4009 : i32
      %dma_start3A_4011 = arith.constant 1 : i32
      %dma_start3A_4012 = arith.constant 6 : i32
      %dma_start3A_4013 = arith.constant 1 : i32
      %dma_start3A_4014 = arith.constant 0 : i32
      %dma_start3A_4015 = arith.constant 0 : i32
      %dma_start3A_4016 = arith.constant 0 : i32
      %dma_start3A_4017 = tpu.memref_slice %arg6[%dma_start3A_4011, %dma_start3A_4014, %dma_start3A_4015, %dma_start3A_4016] : memref<2x8x50x64xf32, #tpu.memory_space<vmem>> -> memref<1x8x50x64xf32, #tpu.memory_space<vmem>>
      %dma_start3A_4018 = tpu.memref_squeeze %dma_start3A_4017 : memref<1x8x50x64xf32, #tpu.memory_space<vmem>> -> memref<8x50x64xf32, #tpu.memory_space<vmem>>
      %dma_start3A_4019 = arith.constant 0 : i32
      %dma_start3A_4020 = arith.constant 0 : i32
      %dma_start3A_4021 = tpu.memref_slice %dma_start3A_4018[%dma_start3A_4012, %dma_start3A_4019, %dma_start3A_4020] : memref<8x50x64xf32, #tpu.memory_space<vmem>> -> memref<1x50x64xf32, #tpu.memory_space<vmem>>
      %dma_start3A_4022 = tpu.memref_squeeze %dma_start3A_4021 : memref<1x50x64xf32, #tpu.memory_space<vmem>> -> memref<50x64xf32, #tpu.memory_space<vmem>>
      %dma_start3A_4023 = tpu.memref_slice %arg5[%mul3A_4010] : memref<28672xi32, #tpu.memory_space<vmem>> -> memref<50xi32, #tpu.memory_space<vmem>>
      %dma_start3A_4024 = arith.constant 0 : i32
      %dma_start3A_4025 = arith.constant 0 : i32
      %dma_start3A_4026 = tpu.memref_slice %arg3[%dma_start3A_4024, %dma_start3A_4025] : memref<1000000x64xf32, #tpu.memory_space<hbm>> -> memref<1000000x64xf32, #tpu.memory_space<hbm>>
      %dma_start3A_4027 = tpu.memref_slice %arg7[%dma_start3A_4013] : memref<2x!tpu.dma_semaphore, #tpu.memory_space<semaphore_mem>> -> memref<1x!tpu.dma_semaphore, #tpu.memory_space<semaphore_mem>>
      %dma_start3A_4028 = tpu.memref_squeeze %dma_start3A_4027 : memref<1x!tpu.dma_semaphore, #tpu.memory_space<semaphore_mem>> -> memref<!tpu.dma_semaphore, #tpu.memory_space<semaphore_mem>>
      tpu.enqueue_indirect_dma source(%dma_start3A_4026 : memref<1000000x64xf32, #tpu.memory_space<hbm>>) target(%dma_start3A_4022 : memref<50x64xf32, #tpu.memory_space<vmem>>) offsets(%dma_start3A_4023 : memref<50xi32, #tpu.memory_space<vmem>>) semaphore(%dma_start3A_4028 : memref<!tpu.dma_semaphore, #tpu.memory_space<semaphore_mem>>)
      %mul3A_4029 = arith.constant 8 : i32
      %mul3A_4030 = arith.muli %add3A_3860, %mul3A_4029 : i32
      %add3A_4031 = arith.constant 7 : i32
      %add3A_4032 = arith.addi %mul3A_4030, %add3A_4031 : i32
      %mul3A_4033 = arith.constant 56 : i32
      %mul3A_4034 = arith.muli %add3A_4032, %mul3A_4033 : i32
      %dma_start3A_4035 = arith.constant 1 : i32
      %dma_start3A_4036 = arith.constant 7 : i32
      %dma_start3A_4037 = arith.constant 1 : i32
      %dma_start3A_4038 = arith.constant 0 : i32
      %dma_start3A_4039 = arith.constant 0 : i32
      %dma_start3A_4040 = arith.constant 0 : i32
      %dma_start3A_4041 = tpu.memref_slice %arg6[%dma_start3A_4035, %dma_start3A_4038, %dma_start3A_4039, %dma_start3A_4040] : memref<2x8x50x64xf32, #tpu.memory_space<vmem>> -> memref<1x8x50x64xf32, #tpu.memory_space<vmem>>
      %dma_start3A_4042 = tpu.memref_squeeze %dma_start3A_4041 : memref<1x8x50x64xf32, #tpu.memory_space<vmem>> -> memref<8x50x64xf32, #tpu.memory_space<vmem>>
      %dma_start3A_4043 = arith.constant 0 : i32
      %dma_start3A_4044 = arith.constant 0 : i32
      %dma_start3A_4045 = tpu.memref_slice %dma_start3A_4042[%dma_start3A_4036, %dma_start3A_4043, %dma_start3A_4044] : memref<8x50x64xf32, #tpu.memory_space<vmem>> -> memref<1x50x64xf32, #tpu.memory_space<vmem>>
      %dma_start3A_4046 = tpu.memref_squeeze %dma_start3A_4045 : memref<1x50x64xf32, #tpu.memory_space<vmem>> -> memref<50x64xf32, #tpu.memory_space<vmem>>
      %dma_start3A_4047 = tpu.memref_slice %arg5[%mul3A_4034] : memref<28672xi32, #tpu.memory_space<vmem>> -> memref<50xi32, #tpu.memory_space<vmem>>
      %dma_start3A_4048 = arith.constant 0 : i32
      %dma_start3A_4049 = arith.constant 0 : i32
      %dma_start3A_4050 = tpu.memref_slice %arg3[%dma_start3A_4048, %dma_start3A_4049] : memref<1000000x64xf32, #tpu.memory_space<hbm>> -> memref<1000000x64xf32, #tpu.memory_space<hbm>>
      %dma_start3A_4051 = tpu.memref_slice %arg7[%dma_start3A_4037] : memref<2x!tpu.dma_semaphore, #tpu.memory_space<semaphore_mem>> -> memref<1x!tpu.dma_semaphore, #tpu.memory_space<semaphore_mem>>
      %dma_start3A_4052 = tpu.memref_squeeze %dma_start3A_4051 : memref<1x!tpu.dma_semaphore, #tpu.memory_space<semaphore_mem>> -> memref<!tpu.dma_semaphore, #tpu.memory_space<semaphore_mem>>
      tpu.enqueue_indirect_dma source(%dma_start3A_4050 : memref<1000000x64xf32, #tpu.memory_space<hbm>>) target(%dma_start3A_4046 : memref<50x64xf32, #tpu.memory_space<vmem>>) offsets(%dma_start3A_4047 : memref<50xi32, #tpu.memory_space<vmem>>) semaphore(%dma_start3A_4052 : memref<!tpu.dma_semaphore, #tpu.memory_space<semaphore_mem>>)
    }
    %scan3A_312 = arith.constant 31 : i32
    %dma_wait3A = arith.constant 0 : i32
    %dma_wait3A_313 = arith.constant 0 : i32
    %dma_wait3A_314 = arith.constant 0 : i32
    %dma_wait3A_315 = arith.constant 0 : i32
    %dma_wait3A_316 = arith.constant 0 : i32
    %dma_wait3A_317 = arith.constant 0 : i32
    %dma_wait3A_318 = tpu.memref_slice %arg6[%dma_wait3A, %dma_wait3A_315, %dma_wait3A_316, %dma_wait3A_317] : memref<2x8x50x64xf32, #tpu.memory_space<vmem>> -> memref<1x8x50x64xf32, #tpu.memory_space<vmem>>
    %dma_wait3A_319 = tpu.memref_squeeze %dma_wait3A_318 : memref<1x8x50x64xf32, #tpu.memory_space<vmem>> -> memref<8x50x64xf32, #tpu.memory_space<vmem>>
    %dma_wait3A_320 = arith.constant 0 : i32
    %dma_wait3A_321 = arith.constant 0 : i32
    %dma_wait3A_322 = tpu.memref_slice %dma_wait3A_319[%dma_wait3A_313, %dma_wait3A_320, %dma_wait3A_321] : memref<8x50x64xf32, #tpu.memory_space<vmem>> -> memref<1x50x64xf32, #tpu.memory_space<vmem>>
    %dma_wait3A_323 = tpu.memref_squeeze %dma_wait3A_322 : memref<1x50x64xf32, #tpu.memory_space<vmem>> -> memref<50x64xf32, #tpu.memory_space<vmem>>
    %dma_wait3A_324 = arith.constant 27776 : i32
    %dma_wait3A_325 = tpu.memref_slice %arg5[%dma_wait3A_324] : memref<28672xi32, #tpu.memory_space<vmem>> -> memref<50xi32, #tpu.memory_space<vmem>>
    %dma_wait3A_326 = arith.constant 0 : i32
    %dma_wait3A_327 = arith.constant 0 : i32
    %dma_wait3A_328 = tpu.memref_slice %arg3[%dma_wait3A_326, %dma_wait3A_327] : memref<1000000x64xf32, #tpu.memory_space<hbm>> -> memref<1000000x64xf32, #tpu.memory_space<hbm>>
    %dma_wait3A_329 = tpu.memref_slice %arg7[%dma_wait3A_314] : memref<2x!tpu.dma_semaphore, #tpu.memory_space<semaphore_mem>> -> memref<1x!tpu.dma_semaphore, #tpu.memory_space<semaphore_mem>>
    %dma_wait3A_330 = tpu.memref_squeeze %dma_wait3A_329 : memref<1x!tpu.dma_semaphore, #tpu.memory_space<semaphore_mem>> -> memref<!tpu.dma_semaphore, #tpu.memory_space<semaphore_mem>>
    tpu.wait_indirect_dma semaphore(%dma_wait3A_330 : memref<!tpu.dma_semaphore, #tpu.memory_space<semaphore_mem>>) src(%dma_wait3A_328 : memref<1000000x64xf32, #tpu.memory_space<hbm>>) dst(%dma_wait3A_323 : memref<50x64xf32, #tpu.memory_space<vmem>>)
    %dma_wait3A_331 = arith.constant 0 : i32
    %dma_wait3A_332 = arith.constant 1 : i32
    %dma_wait3A_333 = arith.constant 0 : i32
    %dma_wait3A_334 = arith.constant 0 : i32
    %dma_wait3A_335 = arith.constant 0 : i32
    %dma_wait3A_336 = arith.constant 0 : i32
    %dma_wait3A_337 = tpu.memref_slice %arg6[%dma_wait3A_331, %dma_wait3A_334, %dma_wait3A_335, %dma_wait3A_336] : memref<2x8x50x64xf32, #tpu.memory_space<vmem>> -> memref<1x8x50x64xf32, #tpu.memory_space<vmem>>
    %dma_wait3A_338 = tpu.memref_squeeze %dma_wait3A_337 : memref<1x8x50x64xf32, #tpu.memory_space<vmem>> -> memref<8x50x64xf32, #tpu.memory_space<vmem>>
    %dma_wait3A_339 = arith.constant 0 : i32
    %dma_wait3A_340 = arith.constant 0 : i32
    %dma_wait3A_341 = tpu.memref_slice %dma_wait3A_338[%dma_wait3A_332, %dma_wait3A_339, %dma_wait3A_340] : memref<8x50x64xf32, #tpu.memory_space<vmem>> -> memref<1x50x64xf32, #tpu.memory_space<vmem>>
    %dma_wait3A_342 = tpu.memref_squeeze %dma_wait3A_341 : memref<1x50x64xf32, #tpu.memory_space<vmem>> -> memref<50x64xf32, #tpu.memory_space<vmem>>
    %dma_wait3A_343 = arith.constant 27832 : i32
    %dma_wait3A_344 = tpu.memref_slice %arg5[%dma_wait3A_343] : memref<28672xi32, #tpu.memory_space<vmem>> -> memref<50xi32, #tpu.memory_space<vmem>>
    %dma_wait3A_345 = arith.constant 0 : i32
    %dma_wait3A_346 = arith.constant 0 : i32
    %dma_wait3A_347 = tpu.memref_slice %arg3[%dma_wait3A_345, %dma_wait3A_346] : memref<1000000x64xf32, #tpu.memory_space<hbm>> -> memref<1000000x64xf32, #tpu.memory_space<hbm>>
    %dma_wait3A_348 = tpu.memref_slice %arg7[%dma_wait3A_333] : memref<2x!tpu.dma_semaphore, #tpu.memory_space<semaphore_mem>> -> memref<1x!tpu.dma_semaphore, #tpu.memory_space<semaphore_mem>>
    %dma_wait3A_349 = tpu.memref_squeeze %dma_wait3A_348 : memref<1x!tpu.dma_semaphore, #tpu.memory_space<semaphore_mem>> -> memref<!tpu.dma_semaphore, #tpu.memory_space<semaphore_mem>>
    tpu.wait_indirect_dma semaphore(%dma_wait3A_349 : memref<!tpu.dma_semaphore, #tpu.memory_space<semaphore_mem>>) src(%dma_wait3A_347 : memref<1000000x64xf32, #tpu.memory_space<hbm>>) dst(%dma_wait3A_342 : memref<50x64xf32, #tpu.memory_space<vmem>>)
    %dma_wait3A_350 = arith.constant 0 : i32
    %dma_wait3A_351 = arith.constant 2 : i32
    %dma_wait3A_352 = arith.constant 0 : i32
    %dma_wait3A_353 = arith.constant 0 : i32
    %dma_wait3A_354 = arith.constant 0 : i32
    %dma_wait3A_355 = arith.constant 0 : i32
    %dma_wait3A_356 = tpu.memref_slice %arg6[%dma_wait3A_350, %dma_wait3A_353, %dma_wait3A_354, %dma_wait3A_355] : memref<2x8x50x64xf32, #tpu.memory_space<vmem>> -> memref<1x8x50x64xf32, #tpu.memory_space<vmem>>
    %dma_wait3A_357 = tpu.memref_squeeze %dma_wait3A_356 : memref<1x8x50x64xf32, #tpu.memory_space<vmem>> -> memref<8x50x64xf32, #tpu.memory_space<vmem>>
    %dma_wait3A_358 = arith.constant 0 : i32
    %dma_wait3A_359 = arith.constant 0 : i32
    %dma_wait3A_360 = tpu.memref_slice %dma_wait3A_357[%dma_wait3A_351, %dma_wait3A_358, %dma_wait3A_359] : memref<8x50x64xf32, #tpu.memory_space<vmem>> -> memref<1x50x64xf32, #tpu.memory_space<vmem>>
    %dma_wait3A_361 = tpu.memref_squeeze %dma_wait3A_360 : memref<1x50x64xf32, #tpu.memory_space<vmem>> -> memref<50x64xf32, #tpu.memory_space<vmem>>
    %dma_wait3A_362 = arith.constant 27888 : i32
    %dma_wait3A_363 = tpu.memref_slice %arg5[%dma_wait3A_362] : memref<28672xi32, #tpu.memory_space<vmem>> -> memref<50xi32, #tpu.memory_space<vmem>>
    %dma_wait3A_364 = arith.constant 0 : i32
    %dma_wait3A_365 = arith.constant 0 : i32
    %dma_wait3A_366 = tpu.memref_slice %arg3[%dma_wait3A_364, %dma_wait3A_365] : memref<1000000x64xf32, #tpu.memory_space<hbm>> -> memref<1000000x64xf32, #tpu.memory_space<hbm>>
    %dma_wait3A_367 = tpu.memref_slice %arg7[%dma_wait3A_352] : memref<2x!tpu.dma_semaphore, #tpu.memory_space<semaphore_mem>> -> memref<1x!tpu.dma_semaphore, #tpu.memory_space<semaphore_mem>>
    %dma_wait3A_368 = tpu.memref_squeeze %dma_wait3A_367 : memref<1x!tpu.dma_semaphore, #tpu.memory_space<semaphore_mem>> -> memref<!tpu.dma_semaphore, #tpu.memory_space<semaphore_mem>>
    tpu.wait_indirect_dma semaphore(%dma_wait3A_368 : memref<!tpu.dma_semaphore, #tpu.memory_space<semaphore_mem>>) src(%dma_wait3A_366 : memref<1000000x64xf32, #tpu.memory_space<hbm>>) dst(%dma_wait3A_361 : memref<50x64xf32, #tpu.memory_space<vmem>>)
    %dma_wait3A_369 = arith.constant 0 : i32
    %dma_wait3A_370 = arith.constant 3 : i32
    %dma_wait3A_371 = arith.constant 0 : i32
    %dma_wait3A_372 = arith.constant 0 : i32
    %dma_wait3A_373 = arith.constant 0 : i32
    %dma_wait3A_374 = arith.constant 0 : i32
    %dma_wait3A_375 = tpu.memref_slice %arg6[%dma_wait3A_369, %dma_wait3A_372, %dma_wait3A_373, %dma_wait3A_374] : memref<2x8x50x64xf32, #tpu.memory_space<vmem>> -> memref<1x8x50x64xf32, #tpu.memory_space<vmem>>
    %dma_wait3A_376 = tpu.memref_squeeze %dma_wait3A_375 : memref<1x8x50x64xf32, #tpu.memory_space<vmem>> -> memref<8x50x64xf32, #tpu.memory_space<vmem>>
    %dma_wait3A_377 = arith.constant 0 : i32
    %dma_wait3A_378 = arith.constant 0 : i32
    %dma_wait3A_379 = tpu.memref_slice %dma_wait3A_376[%dma_wait3A_370, %dma_wait3A_377, %dma_wait3A_378] : memref<8x50x64xf32, #tpu.memory_space<vmem>> -> memref<1x50x64xf32, #tpu.memory_space<vmem>>
    %dma_wait3A_380 = tpu.memref_squeeze %dma_wait3A_379 : memref<1x50x64xf32, #tpu.memory_space<vmem>> -> memref<50x64xf32, #tpu.memory_space<vmem>>
    %dma_wait3A_381 = arith.constant 27944 : i32
    %dma_wait3A_382 = tpu.memref_slice %arg5[%dma_wait3A_381] : memref<28672xi32, #tpu.memory_space<vmem>> -> memref<50xi32, #tpu.memory_space<vmem>>
    %dma_wait3A_383 = arith.constant 0 : i32
    %dma_wait3A_384 = arith.constant 0 : i32
    %dma_wait3A_385 = tpu.memref_slice %arg3[%dma_wait3A_383, %dma_wait3A_384] : memref<1000000x64xf32, #tpu.memory_space<hbm>> -> memref<1000000x64xf32, #tpu.memory_space<hbm>>
    %dma_wait3A_386 = tpu.memref_slice %arg7[%dma_wait3A_371] : memref<2x!tpu.dma_semaphore, #tpu.memory_space<semaphore_mem>> -> memref<1x!tpu.dma_semaphore, #tpu.memory_space<semaphore_mem>>
    %dma_wait3A_387 = tpu.memref_squeeze %dma_wait3A_386 : memref<1x!tpu.dma_semaphore, #tpu.memory_space<semaphore_mem>> -> memref<!tpu.dma_semaphore, #tpu.memory_space<semaphore_mem>>
    tpu.wait_indirect_dma semaphore(%dma_wait3A_387 : memref<!tpu.dma_semaphore, #tpu.memory_space<semaphore_mem>>) src(%dma_wait3A_385 : memref<1000000x64xf32, #tpu.memory_space<hbm>>) dst(%dma_wait3A_380 : memref<50x64xf32, #tpu.memory_space<vmem>>)
    %dma_wait3A_388 = arith.constant 0 : i32
    %dma_wait3A_389 = arith.constant 4 : i32
    %dma_wait3A_390 = arith.constant 0 : i32
    %dma_wait3A_391 = arith.constant 0 : i32
    %dma_wait3A_392 = arith.constant 0 : i32
    %dma_wait3A_393 = arith.constant 0 : i32
    %dma_wait3A_394 = tpu.memref_slice %arg6[%dma_wait3A_388, %dma_wait3A_391, %dma_wait3A_392, %dma_wait3A_393] : memref<2x8x50x64xf32, #tpu.memory_space<vmem>> -> memref<1x8x50x64xf32, #tpu.memory_space<vmem>>
    %dma_wait3A_395 = tpu.memref_squeeze %dma_wait3A_394 : memref<1x8x50x64xf32, #tpu.memory_space<vmem>> -> memref<8x50x64xf32, #tpu.memory_space<vmem>>
    %dma_wait3A_396 = arith.constant 0 : i32
    %dma_wait3A_397 = arith.constant 0 : i32
    %dma_wait3A_398 = tpu.memref_slice %dma_wait3A_395[%dma_wait3A_389, %dma_wait3A_396, %dma_wait3A_397] : memref<8x50x64xf32, #tpu.memory_space<vmem>> -> memref<1x50x64xf32, #tpu.memory_space<vmem>>
    %dma_wait3A_399 = tpu.memref_squeeze %dma_wait3A_398 : memref<1x50x64xf32, #tpu.memory_space<vmem>> -> memref<50x64xf32, #tpu.memory_space<vmem>>
    %dma_wait3A_400 = arith.constant 28000 : i32
    %dma_wait3A_401 = tpu.memref_slice %arg5[%dma_wait3A_400] : memref<28672xi32, #tpu.memory_space<vmem>> -> memref<50xi32, #tpu.memory_space<vmem>>
    %dma_wait3A_402 = arith.constant 0 : i32
    %dma_wait3A_403 = arith.constant 0 : i32
    %dma_wait3A_404 = tpu.memref_slice %arg3[%dma_wait3A_402, %dma_wait3A_403] : memref<1000000x64xf32, #tpu.memory_space<hbm>> -> memref<1000000x64xf32, #tpu.memory_space<hbm>>
    %dma_wait3A_405 = tpu.memref_slice %arg7[%dma_wait3A_390] : memref<2x!tpu.dma_semaphore, #tpu.memory_space<semaphore_mem>> -> memref<1x!tpu.dma_semaphore, #tpu.memory_space<semaphore_mem>>
    %dma_wait3A_406 = tpu.memref_squeeze %dma_wait3A_405 : memref<1x!tpu.dma_semaphore, #tpu.memory_space<semaphore_mem>> -> memref<!tpu.dma_semaphore, #tpu.memory_space<semaphore_mem>>
    tpu.wait_indirect_dma semaphore(%dma_wait3A_406 : memref<!tpu.dma_semaphore, #tpu.memory_space<semaphore_mem>>) src(%dma_wait3A_404 : memref<1000000x64xf32, #tpu.memory_space<hbm>>) dst(%dma_wait3A_399 : memref<50x64xf32, #tpu.memory_space<vmem>>)
    %dma_wait3A_407 = arith.constant 0 : i32
    %dma_wait3A_408 = arith.constant 5 : i32
    %dma_wait3A_409 = arith.constant 0 : i32
    %dma_wait3A_410 = arith.constant 0 : i32
    %dma_wait3A_411 = arith.constant 0 : i32
    %dma_wait3A_412 = arith.constant 0 : i32
    %dma_wait3A_413 = tpu.memref_slice %arg6[%dma_wait3A_407, %dma_wait3A_410, %dma_wait3A_411, %dma_wait3A_412] : memref<2x8x50x64xf32, #tpu.memory_space<vmem>> -> memref<1x8x50x64xf32, #tpu.memory_space<vmem>>
    %dma_wait3A_414 = tpu.memref_squeeze %dma_wait3A_413 : memref<1x8x50x64xf32, #tpu.memory_space<vmem>> -> memref<8x50x64xf32, #tpu.memory_space<vmem>>
    %dma_wait3A_415 = arith.constant 0 : i32
    %dma_wait3A_416 = arith.constant 0 : i32
    %dma_wait3A_417 = tpu.memref_slice %dma_wait3A_414[%dma_wait3A_408, %dma_wait3A_415, %dma_wait3A_416] : memref<8x50x64xf32, #tpu.memory_space<vmem>> -> memref<1x50x64xf32, #tpu.memory_space<vmem>>
    %dma_wait3A_418 = tpu.memref_squeeze %dma_wait3A_417 : memref<1x50x64xf32, #tpu.memory_space<vmem>> -> memref<50x64xf32, #tpu.memory_space<vmem>>
    %dma_wait3A_419 = arith.constant 28056 : i32
    %dma_wait3A_420 = tpu.memref_slice %arg5[%dma_wait3A_419] : memref<28672xi32, #tpu.memory_space<vmem>> -> memref<50xi32, #tpu.memory_space<vmem>>
    %dma_wait3A_421 = arith.constant 0 : i32
    %dma_wait3A_422 = arith.constant 0 : i32
    %dma_wait3A_423 = tpu.memref_slice %arg3[%dma_wait3A_421, %dma_wait3A_422] : memref<1000000x64xf32, #tpu.memory_space<hbm>> -> memref<1000000x64xf32, #tpu.memory_space<hbm>>
    %dma_wait3A_424 = tpu.memref_slice %arg7[%dma_wait3A_409] : memref<2x!tpu.dma_semaphore, #tpu.memory_space<semaphore_mem>> -> memref<1x!tpu.dma_semaphore, #tpu.memory_space<semaphore_mem>>
    %dma_wait3A_425 = tpu.memref_squeeze %dma_wait3A_424 : memref<1x!tpu.dma_semaphore, #tpu.memory_space<semaphore_mem>> -> memref<!tpu.dma_semaphore, #tpu.memory_space<semaphore_mem>>
    tpu.wait_indirect_dma semaphore(%dma_wait3A_425 : memref<!tpu.dma_semaphore, #tpu.memory_space<semaphore_mem>>) src(%dma_wait3A_423 : memref<1000000x64xf32, #tpu.memory_space<hbm>>) dst(%dma_wait3A_418 : memref<50x64xf32, #tpu.memory_space<vmem>>)
    %dma_wait3A_426 = arith.constant 0 : i32
    %dma_wait3A_427 = arith.constant 6 : i32
    %dma_wait3A_428 = arith.constant 0 : i32
    %dma_wait3A_429 = arith.constant 0 : i32
    %dma_wait3A_430 = arith.constant 0 : i32
    %dma_wait3A_431 = arith.constant 0 : i32
    %dma_wait3A_432 = tpu.memref_slice %arg6[%dma_wait3A_426, %dma_wait3A_429, %dma_wait3A_430, %dma_wait3A_431] : memref<2x8x50x64xf32, #tpu.memory_space<vmem>> -> memref<1x8x50x64xf32, #tpu.memory_space<vmem>>
    %dma_wait3A_433 = tpu.memref_squeeze %dma_wait3A_432 : memref<1x8x50x64xf32, #tpu.memory_space<vmem>> -> memref<8x50x64xf32, #tpu.memory_space<vmem>>
    %dma_wait3A_434 = arith.constant 0 : i32
    %dma_wait3A_435 = arith.constant 0 : i32
    %dma_wait3A_436 = tpu.memref_slice %dma_wait3A_433[%dma_wait3A_427, %dma_wait3A_434, %dma_wait3A_435] : memref<8x50x64xf32, #tpu.memory_space<vmem>> -> memref<1x50x64xf32, #tpu.memory_space<vmem>>
    %dma_wait3A_437 = tpu.memref_squeeze %dma_wait3A_436 : memref<1x50x64xf32, #tpu.memory_space<vmem>> -> memref<50x64xf32, #tpu.memory_space<vmem>>
    %dma_wait3A_438 = arith.constant 28112 : i32
    %dma_wait3A_439 = tpu.memref_slice %arg5[%dma_wait3A_438] : memref<28672xi32, #tpu.memory_space<vmem>> -> memref<50xi32, #tpu.memory_space<vmem>>
    %dma_wait3A_440 = arith.constant 0 : i32
    %dma_wait3A_441 = arith.constant 0 : i32
    %dma_wait3A_442 = tpu.memref_slice %arg3[%dma_wait3A_440, %dma_wait3A_441] : memref<1000000x64xf32, #tpu.memory_space<hbm>> -> memref<1000000x64xf32, #tpu.memory_space<hbm>>
    %dma_wait3A_443 = tpu.memref_slice %arg7[%dma_wait3A_428] : memref<2x!tpu.dma_semaphore, #tpu.memory_space<semaphore_mem>> -> memref<1x!tpu.dma_semaphore, #tpu.memory_space<semaphore_mem>>
    %dma_wait3A_444 = tpu.memref_squeeze %dma_wait3A_443 : memref<1x!tpu.dma_semaphore, #tpu.memory_space<semaphore_mem>> -> memref<!tpu.dma_semaphore, #tpu.memory_space<semaphore_mem>>
    tpu.wait_indirect_dma semaphore(%dma_wait3A_444 : memref<!tpu.dma_semaphore, #tpu.memory_space<semaphore_mem>>) src(%dma_wait3A_442 : memref<1000000x64xf32, #tpu.memory_space<hbm>>) dst(%dma_wait3A_437 : memref<50x64xf32, #tpu.memory_space<vmem>>)
    %dma_wait3A_445 = arith.constant 0 : i32
    %dma_wait3A_446 = arith.constant 7 : i32
    %dma_wait3A_447 = arith.constant 0 : i32
    %dma_wait3A_448 = arith.constant 0 : i32
    %dma_wait3A_449 = arith.constant 0 : i32
    %dma_wait3A_450 = arith.constant 0 : i32
    %dma_wait3A_451 = tpu.memref_slice %arg6[%dma_wait3A_445, %dma_wait3A_448, %dma_wait3A_449, %dma_wait3A_450] : memref<2x8x50x64xf32, #tpu.memory_space<vmem>> -> memref<1x8x50x64xf32, #tpu.memory_space<vmem>>
    %dma_wait3A_452 = tpu.memref_squeeze %dma_wait3A_451 : memref<1x8x50x64xf32, #tpu.memory_space<vmem>> -> memref<8x50x64xf32, #tpu.memory_space<vmem>>
    %dma_wait3A_453 = arith.constant 0 : i32
    %dma_wait3A_454 = arith.constant 0 : i32
    %dma_wait3A_455 = tpu.memref_slice %dma_wait3A_452[%dma_wait3A_446, %dma_wait3A_453, %dma_wait3A_454] : memref<8x50x64xf32, #tpu.memory_space<vmem>> -> memref<1x50x64xf32, #tpu.memory_space<vmem>>
    %dma_wait3A_456 = tpu.memref_squeeze %dma_wait3A_455 : memref<1x50x64xf32, #tpu.memory_space<vmem>> -> memref<50x64xf32, #tpu.memory_space<vmem>>
    %dma_wait3A_457 = arith.constant 28168 : i32
    %dma_wait3A_458 = tpu.memref_slice %arg5[%dma_wait3A_457] : memref<28672xi32, #tpu.memory_space<vmem>> -> memref<50xi32, #tpu.memory_space<vmem>>
    %dma_wait3A_459 = arith.constant 0 : i32
    %dma_wait3A_460 = arith.constant 0 : i32
    %dma_wait3A_461 = tpu.memref_slice %arg3[%dma_wait3A_459, %dma_wait3A_460] : memref<1000000x64xf32, #tpu.memory_space<hbm>> -> memref<1000000x64xf32, #tpu.memory_space<hbm>>
    %dma_wait3A_462 = tpu.memref_slice %arg7[%dma_wait3A_447] : memref<2x!tpu.dma_semaphore, #tpu.memory_space<semaphore_mem>> -> memref<1x!tpu.dma_semaphore, #tpu.memory_space<semaphore_mem>>
    %dma_wait3A_463 = tpu.memref_squeeze %dma_wait3A_462 : memref<1x!tpu.dma_semaphore, #tpu.memory_space<semaphore_mem>> -> memref<!tpu.dma_semaphore, #tpu.memory_space<semaphore_mem>>
    tpu.wait_indirect_dma semaphore(%dma_wait3A_463 : memref<!tpu.dma_semaphore, #tpu.memory_space<semaphore_mem>>) src(%dma_wait3A_461 : memref<1000000x64xf32, #tpu.memory_space<hbm>>) dst(%dma_wait3A_456 : memref<50x64xf32, #tpu.memory_space<vmem>>)
    %add3A_464 = arith.constant 496 : i32
    %add3A_465 = arith.addi %mul3A_2, %add3A_464 : i32
    %add3A_466 = arith.constant 0 : i32
    %add3A_467 = arith.addi %add3A_465, %add3A_466 : i32
    %dma_start3A_468 = arith.constant 0 : i32
    %dma_start3A_469 = arith.constant 0 : i32
    %dma_start3A_470 = arith.constant 0 : i32
    %dma_start3A_471 = arith.constant 0 : i32
    %dma_start3A_472 = arith.constant 0 : i32
    %dma_start3A_473 = arith.constant 0 : i32
    %dma_start3A_474 = tpu.memref_slice %arg6[%dma_start3A_468, %dma_start3A_471, %dma_start3A_472, %dma_start3A_473] : memref<2x8x50x64xf32, #tpu.memory_space<vmem>> -> memref<1x8x50x64xf32, #tpu.memory_space<vmem>>
    %dma_start3A_475 = tpu.memref_squeeze %dma_start3A_474 : memref<1x8x50x64xf32, #tpu.memory_space<vmem>> -> memref<8x50x64xf32, #tpu.memory_space<vmem>>
    %dma_start3A_476 = arith.constant 0 : i32
    %dma_start3A_477 = arith.constant 0 : i32
    %dma_start3A_478 = tpu.memref_slice %dma_start3A_475[%dma_start3A_469, %dma_start3A_476, %dma_start3A_477] : memref<8x50x64xf32, #tpu.memory_space<vmem>> -> memref<1x50x64xf32, #tpu.memory_space<vmem>>
    %dma_start3A_479 = tpu.memref_squeeze %dma_start3A_478 : memref<1x50x64xf32, #tpu.memory_space<vmem>> -> memref<50x64xf32, #tpu.memory_space<vmem>>
    %dma_start3A_480 = arith.constant 0 : i32
    %dma_start3A_481 = arith.constant 0 : i32
    %dma_start3A_482 = tpu.memref_slice %arg4[%add3A_467, %dma_start3A_480, %dma_start3A_481] : memref<16384x56x128xf32, #tpu.memory_space<hbm>> -> memref<1x56x128xf32, #tpu.memory_space<hbm>>
    %dma_start3A_483 = tpu.memref_squeeze %dma_start3A_482 : memref<1x56x128xf32, #tpu.memory_space<hbm>> -> memref<56x128xf32, #tpu.memory_space<hbm>>
    %dma_start3A_484 = arith.constant 0 : i32
    %dma_start3A_485 = arith.constant 0 : i32
    %dma_start3A_486 = tpu.memref_slice %dma_start3A_483[%dma_start3A_484, %dma_start3A_485] : memref<56x128xf32, #tpu.memory_space<hbm>> -> memref<50x64xf32, #tpu.memory_space<hbm>>
    %dma_start3A_487 = tpu.memref_slice %arg8[%dma_start3A_470] : memref<2x!tpu.dma_semaphore, #tpu.memory_space<semaphore_mem>> -> memref<1x!tpu.dma_semaphore, #tpu.memory_space<semaphore_mem>>
    %dma_start3A_488 = tpu.memref_squeeze %dma_start3A_487 : memref<1x!tpu.dma_semaphore, #tpu.memory_space<semaphore_mem>> -> memref<!tpu.dma_semaphore, #tpu.memory_space<semaphore_mem>>
    %dma_start3A_489 = arith.constant 0 : i32
    %dma_start3A_490 = arith.constant 0 : i32
    %dma_start3A_491 = tpu.memref_slice %arg4[%add3A_467, %dma_start3A_489, %dma_start3A_490] : memref<16384x56x128xf32, #tpu.memory_space<hbm>> -> memref<1x56x128xf32, #tpu.memory_space<hbm>>
    %dma_start3A_492 = tpu.memref_squeeze %dma_start3A_491 : memref<1x56x128xf32, #tpu.memory_space<hbm>> -> memref<56x128xf32, #tpu.memory_space<hbm>>
    %dma_start3A_493 = arith.constant 0 : i32
    %dma_start3A_494 = arith.constant 0 : i32
    %dma_start3A_495 = tpu.memref_slice %dma_start3A_492[%dma_start3A_493, %dma_start3A_494] : memref<56x128xf32, #tpu.memory_space<hbm>> -> memref<50x64xf32, #tpu.memory_space<hbm>>
    %dma_start3A_496 = arith.constant 0 : i32
    %dma_start3A_497 = arith.constant 0 : i32
    %dma_start3A_498 = arith.constant 0 : i32
    %dma_start3A_499 = tpu.memref_slice %arg6[%dma_start3A_468, %dma_start3A_496, %dma_start3A_497, %dma_start3A_498] : memref<2x8x50x64xf32, #tpu.memory_space<vmem>> -> memref<1x8x50x64xf32, #tpu.memory_space<vmem>>
    %dma_start3A_500 = tpu.memref_squeeze %dma_start3A_499 : memref<1x8x50x64xf32, #tpu.memory_space<vmem>> -> memref<8x50x64xf32, #tpu.memory_space<vmem>>
    %dma_start3A_501 = arith.constant 0 : i32
    %dma_start3A_502 = arith.constant 0 : i32
    %dma_start3A_503 = tpu.memref_slice %dma_start3A_500[%dma_start3A_469, %dma_start3A_501, %dma_start3A_502] : memref<8x50x64xf32, #tpu.memory_space<vmem>> -> memref<1x50x64xf32, #tpu.memory_space<vmem>>
    %dma_start3A_504 = tpu.memref_squeeze %dma_start3A_503 : memref<1x50x64xf32, #tpu.memory_space<vmem>> -> memref<50x64xf32, #tpu.memory_space<vmem>>
    tpu.enqueue_dma source(%dma_start3A_504 : memref<50x64xf32, #tpu.memory_space<vmem>>) target(%dma_start3A_495 : memref<50x64xf32, #tpu.memory_space<hbm>>) target_semaphore(%dma_start3A_488 : memref<!tpu.dma_semaphore, #tpu.memory_space<semaphore_mem>>)
    %add3A_505 = arith.constant 496 : i32
    %add3A_506 = arith.addi %mul3A_2, %add3A_505 : i32
    %add3A_507 = arith.constant 1 : i32
    %add3A_508 = arith.addi %add3A_506, %add3A_507 : i32
    %dma_start3A_509 = arith.constant 0 : i32
    %dma_start3A_510 = arith.constant 1 : i32
    %dma_start3A_511 = arith.constant 0 : i32
    %dma_start3A_512 = arith.constant 0 : i32
    %dma_start3A_513 = arith.constant 0 : i32
    %dma_start3A_514 = arith.constant 0 : i32
    %dma_start3A_515 = tpu.memref_slice %arg6[%dma_start3A_509, %dma_start3A_512, %dma_start3A_513, %dma_start3A_514] : memref<2x8x50x64xf32, #tpu.memory_space<vmem>> -> memref<1x8x50x64xf32, #tpu.memory_space<vmem>>
    %dma_start3A_516 = tpu.memref_squeeze %dma_start3A_515 : memref<1x8x50x64xf32, #tpu.memory_space<vmem>> -> memref<8x50x64xf32, #tpu.memory_space<vmem>>
    %dma_start3A_517 = arith.constant 0 : i32
    %dma_start3A_518 = arith.constant 0 : i32
    %dma_start3A_519 = tpu.memref_slice %dma_start3A_516[%dma_start3A_510, %dma_start3A_517, %dma_start3A_518] : memref<8x50x64xf32, #tpu.memory_space<vmem>> -> memref<1x50x64xf32, #tpu.memory_space<vmem>>
    %dma_start3A_520 = tpu.memref_squeeze %dma_start3A_519 : memref<1x50x64xf32, #tpu.memory_space<vmem>> -> memref<50x64xf32, #tpu.memory_space<vmem>>
    %dma_start3A_521 = arith.constant 0 : i32
    %dma_start3A_522 = arith.constant 0 : i32
    %dma_start3A_523 = tpu.memref_slice %arg4[%add3A_508, %dma_start3A_521, %dma_start3A_522] : memref<16384x56x128xf32, #tpu.memory_space<hbm>> -> memref<1x56x128xf32, #tpu.memory_space<hbm>>
    %dma_start3A_524 = tpu.memref_squeeze %dma_start3A_523 : memref<1x56x128xf32, #tpu.memory_space<hbm>> -> memref<56x128xf32, #tpu.memory_space<hbm>>
    %dma_start3A_525 = arith.constant 0 : i32
    %dma_start3A_526 = arith.constant 0 : i32
    %dma_start3A_527 = tpu.memref_slice %dma_start3A_524[%dma_start3A_525, %dma_start3A_526] : memref<56x128xf32, #tpu.memory_space<hbm>> -> memref<50x64xf32, #tpu.memory_space<hbm>>
    %dma_start3A_528 = tpu.memref_slice %arg8[%dma_start3A_511] : memref<2x!tpu.dma_semaphore, #tpu.memory_space<semaphore_mem>> -> memref<1x!tpu.dma_semaphore, #tpu.memory_space<semaphore_mem>>
    %dma_start3A_529 = tpu.memref_squeeze %dma_start3A_528 : memref<1x!tpu.dma_semaphore, #tpu.memory_space<semaphore_mem>> -> memref<!tpu.dma_semaphore, #tpu.memory_space<semaphore_mem>>
    %dma_start3A_530 = arith.constant 0 : i32
    %dma_start3A_531 = arith.constant 0 : i32
    %dma_start3A_532 = tpu.memref_slice %arg4[%add3A_508, %dma_start3A_530, %dma_start3A_531] : memref<16384x56x128xf32, #tpu.memory_space<hbm>> -> memref<1x56x128xf32, #tpu.memory_space<hbm>>
    %dma_start3A_533 = tpu.memref_squeeze %dma_start3A_532 : memref<1x56x128xf32, #tpu.memory_space<hbm>> -> memref<56x128xf32, #tpu.memory_space<hbm>>
    %dma_start3A_534 = arith.constant 0 : i32
    %dma_start3A_535 = arith.constant 0 : i32
    %dma_start3A_536 = tpu.memref_slice %dma_start3A_533[%dma_start3A_534, %dma_start3A_535] : memref<56x128xf32, #tpu.memory_space<hbm>> -> memref<50x64xf32, #tpu.memory_space<hbm>>
    %dma_start3A_537 = arith.constant 0 : i32
    %dma_start3A_538 = arith.constant 0 : i32
    %dma_start3A_539 = arith.constant 0 : i32
    %dma_start3A_540 = tpu.memref_slice %arg6[%dma_start3A_509, %dma_start3A_537, %dma_start3A_538, %dma_start3A_539] : memref<2x8x50x64xf32, #tpu.memory_space<vmem>> -> memref<1x8x50x64xf32, #tpu.memory_space<vmem>>
    %dma_start3A_541 = tpu.memref_squeeze %dma_start3A_540 : memref<1x8x50x64xf32, #tpu.memory_space<vmem>> -> memref<8x50x64xf32, #tpu.memory_space<vmem>>
    %dma_start3A_542 = arith.constant 0 : i32
    %dma_start3A_543 = arith.constant 0 : i32
    %dma_start3A_544 = tpu.memref_slice %dma_start3A_541[%dma_start3A_510, %dma_start3A_542, %dma_start3A_543] : memref<8x50x64xf32, #tpu.memory_space<vmem>> -> memref<1x50x64xf32, #tpu.memory_space<vmem>>
    %dma_start3A_545 = tpu.memref_squeeze %dma_start3A_544 : memref<1x50x64xf32, #tpu.memory_space<vmem>> -> memref<50x64xf32, #tpu.memory_space<vmem>>
    tpu.enqueue_dma source(%dma_start3A_545 : memref<50x64xf32, #tpu.memory_space<vmem>>) target(%dma_start3A_536 : memref<50x64xf32, #tpu.memory_space<hbm>>) target_semaphore(%dma_start3A_529 : memref<!tpu.dma_semaphore, #tpu.memory_space<semaphore_mem>>)
    %add3A_546 = arith.constant 496 : i32
    %add3A_547 = arith.addi %mul3A_2, %add3A_546 : i32
    %add3A_548 = arith.constant 2 : i32
    %add3A_549 = arith.addi %add3A_547, %add3A_548 : i32
    %dma_start3A_550 = arith.constant 0 : i32
    %dma_start3A_551 = arith.constant 2 : i32
    %dma_start3A_552 = arith.constant 0 : i32
    %dma_start3A_553 = arith.constant 0 : i32
    %dma_start3A_554 = arith.constant 0 : i32
    %dma_start3A_555 = arith.constant 0 : i32
    %dma_start3A_556 = tpu.memref_slice %arg6[%dma_start3A_550, %dma_start3A_553, %dma_start3A_554, %dma_start3A_555] : memref<2x8x50x64xf32, #tpu.memory_space<vmem>> -> memref<1x8x50x64xf32, #tpu.memory_space<vmem>>
    %dma_start3A_557 = tpu.memref_squeeze %dma_start3A_556 : memref<1x8x50x64xf32, #tpu.memory_space<vmem>> -> memref<8x50x64xf32, #tpu.memory_space<vmem>>
    %dma_start3A_558 = arith.constant 0 : i32
    %dma_start3A_559 = arith.constant 0 : i32
    %dma_start3A_560 = tpu.memref_slice %dma_start3A_557[%dma_start3A_551, %dma_start3A_558, %dma_start3A_559] : memref<8x50x64xf32, #tpu.memory_space<vmem>> -> memref<1x50x64xf32, #tpu.memory_space<vmem>>
    %dma_start3A_561 = tpu.memref_squeeze %dma_start3A_560 : memref<1x50x64xf32, #tpu.memory_space<vmem>> -> memref<50x64xf32, #tpu.memory_space<vmem>>
    %dma_start3A_562 = arith.constant 0 : i32
    %dma_start3A_563 = arith.constant 0 : i32
    %dma_start3A_564 = tpu.memref_slice %arg4[%add3A_549, %dma_start3A_562, %dma_start3A_563] : memref<16384x56x128xf32, #tpu.memory_space<hbm>> -> memref<1x56x128xf32, #tpu.memory_space<hbm>>
    %dma_start3A_565 = tpu.memref_squeeze %dma_start3A_564 : memref<1x56x128xf32, #tpu.memory_space<hbm>> -> memref<56x128xf32, #tpu.memory_space<hbm>>
    %dma_start3A_566 = arith.constant 0 : i32
    %dma_start3A_567 = arith.constant 0 : i32
    %dma_start3A_568 = tpu.memref_slice %dma_start3A_565[%dma_start3A_566, %dma_start3A_567] : memref<56x128xf32, #tpu.memory_space<hbm>> -> memref<50x64xf32, #tpu.memory_space<hbm>>
    %dma_start3A_569 = tpu.memref_slice %arg8[%dma_start3A_552] : memref<2x!tpu.dma_semaphore, #tpu.memory_space<semaphore_mem>> -> memref<1x!tpu.dma_semaphore, #tpu.memory_space<semaphore_mem>>
    %dma_start3A_570 = tpu.memref_squeeze %dma_start3A_569 : memref<1x!tpu.dma_semaphore, #tpu.memory_space<semaphore_mem>> -> memref<!tpu.dma_semaphore, #tpu.memory_space<semaphore_mem>>
    %dma_start3A_571 = arith.constant 0 : i32
    %dma_start3A_572 = arith.constant 0 : i32
    %dma_start3A_573 = tpu.memref_slice %arg4[%add3A_549, %dma_start3A_571, %dma_start3A_572] : memref<16384x56x128xf32, #tpu.memory_space<hbm>> -> memref<1x56x128xf32, #tpu.memory_space<hbm>>
    %dma_start3A_574 = tpu.memref_squeeze %dma_start3A_573 : memref<1x56x128xf32, #tpu.memory_space<hbm>> -> memref<56x128xf32, #tpu.memory_space<hbm>>
    %dma_start3A_575 = arith.constant 0 : i32
    %dma_start3A_576 = arith.constant 0 : i32
    %dma_start3A_577 = tpu.memref_slice %dma_start3A_574[%dma_start3A_575, %dma_start3A_576] : memref<56x128xf32, #tpu.memory_space<hbm>> -> memref<50x64xf32, #tpu.memory_space<hbm>>
    %dma_start3A_578 = arith.constant 0 : i32
    %dma_start3A_579 = arith.constant 0 : i32
    %dma_start3A_580 = arith.constant 0 : i32
    %dma_start3A_581 = tpu.memref_slice %arg6[%dma_start3A_550, %dma_start3A_578, %dma_start3A_579, %dma_start3A_580] : memref<2x8x50x64xf32, #tpu.memory_space<vmem>> -> memref<1x8x50x64xf32, #tpu.memory_space<vmem>>
    %dma_start3A_582 = tpu.memref_squeeze %dma_start3A_581 : memref<1x8x50x64xf32, #tpu.memory_space<vmem>> -> memref<8x50x64xf32, #tpu.memory_space<vmem>>
    %dma_start3A_583 = arith.constant 0 : i32
    %dma_start3A_584 = arith.constant 0 : i32
    %dma_start3A_585 = tpu.memref_slice %dma_start3A_582[%dma_start3A_551, %dma_start3A_583, %dma_start3A_584] : memref<8x50x64xf32, #tpu.memory_space<vmem>> -> memref<1x50x64xf32, #tpu.memory_space<vmem>>
    %dma_start3A_586 = tpu.memref_squeeze %dma_start3A_585 : memref<1x50x64xf32, #tpu.memory_space<vmem>> -> memref<50x64xf32, #tpu.memory_space<vmem>>
    tpu.enqueue_dma source(%dma_start3A_586 : memref<50x64xf32, #tpu.memory_space<vmem>>) target(%dma_start3A_577 : memref<50x64xf32, #tpu.memory_space<hbm>>) target_semaphore(%dma_start3A_570 : memref<!tpu.dma_semaphore, #tpu.memory_space<semaphore_mem>>)
    %add3A_587 = arith.constant 496 : i32
    %add3A_588 = arith.addi %mul3A_2, %add3A_587 : i32
    %add3A_589 = arith.constant 3 : i32
    %add3A_590 = arith.addi %add3A_588, %add3A_589 : i32
    %dma_start3A_591 = arith.constant 0 : i32
    %dma_start3A_592 = arith.constant 3 : i32
    %dma_start3A_593 = arith.constant 0 : i32
    %dma_start3A_594 = arith.constant 0 : i32
    %dma_start3A_595 = arith.constant 0 : i32
    %dma_start3A_596 = arith.constant 0 : i32
    %dma_start3A_597 = tpu.memref_slice %arg6[%dma_start3A_591, %dma_start3A_594, %dma_start3A_595, %dma_start3A_596] : memref<2x8x50x64xf32, #tpu.memory_space<vmem>> -> memref<1x8x50x64xf32, #tpu.memory_space<vmem>>
    %dma_start3A_598 = tpu.memref_squeeze %dma_start3A_597 : memref<1x8x50x64xf32, #tpu.memory_space<vmem>> -> memref<8x50x64xf32, #tpu.memory_space<vmem>>
    %dma_start3A_599 = arith.constant 0 : i32
    %dma_start3A_600 = arith.constant 0 : i32
    %dma_start3A_601 = tpu.memref_slice %dma_start3A_598[%dma_start3A_592, %dma_start3A_599, %dma_start3A_600] : memref<8x50x64xf32, #tpu.memory_space<vmem>> -> memref<1x50x64xf32, #tpu.memory_space<vmem>>
    %dma_start3A_602 = tpu.memref_squeeze %dma_start3A_601 : memref<1x50x64xf32, #tpu.memory_space<vmem>> -> memref<50x64xf32, #tpu.memory_space<vmem>>
    %dma_start3A_603 = arith.constant 0 : i32
    %dma_start3A_604 = arith.constant 0 : i32
    %dma_start3A_605 = tpu.memref_slice %arg4[%add3A_590, %dma_start3A_603, %dma_start3A_604] : memref<16384x56x128xf32, #tpu.memory_space<hbm>> -> memref<1x56x128xf32, #tpu.memory_space<hbm>>
    %dma_start3A_606 = tpu.memref_squeeze %dma_start3A_605 : memref<1x56x128xf32, #tpu.memory_space<hbm>> -> memref<56x128xf32, #tpu.memory_space<hbm>>
    %dma_start3A_607 = arith.constant 0 : i32
    %dma_start3A_608 = arith.constant 0 : i32
    %dma_start3A_609 = tpu.memref_slice %dma_start3A_606[%dma_start3A_607, %dma_start3A_608] : memref<56x128xf32, #tpu.memory_space<hbm>> -> memref<50x64xf32, #tpu.memory_space<hbm>>
    %dma_start3A_610 = tpu.memref_slice %arg8[%dma_start3A_593] : memref<2x!tpu.dma_semaphore, #tpu.memory_space<semaphore_mem>> -> memref<1x!tpu.dma_semaphore, #tpu.memory_space<semaphore_mem>>
    %dma_start3A_611 = tpu.memref_squeeze %dma_start3A_610 : memref<1x!tpu.dma_semaphore, #tpu.memory_space<semaphore_mem>> -> memref<!tpu.dma_semaphore, #tpu.memory_space<semaphore_mem>>
    %dma_start3A_612 = arith.constant 0 : i32
    %dma_start3A_613 = arith.constant 0 : i32
    %dma_start3A_614 = tpu.memref_slice %arg4[%add3A_590, %dma_start3A_612, %dma_start3A_613] : memref<16384x56x128xf32, #tpu.memory_space<hbm>> -> memref<1x56x128xf32, #tpu.memory_space<hbm>>
    %dma_start3A_615 = tpu.memref_squeeze %dma_start3A_614 : memref<1x56x128xf32, #tpu.memory_space<hbm>> -> memref<56x128xf32, #tpu.memory_space<hbm>>
    %dma_start3A_616 = arith.constant 0 : i32
    %dma_start3A_617 = arith.constant 0 : i32
    %dma_start3A_618 = tpu.memref_slice %dma_start3A_615[%dma_start3A_616, %dma_start3A_617] : memref<56x128xf32, #tpu.memory_space<hbm>> -> memref<50x64xf32, #tpu.memory_space<hbm>>
    %dma_start3A_619 = arith.constant 0 : i32
    %dma_start3A_620 = arith.constant 0 : i32
    %dma_start3A_621 = arith.constant 0 : i32
    %dma_start3A_622 = tpu.memref_slice %arg6[%dma_start3A_591, %dma_start3A_619, %dma_start3A_620, %dma_start3A_621] : memref<2x8x50x64xf32, #tpu.memory_space<vmem>> -> memref<1x8x50x64xf32, #tpu.memory_space<vmem>>
    %dma_start3A_623 = tpu.memref_squeeze %dma_start3A_622 : memref<1x8x50x64xf32, #tpu.memory_space<vmem>> -> memref<8x50x64xf32, #tpu.memory_space<vmem>>
    %dma_start3A_624 = arith.constant 0 : i32
    %dma_start3A_625 = arith.constant 0 : i32
    %dma_start3A_626 = tpu.memref_slice %dma_start3A_623[%dma_start3A_592, %dma_start3A_624, %dma_start3A_625] : memref<8x50x64xf32, #tpu.memory_space<vmem>> -> memref<1x50x64xf32, #tpu.memory_space<vmem>>
    %dma_start3A_627 = tpu.memref_squeeze %dma_start3A_626 : memref<1x50x64xf32, #tpu.memory_space<vmem>> -> memref<50x64xf32, #tpu.memory_space<vmem>>
    tpu.enqueue_dma source(%dma_start3A_627 : memref<50x64xf32, #tpu.memory_space<vmem>>) target(%dma_start3A_618 : memref<50x64xf32, #tpu.memory_space<hbm>>) target_semaphore(%dma_start3A_611 : memref<!tpu.dma_semaphore, #tpu.memory_space<semaphore_mem>>)
    %add3A_628 = arith.constant 496 : i32
    %add3A_629 = arith.addi %mul3A_2, %add3A_628 : i32
    %add3A_630 = arith.constant 4 : i32
    %add3A_631 = arith.addi %add3A_629, %add3A_630 : i32
    %dma_start3A_632 = arith.constant 0 : i32
    %dma_start3A_633 = arith.constant 4 : i32
    %dma_start3A_634 = arith.constant 0 : i32
    %dma_start3A_635 = arith.constant 0 : i32
    %dma_start3A_636 = arith.constant 0 : i32
    %dma_start3A_637 = arith.constant 0 : i32
    %dma_start3A_638 = tpu.memref_slice %arg6[%dma_start3A_632, %dma_start3A_635, %dma_start3A_636, %dma_start3A_637] : memref<2x8x50x64xf32, #tpu.memory_space<vmem>> -> memref<1x8x50x64xf32, #tpu.memory_space<vmem>>
    %dma_start3A_639 = tpu.memref_squeeze %dma_start3A_638 : memref<1x8x50x64xf32, #tpu.memory_space<vmem>> -> memref<8x50x64xf32, #tpu.memory_space<vmem>>
    %dma_start3A_640 = arith.constant 0 : i32
    %dma_start3A_641 = arith.constant 0 : i32
    %dma_start3A_642 = tpu.memref_slice %dma_start3A_639[%dma_start3A_633, %dma_start3A_640, %dma_start3A_641] : memref<8x50x64xf32, #tpu.memory_space<vmem>> -> memref<1x50x64xf32, #tpu.memory_space<vmem>>
    %dma_start3A_643 = tpu.memref_squeeze %dma_start3A_642 : memref<1x50x64xf32, #tpu.memory_space<vmem>> -> memref<50x64xf32, #tpu.memory_space<vmem>>
    %dma_start3A_644 = arith.constant 0 : i32
    %dma_start3A_645 = arith.constant 0 : i32
    %dma_start3A_646 = tpu.memref_slice %arg4[%add3A_631, %dma_start3A_644, %dma_start3A_645] : memref<16384x56x128xf32, #tpu.memory_space<hbm>> -> memref<1x56x128xf32, #tpu.memory_space<hbm>>
    %dma_start3A_647 = tpu.memref_squeeze %dma_start3A_646 : memref<1x56x128xf32, #tpu.memory_space<hbm>> -> memref<56x128xf32, #tpu.memory_space<hbm>>
    %dma_start3A_648 = arith.constant 0 : i32
    %dma_start3A_649 = arith.constant 0 : i32
    %dma_start3A_650 = tpu.memref_slice %dma_start3A_647[%dma_start3A_648, %dma_start3A_649] : memref<56x128xf32, #tpu.memory_space<hbm>> -> memref<50x64xf32, #tpu.memory_space<hbm>>
    %dma_start3A_651 = tpu.memref_slice %arg8[%dma_start3A_634] : memref<2x!tpu.dma_semaphore, #tpu.memory_space<semaphore_mem>> -> memref<1x!tpu.dma_semaphore, #tpu.memory_space<semaphore_mem>>
    %dma_start3A_652 = tpu.memref_squeeze %dma_start3A_651 : memref<1x!tpu.dma_semaphore, #tpu.memory_space<semaphore_mem>> -> memref<!tpu.dma_semaphore, #tpu.memory_space<semaphore_mem>>
    %dma_start3A_653 = arith.constant 0 : i32
    %dma_start3A_654 = arith.constant 0 : i32
    %dma_start3A_655 = tpu.memref_slice %arg4[%add3A_631, %dma_start3A_653, %dma_start3A_654] : memref<16384x56x128xf32, #tpu.memory_space<hbm>> -> memref<1x56x128xf32, #tpu.memory_space<hbm>>
    %dma_start3A_656 = tpu.memref_squeeze %dma_start3A_655 : memref<1x56x128xf32, #tpu.memory_space<hbm>> -> memref<56x128xf32, #tpu.memory_space<hbm>>
    %dma_start3A_657 = arith.constant 0 : i32
    %dma_start3A_658 = arith.constant 0 : i32
    %dma_start3A_659 = tpu.memref_slice %dma_start3A_656[%dma_start3A_657, %dma_start3A_658] : memref<56x128xf32, #tpu.memory_space<hbm>> -> memref<50x64xf32, #tpu.memory_space<hbm>>
    %dma_start3A_660 = arith.constant 0 : i32
    %dma_start3A_661 = arith.constant 0 : i32
    %dma_start3A_662 = arith.constant 0 : i32
    %dma_start3A_663 = tpu.memref_slice %arg6[%dma_start3A_632, %dma_start3A_660, %dma_start3A_661, %dma_start3A_662] : memref<2x8x50x64xf32, #tpu.memory_space<vmem>> -> memref<1x8x50x64xf32, #tpu.memory_space<vmem>>
    %dma_start3A_664 = tpu.memref_squeeze %dma_start3A_663 : memref<1x8x50x64xf32, #tpu.memory_space<vmem>> -> memref<8x50x64xf32, #tpu.memory_space<vmem>>
    %dma_start3A_665 = arith.constant 0 : i32
    %dma_start3A_666 = arith.constant 0 : i32
    %dma_start3A_667 = tpu.memref_slice %dma_start3A_664[%dma_start3A_633, %dma_start3A_665, %dma_start3A_666] : memref<8x50x64xf32, #tpu.memory_space<vmem>> -> memref<1x50x64xf32, #tpu.memory_space<vmem>>
    %dma_start3A_668 = tpu.memref_squeeze %dma_start3A_667 : memref<1x50x64xf32, #tpu.memory_space<vmem>> -> memref<50x64xf32, #tpu.memory_space<vmem>>
    tpu.enqueue_dma source(%dma_start3A_668 : memref<50x64xf32, #tpu.memory_space<vmem>>) target(%dma_start3A_659 : memref<50x64xf32, #tpu.memory_space<hbm>>) target_semaphore(%dma_start3A_652 : memref<!tpu.dma_semaphore, #tpu.memory_space<semaphore_mem>>)
    %add3A_669 = arith.constant 496 : i32
    %add3A_670 = arith.addi %mul3A_2, %add3A_669 : i32
    %add3A_671 = arith.constant 5 : i32
    %add3A_672 = arith.addi %add3A_670, %add3A_671 : i32
    %dma_start3A_673 = arith.constant 0 : i32
    %dma_start3A_674 = arith.constant 5 : i32
    %dma_start3A_675 = arith.constant 0 : i32
    %dma_start3A_676 = arith.constant 0 : i32
    %dma_start3A_677 = arith.constant 0 : i32
    %dma_start3A_678 = arith.constant 0 : i32
    %dma_start3A_679 = tpu.memref_slice %arg6[%dma_start3A_673, %dma_start3A_676, %dma_start3A_677, %dma_start3A_678] : memref<2x8x50x64xf32, #tpu.memory_space<vmem>> -> memref<1x8x50x64xf32, #tpu.memory_space<vmem>>
    %dma_start3A_680 = tpu.memref_squeeze %dma_start3A_679 : memref<1x8x50x64xf32, #tpu.memory_space<vmem>> -> memref<8x50x64xf32, #tpu.memory_space<vmem>>
    %dma_start3A_681 = arith.constant 0 : i32
    %dma_start3A_682 = arith.constant 0 : i32
    %dma_start3A_683 = tpu.memref_slice %dma_start3A_680[%dma_start3A_674, %dma_start3A_681, %dma_start3A_682] : memref<8x50x64xf32, #tpu.memory_space<vmem>> -> memref<1x50x64xf32, #tpu.memory_space<vmem>>
    %dma_start3A_684 = tpu.memref_squeeze %dma_start3A_683 : memref<1x50x64xf32, #tpu.memory_space<vmem>> -> memref<50x64xf32, #tpu.memory_space<vmem>>
    %dma_start3A_685 = arith.constant 0 : i32
    %dma_start3A_686 = arith.constant 0 : i32
    %dma_start3A_687 = tpu.memref_slice %arg4[%add3A_672, %dma_start3A_685, %dma_start3A_686] : memref<16384x56x128xf32, #tpu.memory_space<hbm>> -> memref<1x56x128xf32, #tpu.memory_space<hbm>>
    %dma_start3A_688 = tpu.memref_squeeze %dma_start3A_687 : memref<1x56x128xf32, #tpu.memory_space<hbm>> -> memref<56x128xf32, #tpu.memory_space<hbm>>
    %dma_start3A_689 = arith.constant 0 : i32
    %dma_start3A_690 = arith.constant 0 : i32
    %dma_start3A_691 = tpu.memref_slice %dma_start3A_688[%dma_start3A_689, %dma_start3A_690] : memref<56x128xf32, #tpu.memory_space<hbm>> -> memref<50x64xf32, #tpu.memory_space<hbm>>
    %dma_start3A_692 = tpu.memref_slice %arg8[%dma_start3A_675] : memref<2x!tpu.dma_semaphore, #tpu.memory_space<semaphore_mem>> -> memref<1x!tpu.dma_semaphore, #tpu.memory_space<semaphore_mem>>
    %dma_start3A_693 = tpu.memref_squeeze %dma_start3A_692 : memref<1x!tpu.dma_semaphore, #tpu.memory_space<semaphore_mem>> -> memref<!tpu.dma_semaphore, #tpu.memory_space<semaphore_mem>>
    %dma_start3A_694 = arith.constant 0 : i32
    %dma_start3A_695 = arith.constant 0 : i32
    %dma_start3A_696 = tpu.memref_slice %arg4[%add3A_672, %dma_start3A_694, %dma_start3A_695] : memref<16384x56x128xf32, #tpu.memory_space<hbm>> -> memref<1x56x128xf32, #tpu.memory_space<hbm>>
    %dma_start3A_697 = tpu.memref_squeeze %dma_start3A_696 : memref<1x56x128xf32, #tpu.memory_space<hbm>> -> memref<56x128xf32, #tpu.memory_space<hbm>>
    %dma_start3A_698 = arith.constant 0 : i32
    %dma_start3A_699 = arith.constant 0 : i32
    %dma_start3A_700 = tpu.memref_slice %dma_start3A_697[%dma_start3A_698, %dma_start3A_699] : memref<56x128xf32, #tpu.memory_space<hbm>> -> memref<50x64xf32, #tpu.memory_space<hbm>>
    %dma_start3A_701 = arith.constant 0 : i32
    %dma_start3A_702 = arith.constant 0 : i32
    %dma_start3A_703 = arith.constant 0 : i32
    %dma_start3A_704 = tpu.memref_slice %arg6[%dma_start3A_673, %dma_start3A_701, %dma_start3A_702, %dma_start3A_703] : memref<2x8x50x64xf32, #tpu.memory_space<vmem>> -> memref<1x8x50x64xf32, #tpu.memory_space<vmem>>
    %dma_start3A_705 = tpu.memref_squeeze %dma_start3A_704 : memref<1x8x50x64xf32, #tpu.memory_space<vmem>> -> memref<8x50x64xf32, #tpu.memory_space<vmem>>
    %dma_start3A_706 = arith.constant 0 : i32
    %dma_start3A_707 = arith.constant 0 : i32
    %dma_start3A_708 = tpu.memref_slice %dma_start3A_705[%dma_start3A_674, %dma_start3A_706, %dma_start3A_707] : memref<8x50x64xf32, #tpu.memory_space<vmem>> -> memref<1x50x64xf32, #tpu.memory_space<vmem>>
    %dma_start3A_709 = tpu.memref_squeeze %dma_start3A_708 : memref<1x50x64xf32, #tpu.memory_space<vmem>> -> memref<50x64xf32, #tpu.memory_space<vmem>>
    tpu.enqueue_dma source(%dma_start3A_709 : memref<50x64xf32, #tpu.memory_space<vmem>>) target(%dma_start3A_700 : memref<50x64xf32, #tpu.memory_space<hbm>>) target_semaphore(%dma_start3A_693 : memref<!tpu.dma_semaphore, #tpu.memory_space<semaphore_mem>>)
    %add3A_710 = arith.constant 496 : i32
    %add3A_711 = arith.addi %mul3A_2, %add3A_710 : i32
    %add3A_712 = arith.constant 6 : i32
    %add3A_713 = arith.addi %add3A_711, %add3A_712 : i32
    %dma_start3A_714 = arith.constant 0 : i32
    %dma_start3A_715 = arith.constant 6 : i32
    %dma_start3A_716 = arith.constant 0 : i32
    %dma_start3A_717 = arith.constant 0 : i32
    %dma_start3A_718 = arith.constant 0 : i32
    %dma_start3A_719 = arith.constant 0 : i32
    %dma_start3A_720 = tpu.memref_slice %arg6[%dma_start3A_714, %dma_start3A_717, %dma_start3A_718, %dma_start3A_719] : memref<2x8x50x64xf32, #tpu.memory_space<vmem>> -> memref<1x8x50x64xf32, #tpu.memory_space<vmem>>
    %dma_start3A_721 = tpu.memref_squeeze %dma_start3A_720 : memref<1x8x50x64xf32, #tpu.memory_space<vmem>> -> memref<8x50x64xf32, #tpu.memory_space<vmem>>
    %dma_start3A_722 = arith.constant 0 : i32
    %dma_start3A_723 = arith.constant 0 : i32
    %dma_start3A_724 = tpu.memref_slice %dma_start3A_721[%dma_start3A_715, %dma_start3A_722, %dma_start3A_723] : memref<8x50x64xf32, #tpu.memory_space<vmem>> -> memref<1x50x64xf32, #tpu.memory_space<vmem>>
    %dma_start3A_725 = tpu.memref_squeeze %dma_start3A_724 : memref<1x50x64xf32, #tpu.memory_space<vmem>> -> memref<50x64xf32, #tpu.memory_space<vmem>>
    %dma_start3A_726 = arith.constant 0 : i32
    %dma_start3A_727 = arith.constant 0 : i32
    %dma_start3A_728 = tpu.memref_slice %arg4[%add3A_713, %dma_start3A_726, %dma_start3A_727] : memref<16384x56x128xf32, #tpu.memory_space<hbm>> -> memref<1x56x128xf32, #tpu.memory_space<hbm>>
    %dma_start3A_729 = tpu.memref_squeeze %dma_start3A_728 : memref<1x56x128xf32, #tpu.memory_space<hbm>> -> memref<56x128xf32, #tpu.memory_space<hbm>>
    %dma_start3A_730 = arith.constant 0 : i32
    %dma_start3A_731 = arith.constant 0 : i32
    %dma_start3A_732 = tpu.memref_slice %dma_start3A_729[%dma_start3A_730, %dma_start3A_731] : memref<56x128xf32, #tpu.memory_space<hbm>> -> memref<50x64xf32, #tpu.memory_space<hbm>>
    %dma_start3A_733 = tpu.memref_slice %arg8[%dma_start3A_716] : memref<2x!tpu.dma_semaphore, #tpu.memory_space<semaphore_mem>> -> memref<1x!tpu.dma_semaphore, #tpu.memory_space<semaphore_mem>>
    %dma_start3A_734 = tpu.memref_squeeze %dma_start3A_733 : memref<1x!tpu.dma_semaphore, #tpu.memory_space<semaphore_mem>> -> memref<!tpu.dma_semaphore, #tpu.memory_space<semaphore_mem>>
    %dma_start3A_735 = arith.constant 0 : i32
    %dma_start3A_736 = arith.constant 0 : i32
    %dma_start3A_737 = tpu.memref_slice %arg4[%add3A_713, %dma_start3A_735, %dma_start3A_736] : memref<16384x56x128xf32, #tpu.memory_space<hbm>> -> memref<1x56x128xf32, #tpu.memory_space<hbm>>
    %dma_start3A_738 = tpu.memref_squeeze %dma_start3A_737 : memref<1x56x128xf32, #tpu.memory_space<hbm>> -> memref<56x128xf32, #tpu.memory_space<hbm>>
    %dma_start3A_739 = arith.constant 0 : i32
    %dma_start3A_740 = arith.constant 0 : i32
    %dma_start3A_741 = tpu.memref_slice %dma_start3A_738[%dma_start3A_739, %dma_start3A_740] : memref<56x128xf32, #tpu.memory_space<hbm>> -> memref<50x64xf32, #tpu.memory_space<hbm>>
    %dma_start3A_742 = arith.constant 0 : i32
    %dma_start3A_743 = arith.constant 0 : i32
    %dma_start3A_744 = arith.constant 0 : i32
    %dma_start3A_745 = tpu.memref_slice %arg6[%dma_start3A_714, %dma_start3A_742, %dma_start3A_743, %dma_start3A_744] : memref<2x8x50x64xf32, #tpu.memory_space<vmem>> -> memref<1x8x50x64xf32, #tpu.memory_space<vmem>>
    %dma_start3A_746 = tpu.memref_squeeze %dma_start3A_745 : memref<1x8x50x64xf32, #tpu.memory_space<vmem>> -> memref<8x50x64xf32, #tpu.memory_space<vmem>>
    %dma_start3A_747 = arith.constant 0 : i32
    %dma_start3A_748 = arith.constant 0 : i32
    %dma_start3A_749 = tpu.memref_slice %dma_start3A_746[%dma_start3A_715, %dma_start3A_747, %dma_start3A_748] : memref<8x50x64xf32, #tpu.memory_space<vmem>> -> memref<1x50x64xf32, #tpu.memory_space<vmem>>
    %dma_start3A_750 = tpu.memref_squeeze %dma_start3A_749 : memref<1x50x64xf32, #tpu.memory_space<vmem>> -> memref<50x64xf32, #tpu.memory_space<vmem>>
    tpu.enqueue_dma source(%dma_start3A_750 : memref<50x64xf32, #tpu.memory_space<vmem>>) target(%dma_start3A_741 : memref<50x64xf32, #tpu.memory_space<hbm>>) target_semaphore(%dma_start3A_734 : memref<!tpu.dma_semaphore, #tpu.memory_space<semaphore_mem>>)
    %add3A_751 = arith.constant 496 : i32
    %add3A_752 = arith.addi %mul3A_2, %add3A_751 : i32
    %add3A_753 = arith.constant 7 : i32
    %add3A_754 = arith.addi %add3A_752, %add3A_753 : i32
    %dma_start3A_755 = arith.constant 0 : i32
    %dma_start3A_756 = arith.constant 7 : i32
    %dma_start3A_757 = arith.constant 0 : i32
    %dma_start3A_758 = arith.constant 0 : i32
    %dma_start3A_759 = arith.constant 0 : i32
    %dma_start3A_760 = arith.constant 0 : i32
    %dma_start3A_761 = tpu.memref_slice %arg6[%dma_start3A_755, %dma_start3A_758, %dma_start3A_759, %dma_start3A_760] : memref<2x8x50x64xf32, #tpu.memory_space<vmem>> -> memref<1x8x50x64xf32, #tpu.memory_space<vmem>>
    %dma_start3A_762 = tpu.memref_squeeze %dma_start3A_761 : memref<1x8x50x64xf32, #tpu.memory_space<vmem>> -> memref<8x50x64xf32, #tpu.memory_space<vmem>>
    %dma_start3A_763 = arith.constant 0 : i32
    %dma_start3A_764 = arith.constant 0 : i32
    %dma_start3A_765 = tpu.memref_slice %dma_start3A_762[%dma_start3A_756, %dma_start3A_763, %dma_start3A_764] : memref<8x50x64xf32, #tpu.memory_space<vmem>> -> memref<1x50x64xf32, #tpu.memory_space<vmem>>
    %dma_start3A_766 = tpu.memref_squeeze %dma_start3A_765 : memref<1x50x64xf32, #tpu.memory_space<vmem>> -> memref<50x64xf32, #tpu.memory_space<vmem>>
    %dma_start3A_767 = arith.constant 0 : i32
    %dma_start3A_768 = arith.constant 0 : i32
    %dma_start3A_769 = tpu.memref_slice %arg4[%add3A_754, %dma_start3A_767, %dma_start3A_768] : memref<16384x56x128xf32, #tpu.memory_space<hbm>> -> memref<1x56x128xf32, #tpu.memory_space<hbm>>
    %dma_start3A_770 = tpu.memref_squeeze %dma_start3A_769 : memref<1x56x128xf32, #tpu.memory_space<hbm>> -> memref<56x128xf32, #tpu.memory_space<hbm>>
    %dma_start3A_771 = arith.constant 0 : i32
    %dma_start3A_772 = arith.constant 0 : i32
    %dma_start3A_773 = tpu.memref_slice %dma_start3A_770[%dma_start3A_771, %dma_start3A_772] : memref<56x128xf32, #tpu.memory_space<hbm>> -> memref<50x64xf32, #tpu.memory_space<hbm>>
    %dma_start3A_774 = tpu.memref_slice %arg8[%dma_start3A_757] : memref<2x!tpu.dma_semaphore, #tpu.memory_space<semaphore_mem>> -> memref<1x!tpu.dma_semaphore, #tpu.memory_space<semaphore_mem>>
    %dma_start3A_775 = tpu.memref_squeeze %dma_start3A_774 : memref<1x!tpu.dma_semaphore, #tpu.memory_space<semaphore_mem>> -> memref<!tpu.dma_semaphore, #tpu.memory_space<semaphore_mem>>
    %dma_start3A_776 = arith.constant 0 : i32
    %dma_start3A_777 = arith.constant 0 : i32
    %dma_start3A_778 = tpu.memref_slice %arg4[%add3A_754, %dma_start3A_776, %dma_start3A_777] : memref<16384x56x128xf32, #tpu.memory_space<hbm>> -> memref<1x56x128xf32, #tpu.memory_space<hbm>>
    %dma_start3A_779 = tpu.memref_squeeze %dma_start3A_778 : memref<1x56x128xf32, #tpu.memory_space<hbm>> -> memref<56x128xf32, #tpu.memory_space<hbm>>
    %dma_start3A_780 = arith.constant 0 : i32
    %dma_start3A_781 = arith.constant 0 : i32
    %dma_start3A_782 = tpu.memref_slice %dma_start3A_779[%dma_start3A_780, %dma_start3A_781] : memref<56x128xf32, #tpu.memory_space<hbm>> -> memref<50x64xf32, #tpu.memory_space<hbm>>
    %dma_start3A_783 = arith.constant 0 : i32
    %dma_start3A_784 = arith.constant 0 : i32
    %dma_start3A_785 = arith.constant 0 : i32
    %dma_start3A_786 = tpu.memref_slice %arg6[%dma_start3A_755, %dma_start3A_783, %dma_start3A_784, %dma_start3A_785] : memref<2x8x50x64xf32, #tpu.memory_space<vmem>> -> memref<1x8x50x64xf32, #tpu.memory_space<vmem>>
    %dma_start3A_787 = tpu.memref_squeeze %dma_start3A_786 : memref<1x8x50x64xf32, #tpu.memory_space<vmem>> -> memref<8x50x64xf32, #tpu.memory_space<vmem>>
    %dma_start3A_788 = arith.constant 0 : i32
    %dma_start3A_789 = arith.constant 0 : i32
    %dma_start3A_790 = tpu.memref_slice %dma_start3A_787[%dma_start3A_756, %dma_start3A_788, %dma_start3A_789] : memref<8x50x64xf32, #tpu.memory_space<vmem>> -> memref<1x50x64xf32, #tpu.memory_space<vmem>>
    %dma_start3A_791 = tpu.memref_squeeze %dma_start3A_790 : memref<1x50x64xf32, #tpu.memory_space<vmem>> -> memref<50x64xf32, #tpu.memory_space<vmem>>
    tpu.enqueue_dma source(%dma_start3A_791 : memref<50x64xf32, #tpu.memory_space<vmem>>) target(%dma_start3A_782 : memref<50x64xf32, #tpu.memory_space<hbm>>) target_semaphore(%dma_start3A_775 : memref<!tpu.dma_semaphore, #tpu.memory_space<semaphore_mem>>)
    %dma_wait3A_792 = arith.constant 1 : i32
    %dma_wait3A_793 = arith.constant 0 : i32
    %dma_wait3A_794 = arith.constant 1 : i32
    %dma_wait3A_795 = arith.constant 0 : i32
    %dma_wait3A_796 = arith.constant 0 : i32
    %dma_wait3A_797 = arith.constant 0 : i32
    %dma_wait3A_798 = tpu.memref_slice %arg6[%dma_wait3A_792, %dma_wait3A_795, %dma_wait3A_796, %dma_wait3A_797] : memref<2x8x50x64xf32, #tpu.memory_space<vmem>> -> memref<1x8x50x64xf32, #tpu.memory_space<vmem>>
    %dma_wait3A_799 = tpu.memref_squeeze %dma_wait3A_798 : memref<1x8x50x64xf32, #tpu.memory_space<vmem>> -> memref<8x50x64xf32, #tpu.memory_space<vmem>>
    %dma_wait3A_800 = arith.constant 0 : i32
    %dma_wait3A_801 = arith.constant 0 : i32
    %dma_wait3A_802 = tpu.memref_slice %dma_wait3A_799[%dma_wait3A_793, %dma_wait3A_800, %dma_wait3A_801] : memref<8x50x64xf32, #tpu.memory_space<vmem>> -> memref<1x50x64xf32, #tpu.memory_space<vmem>>
    %dma_wait3A_803 = tpu.memref_squeeze %dma_wait3A_802 : memref<1x50x64xf32, #tpu.memory_space<vmem>> -> memref<50x64xf32, #tpu.memory_space<vmem>>
    %dma_wait3A_804 = arith.constant 28224 : i32
    %dma_wait3A_805 = tpu.memref_slice %arg5[%dma_wait3A_804] : memref<28672xi32, #tpu.memory_space<vmem>> -> memref<50xi32, #tpu.memory_space<vmem>>
    %dma_wait3A_806 = arith.constant 0 : i32
    %dma_wait3A_807 = arith.constant 0 : i32
    %dma_wait3A_808 = tpu.memref_slice %arg3[%dma_wait3A_806, %dma_wait3A_807] : memref<1000000x64xf32, #tpu.memory_space<hbm>> -> memref<1000000x64xf32, #tpu.memory_space<hbm>>
    %dma_wait3A_809 = tpu.memref_slice %arg7[%dma_wait3A_794] : memref<2x!tpu.dma_semaphore, #tpu.memory_space<semaphore_mem>> -> memref<1x!tpu.dma_semaphore, #tpu.memory_space<semaphore_mem>>
    %dma_wait3A_810 = tpu.memref_squeeze %dma_wait3A_809 : memref<1x!tpu.dma_semaphore, #tpu.memory_space<semaphore_mem>> -> memref<!tpu.dma_semaphore, #tpu.memory_space<semaphore_mem>>
    tpu.wait_indirect_dma semaphore(%dma_wait3A_810 : memref<!tpu.dma_semaphore, #tpu.memory_space<semaphore_mem>>) src(%dma_wait3A_808 : memref<1000000x64xf32, #tpu.memory_space<hbm>>) dst(%dma_wait3A_803 : memref<50x64xf32, #tpu.memory_space<vmem>>)
    %dma_wait3A_811 = arith.constant 1 : i32
    %dma_wait3A_812 = arith.constant 1 : i32
    %dma_wait3A_813 = arith.constant 1 : i32
    %dma_wait3A_814 = arith.constant 0 : i32
    %dma_wait3A_815 = arith.constant 0 : i32
    %dma_wait3A_816 = arith.constant 0 : i32
    %dma_wait3A_817 = tpu.memref_slice %arg6[%dma_wait3A_811, %dma_wait3A_814, %dma_wait3A_815, %dma_wait3A_816] : memref<2x8x50x64xf32, #tpu.memory_space<vmem>> -> memref<1x8x50x64xf32, #tpu.memory_space<vmem>>
    %dma_wait3A_818 = tpu.memref_squeeze %dma_wait3A_817 : memref<1x8x50x64xf32, #tpu.memory_space<vmem>> -> memref<8x50x64xf32, #tpu.memory_space<vmem>>
    %dma_wait3A_819 = arith.constant 0 : i32
    %dma_wait3A_820 = arith.constant 0 : i32
    %dma_wait3A_821 = tpu.memref_slice %dma_wait3A_818[%dma_wait3A_812, %dma_wait3A_819, %dma_wait3A_820] : memref<8x50x64xf32, #tpu.memory_space<vmem>> -> memref<1x50x64xf32, #tpu.memory_space<vmem>>
    %dma_wait3A_822 = tpu.memref_squeeze %dma_wait3A_821 : memref<1x50x64xf32, #tpu.memory_space<vmem>> -> memref<50x64xf32, #tpu.memory_space<vmem>>
    %dma_wait3A_823 = arith.constant 28280 : i32
    %dma_wait3A_824 = tpu.memref_slice %arg5[%dma_wait3A_823] : memref<28672xi32, #tpu.memory_space<vmem>> -> memref<50xi32, #tpu.memory_space<vmem>>
    %dma_wait3A_825 = arith.constant 0 : i32
    %dma_wait3A_826 = arith.constant 0 : i32
    %dma_wait3A_827 = tpu.memref_slice %arg3[%dma_wait3A_825, %dma_wait3A_826] : memref<1000000x64xf32, #tpu.memory_space<hbm>> -> memref<1000000x64xf32, #tpu.memory_space<hbm>>
    %dma_wait3A_828 = tpu.memref_slice %arg7[%dma_wait3A_813] : memref<2x!tpu.dma_semaphore, #tpu.memory_space<semaphore_mem>> -> memref<1x!tpu.dma_semaphore, #tpu.memory_space<semaphore_mem>>
    %dma_wait3A_829 = tpu.memref_squeeze %dma_wait3A_828 : memref<1x!tpu.dma_semaphore, #tpu.memory_space<semaphore_mem>> -> memref<!tpu.dma_semaphore, #tpu.memory_space<semaphore_mem>>
    tpu.wait_indirect_dma semaphore(%dma_wait3A_829 : memref<!tpu.dma_semaphore, #tpu.memory_space<semaphore_mem>>) src(%dma_wait3A_827 : memref<1000000x64xf32, #tpu.memory_space<hbm>>) dst(%dma_wait3A_822 : memref<50x64xf32, #tpu.memory_space<vmem>>)
    %dma_wait3A_830 = arith.constant 1 : i32
    %dma_wait3A_831 = arith.constant 2 : i32
    %dma_wait3A_832 = arith.constant 1 : i32
    %dma_wait3A_833 = arith.constant 0 : i32
    %dma_wait3A_834 = arith.constant 0 : i32
    %dma_wait3A_835 = arith.constant 0 : i32
    %dma_wait3A_836 = tpu.memref_slice %arg6[%dma_wait3A_830, %dma_wait3A_833, %dma_wait3A_834, %dma_wait3A_835] : memref<2x8x50x64xf32, #tpu.memory_space<vmem>> -> memref<1x8x50x64xf32, #tpu.memory_space<vmem>>
    %dma_wait3A_837 = tpu.memref_squeeze %dma_wait3A_836 : memref<1x8x50x64xf32, #tpu.memory_space<vmem>> -> memref<8x50x64xf32, #tpu.memory_space<vmem>>
    %dma_wait3A_838 = arith.constant 0 : i32
    %dma_wait3A_839 = arith.constant 0 : i32
    %dma_wait3A_840 = tpu.memref_slice %dma_wait3A_837[%dma_wait3A_831, %dma_wait3A_838, %dma_wait3A_839] : memref<8x50x64xf32, #tpu.memory_space<vmem>> -> memref<1x50x64xf32, #tpu.memory_space<vmem>>
    %dma_wait3A_841 = tpu.memref_squeeze %dma_wait3A_840 : memref<1x50x64xf32, #tpu.memory_space<vmem>> -> memref<50x64xf32, #tpu.memory_space<vmem>>
    %dma_wait3A_842 = arith.constant 28336 : i32
    %dma_wait3A_843 = tpu.memref_slice %arg5[%dma_wait3A_842] : memref<28672xi32, #tpu.memory_space<vmem>> -> memref<50xi32, #tpu.memory_space<vmem>>
    %dma_wait3A_844 = arith.constant 0 : i32
    %dma_wait3A_845 = arith.constant 0 : i32
    %dma_wait3A_846 = tpu.memref_slice %arg3[%dma_wait3A_844, %dma_wait3A_845] : memref<1000000x64xf32, #tpu.memory_space<hbm>> -> memref<1000000x64xf32, #tpu.memory_space<hbm>>
    %dma_wait3A_847 = tpu.memref_slice %arg7[%dma_wait3A_832] : memref<2x!tpu.dma_semaphore, #tpu.memory_space<semaphore_mem>> -> memref<1x!tpu.dma_semaphore, #tpu.memory_space<semaphore_mem>>
    %dma_wait3A_848 = tpu.memref_squeeze %dma_wait3A_847 : memref<1x!tpu.dma_semaphore, #tpu.memory_space<semaphore_mem>> -> memref<!tpu.dma_semaphore, #tpu.memory_space<semaphore_mem>>
    tpu.wait_indirect_dma semaphore(%dma_wait3A_848 : memref<!tpu.dma_semaphore, #tpu.memory_space<semaphore_mem>>) src(%dma_wait3A_846 : memref<1000000x64xf32, #tpu.memory_space<hbm>>) dst(%dma_wait3A_841 : memref<50x64xf32, #tpu.memory_space<vmem>>)
    %dma_wait3A_849 = arith.constant 1 : i32
    %dma_wait3A_850 = arith.constant 3 : i32
    %dma_wait3A_851 = arith.constant 1 : i32
    %dma_wait3A_852 = arith.constant 0 : i32
    %dma_wait3A_853 = arith.constant 0 : i32
    %dma_wait3A_854 = arith.constant 0 : i32
    %dma_wait3A_855 = tpu.memref_slice %arg6[%dma_wait3A_849, %dma_wait3A_852, %dma_wait3A_853, %dma_wait3A_854] : memref<2x8x50x64xf32, #tpu.memory_space<vmem>> -> memref<1x8x50x64xf32, #tpu.memory_space<vmem>>
    %dma_wait3A_856 = tpu.memref_squeeze %dma_wait3A_855 : memref<1x8x50x64xf32, #tpu.memory_space<vmem>> -> memref<8x50x64xf32, #tpu.memory_space<vmem>>
    %dma_wait3A_857 = arith.constant 0 : i32
    %dma_wait3A_858 = arith.constant 0 : i32
    %dma_wait3A_859 = tpu.memref_slice %dma_wait3A_856[%dma_wait3A_850, %dma_wait3A_857, %dma_wait3A_858] : memref<8x50x64xf32, #tpu.memory_space<vmem>> -> memref<1x50x64xf32, #tpu.memory_space<vmem>>
    %dma_wait3A_860 = tpu.memref_squeeze %dma_wait3A_859 : memref<1x50x64xf32, #tpu.memory_space<vmem>> -> memref<50x64xf32, #tpu.memory_space<vmem>>
    %dma_wait3A_861 = arith.constant 28392 : i32
    %dma_wait3A_862 = tpu.memref_slice %arg5[%dma_wait3A_861] : memref<28672xi32, #tpu.memory_space<vmem>> -> memref<50xi32, #tpu.memory_space<vmem>>
    %dma_wait3A_863 = arith.constant 0 : i32
    %dma_wait3A_864 = arith.constant 0 : i32
    %dma_wait3A_865 = tpu.memref_slice %arg3[%dma_wait3A_863, %dma_wait3A_864] : memref<1000000x64xf32, #tpu.memory_space<hbm>> -> memref<1000000x64xf32, #tpu.memory_space<hbm>>
    %dma_wait3A_866 = tpu.memref_slice %arg7[%dma_wait3A_851] : memref<2x!tpu.dma_semaphore, #tpu.memory_space<semaphore_mem>> -> memref<1x!tpu.dma_semaphore, #tpu.memory_space<semaphore_mem>>
    %dma_wait3A_867 = tpu.memref_squeeze %dma_wait3A_866 : memref<1x!tpu.dma_semaphore, #tpu.memory_space<semaphore_mem>> -> memref<!tpu.dma_semaphore, #tpu.memory_space<semaphore_mem>>
    tpu.wait_indirect_dma semaphore(%dma_wait3A_867 : memref<!tpu.dma_semaphore, #tpu.memory_space<semaphore_mem>>) src(%dma_wait3A_865 : memref<1000000x64xf32, #tpu.memory_space<hbm>>) dst(%dma_wait3A_860 : memref<50x64xf32, #tpu.memory_space<vmem>>)
    %dma_wait3A_868 = arith.constant 1 : i32
    %dma_wait3A_869 = arith.constant 4 : i32
    %dma_wait3A_870 = arith.constant 1 : i32
    %dma_wait3A_871 = arith.constant 0 : i32
    %dma_wait3A_872 = arith.constant 0 : i32
    %dma_wait3A_873 = arith.constant 0 : i32
    %dma_wait3A_874 = tpu.memref_slice %arg6[%dma_wait3A_868, %dma_wait3A_871, %dma_wait3A_872, %dma_wait3A_873] : memref<2x8x50x64xf32, #tpu.memory_space<vmem>> -> memref<1x8x50x64xf32, #tpu.memory_space<vmem>>
    %dma_wait3A_875 = tpu.memref_squeeze %dma_wait3A_874 : memref<1x8x50x64xf32, #tpu.memory_space<vmem>> -> memref<8x50x64xf32, #tpu.memory_space<vmem>>
    %dma_wait3A_876 = arith.constant 0 : i32
    %dma_wait3A_877 = arith.constant 0 : i32
    %dma_wait3A_878 = tpu.memref_slice %dma_wait3A_875[%dma_wait3A_869, %dma_wait3A_876, %dma_wait3A_877] : memref<8x50x64xf32, #tpu.memory_space<vmem>> -> memref<1x50x64xf32, #tpu.memory_space<vmem>>
    %dma_wait3A_879 = tpu.memref_squeeze %dma_wait3A_878 : memref<1x50x64xf32, #tpu.memory_space<vmem>> -> memref<50x64xf32, #tpu.memory_space<vmem>>
    %dma_wait3A_880 = arith.constant 28448 : i32
    %dma_wait3A_881 = tpu.memref_slice %arg5[%dma_wait3A_880] : memref<28672xi32, #tpu.memory_space<vmem>> -> memref<50xi32, #tpu.memory_space<vmem>>
    %dma_wait3A_882 = arith.constant 0 : i32
    %dma_wait3A_883 = arith.constant 0 : i32
    %dma_wait3A_884 = tpu.memref_slice %arg3[%dma_wait3A_882, %dma_wait3A_883] : memref<1000000x64xf32, #tpu.memory_space<hbm>> -> memref<1000000x64xf32, #tpu.memory_space<hbm>>
    %dma_wait3A_885 = tpu.memref_slice %arg7[%dma_wait3A_870] : memref<2x!tpu.dma_semaphore, #tpu.memory_space<semaphore_mem>> -> memref<1x!tpu.dma_semaphore, #tpu.memory_space<semaphore_mem>>
    %dma_wait3A_886 = tpu.memref_squeeze %dma_wait3A_885 : memref<1x!tpu.dma_semaphore, #tpu.memory_space<semaphore_mem>> -> memref<!tpu.dma_semaphore, #tpu.memory_space<semaphore_mem>>
    tpu.wait_indirect_dma semaphore(%dma_wait3A_886 : memref<!tpu.dma_semaphore, #tpu.memory_space<semaphore_mem>>) src(%dma_wait3A_884 : memref<1000000x64xf32, #tpu.memory_space<hbm>>) dst(%dma_wait3A_879 : memref<50x64xf32, #tpu.memory_space<vmem>>)
    %dma_wait3A_887 = arith.constant 1 : i32
    %dma_wait3A_888 = arith.constant 5 : i32
    %dma_wait3A_889 = arith.constant 1 : i32
    %dma_wait3A_890 = arith.constant 0 : i32
    %dma_wait3A_891 = arith.constant 0 : i32
    %dma_wait3A_892 = arith.constant 0 : i32
    %dma_wait3A_893 = tpu.memref_slice %arg6[%dma_wait3A_887, %dma_wait3A_890, %dma_wait3A_891, %dma_wait3A_892] : memref<2x8x50x64xf32, #tpu.memory_space<vmem>> -> memref<1x8x50x64xf32, #tpu.memory_space<vmem>>
    %dma_wait3A_894 = tpu.memref_squeeze %dma_wait3A_893 : memref<1x8x50x64xf32, #tpu.memory_space<vmem>> -> memref<8x50x64xf32, #tpu.memory_space<vmem>>
    %dma_wait3A_895 = arith.constant 0 : i32
    %dma_wait3A_896 = arith.constant 0 : i32
    %dma_wait3A_897 = tpu.memref_slice %dma_wait3A_894[%dma_wait3A_888, %dma_wait3A_895, %dma_wait3A_896] : memref<8x50x64xf32, #tpu.memory_space<vmem>> -> memref<1x50x64xf32, #tpu.memory_space<vmem>>
    %dma_wait3A_898 = tpu.memref_squeeze %dma_wait3A_897 : memref<1x50x64xf32, #tpu.memory_space<vmem>> -> memref<50x64xf32, #tpu.memory_space<vmem>>
    %dma_wait3A_899 = arith.constant 28504 : i32
    %dma_wait3A_900 = tpu.memref_slice %arg5[%dma_wait3A_899] : memref<28672xi32, #tpu.memory_space<vmem>> -> memref<50xi32, #tpu.memory_space<vmem>>
    %dma_wait3A_901 = arith.constant 0 : i32
    %dma_wait3A_902 = arith.constant 0 : i32
    %dma_wait3A_903 = tpu.memref_slice %arg3[%dma_wait3A_901, %dma_wait3A_902] : memref<1000000x64xf32, #tpu.memory_space<hbm>> -> memref<1000000x64xf32, #tpu.memory_space<hbm>>
    %dma_wait3A_904 = tpu.memref_slice %arg7[%dma_wait3A_889] : memref<2x!tpu.dma_semaphore, #tpu.memory_space<semaphore_mem>> -> memref<1x!tpu.dma_semaphore, #tpu.memory_space<semaphore_mem>>
    %dma_wait3A_905 = tpu.memref_squeeze %dma_wait3A_904 : memref<1x!tpu.dma_semaphore, #tpu.memory_space<semaphore_mem>> -> memref<!tpu.dma_semaphore, #tpu.memory_space<semaphore_mem>>
    tpu.wait_indirect_dma semaphore(%dma_wait3A_905 : memref<!tpu.dma_semaphore, #tpu.memory_space<semaphore_mem>>) src(%dma_wait3A_903 : memref<1000000x64xf32, #tpu.memory_space<hbm>>) dst(%dma_wait3A_898 : memref<50x64xf32, #tpu.memory_space<vmem>>)
    %dma_wait3A_906 = arith.constant 1 : i32
    %dma_wait3A_907 = arith.constant 6 : i32
    %dma_wait3A_908 = arith.constant 1 : i32
    %dma_wait3A_909 = arith.constant 0 : i32
    %dma_wait3A_910 = arith.constant 0 : i32
    %dma_wait3A_911 = arith.constant 0 : i32
    %dma_wait3A_912 = tpu.memref_slice %arg6[%dma_wait3A_906, %dma_wait3A_909, %dma_wait3A_910, %dma_wait3A_911] : memref<2x8x50x64xf32, #tpu.memory_space<vmem>> -> memref<1x8x50x64xf32, #tpu.memory_space<vmem>>
    %dma_wait3A_913 = tpu.memref_squeeze %dma_wait3A_912 : memref<1x8x50x64xf32, #tpu.memory_space<vmem>> -> memref<8x50x64xf32, #tpu.memory_space<vmem>>
    %dma_wait3A_914 = arith.constant 0 : i32
    %dma_wait3A_915 = arith.constant 0 : i32
    %dma_wait3A_916 = tpu.memref_slice %dma_wait3A_913[%dma_wait3A_907, %dma_wait3A_914, %dma_wait3A_915] : memref<8x50x64xf32, #tpu.memory_space<vmem>> -> memref<1x50x64xf32, #tpu.memory_space<vmem>>
    %dma_wait3A_917 = tpu.memref_squeeze %dma_wait3A_916 : memref<1x50x64xf32, #tpu.memory_space<vmem>> -> memref<50x64xf32, #tpu.memory_space<vmem>>
    %dma_wait3A_918 = arith.constant 28560 : i32
    %dma_wait3A_919 = tpu.memref_slice %arg5[%dma_wait3A_918] : memref<28672xi32, #tpu.memory_space<vmem>> -> memref<50xi32, #tpu.memory_space<vmem>>
    %dma_wait3A_920 = arith.constant 0 : i32
    %dma_wait3A_921 = arith.constant 0 : i32
    %dma_wait3A_922 = tpu.memref_slice %arg3[%dma_wait3A_920, %dma_wait3A_921] : memref<1000000x64xf32, #tpu.memory_space<hbm>> -> memref<1000000x64xf32, #tpu.memory_space<hbm>>
    %dma_wait3A_923 = tpu.memref_slice %arg7[%dma_wait3A_908] : memref<2x!tpu.dma_semaphore, #tpu.memory_space<semaphore_mem>> -> memref<1x!tpu.dma_semaphore, #tpu.memory_space<semaphore_mem>>
    %dma_wait3A_924 = tpu.memref_squeeze %dma_wait3A_923 : memref<1x!tpu.dma_semaphore, #tpu.memory_space<semaphore_mem>> -> memref<!tpu.dma_semaphore, #tpu.memory_space<semaphore_mem>>
    tpu.wait_indirect_dma semaphore(%dma_wait3A_924 : memref<!tpu.dma_semaphore, #tpu.memory_space<semaphore_mem>>) src(%dma_wait3A_922 : memref<1000000x64xf32, #tpu.memory_space<hbm>>) dst(%dma_wait3A_917 : memref<50x64xf32, #tpu.memory_space<vmem>>)
    %dma_wait3A_925 = arith.constant 1 : i32
    %dma_wait3A_926 = arith.constant 7 : i32
    %dma_wait3A_927 = arith.constant 1 : i32
    %dma_wait3A_928 = arith.constant 0 : i32
    %dma_wait3A_929 = arith.constant 0 : i32
    %dma_wait3A_930 = arith.constant 0 : i32
    %dma_wait3A_931 = tpu.memref_slice %arg6[%dma_wait3A_925, %dma_wait3A_928, %dma_wait3A_929, %dma_wait3A_930] : memref<2x8x50x64xf32, #tpu.memory_space<vmem>> -> memref<1x8x50x64xf32, #tpu.memory_space<vmem>>
    %dma_wait3A_932 = tpu.memref_squeeze %dma_wait3A_931 : memref<1x8x50x64xf32, #tpu.memory_space<vmem>> -> memref<8x50x64xf32, #tpu.memory_space<vmem>>
    %dma_wait3A_933 = arith.constant 0 : i32
    %dma_wait3A_934 = arith.constant 0 : i32
    %dma_wait3A_935 = tpu.memref_slice %dma_wait3A_932[%dma_wait3A_926, %dma_wait3A_933, %dma_wait3A_934] : memref<8x50x64xf32, #tpu.memory_space<vmem>> -> memref<1x50x64xf32, #tpu.memory_space<vmem>>
    %dma_wait3A_936 = tpu.memref_squeeze %dma_wait3A_935 : memref<1x50x64xf32, #tpu.memory_space<vmem>> -> memref<50x64xf32, #tpu.memory_space<vmem>>
    %dma_wait3A_937 = arith.constant 28616 : i32
    %dma_wait3A_938 = tpu.memref_slice %arg5[%dma_wait3A_937] : memref<28672xi32, #tpu.memory_space<vmem>> -> memref<50xi32, #tpu.memory_space<vmem>>
    %dma_wait3A_939 = arith.constant 0 : i32
    %dma_wait3A_940 = arith.constant 0 : i32
    %dma_wait3A_941 = tpu.memref_slice %arg3[%dma_wait3A_939, %dma_wait3A_940] : memref<1000000x64xf32, #tpu.memory_space<hbm>> -> memref<1000000x64xf32, #tpu.memory_space<hbm>>
    %dma_wait3A_942 = tpu.memref_slice %arg7[%dma_wait3A_927] : memref<2x!tpu.dma_semaphore, #tpu.memory_space<semaphore_mem>> -> memref<1x!tpu.dma_semaphore, #tpu.memory_space<semaphore_mem>>
    %dma_wait3A_943 = tpu.memref_squeeze %dma_wait3A_942 : memref<1x!tpu.dma_semaphore, #tpu.memory_space<semaphore_mem>> -> memref<!tpu.dma_semaphore, #tpu.memory_space<semaphore_mem>>
    tpu.wait_indirect_dma semaphore(%dma_wait3A_943 : memref<!tpu.dma_semaphore, #tpu.memory_space<semaphore_mem>>) src(%dma_wait3A_941 : memref<1000000x64xf32, #tpu.memory_space<hbm>>) dst(%dma_wait3A_936 : memref<50x64xf32, #tpu.memory_space<vmem>>)
    %add3A_944 = arith.constant 504 : i32
    %add3A_945 = arith.addi %mul3A_2, %add3A_944 : i32
    %add3A_946 = arith.constant 0 : i32
    %add3A_947 = arith.addi %add3A_945, %add3A_946 : i32
    %dma_start3A_948 = arith.constant 1 : i32
    %dma_start3A_949 = arith.constant 0 : i32
    %dma_start3A_950 = arith.constant 1 : i32
    %dma_start3A_951 = arith.constant 0 : i32
    %dma_start3A_952 = arith.constant 0 : i32
    %dma_start3A_953 = arith.constant 0 : i32
    %dma_start3A_954 = tpu.memref_slice %arg6[%dma_start3A_948, %dma_start3A_951, %dma_start3A_952, %dma_start3A_953] : memref<2x8x50x64xf32, #tpu.memory_space<vmem>> -> memref<1x8x50x64xf32, #tpu.memory_space<vmem>>
    %dma_start3A_955 = tpu.memref_squeeze %dma_start3A_954 : memref<1x8x50x64xf32, #tpu.memory_space<vmem>> -> memref<8x50x64xf32, #tpu.memory_space<vmem>>
    %dma_start3A_956 = arith.constant 0 : i32
    %dma_start3A_957 = arith.constant 0 : i32
    %dma_start3A_958 = tpu.memref_slice %dma_start3A_955[%dma_start3A_949, %dma_start3A_956, %dma_start3A_957] : memref<8x50x64xf32, #tpu.memory_space<vmem>> -> memref<1x50x64xf32, #tpu.memory_space<vmem>>
    %dma_start3A_959 = tpu.memref_squeeze %dma_start3A_958 : memref<1x50x64xf32, #tpu.memory_space<vmem>> -> memref<50x64xf32, #tpu.memory_space<vmem>>
    %dma_start3A_960 = arith.constant 0 : i32
    %dma_start3A_961 = arith.constant 0 : i32
    %dma_start3A_962 = tpu.memref_slice %arg4[%add3A_947, %dma_start3A_960, %dma_start3A_961] : memref<16384x56x128xf32, #tpu.memory_space<hbm>> -> memref<1x56x128xf32, #tpu.memory_space<hbm>>
    %dma_start3A_963 = tpu.memref_squeeze %dma_start3A_962 : memref<1x56x128xf32, #tpu.memory_space<hbm>> -> memref<56x128xf32, #tpu.memory_space<hbm>>
    %dma_start3A_964 = arith.constant 0 : i32
    %dma_start3A_965 = arith.constant 0 : i32
    %dma_start3A_966 = tpu.memref_slice %dma_start3A_963[%dma_start3A_964, %dma_start3A_965] : memref<56x128xf32, #tpu.memory_space<hbm>> -> memref<50x64xf32, #tpu.memory_space<hbm>>
    %dma_start3A_967 = tpu.memref_slice %arg8[%dma_start3A_950] : memref<2x!tpu.dma_semaphore, #tpu.memory_space<semaphore_mem>> -> memref<1x!tpu.dma_semaphore, #tpu.memory_space<semaphore_mem>>
    %dma_start3A_968 = tpu.memref_squeeze %dma_start3A_967 : memref<1x!tpu.dma_semaphore, #tpu.memory_space<semaphore_mem>> -> memref<!tpu.dma_semaphore, #tpu.memory_space<semaphore_mem>>
    %dma_start3A_969 = arith.constant 0 : i32
    %dma_start3A_970 = arith.constant 0 : i32
    %dma_start3A_971 = tpu.memref_slice %arg4[%add3A_947, %dma_start3A_969, %dma_start3A_970] : memref<16384x56x128xf32, #tpu.memory_space<hbm>> -> memref<1x56x128xf32, #tpu.memory_space<hbm>>
    %dma_start3A_972 = tpu.memref_squeeze %dma_start3A_971 : memref<1x56x128xf32, #tpu.memory_space<hbm>> -> memref<56x128xf32, #tpu.memory_space<hbm>>
    %dma_start3A_973 = arith.constant 0 : i32
    %dma_start3A_974 = arith.constant 0 : i32
    %dma_start3A_975 = tpu.memref_slice %dma_start3A_972[%dma_start3A_973, %dma_start3A_974] : memref<56x128xf32, #tpu.memory_space<hbm>> -> memref<50x64xf32, #tpu.memory_space<hbm>>
    %dma_start3A_976 = arith.constant 0 : i32
    %dma_start3A_977 = arith.constant 0 : i32
    %dma_start3A_978 = arith.constant 0 : i32
    %dma_start3A_979 = tpu.memref_slice %arg6[%dma_start3A_948, %dma_start3A_976, %dma_start3A_977, %dma_start3A_978] : memref<2x8x50x64xf32, #tpu.memory_space<vmem>> -> memref<1x8x50x64xf32, #tpu.memory_space<vmem>>
    %dma_start3A_980 = tpu.memref_squeeze %dma_start3A_979 : memref<1x8x50x64xf32, #tpu.memory_space<vmem>> -> memref<8x50x64xf32, #tpu.memory_space<vmem>>
    %dma_start3A_981 = arith.constant 0 : i32
    %dma_start3A_982 = arith.constant 0 : i32
    %dma_start3A_983 = tpu.memref_slice %dma_start3A_980[%dma_start3A_949, %dma_start3A_981, %dma_start3A_982] : memref<8x50x64xf32, #tpu.memory_space<vmem>> -> memref<1x50x64xf32, #tpu.memory_space<vmem>>
    %dma_start3A_984 = tpu.memref_squeeze %dma_start3A_983 : memref<1x50x64xf32, #tpu.memory_space<vmem>> -> memref<50x64xf32, #tpu.memory_space<vmem>>
    tpu.enqueue_dma source(%dma_start3A_984 : memref<50x64xf32, #tpu.memory_space<vmem>>) target(%dma_start3A_975 : memref<50x64xf32, #tpu.memory_space<hbm>>) target_semaphore(%dma_start3A_968 : memref<!tpu.dma_semaphore, #tpu.memory_space<semaphore_mem>>)
    %add3A_985 = arith.constant 504 : i32
    %add3A_986 = arith.addi %mul3A_2, %add3A_985 : i32
    %add3A_987 = arith.constant 1 : i32
    %add3A_988 = arith.addi %add3A_986, %add3A_987 : i32
    %dma_start3A_989 = arith.constant 1 : i32
    %dma_start3A_990 = arith.constant 1 : i32
    %dma_start3A_991 = arith.constant 1 : i32
    %dma_start3A_992 = arith.constant 0 : i32
    %dma_start3A_993 = arith.constant 0 : i32
    %dma_start3A_994 = arith.constant 0 : i32
    %dma_start3A_995 = tpu.memref_slice %arg6[%dma_start3A_989, %dma_start3A_992, %dma_start3A_993, %dma_start3A_994] : memref<2x8x50x64xf32, #tpu.memory_space<vmem>> -> memref<1x8x50x64xf32, #tpu.memory_space<vmem>>
    %dma_start3A_996 = tpu.memref_squeeze %dma_start3A_995 : memref<1x8x50x64xf32, #tpu.memory_space<vmem>> -> memref<8x50x64xf32, #tpu.memory_space<vmem>>
    %dma_start3A_997 = arith.constant 0 : i32
    %dma_start3A_998 = arith.constant 0 : i32
    %dma_start3A_999 = tpu.memref_slice %dma_start3A_996[%dma_start3A_990, %dma_start3A_997, %dma_start3A_998] : memref<8x50x64xf32, #tpu.memory_space<vmem>> -> memref<1x50x64xf32, #tpu.memory_space<vmem>>
    %dma_start3A_1000 = tpu.memref_squeeze %dma_start3A_999 : memref<1x50x64xf32, #tpu.memory_space<vmem>> -> memref<50x64xf32, #tpu.memory_space<vmem>>
    %dma_start3A_1001 = arith.constant 0 : i32
    %dma_start3A_1002 = arith.constant 0 : i32
    %dma_start3A_1003 = tpu.memref_slice %arg4[%add3A_988, %dma_start3A_1001, %dma_start3A_1002] : memref<16384x56x128xf32, #tpu.memory_space<hbm>> -> memref<1x56x128xf32, #tpu.memory_space<hbm>>
    %dma_start3A_1004 = tpu.memref_squeeze %dma_start3A_1003 : memref<1x56x128xf32, #tpu.memory_space<hbm>> -> memref<56x128xf32, #tpu.memory_space<hbm>>
    %dma_start3A_1005 = arith.constant 0 : i32
    %dma_start3A_1006 = arith.constant 0 : i32
    %dma_start3A_1007 = tpu.memref_slice %dma_start3A_1004[%dma_start3A_1005, %dma_start3A_1006] : memref<56x128xf32, #tpu.memory_space<hbm>> -> memref<50x64xf32, #tpu.memory_space<hbm>>
    %dma_start3A_1008 = tpu.memref_slice %arg8[%dma_start3A_991] : memref<2x!tpu.dma_semaphore, #tpu.memory_space<semaphore_mem>> -> memref<1x!tpu.dma_semaphore, #tpu.memory_space<semaphore_mem>>
    %dma_start3A_1009 = tpu.memref_squeeze %dma_start3A_1008 : memref<1x!tpu.dma_semaphore, #tpu.memory_space<semaphore_mem>> -> memref<!tpu.dma_semaphore, #tpu.memory_space<semaphore_mem>>
    %dma_start3A_1010 = arith.constant 0 : i32
    %dma_start3A_1011 = arith.constant 0 : i32
    %dma_start3A_1012 = tpu.memref_slice %arg4[%add3A_988, %dma_start3A_1010, %dma_start3A_1011] : memref<16384x56x128xf32, #tpu.memory_space<hbm>> -> memref<1x56x128xf32, #tpu.memory_space<hbm>>
    %dma_start3A_1013 = tpu.memref_squeeze %dma_start3A_1012 : memref<1x56x128xf32, #tpu.memory_space<hbm>> -> memref<56x128xf32, #tpu.memory_space<hbm>>
    %dma_start3A_1014 = arith.constant 0 : i32
    %dma_start3A_1015 = arith.constant 0 : i32
    %dma_start3A_1016 = tpu.memref_slice %dma_start3A_1013[%dma_start3A_1014, %dma_start3A_1015] : memref<56x128xf32, #tpu.memory_space<hbm>> -> memref<50x64xf32, #tpu.memory_space<hbm>>
    %dma_start3A_1017 = arith.constant 0 : i32
    %dma_start3A_1018 = arith.constant 0 : i32
    %dma_start3A_1019 = arith.constant 0 : i32
    %dma_start3A_1020 = tpu.memref_slice %arg6[%dma_start3A_989, %dma_start3A_1017, %dma_start3A_1018, %dma_start3A_1019] : memref<2x8x50x64xf32, #tpu.memory_space<vmem>> -> memref<1x8x50x64xf32, #tpu.memory_space<vmem>>
    %dma_start3A_1021 = tpu.memref_squeeze %dma_start3A_1020 : memref<1x8x50x64xf32, #tpu.memory_space<vmem>> -> memref<8x50x64xf32, #tpu.memory_space<vmem>>
    %dma_start3A_1022 = arith.constant 0 : i32
    %dma_start3A_1023 = arith.constant 0 : i32
    %dma_start3A_1024 = tpu.memref_slice %dma_start3A_1021[%dma_start3A_990, %dma_start3A_1022, %dma_start3A_1023] : memref<8x50x64xf32, #tpu.memory_space<vmem>> -> memref<1x50x64xf32, #tpu.memory_space<vmem>>
    %dma_start3A_1025 = tpu.memref_squeeze %dma_start3A_1024 : memref<1x50x64xf32, #tpu.memory_space<vmem>> -> memref<50x64xf32, #tpu.memory_space<vmem>>
    tpu.enqueue_dma source(%dma_start3A_1025 : memref<50x64xf32, #tpu.memory_space<vmem>>) target(%dma_start3A_1016 : memref<50x64xf32, #tpu.memory_space<hbm>>) target_semaphore(%dma_start3A_1009 : memref<!tpu.dma_semaphore, #tpu.memory_space<semaphore_mem>>)
    %add3A_1026 = arith.constant 504 : i32
    %add3A_1027 = arith.addi %mul3A_2, %add3A_1026 : i32
    %add3A_1028 = arith.constant 2 : i32
    %add3A_1029 = arith.addi %add3A_1027, %add3A_1028 : i32
    %dma_start3A_1030 = arith.constant 1 : i32
    %dma_start3A_1031 = arith.constant 2 : i32
    %dma_start3A_1032 = arith.constant 1 : i32
    %dma_start3A_1033 = arith.constant 0 : i32
    %dma_start3A_1034 = arith.constant 0 : i32
    %dma_start3A_1035 = arith.constant 0 : i32
    %dma_start3A_1036 = tpu.memref_slice %arg6[%dma_start3A_1030, %dma_start3A_1033, %dma_start3A_1034, %dma_start3A_1035] : memref<2x8x50x64xf32, #tpu.memory_space<vmem>> -> memref<1x8x50x64xf32, #tpu.memory_space<vmem>>
    %dma_start3A_1037 = tpu.memref_squeeze %dma_start3A_1036 : memref<1x8x50x64xf32, #tpu.memory_space<vmem>> -> memref<8x50x64xf32, #tpu.memory_space<vmem>>
    %dma_start3A_1038 = arith.constant 0 : i32
    %dma_start3A_1039 = arith.constant 0 : i32
    %dma_start3A_1040 = tpu.memref_slice %dma_start3A_1037[%dma_start3A_1031, %dma_start3A_1038, %dma_start3A_1039] : memref<8x50x64xf32, #tpu.memory_space<vmem>> -> memref<1x50x64xf32, #tpu.memory_space<vmem>>
    %dma_start3A_1041 = tpu.memref_squeeze %dma_start3A_1040 : memref<1x50x64xf32, #tpu.memory_space<vmem>> -> memref<50x64xf32, #tpu.memory_space<vmem>>
    %dma_start3A_1042 = arith.constant 0 : i32
    %dma_start3A_1043 = arith.constant 0 : i32
    %dma_start3A_1044 = tpu.memref_slice %arg4[%add3A_1029, %dma_start3A_1042, %dma_start3A_1043] : memref<16384x56x128xf32, #tpu.memory_space<hbm>> -> memref<1x56x128xf32, #tpu.memory_space<hbm>>
    %dma_start3A_1045 = tpu.memref_squeeze %dma_start3A_1044 : memref<1x56x128xf32, #tpu.memory_space<hbm>> -> memref<56x128xf32, #tpu.memory_space<hbm>>
    %dma_start3A_1046 = arith.constant 0 : i32
    %dma_start3A_1047 = arith.constant 0 : i32
    %dma_start3A_1048 = tpu.memref_slice %dma_start3A_1045[%dma_start3A_1046, %dma_start3A_1047] : memref<56x128xf32, #tpu.memory_space<hbm>> -> memref<50x64xf32, #tpu.memory_space<hbm>>
    %dma_start3A_1049 = tpu.memref_slice %arg8[%dma_start3A_1032] : memref<2x!tpu.dma_semaphore, #tpu.memory_space<semaphore_mem>> -> memref<1x!tpu.dma_semaphore, #tpu.memory_space<semaphore_mem>>
    %dma_start3A_1050 = tpu.memref_squeeze %dma_start3A_1049 : memref<1x!tpu.dma_semaphore, #tpu.memory_space<semaphore_mem>> -> memref<!tpu.dma_semaphore, #tpu.memory_space<semaphore_mem>>
    %dma_start3A_1051 = arith.constant 0 : i32
    %dma_start3A_1052 = arith.constant 0 : i32
    %dma_start3A_1053 = tpu.memref_slice %arg4[%add3A_1029, %dma_start3A_1051, %dma_start3A_1052] : memref<16384x56x128xf32, #tpu.memory_space<hbm>> -> memref<1x56x128xf32, #tpu.memory_space<hbm>>
    %dma_start3A_1054 = tpu.memref_squeeze %dma_start3A_1053 : memref<1x56x128xf32, #tpu.memory_space<hbm>> -> memref<56x128xf32, #tpu.memory_space<hbm>>
    %dma_start3A_1055 = arith.constant 0 : i32
    %dma_start3A_1056 = arith.constant 0 : i32
    %dma_start3A_1057 = tpu.memref_slice %dma_start3A_1054[%dma_start3A_1055, %dma_start3A_1056] : memref<56x128xf32, #tpu.memory_space<hbm>> -> memref<50x64xf32, #tpu.memory_space<hbm>>
    %dma_start3A_1058 = arith.constant 0 : i32
    %dma_start3A_1059 = arith.constant 0 : i32
    %dma_start3A_1060 = arith.constant 0 : i32
    %dma_start3A_1061 = tpu.memref_slice %arg6[%dma_start3A_1030, %dma_start3A_1058, %dma_start3A_1059, %dma_start3A_1060] : memref<2x8x50x64xf32, #tpu.memory_space<vmem>> -> memref<1x8x50x64xf32, #tpu.memory_space<vmem>>
    %dma_start3A_1062 = tpu.memref_squeeze %dma_start3A_1061 : memref<1x8x50x64xf32, #tpu.memory_space<vmem>> -> memref<8x50x64xf32, #tpu.memory_space<vmem>>
    %dma_start3A_1063 = arith.constant 0 : i32
    %dma_start3A_1064 = arith.constant 0 : i32
    %dma_start3A_1065 = tpu.memref_slice %dma_start3A_1062[%dma_start3A_1031, %dma_start3A_1063, %dma_start3A_1064] : memref<8x50x64xf32, #tpu.memory_space<vmem>> -> memref<1x50x64xf32, #tpu.memory_space<vmem>>
    %dma_start3A_1066 = tpu.memref_squeeze %dma_start3A_1065 : memref<1x50x64xf32, #tpu.memory_space<vmem>> -> memref<50x64xf32, #tpu.memory_space<vmem>>
    tpu.enqueue_dma source(%dma_start3A_1066 : memref<50x64xf32, #tpu.memory_space<vmem>>) target(%dma_start3A_1057 : memref<50x64xf32, #tpu.memory_space<hbm>>) target_semaphore(%dma_start3A_1050 : memref<!tpu.dma_semaphore, #tpu.memory_space<semaphore_mem>>)
    %add3A_1067 = arith.constant 504 : i32
    %add3A_1068 = arith.addi %mul3A_2, %add3A_1067 : i32
    %add3A_1069 = arith.constant 3 : i32
    %add3A_1070 = arith.addi %add3A_1068, %add3A_1069 : i32
    %dma_start3A_1071 = arith.constant 1 : i32
    %dma_start3A_1072 = arith.constant 3 : i32
    %dma_start3A_1073 = arith.constant 1 : i32
    %dma_start3A_1074 = arith.constant 0 : i32
    %dma_start3A_1075 = arith.constant 0 : i32
    %dma_start3A_1076 = arith.constant 0 : i32
    %dma_start3A_1077 = tpu.memref_slice %arg6[%dma_start3A_1071, %dma_start3A_1074, %dma_start3A_1075, %dma_start3A_1076] : memref<2x8x50x64xf32, #tpu.memory_space<vmem>> -> memref<1x8x50x64xf32, #tpu.memory_space<vmem>>
    %dma_start3A_1078 = tpu.memref_squeeze %dma_start3A_1077 : memref<1x8x50x64xf32, #tpu.memory_space<vmem>> -> memref<8x50x64xf32, #tpu.memory_space<vmem>>
    %dma_start3A_1079 = arith.constant 0 : i32
    %dma_start3A_1080 = arith.constant 0 : i32
    %dma_start3A_1081 = tpu.memref_slice %dma_start3A_1078[%dma_start3A_1072, %dma_start3A_1079, %dma_start3A_1080] : memref<8x50x64xf32, #tpu.memory_space<vmem>> -> memref<1x50x64xf32, #tpu.memory_space<vmem>>
    %dma_start3A_1082 = tpu.memref_squeeze %dma_start3A_1081 : memref<1x50x64xf32, #tpu.memory_space<vmem>> -> memref<50x64xf32, #tpu.memory_space<vmem>>
    %dma_start3A_1083 = arith.constant 0 : i32
    %dma_start3A_1084 = arith.constant 0 : i32
    %dma_start3A_1085 = tpu.memref_slice %arg4[%add3A_1070, %dma_start3A_1083, %dma_start3A_1084] : memref<16384x56x128xf32, #tpu.memory_space<hbm>> -> memref<1x56x128xf32, #tpu.memory_space<hbm>>
    %dma_start3A_1086 = tpu.memref_squeeze %dma_start3A_1085 : memref<1x56x128xf32, #tpu.memory_space<hbm>> -> memref<56x128xf32, #tpu.memory_space<hbm>>
    %dma_start3A_1087 = arith.constant 0 : i32
    %dma_start3A_1088 = arith.constant 0 : i32
    %dma_start3A_1089 = tpu.memref_slice %dma_start3A_1086[%dma_start3A_1087, %dma_start3A_1088] : memref<56x128xf32, #tpu.memory_space<hbm>> -> memref<50x64xf32, #tpu.memory_space<hbm>>
    %dma_start3A_1090 = tpu.memref_slice %arg8[%dma_start3A_1073] : memref<2x!tpu.dma_semaphore, #tpu.memory_space<semaphore_mem>> -> memref<1x!tpu.dma_semaphore, #tpu.memory_space<semaphore_mem>>
    %dma_start3A_1091 = tpu.memref_squeeze %dma_start3A_1090 : memref<1x!tpu.dma_semaphore, #tpu.memory_space<semaphore_mem>> -> memref<!tpu.dma_semaphore, #tpu.memory_space<semaphore_mem>>
    %dma_start3A_1092 = arith.constant 0 : i32
    %dma_start3A_1093 = arith.constant 0 : i32
    %dma_start3A_1094 = tpu.memref_slice %arg4[%add3A_1070, %dma_start3A_1092, %dma_start3A_1093] : memref<16384x56x128xf32, #tpu.memory_space<hbm>> -> memref<1x56x128xf32, #tpu.memory_space<hbm>>
    %dma_start3A_1095 = tpu.memref_squeeze %dma_start3A_1094 : memref<1x56x128xf32, #tpu.memory_space<hbm>> -> memref<56x128xf32, #tpu.memory_space<hbm>>
    %dma_start3A_1096 = arith.constant 0 : i32
    %dma_start3A_1097 = arith.constant 0 : i32
    %dma_start3A_1098 = tpu.memref_slice %dma_start3A_1095[%dma_start3A_1096, %dma_start3A_1097] : memref<56x128xf32, #tpu.memory_space<hbm>> -> memref<50x64xf32, #tpu.memory_space<hbm>>
    %dma_start3A_1099 = arith.constant 0 : i32
    %dma_start3A_1100 = arith.constant 0 : i32
    %dma_start3A_1101 = arith.constant 0 : i32
    %dma_start3A_1102 = tpu.memref_slice %arg6[%dma_start3A_1071, %dma_start3A_1099, %dma_start3A_1100, %dma_start3A_1101] : memref<2x8x50x64xf32, #tpu.memory_space<vmem>> -> memref<1x8x50x64xf32, #tpu.memory_space<vmem>>
    %dma_start3A_1103 = tpu.memref_squeeze %dma_start3A_1102 : memref<1x8x50x64xf32, #tpu.memory_space<vmem>> -> memref<8x50x64xf32, #tpu.memory_space<vmem>>
    %dma_start3A_1104 = arith.constant 0 : i32
    %dma_start3A_1105 = arith.constant 0 : i32
    %dma_start3A_1106 = tpu.memref_slice %dma_start3A_1103[%dma_start3A_1072, %dma_start3A_1104, %dma_start3A_1105] : memref<8x50x64xf32, #tpu.memory_space<vmem>> -> memref<1x50x64xf32, #tpu.memory_space<vmem>>
    %dma_start3A_1107 = tpu.memref_squeeze %dma_start3A_1106 : memref<1x50x64xf32, #tpu.memory_space<vmem>> -> memref<50x64xf32, #tpu.memory_space<vmem>>
    tpu.enqueue_dma source(%dma_start3A_1107 : memref<50x64xf32, #tpu.memory_space<vmem>>) target(%dma_start3A_1098 : memref<50x64xf32, #tpu.memory_space<hbm>>) target_semaphore(%dma_start3A_1091 : memref<!tpu.dma_semaphore, #tpu.memory_space<semaphore_mem>>)
    %add3A_1108 = arith.constant 504 : i32
    %add3A_1109 = arith.addi %mul3A_2, %add3A_1108 : i32
    %add3A_1110 = arith.constant 4 : i32
    %add3A_1111 = arith.addi %add3A_1109, %add3A_1110 : i32
    %dma_start3A_1112 = arith.constant 1 : i32
    %dma_start3A_1113 = arith.constant 4 : i32
    %dma_start3A_1114 = arith.constant 1 : i32
    %dma_start3A_1115 = arith.constant 0 : i32
    %dma_start3A_1116 = arith.constant 0 : i32
    %dma_start3A_1117 = arith.constant 0 : i32
    %dma_start3A_1118 = tpu.memref_slice %arg6[%dma_start3A_1112, %dma_start3A_1115, %dma_start3A_1116, %dma_start3A_1117] : memref<2x8x50x64xf32, #tpu.memory_space<vmem>> -> memref<1x8x50x64xf32, #tpu.memory_space<vmem>>
    %dma_start3A_1119 = tpu.memref_squeeze %dma_start3A_1118 : memref<1x8x50x64xf32, #tpu.memory_space<vmem>> -> memref<8x50x64xf32, #tpu.memory_space<vmem>>
    %dma_start3A_1120 = arith.constant 0 : i32
    %dma_start3A_1121 = arith.constant 0 : i32
    %dma_start3A_1122 = tpu.memref_slice %dma_start3A_1119[%dma_start3A_1113, %dma_start3A_1120, %dma_start3A_1121] : memref<8x50x64xf32, #tpu.memory_space<vmem>> -> memref<1x50x64xf32, #tpu.memory_space<vmem>>
    %dma_start3A_1123 = tpu.memref_squeeze %dma_start3A_1122 : memref<1x50x64xf32, #tpu.memory_space<vmem>> -> memref<50x64xf32, #tpu.memory_space<vmem>>
    %dma_start3A_1124 = arith.constant 0 : i32
    %dma_start3A_1125 = arith.constant 0 : i32
    %dma_start3A_1126 = tpu.memref_slice %arg4[%add3A_1111, %dma_start3A_1124, %dma_start3A_1125] : memref<16384x56x128xf32, #tpu.memory_space<hbm>> -> memref<1x56x128xf32, #tpu.memory_space<hbm>>
    %dma_start3A_1127 = tpu.memref_squeeze %dma_start3A_1126 : memref<1x56x128xf32, #tpu.memory_space<hbm>> -> memref<56x128xf32, #tpu.memory_space<hbm>>
    %dma_start3A_1128 = arith.constant 0 : i32
    %dma_start3A_1129 = arith.constant 0 : i32
    %dma_start3A_1130 = tpu.memref_slice %dma_start3A_1127[%dma_start3A_1128, %dma_start3A_1129] : memref<56x128xf32, #tpu.memory_space<hbm>> -> memref<50x64xf32, #tpu.memory_space<hbm>>
    %dma_start3A_1131 = tpu.memref_slice %arg8[%dma_start3A_1114] : memref<2x!tpu.dma_semaphore, #tpu.memory_space<semaphore_mem>> -> memref<1x!tpu.dma_semaphore, #tpu.memory_space<semaphore_mem>>
    %dma_start3A_1132 = tpu.memref_squeeze %dma_start3A_1131 : memref<1x!tpu.dma_semaphore, #tpu.memory_space<semaphore_mem>> -> memref<!tpu.dma_semaphore, #tpu.memory_space<semaphore_mem>>
    %dma_start3A_1133 = arith.constant 0 : i32
    %dma_start3A_1134 = arith.constant 0 : i32
    %dma_start3A_1135 = tpu.memref_slice %arg4[%add3A_1111, %dma_start3A_1133, %dma_start3A_1134] : memref<16384x56x128xf32, #tpu.memory_space<hbm>> -> memref<1x56x128xf32, #tpu.memory_space<hbm>>
    %dma_start3A_1136 = tpu.memref_squeeze %dma_start3A_1135 : memref<1x56x128xf32, #tpu.memory_space<hbm>> -> memref<56x128xf32, #tpu.memory_space<hbm>>
    %dma_start3A_1137 = arith.constant 0 : i32
    %dma_start3A_1138 = arith.constant 0 : i32
    %dma_start3A_1139 = tpu.memref_slice %dma_start3A_1136[%dma_start3A_1137, %dma_start3A_1138] : memref<56x128xf32, #tpu.memory_space<hbm>> -> memref<50x64xf32, #tpu.memory_space<hbm>>
    %dma_start3A_1140 = arith.constant 0 : i32
    %dma_start3A_1141 = arith.constant 0 : i32
    %dma_start3A_1142 = arith.constant 0 : i32
    %dma_start3A_1143 = tpu.memref_slice %arg6[%dma_start3A_1112, %dma_start3A_1140, %dma_start3A_1141, %dma_start3A_1142] : memref<2x8x50x64xf32, #tpu.memory_space<vmem>> -> memref<1x8x50x64xf32, #tpu.memory_space<vmem>>
    %dma_start3A_1144 = tpu.memref_squeeze %dma_start3A_1143 : memref<1x8x50x64xf32, #tpu.memory_space<vmem>> -> memref<8x50x64xf32, #tpu.memory_space<vmem>>
    %dma_start3A_1145 = arith.constant 0 : i32
    %dma_start3A_1146 = arith.constant 0 : i32
    %dma_start3A_1147 = tpu.memref_slice %dma_start3A_1144[%dma_start3A_1113, %dma_start3A_1145, %dma_start3A_1146] : memref<8x50x64xf32, #tpu.memory_space<vmem>> -> memref<1x50x64xf32, #tpu.memory_space<vmem>>
    %dma_start3A_1148 = tpu.memref_squeeze %dma_start3A_1147 : memref<1x50x64xf32, #tpu.memory_space<vmem>> -> memref<50x64xf32, #tpu.memory_space<vmem>>
    tpu.enqueue_dma source(%dma_start3A_1148 : memref<50x64xf32, #tpu.memory_space<vmem>>) target(%dma_start3A_1139 : memref<50x64xf32, #tpu.memory_space<hbm>>) target_semaphore(%dma_start3A_1132 : memref<!tpu.dma_semaphore, #tpu.memory_space<semaphore_mem>>)
    %add3A_1149 = arith.constant 504 : i32
    %add3A_1150 = arith.addi %mul3A_2, %add3A_1149 : i32
    %add3A_1151 = arith.constant 5 : i32
    %add3A_1152 = arith.addi %add3A_1150, %add3A_1151 : i32
    %dma_start3A_1153 = arith.constant 1 : i32
    %dma_start3A_1154 = arith.constant 5 : i32
    %dma_start3A_1155 = arith.constant 1 : i32
    %dma_start3A_1156 = arith.constant 0 : i32
    %dma_start3A_1157 = arith.constant 0 : i32
    %dma_start3A_1158 = arith.constant 0 : i32
    %dma_start3A_1159 = tpu.memref_slice %arg6[%dma_start3A_1153, %dma_start3A_1156, %dma_start3A_1157, %dma_start3A_1158] : memref<2x8x50x64xf32, #tpu.memory_space<vmem>> -> memref<1x8x50x64xf32, #tpu.memory_space<vmem>>
    %dma_start3A_1160 = tpu.memref_squeeze %dma_start3A_1159 : memref<1x8x50x64xf32, #tpu.memory_space<vmem>> -> memref<8x50x64xf32, #tpu.memory_space<vmem>>
    %dma_start3A_1161 = arith.constant 0 : i32
    %dma_start3A_1162 = arith.constant 0 : i32
    %dma_start3A_1163 = tpu.memref_slice %dma_start3A_1160[%dma_start3A_1154, %dma_start3A_1161, %dma_start3A_1162] : memref<8x50x64xf32, #tpu.memory_space<vmem>> -> memref<1x50x64xf32, #tpu.memory_space<vmem>>
    %dma_start3A_1164 = tpu.memref_squeeze %dma_start3A_1163 : memref<1x50x64xf32, #tpu.memory_space<vmem>> -> memref<50x64xf32, #tpu.memory_space<vmem>>
    %dma_start3A_1165 = arith.constant 0 : i32
    %dma_start3A_1166 = arith.constant 0 : i32
    %dma_start3A_1167 = tpu.memref_slice %arg4[%add3A_1152, %dma_start3A_1165, %dma_start3A_1166] : memref<16384x56x128xf32, #tpu.memory_space<hbm>> -> memref<1x56x128xf32, #tpu.memory_space<hbm>>
    %dma_start3A_1168 = tpu.memref_squeeze %dma_start3A_1167 : memref<1x56x128xf32, #tpu.memory_space<hbm>> -> memref<56x128xf32, #tpu.memory_space<hbm>>
    %dma_start3A_1169 = arith.constant 0 : i32
    %dma_start3A_1170 = arith.constant 0 : i32
    %dma_start3A_1171 = tpu.memref_slice %dma_start3A_1168[%dma_start3A_1169, %dma_start3A_1170] : memref<56x128xf32, #tpu.memory_space<hbm>> -> memref<50x64xf32, #tpu.memory_space<hbm>>
    %dma_start3A_1172 = tpu.memref_slice %arg8[%dma_start3A_1155] : memref<2x!tpu.dma_semaphore, #tpu.memory_space<semaphore_mem>> -> memref<1x!tpu.dma_semaphore, #tpu.memory_space<semaphore_mem>>
    %dma_start3A_1173 = tpu.memref_squeeze %dma_start3A_1172 : memref<1x!tpu.dma_semaphore, #tpu.memory_space<semaphore_mem>> -> memref<!tpu.dma_semaphore, #tpu.memory_space<semaphore_mem>>
    %dma_start3A_1174 = arith.constant 0 : i32
    %dma_start3A_1175 = arith.constant 0 : i32
    %dma_start3A_1176 = tpu.memref_slice %arg4[%add3A_1152, %dma_start3A_1174, %dma_start3A_1175] : memref<16384x56x128xf32, #tpu.memory_space<hbm>> -> memref<1x56x128xf32, #tpu.memory_space<hbm>>
    %dma_start3A_1177 = tpu.memref_squeeze %dma_start3A_1176 : memref<1x56x128xf32, #tpu.memory_space<hbm>> -> memref<56x128xf32, #tpu.memory_space<hbm>>
    %dma_start3A_1178 = arith.constant 0 : i32
    %dma_start3A_1179 = arith.constant 0 : i32
    %dma_start3A_1180 = tpu.memref_slice %dma_start3A_1177[%dma_start3A_1178, %dma_start3A_1179] : memref<56x128xf32, #tpu.memory_space<hbm>> -> memref<50x64xf32, #tpu.memory_space<hbm>>
    %dma_start3A_1181 = arith.constant 0 : i32
    %dma_start3A_1182 = arith.constant 0 : i32
    %dma_start3A_1183 = arith.constant 0 : i32
    %dma_start3A_1184 = tpu.memref_slice %arg6[%dma_start3A_1153, %dma_start3A_1181, %dma_start3A_1182, %dma_start3A_1183] : memref<2x8x50x64xf32, #tpu.memory_space<vmem>> -> memref<1x8x50x64xf32, #tpu.memory_space<vmem>>
    %dma_start3A_1185 = tpu.memref_squeeze %dma_start3A_1184 : memref<1x8x50x64xf32, #tpu.memory_space<vmem>> -> memref<8x50x64xf32, #tpu.memory_space<vmem>>
    %dma_start3A_1186 = arith.constant 0 : i32
    %dma_start3A_1187 = arith.constant 0 : i32
    %dma_start3A_1188 = tpu.memref_slice %dma_start3A_1185[%dma_start3A_1154, %dma_start3A_1186, %dma_start3A_1187] : memref<8x50x64xf32, #tpu.memory_space<vmem>> -> memref<1x50x64xf32, #tpu.memory_space<vmem>>
    %dma_start3A_1189 = tpu.memref_squeeze %dma_start3A_1188 : memref<1x50x64xf32, #tpu.memory_space<vmem>> -> memref<50x64xf32, #tpu.memory_space<vmem>>
    tpu.enqueue_dma source(%dma_start3A_1189 : memref<50x64xf32, #tpu.memory_space<vmem>>) target(%dma_start3A_1180 : memref<50x64xf32, #tpu.memory_space<hbm>>) target_semaphore(%dma_start3A_1173 : memref<!tpu.dma_semaphore, #tpu.memory_space<semaphore_mem>>)
    %add3A_1190 = arith.constant 504 : i32
    %add3A_1191 = arith.addi %mul3A_2, %add3A_1190 : i32
    %add3A_1192 = arith.constant 6 : i32
    %add3A_1193 = arith.addi %add3A_1191, %add3A_1192 : i32
    %dma_start3A_1194 = arith.constant 1 : i32
    %dma_start3A_1195 = arith.constant 6 : i32
    %dma_start3A_1196 = arith.constant 1 : i32
    %dma_start3A_1197 = arith.constant 0 : i32
    %dma_start3A_1198 = arith.constant 0 : i32
    %dma_start3A_1199 = arith.constant 0 : i32
    %dma_start3A_1200 = tpu.memref_slice %arg6[%dma_start3A_1194, %dma_start3A_1197, %dma_start3A_1198, %dma_start3A_1199] : memref<2x8x50x64xf32, #tpu.memory_space<vmem>> -> memref<1x8x50x64xf32, #tpu.memory_space<vmem>>
    %dma_start3A_1201 = tpu.memref_squeeze %dma_start3A_1200 : memref<1x8x50x64xf32, #tpu.memory_space<vmem>> -> memref<8x50x64xf32, #tpu.memory_space<vmem>>
    %dma_start3A_1202 = arith.constant 0 : i32
    %dma_start3A_1203 = arith.constant 0 : i32
    %dma_start3A_1204 = tpu.memref_slice %dma_start3A_1201[%dma_start3A_1195, %dma_start3A_1202, %dma_start3A_1203] : memref<8x50x64xf32, #tpu.memory_space<vmem>> -> memref<1x50x64xf32, #tpu.memory_space<vmem>>
    %dma_start3A_1205 = tpu.memref_squeeze %dma_start3A_1204 : memref<1x50x64xf32, #tpu.memory_space<vmem>> -> memref<50x64xf32, #tpu.memory_space<vmem>>
    %dma_start3A_1206 = arith.constant 0 : i32
    %dma_start3A_1207 = arith.constant 0 : i32
    %dma_start3A_1208 = tpu.memref_slice %arg4[%add3A_1193, %dma_start3A_1206, %dma_start3A_1207] : memref<16384x56x128xf32, #tpu.memory_space<hbm>> -> memref<1x56x128xf32, #tpu.memory_space<hbm>>
    %dma_start3A_1209 = tpu.memref_squeeze %dma_start3A_1208 : memref<1x56x128xf32, #tpu.memory_space<hbm>> -> memref<56x128xf32, #tpu.memory_space<hbm>>
    %dma_start3A_1210 = arith.constant 0 : i32
    %dma_start3A_1211 = arith.constant 0 : i32
    %dma_start3A_1212 = tpu.memref_slice %dma_start3A_1209[%dma_start3A_1210, %dma_start3A_1211] : memref<56x128xf32, #tpu.memory_space<hbm>> -> memref<50x64xf32, #tpu.memory_space<hbm>>
    %dma_start3A_1213 = tpu.memref_slice %arg8[%dma_start3A_1196] : memref<2x!tpu.dma_semaphore, #tpu.memory_space<semaphore_mem>> -> memref<1x!tpu.dma_semaphore, #tpu.memory_space<semaphore_mem>>
    %dma_start3A_1214 = tpu.memref_squeeze %dma_start3A_1213 : memref<1x!tpu.dma_semaphore, #tpu.memory_space<semaphore_mem>> -> memref<!tpu.dma_semaphore, #tpu.memory_space<semaphore_mem>>
    %dma_start3A_1215 = arith.constant 0 : i32
    %dma_start3A_1216 = arith.constant 0 : i32
    %dma_start3A_1217 = tpu.memref_slice %arg4[%add3A_1193, %dma_start3A_1215, %dma_start3A_1216] : memref<16384x56x128xf32, #tpu.memory_space<hbm>> -> memref<1x56x128xf32, #tpu.memory_space<hbm>>
    %dma_start3A_1218 = tpu.memref_squeeze %dma_start3A_1217 : memref<1x56x128xf32, #tpu.memory_space<hbm>> -> memref<56x128xf32, #tpu.memory_space<hbm>>
    %dma_start3A_1219 = arith.constant 0 : i32
    %dma_start3A_1220 = arith.constant 0 : i32
    %dma_start3A_1221 = tpu.memref_slice %dma_start3A_1218[%dma_start3A_1219, %dma_start3A_1220] : memref<56x128xf32, #tpu.memory_space<hbm>> -> memref<50x64xf32, #tpu.memory_space<hbm>>
    %dma_start3A_1222 = arith.constant 0 : i32
    %dma_start3A_1223 = arith.constant 0 : i32
    %dma_start3A_1224 = arith.constant 0 : i32
    %dma_start3A_1225 = tpu.memref_slice %arg6[%dma_start3A_1194, %dma_start3A_1222, %dma_start3A_1223, %dma_start3A_1224] : memref<2x8x50x64xf32, #tpu.memory_space<vmem>> -> memref<1x8x50x64xf32, #tpu.memory_space<vmem>>
    %dma_start3A_1226 = tpu.memref_squeeze %dma_start3A_1225 : memref<1x8x50x64xf32, #tpu.memory_space<vmem>> -> memref<8x50x64xf32, #tpu.memory_space<vmem>>
    %dma_start3A_1227 = arith.constant 0 : i32
    %dma_start3A_1228 = arith.constant 0 : i32
    %dma_start3A_1229 = tpu.memref_slice %dma_start3A_1226[%dma_start3A_1195, %dma_start3A_1227, %dma_start3A_1228] : memref<8x50x64xf32, #tpu.memory_space<vmem>> -> memref<1x50x64xf32, #tpu.memory_space<vmem>>
    %dma_start3A_1230 = tpu.memref_squeeze %dma_start3A_1229 : memref<1x50x64xf32, #tpu.memory_space<vmem>> -> memref<50x64xf32, #tpu.memory_space<vmem>>
    tpu.enqueue_dma source(%dma_start3A_1230 : memref<50x64xf32, #tpu.memory_space<vmem>>) target(%dma_start3A_1221 : memref<50x64xf32, #tpu.memory_space<hbm>>) target_semaphore(%dma_start3A_1214 : memref<!tpu.dma_semaphore, #tpu.memory_space<semaphore_mem>>)
    %add3A_1231 = arith.constant 504 : i32
    %add3A_1232 = arith.addi %mul3A_2, %add3A_1231 : i32
    %add3A_1233 = arith.constant 7 : i32
    %add3A_1234 = arith.addi %add3A_1232, %add3A_1233 : i32
    %dma_start3A_1235 = arith.constant 1 : i32
    %dma_start3A_1236 = arith.constant 7 : i32
    %dma_start3A_1237 = arith.constant 1 : i32
    %dma_start3A_1238 = arith.constant 0 : i32
    %dma_start3A_1239 = arith.constant 0 : i32
    %dma_start3A_1240 = arith.constant 0 : i32
    %dma_start3A_1241 = tpu.memref_slice %arg6[%dma_start3A_1235, %dma_start3A_1238, %dma_start3A_1239, %dma_start3A_1240] : memref<2x8x50x64xf32, #tpu.memory_space<vmem>> -> memref<1x8x50x64xf32, #tpu.memory_space<vmem>>
    %dma_start3A_1242 = tpu.memref_squeeze %dma_start3A_1241 : memref<1x8x50x64xf32, #tpu.memory_space<vmem>> -> memref<8x50x64xf32, #tpu.memory_space<vmem>>
    %dma_start3A_1243 = arith.constant 0 : i32
    %dma_start3A_1244 = arith.constant 0 : i32
    %dma_start3A_1245 = tpu.memref_slice %dma_start3A_1242[%dma_start3A_1236, %dma_start3A_1243, %dma_start3A_1244] : memref<8x50x64xf32, #tpu.memory_space<vmem>> -> memref<1x50x64xf32, #tpu.memory_space<vmem>>
    %dma_start3A_1246 = tpu.memref_squeeze %dma_start3A_1245 : memref<1x50x64xf32, #tpu.memory_space<vmem>> -> memref<50x64xf32, #tpu.memory_space<vmem>>
    %dma_start3A_1247 = arith.constant 0 : i32
    %dma_start3A_1248 = arith.constant 0 : i32
    %dma_start3A_1249 = tpu.memref_slice %arg4[%add3A_1234, %dma_start3A_1247, %dma_start3A_1248] : memref<16384x56x128xf32, #tpu.memory_space<hbm>> -> memref<1x56x128xf32, #tpu.memory_space<hbm>>
    %dma_start3A_1250 = tpu.memref_squeeze %dma_start3A_1249 : memref<1x56x128xf32, #tpu.memory_space<hbm>> -> memref<56x128xf32, #tpu.memory_space<hbm>>
    %dma_start3A_1251 = arith.constant 0 : i32
    %dma_start3A_1252 = arith.constant 0 : i32
    %dma_start3A_1253 = tpu.memref_slice %dma_start3A_1250[%dma_start3A_1251, %dma_start3A_1252] : memref<56x128xf32, #tpu.memory_space<hbm>> -> memref<50x64xf32, #tpu.memory_space<hbm>>
    %dma_start3A_1254 = tpu.memref_slice %arg8[%dma_start3A_1237] : memref<2x!tpu.dma_semaphore, #tpu.memory_space<semaphore_mem>> -> memref<1x!tpu.dma_semaphore, #tpu.memory_space<semaphore_mem>>
    %dma_start3A_1255 = tpu.memref_squeeze %dma_start3A_1254 : memref<1x!tpu.dma_semaphore, #tpu.memory_space<semaphore_mem>> -> memref<!tpu.dma_semaphore, #tpu.memory_space<semaphore_mem>>
    %dma_start3A_1256 = arith.constant 0 : i32
    %dma_start3A_1257 = arith.constant 0 : i32
    %dma_start3A_1258 = tpu.memref_slice %arg4[%add3A_1234, %dma_start3A_1256, %dma_start3A_1257] : memref<16384x56x128xf32, #tpu.memory_space<hbm>> -> memref<1x56x128xf32, #tpu.memory_space<hbm>>
    %dma_start3A_1259 = tpu.memref_squeeze %dma_start3A_1258 : memref<1x56x128xf32, #tpu.memory_space<hbm>> -> memref<56x128xf32, #tpu.memory_space<hbm>>
    %dma_start3A_1260 = arith.constant 0 : i32
    %dma_start3A_1261 = arith.constant 0 : i32
    %dma_start3A_1262 = tpu.memref_slice %dma_start3A_1259[%dma_start3A_1260, %dma_start3A_1261] : memref<56x128xf32, #tpu.memory_space<hbm>> -> memref<50x64xf32, #tpu.memory_space<hbm>>
    %dma_start3A_1263 = arith.constant 0 : i32
    %dma_start3A_1264 = arith.constant 0 : i32
    %dma_start3A_1265 = arith.constant 0 : i32
    %dma_start3A_1266 = tpu.memref_slice %arg6[%dma_start3A_1235, %dma_start3A_1263, %dma_start3A_1264, %dma_start3A_1265] : memref<2x8x50x64xf32, #tpu.memory_space<vmem>> -> memref<1x8x50x64xf32, #tpu.memory_space<vmem>>
    %dma_start3A_1267 = tpu.memref_squeeze %dma_start3A_1266 : memref<1x8x50x64xf32, #tpu.memory_space<vmem>> -> memref<8x50x64xf32, #tpu.memory_space<vmem>>
    %dma_start3A_1268 = arith.constant 0 : i32
    %dma_start3A_1269 = arith.constant 0 : i32
    %dma_start3A_1270 = tpu.memref_slice %dma_start3A_1267[%dma_start3A_1236, %dma_start3A_1268, %dma_start3A_1269] : memref<8x50x64xf32, #tpu.memory_space<vmem>> -> memref<1x50x64xf32, #tpu.memory_space<vmem>>
    %dma_start3A_1271 = tpu.memref_squeeze %dma_start3A_1270 : memref<1x50x64xf32, #tpu.memory_space<vmem>> -> memref<50x64xf32, #tpu.memory_space<vmem>>
    tpu.enqueue_dma source(%dma_start3A_1271 : memref<50x64xf32, #tpu.memory_space<vmem>>) target(%dma_start3A_1262 : memref<50x64xf32, #tpu.memory_space<hbm>>) target_semaphore(%dma_start3A_1255 : memref<!tpu.dma_semaphore, #tpu.memory_space<semaphore_mem>>)
    %add3A_1272 = arith.constant 496 : i32
    %add3A_1273 = arith.addi %mul3A_2, %add3A_1272 : i32
    %add3A_1274 = arith.constant 0 : i32
    %add3A_1275 = arith.addi %add3A_1273, %add3A_1274 : i32
    %dma_wait3A_1276 = arith.constant 0 : i32
    %dma_wait3A_1277 = arith.constant 0 : i32
    %dma_wait3A_1278 = arith.constant 0 : i32
    %dma_wait3A_1279 = arith.constant 0 : i32
    %dma_wait3A_1280 = arith.constant 0 : i32
    %dma_wait3A_1281 = arith.constant 0 : i32
    %dma_wait3A_1282 = tpu.memref_slice %arg6[%dma_wait3A_1276, %dma_wait3A_1279, %dma_wait3A_1280, %dma_wait3A_1281] : memref<2x8x50x64xf32, #tpu.memory_space<vmem>> -> memref<1x8x50x64xf32, #tpu.memory_space<vmem>>
    %dma_wait3A_1283 = tpu.memref_squeeze %dma_wait3A_1282 : memref<1x8x50x64xf32, #tpu.memory_space<vmem>> -> memref<8x50x64xf32, #tpu.memory_space<vmem>>
    %dma_wait3A_1284 = arith.constant 0 : i32
    %dma_wait3A_1285 = arith.constant 0 : i32
    %dma_wait3A_1286 = tpu.memref_slice %dma_wait3A_1283[%dma_wait3A_1277, %dma_wait3A_1284, %dma_wait3A_1285] : memref<8x50x64xf32, #tpu.memory_space<vmem>> -> memref<1x50x64xf32, #tpu.memory_space<vmem>>
    %dma_wait3A_1287 = tpu.memref_squeeze %dma_wait3A_1286 : memref<1x50x64xf32, #tpu.memory_space<vmem>> -> memref<50x64xf32, #tpu.memory_space<vmem>>
    %dma_wait3A_1288 = arith.constant 0 : i32
    %dma_wait3A_1289 = arith.constant 0 : i32
    %dma_wait3A_1290 = tpu.memref_slice %arg4[%add3A_1275, %dma_wait3A_1288, %dma_wait3A_1289] : memref<16384x56x128xf32, #tpu.memory_space<hbm>> -> memref<1x56x128xf32, #tpu.memory_space<hbm>>
    %dma_wait3A_1291 = tpu.memref_squeeze %dma_wait3A_1290 : memref<1x56x128xf32, #tpu.memory_space<hbm>> -> memref<56x128xf32, #tpu.memory_space<hbm>>
    %dma_wait3A_1292 = arith.constant 0 : i32
    %dma_wait3A_1293 = arith.constant 0 : i32
    %dma_wait3A_1294 = tpu.memref_slice %dma_wait3A_1291[%dma_wait3A_1292, %dma_wait3A_1293] : memref<56x128xf32, #tpu.memory_space<hbm>> -> memref<50x64xf32, #tpu.memory_space<hbm>>
    %dma_wait3A_1295 = tpu.memref_slice %arg8[%dma_wait3A_1278] : memref<2x!tpu.dma_semaphore, #tpu.memory_space<semaphore_mem>> -> memref<1x!tpu.dma_semaphore, #tpu.memory_space<semaphore_mem>>
    %dma_wait3A_1296 = tpu.memref_squeeze %dma_wait3A_1295 : memref<1x!tpu.dma_semaphore, #tpu.memory_space<semaphore_mem>> -> memref<!tpu.dma_semaphore, #tpu.memory_space<semaphore_mem>>
    %dma_wait3A_1297 = arith.constant 0 : i32
    %dma_wait3A_1298 = arith.constant 0 : i32
    %dma_wait3A_1299 = tpu.memref_slice %arg4[%add3A_1275, %dma_wait3A_1297, %dma_wait3A_1298] : memref<16384x56x128xf32, #tpu.memory_space<hbm>> -> memref<1x56x128xf32, #tpu.memory_space<hbm>>
    %dma_wait3A_1300 = tpu.memref_squeeze %dma_wait3A_1299 : memref<1x56x128xf32, #tpu.memory_space<hbm>> -> memref<56x128xf32, #tpu.memory_space<hbm>>
    %dma_wait3A_1301 = arith.constant 0 : i32
    %dma_wait3A_1302 = arith.constant 0 : i32
    %dma_wait3A_1303 = tpu.memref_slice %dma_wait3A_1300[%dma_wait3A_1301, %dma_wait3A_1302] : memref<56x128xf32, #tpu.memory_space<hbm>> -> memref<50x64xf32, #tpu.memory_space<hbm>>
    %dma_wait3A_1304 = arith.constant 0 : i32
    %dma_wait3A_1305 = arith.constant 0 : i32
    %dma_wait3A_1306 = arith.constant 0 : i32
    %dma_wait3A_1307 = tpu.memref_slice %arg6[%dma_wait3A_1276, %dma_wait3A_1304, %dma_wait3A_1305, %dma_wait3A_1306] : memref<2x8x50x64xf32, #tpu.memory_space<vmem>> -> memref<1x8x50x64xf32, #tpu.memory_space<vmem>>
    %dma_wait3A_1308 = tpu.memref_squeeze %dma_wait3A_1307 : memref<1x8x50x64xf32, #tpu.memory_space<vmem>> -> memref<8x50x64xf32, #tpu.memory_space<vmem>>
    %dma_wait3A_1309 = arith.constant 0 : i32
    %dma_wait3A_1310 = arith.constant 0 : i32
    %dma_wait3A_1311 = tpu.memref_slice %dma_wait3A_1308[%dma_wait3A_1277, %dma_wait3A_1309, %dma_wait3A_1310] : memref<8x50x64xf32, #tpu.memory_space<vmem>> -> memref<1x50x64xf32, #tpu.memory_space<vmem>>
    %dma_wait3A_1312 = tpu.memref_squeeze %dma_wait3A_1311 : memref<1x50x64xf32, #tpu.memory_space<vmem>> -> memref<50x64xf32, #tpu.memory_space<vmem>>
    tpu.wait_dma2 semaphore(%dma_wait3A_1296 : memref<!tpu.dma_semaphore, #tpu.memory_space<semaphore_mem>>) src(%dma_wait3A_1312 : memref<50x64xf32, #tpu.memory_space<vmem>>) dst(%dma_wait3A_1303 : memref<50x64xf32, #tpu.memory_space<hbm>>)
    %add3A_1313 = arith.constant 496 : i32
    %add3A_1314 = arith.addi %mul3A_2, %add3A_1313 : i32
    %add3A_1315 = arith.constant 1 : i32
    %add3A_1316 = arith.addi %add3A_1314, %add3A_1315 : i32
    %dma_wait3A_1317 = arith.constant 0 : i32
    %dma_wait3A_1318 = arith.constant 1 : i32
    %dma_wait3A_1319 = arith.constant 0 : i32
    %dma_wait3A_1320 = arith.constant 0 : i32
    %dma_wait3A_1321 = arith.constant 0 : i32
    %dma_wait3A_1322 = arith.constant 0 : i32
    %dma_wait3A_1323 = tpu.memref_slice %arg6[%dma_wait3A_1317, %dma_wait3A_1320, %dma_wait3A_1321, %dma_wait3A_1322] : memref<2x8x50x64xf32, #tpu.memory_space<vmem>> -> memref<1x8x50x64xf32, #tpu.memory_space<vmem>>
    %dma_wait3A_1324 = tpu.memref_squeeze %dma_wait3A_1323 : memref<1x8x50x64xf32, #tpu.memory_space<vmem>> -> memref<8x50x64xf32, #tpu.memory_space<vmem>>
    %dma_wait3A_1325 = arith.constant 0 : i32
    %dma_wait3A_1326 = arith.constant 0 : i32
    %dma_wait3A_1327 = tpu.memref_slice %dma_wait3A_1324[%dma_wait3A_1318, %dma_wait3A_1325, %dma_wait3A_1326] : memref<8x50x64xf32, #tpu.memory_space<vmem>> -> memref<1x50x64xf32, #tpu.memory_space<vmem>>
    %dma_wait3A_1328 = tpu.memref_squeeze %dma_wait3A_1327 : memref<1x50x64xf32, #tpu.memory_space<vmem>> -> memref<50x64xf32, #tpu.memory_space<vmem>>
    %dma_wait3A_1329 = arith.constant 0 : i32
    %dma_wait3A_1330 = arith.constant 0 : i32
    %dma_wait3A_1331 = tpu.memref_slice %arg4[%add3A_1316, %dma_wait3A_1329, %dma_wait3A_1330] : memref<16384x56x128xf32, #tpu.memory_space<hbm>> -> memref<1x56x128xf32, #tpu.memory_space<hbm>>
    %dma_wait3A_1332 = tpu.memref_squeeze %dma_wait3A_1331 : memref<1x56x128xf32, #tpu.memory_space<hbm>> -> memref<56x128xf32, #tpu.memory_space<hbm>>
    %dma_wait3A_1333 = arith.constant 0 : i32
    %dma_wait3A_1334 = arith.constant 0 : i32
    %dma_wait3A_1335 = tpu.memref_slice %dma_wait3A_1332[%dma_wait3A_1333, %dma_wait3A_1334] : memref<56x128xf32, #tpu.memory_space<hbm>> -> memref<50x64xf32, #tpu.memory_space<hbm>>
    %dma_wait3A_1336 = tpu.memref_slice %arg8[%dma_wait3A_1319] : memref<2x!tpu.dma_semaphore, #tpu.memory_space<semaphore_mem>> -> memref<1x!tpu.dma_semaphore, #tpu.memory_space<semaphore_mem>>
    %dma_wait3A_1337 = tpu.memref_squeeze %dma_wait3A_1336 : memref<1x!tpu.dma_semaphore, #tpu.memory_space<semaphore_mem>> -> memref<!tpu.dma_semaphore, #tpu.memory_space<semaphore_mem>>
    %dma_wait3A_1338 = arith.constant 0 : i32
    %dma_wait3A_1339 = arith.constant 0 : i32
    %dma_wait3A_1340 = tpu.memref_slice %arg4[%add3A_1316, %dma_wait3A_1338, %dma_wait3A_1339] : memref<16384x56x128xf32, #tpu.memory_space<hbm>> -> memref<1x56x128xf32, #tpu.memory_space<hbm>>
    %dma_wait3A_1341 = tpu.memref_squeeze %dma_wait3A_1340 : memref<1x56x128xf32, #tpu.memory_space<hbm>> -> memref<56x128xf32, #tpu.memory_space<hbm>>
    %dma_wait3A_1342 = arith.constant 0 : i32
    %dma_wait3A_1343 = arith.constant 0 : i32
    %dma_wait3A_1344 = tpu.memref_slice %dma_wait3A_1341[%dma_wait3A_1342, %dma_wait3A_1343] : memref<56x128xf32, #tpu.memory_space<hbm>> -> memref<50x64xf32, #tpu.memory_space<hbm>>
    %dma_wait3A_1345 = arith.constant 0 : i32
    %dma_wait3A_1346 = arith.constant 0 : i32
    %dma_wait3A_1347 = arith.constant 0 : i32
    %dma_wait3A_1348 = tpu.memref_slice %arg6[%dma_wait3A_1317, %dma_wait3A_1345, %dma_wait3A_1346, %dma_wait3A_1347] : memref<2x8x50x64xf32, #tpu.memory_space<vmem>> -> memref<1x8x50x64xf32, #tpu.memory_space<vmem>>
    %dma_wait3A_1349 = tpu.memref_squeeze %dma_wait3A_1348 : memref<1x8x50x64xf32, #tpu.memory_space<vmem>> -> memref<8x50x64xf32, #tpu.memory_space<vmem>>
    %dma_wait3A_1350 = arith.constant 0 : i32
    %dma_wait3A_1351 = arith.constant 0 : i32
    %dma_wait3A_1352 = tpu.memref_slice %dma_wait3A_1349[%dma_wait3A_1318, %dma_wait3A_1350, %dma_wait3A_1351] : memref<8x50x64xf32, #tpu.memory_space<vmem>> -> memref<1x50x64xf32, #tpu.memory_space<vmem>>
    %dma_wait3A_1353 = tpu.memref_squeeze %dma_wait3A_1352 : memref<1x50x64xf32, #tpu.memory_space<vmem>> -> memref<50x64xf32, #tpu.memory_space<vmem>>
    tpu.wait_dma2 semaphore(%dma_wait3A_1337 : memref<!tpu.dma_semaphore, #tpu.memory_space<semaphore_mem>>) src(%dma_wait3A_1353 : memref<50x64xf32, #tpu.memory_space<vmem>>) dst(%dma_wait3A_1344 : memref<50x64xf32, #tpu.memory_space<hbm>>)
    %add3A_1354 = arith.constant 496 : i32
    %add3A_1355 = arith.addi %mul3A_2, %add3A_1354 : i32
    %add3A_1356 = arith.constant 2 : i32
    %add3A_1357 = arith.addi %add3A_1355, %add3A_1356 : i32
    %dma_wait3A_1358 = arith.constant 0 : i32
    %dma_wait3A_1359 = arith.constant 2 : i32
    %dma_wait3A_1360 = arith.constant 0 : i32
    %dma_wait3A_1361 = arith.constant 0 : i32
    %dma_wait3A_1362 = arith.constant 0 : i32
    %dma_wait3A_1363 = arith.constant 0 : i32
    %dma_wait3A_1364 = tpu.memref_slice %arg6[%dma_wait3A_1358, %dma_wait3A_1361, %dma_wait3A_1362, %dma_wait3A_1363] : memref<2x8x50x64xf32, #tpu.memory_space<vmem>> -> memref<1x8x50x64xf32, #tpu.memory_space<vmem>>
    %dma_wait3A_1365 = tpu.memref_squeeze %dma_wait3A_1364 : memref<1x8x50x64xf32, #tpu.memory_space<vmem>> -> memref<8x50x64xf32, #tpu.memory_space<vmem>>
    %dma_wait3A_1366 = arith.constant 0 : i32
    %dma_wait3A_1367 = arith.constant 0 : i32
    %dma_wait3A_1368 = tpu.memref_slice %dma_wait3A_1365[%dma_wait3A_1359, %dma_wait3A_1366, %dma_wait3A_1367] : memref<8x50x64xf32, #tpu.memory_space<vmem>> -> memref<1x50x64xf32, #tpu.memory_space<vmem>>
    %dma_wait3A_1369 = tpu.memref_squeeze %dma_wait3A_1368 : memref<1x50x64xf32, #tpu.memory_space<vmem>> -> memref<50x64xf32, #tpu.memory_space<vmem>>
    %dma_wait3A_1370 = arith.constant 0 : i32
    %dma_wait3A_1371 = arith.constant 0 : i32
    %dma_wait3A_1372 = tpu.memref_slice %arg4[%add3A_1357, %dma_wait3A_1370, %dma_wait3A_1371] : memref<16384x56x128xf32, #tpu.memory_space<hbm>> -> memref<1x56x128xf32, #tpu.memory_space<hbm>>
    %dma_wait3A_1373 = tpu.memref_squeeze %dma_wait3A_1372 : memref<1x56x128xf32, #tpu.memory_space<hbm>> -> memref<56x128xf32, #tpu.memory_space<hbm>>
    %dma_wait3A_1374 = arith.constant 0 : i32
    %dma_wait3A_1375 = arith.constant 0 : i32
    %dma_wait3A_1376 = tpu.memref_slice %dma_wait3A_1373[%dma_wait3A_1374, %dma_wait3A_1375] : memref<56x128xf32, #tpu.memory_space<hbm>> -> memref<50x64xf32, #tpu.memory_space<hbm>>
    %dma_wait3A_1377 = tpu.memref_slice %arg8[%dma_wait3A_1360] : memref<2x!tpu.dma_semaphore, #tpu.memory_space<semaphore_mem>> -> memref<1x!tpu.dma_semaphore, #tpu.memory_space<semaphore_mem>>
    %dma_wait3A_1378 = tpu.memref_squeeze %dma_wait3A_1377 : memref<1x!tpu.dma_semaphore, #tpu.memory_space<semaphore_mem>> -> memref<!tpu.dma_semaphore, #tpu.memory_space<semaphore_mem>>
    %dma_wait3A_1379 = arith.constant 0 : i32
    %dma_wait3A_1380 = arith.constant 0 : i32
    %dma_wait3A_1381 = tpu.memref_slice %arg4[%add3A_1357, %dma_wait3A_1379, %dma_wait3A_1380] : memref<16384x56x128xf32, #tpu.memory_space<hbm>> -> memref<1x56x128xf32, #tpu.memory_space<hbm>>
    %dma_wait3A_1382 = tpu.memref_squeeze %dma_wait3A_1381 : memref<1x56x128xf32, #tpu.memory_space<hbm>> -> memref<56x128xf32, #tpu.memory_space<hbm>>
    %dma_wait3A_1383 = arith.constant 0 : i32
    %dma_wait3A_1384 = arith.constant 0 : i32
    %dma_wait3A_1385 = tpu.memref_slice %dma_wait3A_1382[%dma_wait3A_1383, %dma_wait3A_1384] : memref<56x128xf32, #tpu.memory_space<hbm>> -> memref<50x64xf32, #tpu.memory_space<hbm>>
    %dma_wait3A_1386 = arith.constant 0 : i32
    %dma_wait3A_1387 = arith.constant 0 : i32
    %dma_wait3A_1388 = arith.constant 0 : i32
    %dma_wait3A_1389 = tpu.memref_slice %arg6[%dma_wait3A_1358, %dma_wait3A_1386, %dma_wait3A_1387, %dma_wait3A_1388] : memref<2x8x50x64xf32, #tpu.memory_space<vmem>> -> memref<1x8x50x64xf32, #tpu.memory_space<vmem>>
    %dma_wait3A_1390 = tpu.memref_squeeze %dma_wait3A_1389 : memref<1x8x50x64xf32, #tpu.memory_space<vmem>> -> memref<8x50x64xf32, #tpu.memory_space<vmem>>
    %dma_wait3A_1391 = arith.constant 0 : i32
    %dma_wait3A_1392 = arith.constant 0 : i32
    %dma_wait3A_1393 = tpu.memref_slice %dma_wait3A_1390[%dma_wait3A_1359, %dma_wait3A_1391, %dma_wait3A_1392] : memref<8x50x64xf32, #tpu.memory_space<vmem>> -> memref<1x50x64xf32, #tpu.memory_space<vmem>>
    %dma_wait3A_1394 = tpu.memref_squeeze %dma_wait3A_1393 : memref<1x50x64xf32, #tpu.memory_space<vmem>> -> memref<50x64xf32, #tpu.memory_space<vmem>>
    tpu.wait_dma2 semaphore(%dma_wait3A_1378 : memref<!tpu.dma_semaphore, #tpu.memory_space<semaphore_mem>>) src(%dma_wait3A_1394 : memref<50x64xf32, #tpu.memory_space<vmem>>) dst(%dma_wait3A_1385 : memref<50x64xf32, #tpu.memory_space<hbm>>)
    %add3A_1395 = arith.constant 496 : i32
    %add3A_1396 = arith.addi %mul3A_2, %add3A_1395 : i32
    %add3A_1397 = arith.constant 3 : i32
    %add3A_1398 = arith.addi %add3A_1396, %add3A_1397 : i32
    %dma_wait3A_1399 = arith.constant 0 : i32
    %dma_wait3A_1400 = arith.constant 3 : i32
    %dma_wait3A_1401 = arith.constant 0 : i32
    %dma_wait3A_1402 = arith.constant 0 : i32
    %dma_wait3A_1403 = arith.constant 0 : i32
    %dma_wait3A_1404 = arith.constant 0 : i32
    %dma_wait3A_1405 = tpu.memref_slice %arg6[%dma_wait3A_1399, %dma_wait3A_1402, %dma_wait3A_1403, %dma_wait3A_1404] : memref<2x8x50x64xf32, #tpu.memory_space<vmem>> -> memref<1x8x50x64xf32, #tpu.memory_space<vmem>>
    %dma_wait3A_1406 = tpu.memref_squeeze %dma_wait3A_1405 : memref<1x8x50x64xf32, #tpu.memory_space<vmem>> -> memref<8x50x64xf32, #tpu.memory_space<vmem>>
    %dma_wait3A_1407 = arith.constant 0 : i32
    %dma_wait3A_1408 = arith.constant 0 : i32
    %dma_wait3A_1409 = tpu.memref_slice %dma_wait3A_1406[%dma_wait3A_1400, %dma_wait3A_1407, %dma_wait3A_1408] : memref<8x50x64xf32, #tpu.memory_space<vmem>> -> memref<1x50x64xf32, #tpu.memory_space<vmem>>
    %dma_wait3A_1410 = tpu.memref_squeeze %dma_wait3A_1409 : memref<1x50x64xf32, #tpu.memory_space<vmem>> -> memref<50x64xf32, #tpu.memory_space<vmem>>
    %dma_wait3A_1411 = arith.constant 0 : i32
    %dma_wait3A_1412 = arith.constant 0 : i32
    %dma_wait3A_1413 = tpu.memref_slice %arg4[%add3A_1398, %dma_wait3A_1411, %dma_wait3A_1412] : memref<16384x56x128xf32, #tpu.memory_space<hbm>> -> memref<1x56x128xf32, #tpu.memory_space<hbm>>
    %dma_wait3A_1414 = tpu.memref_squeeze %dma_wait3A_1413 : memref<1x56x128xf32, #tpu.memory_space<hbm>> -> memref<56x128xf32, #tpu.memory_space<hbm>>
    %dma_wait3A_1415 = arith.constant 0 : i32
    %dma_wait3A_1416 = arith.constant 0 : i32
    %dma_wait3A_1417 = tpu.memref_slice %dma_wait3A_1414[%dma_wait3A_1415, %dma_wait3A_1416] : memref<56x128xf32, #tpu.memory_space<hbm>> -> memref<50x64xf32, #tpu.memory_space<hbm>>
    %dma_wait3A_1418 = tpu.memref_slice %arg8[%dma_wait3A_1401] : memref<2x!tpu.dma_semaphore, #tpu.memory_space<semaphore_mem>> -> memref<1x!tpu.dma_semaphore, #tpu.memory_space<semaphore_mem>>
    %dma_wait3A_1419 = tpu.memref_squeeze %dma_wait3A_1418 : memref<1x!tpu.dma_semaphore, #tpu.memory_space<semaphore_mem>> -> memref<!tpu.dma_semaphore, #tpu.memory_space<semaphore_mem>>
    %dma_wait3A_1420 = arith.constant 0 : i32
    %dma_wait3A_1421 = arith.constant 0 : i32
    %dma_wait3A_1422 = tpu.memref_slice %arg4[%add3A_1398, %dma_wait3A_1420, %dma_wait3A_1421] : memref<16384x56x128xf32, #tpu.memory_space<hbm>> -> memref<1x56x128xf32, #tpu.memory_space<hbm>>
    %dma_wait3A_1423 = tpu.memref_squeeze %dma_wait3A_1422 : memref<1x56x128xf32, #tpu.memory_space<hbm>> -> memref<56x128xf32, #tpu.memory_space<hbm>>
    %dma_wait3A_1424 = arith.constant 0 : i32
    %dma_wait3A_1425 = arith.constant 0 : i32
    %dma_wait3A_1426 = tpu.memref_slice %dma_wait3A_1423[%dma_wait3A_1424, %dma_wait3A_1425] : memref<56x128xf32, #tpu.memory_space<hbm>> -> memref<50x64xf32, #tpu.memory_space<hbm>>
    %dma_wait3A_1427 = arith.constant 0 : i32
    %dma_wait3A_1428 = arith.constant 0 : i32
    %dma_wait3A_1429 = arith.constant 0 : i32
    %dma_wait3A_1430 = tpu.memref_slice %arg6[%dma_wait3A_1399, %dma_wait3A_1427, %dma_wait3A_1428, %dma_wait3A_1429] : memref<2x8x50x64xf32, #tpu.memory_space<vmem>> -> memref<1x8x50x64xf32, #tpu.memory_space<vmem>>
    %dma_wait3A_1431 = tpu.memref_squeeze %dma_wait3A_1430 : memref<1x8x50x64xf32, #tpu.memory_space<vmem>> -> memref<8x50x64xf32, #tpu.memory_space<vmem>>
    %dma_wait3A_1432 = arith.constant 0 : i32
    %dma_wait3A_1433 = arith.constant 0 : i32
    %dma_wait3A_1434 = tpu.memref_slice %dma_wait3A_1431[%dma_wait3A_1400, %dma_wait3A_1432, %dma_wait3A_1433] : memref<8x50x64xf32, #tpu.memory_space<vmem>> -> memref<1x50x64xf32, #tpu.memory_space<vmem>>
    %dma_wait3A_1435 = tpu.memref_squeeze %dma_wait3A_1434 : memref<1x50x64xf32, #tpu.memory_space<vmem>> -> memref<50x64xf32, #tpu.memory_space<vmem>>
    tpu.wait_dma2 semaphore(%dma_wait3A_1419 : memref<!tpu.dma_semaphore, #tpu.memory_space<semaphore_mem>>) src(%dma_wait3A_1435 : memref<50x64xf32, #tpu.memory_space<vmem>>) dst(%dma_wait3A_1426 : memref<50x64xf32, #tpu.memory_space<hbm>>)
    %add3A_1436 = arith.constant 496 : i32
    %add3A_1437 = arith.addi %mul3A_2, %add3A_1436 : i32
    %add3A_1438 = arith.constant 4 : i32
    %add3A_1439 = arith.addi %add3A_1437, %add3A_1438 : i32
    %dma_wait3A_1440 = arith.constant 0 : i32
    %dma_wait3A_1441 = arith.constant 4 : i32
    %dma_wait3A_1442 = arith.constant 0 : i32
    %dma_wait3A_1443 = arith.constant 0 : i32
    %dma_wait3A_1444 = arith.constant 0 : i32
    %dma_wait3A_1445 = arith.constant 0 : i32
    %dma_wait3A_1446 = tpu.memref_slice %arg6[%dma_wait3A_1440, %dma_wait3A_1443, %dma_wait3A_1444, %dma_wait3A_1445] : memref<2x8x50x64xf32, #tpu.memory_space<vmem>> -> memref<1x8x50x64xf32, #tpu.memory_space<vmem>>
    %dma_wait3A_1447 = tpu.memref_squeeze %dma_wait3A_1446 : memref<1x8x50x64xf32, #tpu.memory_space<vmem>> -> memref<8x50x64xf32, #tpu.memory_space<vmem>>
    %dma_wait3A_1448 = arith.constant 0 : i32
    %dma_wait3A_1449 = arith.constant 0 : i32
    %dma_wait3A_1450 = tpu.memref_slice %dma_wait3A_1447[%dma_wait3A_1441, %dma_wait3A_1448, %dma_wait3A_1449] : memref<8x50x64xf32, #tpu.memory_space<vmem>> -> memref<1x50x64xf32, #tpu.memory_space<vmem>>
    %dma_wait3A_1451 = tpu.memref_squeeze %dma_wait3A_1450 : memref<1x50x64xf32, #tpu.memory_space<vmem>> -> memref<50x64xf32, #tpu.memory_space<vmem>>
    %dma_wait3A_1452 = arith.constant 0 : i32
    %dma_wait3A_1453 = arith.constant 0 : i32
    %dma_wait3A_1454 = tpu.memref_slice %arg4[%add3A_1439, %dma_wait3A_1452, %dma_wait3A_1453] : memref<16384x56x128xf32, #tpu.memory_space<hbm>> -> memref<1x56x128xf32, #tpu.memory_space<hbm>>
    %dma_wait3A_1455 = tpu.memref_squeeze %dma_wait3A_1454 : memref<1x56x128xf32, #tpu.memory_space<hbm>> -> memref<56x128xf32, #tpu.memory_space<hbm>>
    %dma_wait3A_1456 = arith.constant 0 : i32
    %dma_wait3A_1457 = arith.constant 0 : i32
    %dma_wait3A_1458 = tpu.memref_slice %dma_wait3A_1455[%dma_wait3A_1456, %dma_wait3A_1457] : memref<56x128xf32, #tpu.memory_space<hbm>> -> memref<50x64xf32, #tpu.memory_space<hbm>>
    %dma_wait3A_1459 = tpu.memref_slice %arg8[%dma_wait3A_1442] : memref<2x!tpu.dma_semaphore, #tpu.memory_space<semaphore_mem>> -> memref<1x!tpu.dma_semaphore, #tpu.memory_space<semaphore_mem>>
    %dma_wait3A_1460 = tpu.memref_squeeze %dma_wait3A_1459 : memref<1x!tpu.dma_semaphore, #tpu.memory_space<semaphore_mem>> -> memref<!tpu.dma_semaphore, #tpu.memory_space<semaphore_mem>>
    %dma_wait3A_1461 = arith.constant 0 : i32
    %dma_wait3A_1462 = arith.constant 0 : i32
    %dma_wait3A_1463 = tpu.memref_slice %arg4[%add3A_1439, %dma_wait3A_1461, %dma_wait3A_1462] : memref<16384x56x128xf32, #tpu.memory_space<hbm>> -> memref<1x56x128xf32, #tpu.memory_space<hbm>>
    %dma_wait3A_1464 = tpu.memref_squeeze %dma_wait3A_1463 : memref<1x56x128xf32, #tpu.memory_space<hbm>> -> memref<56x128xf32, #tpu.memory_space<hbm>>
    %dma_wait3A_1465 = arith.constant 0 : i32
    %dma_wait3A_1466 = arith.constant 0 : i32
    %dma_wait3A_1467 = tpu.memref_slice %dma_wait3A_1464[%dma_wait3A_1465, %dma_wait3A_1466] : memref<56x128xf32, #tpu.memory_space<hbm>> -> memref<50x64xf32, #tpu.memory_space<hbm>>
    %dma_wait3A_1468 = arith.constant 0 : i32
    %dma_wait3A_1469 = arith.constant 0 : i32
    %dma_wait3A_1470 = arith.constant 0 : i32
    %dma_wait3A_1471 = tpu.memref_slice %arg6[%dma_wait3A_1440, %dma_wait3A_1468, %dma_wait3A_1469, %dma_wait3A_1470] : memref<2x8x50x64xf32, #tpu.memory_space<vmem>> -> memref<1x8x50x64xf32, #tpu.memory_space<vmem>>
    %dma_wait3A_1472 = tpu.memref_squeeze %dma_wait3A_1471 : memref<1x8x50x64xf32, #tpu.memory_space<vmem>> -> memref<8x50x64xf32, #tpu.memory_space<vmem>>
    %dma_wait3A_1473 = arith.constant 0 : i32
    %dma_wait3A_1474 = arith.constant 0 : i32
    %dma_wait3A_1475 = tpu.memref_slice %dma_wait3A_1472[%dma_wait3A_1441, %dma_wait3A_1473, %dma_wait3A_1474] : memref<8x50x64xf32, #tpu.memory_space<vmem>> -> memref<1x50x64xf32, #tpu.memory_space<vmem>>
    %dma_wait3A_1476 = tpu.memref_squeeze %dma_wait3A_1475 : memref<1x50x64xf32, #tpu.memory_space<vmem>> -> memref<50x64xf32, #tpu.memory_space<vmem>>
    tpu.wait_dma2 semaphore(%dma_wait3A_1460 : memref<!tpu.dma_semaphore, #tpu.memory_space<semaphore_mem>>) src(%dma_wait3A_1476 : memref<50x64xf32, #tpu.memory_space<vmem>>) dst(%dma_wait3A_1467 : memref<50x64xf32, #tpu.memory_space<hbm>>)
    %add3A_1477 = arith.constant 496 : i32
    %add3A_1478 = arith.addi %mul3A_2, %add3A_1477 : i32
    %add3A_1479 = arith.constant 5 : i32
    %add3A_1480 = arith.addi %add3A_1478, %add3A_1479 : i32
    %dma_wait3A_1481 = arith.constant 0 : i32
    %dma_wait3A_1482 = arith.constant 5 : i32
    %dma_wait3A_1483 = arith.constant 0 : i32
    %dma_wait3A_1484 = arith.constant 0 : i32
    %dma_wait3A_1485 = arith.constant 0 : i32
    %dma_wait3A_1486 = arith.constant 0 : i32
    %dma_wait3A_1487 = tpu.memref_slice %arg6[%dma_wait3A_1481, %dma_wait3A_1484, %dma_wait3A_1485, %dma_wait3A_1486] : memref<2x8x50x64xf32, #tpu.memory_space<vmem>> -> memref<1x8x50x64xf32, #tpu.memory_space<vmem>>
    %dma_wait3A_1488 = tpu.memref_squeeze %dma_wait3A_1487 : memref<1x8x50x64xf32, #tpu.memory_space<vmem>> -> memref<8x50x64xf32, #tpu.memory_space<vmem>>
    %dma_wait3A_1489 = arith.constant 0 : i32
    %dma_wait3A_1490 = arith.constant 0 : i32
    %dma_wait3A_1491 = tpu.memref_slice %dma_wait3A_1488[%dma_wait3A_1482, %dma_wait3A_1489, %dma_wait3A_1490] : memref<8x50x64xf32, #tpu.memory_space<vmem>> -> memref<1x50x64xf32, #tpu.memory_space<vmem>>
    %dma_wait3A_1492 = tpu.memref_squeeze %dma_wait3A_1491 : memref<1x50x64xf32, #tpu.memory_space<vmem>> -> memref<50x64xf32, #tpu.memory_space<vmem>>
    %dma_wait3A_1493 = arith.constant 0 : i32
    %dma_wait3A_1494 = arith.constant 0 : i32
    %dma_wait3A_1495 = tpu.memref_slice %arg4[%add3A_1480, %dma_wait3A_1493, %dma_wait3A_1494] : memref<16384x56x128xf32, #tpu.memory_space<hbm>> -> memref<1x56x128xf32, #tpu.memory_space<hbm>>
    %dma_wait3A_1496 = tpu.memref_squeeze %dma_wait3A_1495 : memref<1x56x128xf32, #tpu.memory_space<hbm>> -> memref<56x128xf32, #tpu.memory_space<hbm>>
    %dma_wait3A_1497 = arith.constant 0 : i32
    %dma_wait3A_1498 = arith.constant 0 : i32
    %dma_wait3A_1499 = tpu.memref_slice %dma_wait3A_1496[%dma_wait3A_1497, %dma_wait3A_1498] : memref<56x128xf32, #tpu.memory_space<hbm>> -> memref<50x64xf32, #tpu.memory_space<hbm>>
    %dma_wait3A_1500 = tpu.memref_slice %arg8[%dma_wait3A_1483] : memref<2x!tpu.dma_semaphore, #tpu.memory_space<semaphore_mem>> -> memref<1x!tpu.dma_semaphore, #tpu.memory_space<semaphore_mem>>
    %dma_wait3A_1501 = tpu.memref_squeeze %dma_wait3A_1500 : memref<1x!tpu.dma_semaphore, #tpu.memory_space<semaphore_mem>> -> memref<!tpu.dma_semaphore, #tpu.memory_space<semaphore_mem>>
    %dma_wait3A_1502 = arith.constant 0 : i32
    %dma_wait3A_1503 = arith.constant 0 : i32
    %dma_wait3A_1504 = tpu.memref_slice %arg4[%add3A_1480, %dma_wait3A_1502, %dma_wait3A_1503] : memref<16384x56x128xf32, #tpu.memory_space<hbm>> -> memref<1x56x128xf32, #tpu.memory_space<hbm>>
    %dma_wait3A_1505 = tpu.memref_squeeze %dma_wait3A_1504 : memref<1x56x128xf32, #tpu.memory_space<hbm>> -> memref<56x128xf32, #tpu.memory_space<hbm>>
    %dma_wait3A_1506 = arith.constant 0 : i32
    %dma_wait3A_1507 = arith.constant 0 : i32
    %dma_wait3A_1508 = tpu.memref_slice %dma_wait3A_1505[%dma_wait3A_1506, %dma_wait3A_1507] : memref<56x128xf32, #tpu.memory_space<hbm>> -> memref<50x64xf32, #tpu.memory_space<hbm>>
    %dma_wait3A_1509 = arith.constant 0 : i32
    %dma_wait3A_1510 = arith.constant 0 : i32
    %dma_wait3A_1511 = arith.constant 0 : i32
    %dma_wait3A_1512 = tpu.memref_slice %arg6[%dma_wait3A_1481, %dma_wait3A_1509, %dma_wait3A_1510, %dma_wait3A_1511] : memref<2x8x50x64xf32, #tpu.memory_space<vmem>> -> memref<1x8x50x64xf32, #tpu.memory_space<vmem>>
    %dma_wait3A_1513 = tpu.memref_squeeze %dma_wait3A_1512 : memref<1x8x50x64xf32, #tpu.memory_space<vmem>> -> memref<8x50x64xf32, #tpu.memory_space<vmem>>
    %dma_wait3A_1514 = arith.constant 0 : i32
    %dma_wait3A_1515 = arith.constant 0 : i32
    %dma_wait3A_1516 = tpu.memref_slice %dma_wait3A_1513[%dma_wait3A_1482, %dma_wait3A_1514, %dma_wait3A_1515] : memref<8x50x64xf32, #tpu.memory_space<vmem>> -> memref<1x50x64xf32, #tpu.memory_space<vmem>>
    %dma_wait3A_1517 = tpu.memref_squeeze %dma_wait3A_1516 : memref<1x50x64xf32, #tpu.memory_space<vmem>> -> memref<50x64xf32, #tpu.memory_space<vmem>>
    tpu.wait_dma2 semaphore(%dma_wait3A_1501 : memref<!tpu.dma_semaphore, #tpu.memory_space<semaphore_mem>>) src(%dma_wait3A_1517 : memref<50x64xf32, #tpu.memory_space<vmem>>) dst(%dma_wait3A_1508 : memref<50x64xf32, #tpu.memory_space<hbm>>)
    %add3A_1518 = arith.constant 496 : i32
    %add3A_1519 = arith.addi %mul3A_2, %add3A_1518 : i32
    %add3A_1520 = arith.constant 6 : i32
    %add3A_1521 = arith.addi %add3A_1519, %add3A_1520 : i32
    %dma_wait3A_1522 = arith.constant 0 : i32
    %dma_wait3A_1523 = arith.constant 6 : i32
    %dma_wait3A_1524 = arith.constant 0 : i32
    %dma_wait3A_1525 = arith.constant 0 : i32
    %dma_wait3A_1526 = arith.constant 0 : i32
    %dma_wait3A_1527 = arith.constant 0 : i32
    %dma_wait3A_1528 = tpu.memref_slice %arg6[%dma_wait3A_1522, %dma_wait3A_1525, %dma_wait3A_1526, %dma_wait3A_1527] : memref<2x8x50x64xf32, #tpu.memory_space<vmem>> -> memref<1x8x50x64xf32, #tpu.memory_space<vmem>>
    %dma_wait3A_1529 = tpu.memref_squeeze %dma_wait3A_1528 : memref<1x8x50x64xf32, #tpu.memory_space<vmem>> -> memref<8x50x64xf32, #tpu.memory_space<vmem>>
    %dma_wait3A_1530 = arith.constant 0 : i32
    %dma_wait3A_1531 = arith.constant 0 : i32
    %dma_wait3A_1532 = tpu.memref_slice %dma_wait3A_1529[%dma_wait3A_1523, %dma_wait3A_1530, %dma_wait3A_1531] : memref<8x50x64xf32, #tpu.memory_space<vmem>> -> memref<1x50x64xf32, #tpu.memory_space<vmem>>
    %dma_wait3A_1533 = tpu.memref_squeeze %dma_wait3A_1532 : memref<1x50x64xf32, #tpu.memory_space<vmem>> -> memref<50x64xf32, #tpu.memory_space<vmem>>
    %dma_wait3A_1534 = arith.constant 0 : i32
    %dma_wait3A_1535 = arith.constant 0 : i32
    %dma_wait3A_1536 = tpu.memref_slice %arg4[%add3A_1521, %dma_wait3A_1534, %dma_wait3A_1535] : memref<16384x56x128xf32, #tpu.memory_space<hbm>> -> memref<1x56x128xf32, #tpu.memory_space<hbm>>
    %dma_wait3A_1537 = tpu.memref_squeeze %dma_wait3A_1536 : memref<1x56x128xf32, #tpu.memory_space<hbm>> -> memref<56x128xf32, #tpu.memory_space<hbm>>
    %dma_wait3A_1538 = arith.constant 0 : i32
    %dma_wait3A_1539 = arith.constant 0 : i32
    %dma_wait3A_1540 = tpu.memref_slice %dma_wait3A_1537[%dma_wait3A_1538, %dma_wait3A_1539] : memref<56x128xf32, #tpu.memory_space<hbm>> -> memref<50x64xf32, #tpu.memory_space<hbm>>
    %dma_wait3A_1541 = tpu.memref_slice %arg8[%dma_wait3A_1524] : memref<2x!tpu.dma_semaphore, #tpu.memory_space<semaphore_mem>> -> memref<1x!tpu.dma_semaphore, #tpu.memory_space<semaphore_mem>>
    %dma_wait3A_1542 = tpu.memref_squeeze %dma_wait3A_1541 : memref<1x!tpu.dma_semaphore, #tpu.memory_space<semaphore_mem>> -> memref<!tpu.dma_semaphore, #tpu.memory_space<semaphore_mem>>
    %dma_wait3A_1543 = arith.constant 0 : i32
    %dma_wait3A_1544 = arith.constant 0 : i32
    %dma_wait3A_1545 = tpu.memref_slice %arg4[%add3A_1521, %dma_wait3A_1543, %dma_wait3A_1544] : memref<16384x56x128xf32, #tpu.memory_space<hbm>> -> memref<1x56x128xf32, #tpu.memory_space<hbm>>
    %dma_wait3A_1546 = tpu.memref_squeeze %dma_wait3A_1545 : memref<1x56x128xf32, #tpu.memory_space<hbm>> -> memref<56x128xf32, #tpu.memory_space<hbm>>
    %dma_wait3A_1547 = arith.constant 0 : i32
    %dma_wait3A_1548 = arith.constant 0 : i32
    %dma_wait3A_1549 = tpu.memref_slice %dma_wait3A_1546[%dma_wait3A_1547, %dma_wait3A_1548] : memref<56x128xf32, #tpu.memory_space<hbm>> -> memref<50x64xf32, #tpu.memory_space<hbm>>
    %dma_wait3A_1550 = arith.constant 0 : i32
    %dma_wait3A_1551 = arith.constant 0 : i32
    %dma_wait3A_1552 = arith.constant 0 : i32
    %dma_wait3A_1553 = tpu.memref_slice %arg6[%dma_wait3A_1522, %dma_wait3A_1550, %dma_wait3A_1551, %dma_wait3A_1552] : memref<2x8x50x64xf32, #tpu.memory_space<vmem>> -> memref<1x8x50x64xf32, #tpu.memory_space<vmem>>
    %dma_wait3A_1554 = tpu.memref_squeeze %dma_wait3A_1553 : memref<1x8x50x64xf32, #tpu.memory_space<vmem>> -> memref<8x50x64xf32, #tpu.memory_space<vmem>>
    %dma_wait3A_1555 = arith.constant 0 : i32
    %dma_wait3A_1556 = arith.constant 0 : i32
    %dma_wait3A_1557 = tpu.memref_slice %dma_wait3A_1554[%dma_wait3A_1523, %dma_wait3A_1555, %dma_wait3A_1556] : memref<8x50x64xf32, #tpu.memory_space<vmem>> -> memref<1x50x64xf32, #tpu.memory_space<vmem>>
    %dma_wait3A_1558 = tpu.memref_squeeze %dma_wait3A_1557 : memref<1x50x64xf32, #tpu.memory_space<vmem>> -> memref<50x64xf32, #tpu.memory_space<vmem>>
    tpu.wait_dma2 semaphore(%dma_wait3A_1542 : memref<!tpu.dma_semaphore, #tpu.memory_space<semaphore_mem>>) src(%dma_wait3A_1558 : memref<50x64xf32, #tpu.memory_space<vmem>>) dst(%dma_wait3A_1549 : memref<50x64xf32, #tpu.memory_space<hbm>>)
    %add3A_1559 = arith.constant 496 : i32
    %add3A_1560 = arith.addi %mul3A_2, %add3A_1559 : i32
    %add3A_1561 = arith.constant 7 : i32
    %add3A_1562 = arith.addi %add3A_1560, %add3A_1561 : i32
    %dma_wait3A_1563 = arith.constant 0 : i32
    %dma_wait3A_1564 = arith.constant 7 : i32
    %dma_wait3A_1565 = arith.constant 0 : i32
    %dma_wait3A_1566 = arith.constant 0 : i32
    %dma_wait3A_1567 = arith.constant 0 : i32
    %dma_wait3A_1568 = arith.constant 0 : i32
    %dma_wait3A_1569 = tpu.memref_slice %arg6[%dma_wait3A_1563, %dma_wait3A_1566, %dma_wait3A_1567, %dma_wait3A_1568] : memref<2x8x50x64xf32, #tpu.memory_space<vmem>> -> memref<1x8x50x64xf32, #tpu.memory_space<vmem>>
    %dma_wait3A_1570 = tpu.memref_squeeze %dma_wait3A_1569 : memref<1x8x50x64xf32, #tpu.memory_space<vmem>> -> memref<8x50x64xf32, #tpu.memory_space<vmem>>
    %dma_wait3A_1571 = arith.constant 0 : i32
    %dma_wait3A_1572 = arith.constant 0 : i32
    %dma_wait3A_1573 = tpu.memref_slice %dma_wait3A_1570[%dma_wait3A_1564, %dma_wait3A_1571, %dma_wait3A_1572] : memref<8x50x64xf32, #tpu.memory_space<vmem>> -> memref<1x50x64xf32, #tpu.memory_space<vmem>>
    %dma_wait3A_1574 = tpu.memref_squeeze %dma_wait3A_1573 : memref<1x50x64xf32, #tpu.memory_space<vmem>> -> memref<50x64xf32, #tpu.memory_space<vmem>>
    %dma_wait3A_1575 = arith.constant 0 : i32
    %dma_wait3A_1576 = arith.constant 0 : i32
    %dma_wait3A_1577 = tpu.memref_slice %arg4[%add3A_1562, %dma_wait3A_1575, %dma_wait3A_1576] : memref<16384x56x128xf32, #tpu.memory_space<hbm>> -> memref<1x56x128xf32, #tpu.memory_space<hbm>>
    %dma_wait3A_1578 = tpu.memref_squeeze %dma_wait3A_1577 : memref<1x56x128xf32, #tpu.memory_space<hbm>> -> memref<56x128xf32, #tpu.memory_space<hbm>>
    %dma_wait3A_1579 = arith.constant 0 : i32
    %dma_wait3A_1580 = arith.constant 0 : i32
    %dma_wait3A_1581 = tpu.memref_slice %dma_wait3A_1578[%dma_wait3A_1579, %dma_wait3A_1580] : memref<56x128xf32, #tpu.memory_space<hbm>> -> memref<50x64xf32, #tpu.memory_space<hbm>>
    %dma_wait3A_1582 = tpu.memref_slice %arg8[%dma_wait3A_1565] : memref<2x!tpu.dma_semaphore, #tpu.memory_space<semaphore_mem>> -> memref<1x!tpu.dma_semaphore, #tpu.memory_space<semaphore_mem>>
    %dma_wait3A_1583 = tpu.memref_squeeze %dma_wait3A_1582 : memref<1x!tpu.dma_semaphore, #tpu.memory_space<semaphore_mem>> -> memref<!tpu.dma_semaphore, #tpu.memory_space<semaphore_mem>>
    %dma_wait3A_1584 = arith.constant 0 : i32
    %dma_wait3A_1585 = arith.constant 0 : i32
    %dma_wait3A_1586 = tpu.memref_slice %arg4[%add3A_1562, %dma_wait3A_1584, %dma_wait3A_1585] : memref<16384x56x128xf32, #tpu.memory_space<hbm>> -> memref<1x56x128xf32, #tpu.memory_space<hbm>>
    %dma_wait3A_1587 = tpu.memref_squeeze %dma_wait3A_1586 : memref<1x56x128xf32, #tpu.memory_space<hbm>> -> memref<56x128xf32, #tpu.memory_space<hbm>>
    %dma_wait3A_1588 = arith.constant 0 : i32
    %dma_wait3A_1589 = arith.constant 0 : i32
    %dma_wait3A_1590 = tpu.memref_slice %dma_wait3A_1587[%dma_wait3A_1588, %dma_wait3A_1589] : memref<56x128xf32, #tpu.memory_space<hbm>> -> memref<50x64xf32, #tpu.memory_space<hbm>>
    %dma_wait3A_1591 = arith.constant 0 : i32
    %dma_wait3A_1592 = arith.constant 0 : i32
    %dma_wait3A_1593 = arith.constant 0 : i32
    %dma_wait3A_1594 = tpu.memref_slice %arg6[%dma_wait3A_1563, %dma_wait3A_1591, %dma_wait3A_1592, %dma_wait3A_1593] : memref<2x8x50x64xf32, #tpu.memory_space<vmem>> -> memref<1x8x50x64xf32, #tpu.memory_space<vmem>>
    %dma_wait3A_1595 = tpu.memref_squeeze %dma_wait3A_1594 : memref<1x8x50x64xf32, #tpu.memory_space<vmem>> -> memref<8x50x64xf32, #tpu.memory_space<vmem>>
    %dma_wait3A_1596 = arith.constant 0 : i32
    %dma_wait3A_1597 = arith.constant 0 : i32
    %dma_wait3A_1598 = tpu.memref_slice %dma_wait3A_1595[%dma_wait3A_1564, %dma_wait3A_1596, %dma_wait3A_1597] : memref<8x50x64xf32, #tpu.memory_space<vmem>> -> memref<1x50x64xf32, #tpu.memory_space<vmem>>
    %dma_wait3A_1599 = tpu.memref_squeeze %dma_wait3A_1598 : memref<1x50x64xf32, #tpu.memory_space<vmem>> -> memref<50x64xf32, #tpu.memory_space<vmem>>
    tpu.wait_dma2 semaphore(%dma_wait3A_1583 : memref<!tpu.dma_semaphore, #tpu.memory_space<semaphore_mem>>) src(%dma_wait3A_1599 : memref<50x64xf32, #tpu.memory_space<vmem>>) dst(%dma_wait3A_1590 : memref<50x64xf32, #tpu.memory_space<hbm>>)
    %add3A_1600 = arith.constant 504 : i32
    %add3A_1601 = arith.addi %mul3A_2, %add3A_1600 : i32
    %add3A_1602 = arith.constant 0 : i32
    %add3A_1603 = arith.addi %add3A_1601, %add3A_1602 : i32
    %dma_wait3A_1604 = arith.constant 1 : i32
    %dma_wait3A_1605 = arith.constant 0 : i32
    %dma_wait3A_1606 = arith.constant 1 : i32
    %dma_wait3A_1607 = arith.constant 0 : i32
    %dma_wait3A_1608 = arith.constant 0 : i32
    %dma_wait3A_1609 = arith.constant 0 : i32
    %dma_wait3A_1610 = tpu.memref_slice %arg6[%dma_wait3A_1604, %dma_wait3A_1607, %dma_wait3A_1608, %dma_wait3A_1609] : memref<2x8x50x64xf32, #tpu.memory_space<vmem>> -> memref<1x8x50x64xf32, #tpu.memory_space<vmem>>
    %dma_wait3A_1611 = tpu.memref_squeeze %dma_wait3A_1610 : memref<1x8x50x64xf32, #tpu.memory_space<vmem>> -> memref<8x50x64xf32, #tpu.memory_space<vmem>>
    %dma_wait3A_1612 = arith.constant 0 : i32
    %dma_wait3A_1613 = arith.constant 0 : i32
    %dma_wait3A_1614 = tpu.memref_slice %dma_wait3A_1611[%dma_wait3A_1605, %dma_wait3A_1612, %dma_wait3A_1613] : memref<8x50x64xf32, #tpu.memory_space<vmem>> -> memref<1x50x64xf32, #tpu.memory_space<vmem>>
    %dma_wait3A_1615 = tpu.memref_squeeze %dma_wait3A_1614 : memref<1x50x64xf32, #tpu.memory_space<vmem>> -> memref<50x64xf32, #tpu.memory_space<vmem>>
    %dma_wait3A_1616 = arith.constant 0 : i32
    %dma_wait3A_1617 = arith.constant 0 : i32
    %dma_wait3A_1618 = tpu.memref_slice %arg4[%add3A_1603, %dma_wait3A_1616, %dma_wait3A_1617] : memref<16384x56x128xf32, #tpu.memory_space<hbm>> -> memref<1x56x128xf32, #tpu.memory_space<hbm>>
    %dma_wait3A_1619 = tpu.memref_squeeze %dma_wait3A_1618 : memref<1x56x128xf32, #tpu.memory_space<hbm>> -> memref<56x128xf32, #tpu.memory_space<hbm>>
    %dma_wait3A_1620 = arith.constant 0 : i32
    %dma_wait3A_1621 = arith.constant 0 : i32
    %dma_wait3A_1622 = tpu.memref_slice %dma_wait3A_1619[%dma_wait3A_1620, %dma_wait3A_1621] : memref<56x128xf32, #tpu.memory_space<hbm>> -> memref<50x64xf32, #tpu.memory_space<hbm>>
    %dma_wait3A_1623 = tpu.memref_slice %arg8[%dma_wait3A_1606] : memref<2x!tpu.dma_semaphore, #tpu.memory_space<semaphore_mem>> -> memref<1x!tpu.dma_semaphore, #tpu.memory_space<semaphore_mem>>
    %dma_wait3A_1624 = tpu.memref_squeeze %dma_wait3A_1623 : memref<1x!tpu.dma_semaphore, #tpu.memory_space<semaphore_mem>> -> memref<!tpu.dma_semaphore, #tpu.memory_space<semaphore_mem>>
    %dma_wait3A_1625 = arith.constant 0 : i32
    %dma_wait3A_1626 = arith.constant 0 : i32
    %dma_wait3A_1627 = tpu.memref_slice %arg4[%add3A_1603, %dma_wait3A_1625, %dma_wait3A_1626] : memref<16384x56x128xf32, #tpu.memory_space<hbm>> -> memref<1x56x128xf32, #tpu.memory_space<hbm>>
    %dma_wait3A_1628 = tpu.memref_squeeze %dma_wait3A_1627 : memref<1x56x128xf32, #tpu.memory_space<hbm>> -> memref<56x128xf32, #tpu.memory_space<hbm>>
    %dma_wait3A_1629 = arith.constant 0 : i32
    %dma_wait3A_1630 = arith.constant 0 : i32
    %dma_wait3A_1631 = tpu.memref_slice %dma_wait3A_1628[%dma_wait3A_1629, %dma_wait3A_1630] : memref<56x128xf32, #tpu.memory_space<hbm>> -> memref<50x64xf32, #tpu.memory_space<hbm>>
    %dma_wait3A_1632 = arith.constant 0 : i32
    %dma_wait3A_1633 = arith.constant 0 : i32
    %dma_wait3A_1634 = arith.constant 0 : i32
    %dma_wait3A_1635 = tpu.memref_slice %arg6[%dma_wait3A_1604, %dma_wait3A_1632, %dma_wait3A_1633, %dma_wait3A_1634] : memref<2x8x50x64xf32, #tpu.memory_space<vmem>> -> memref<1x8x50x64xf32, #tpu.memory_space<vmem>>
    %dma_wait3A_1636 = tpu.memref_squeeze %dma_wait3A_1635 : memref<1x8x50x64xf32, #tpu.memory_space<vmem>> -> memref<8x50x64xf32, #tpu.memory_space<vmem>>
    %dma_wait3A_1637 = arith.constant 0 : i32
    %dma_wait3A_1638 = arith.constant 0 : i32
    %dma_wait3A_1639 = tpu.memref_slice %dma_wait3A_1636[%dma_wait3A_1605, %dma_wait3A_1637, %dma_wait3A_1638] : memref<8x50x64xf32, #tpu.memory_space<vmem>> -> memref<1x50x64xf32, #tpu.memory_space<vmem>>
    %dma_wait3A_1640 = tpu.memref_squeeze %dma_wait3A_1639 : memref<1x50x64xf32, #tpu.memory_space<vmem>> -> memref<50x64xf32, #tpu.memory_space<vmem>>
    tpu.wait_dma2 semaphore(%dma_wait3A_1624 : memref<!tpu.dma_semaphore, #tpu.memory_space<semaphore_mem>>) src(%dma_wait3A_1640 : memref<50x64xf32, #tpu.memory_space<vmem>>) dst(%dma_wait3A_1631 : memref<50x64xf32, #tpu.memory_space<hbm>>)
    %add3A_1641 = arith.constant 504 : i32
    %add3A_1642 = arith.addi %mul3A_2, %add3A_1641 : i32
    %add3A_1643 = arith.constant 1 : i32
    %add3A_1644 = arith.addi %add3A_1642, %add3A_1643 : i32
    %dma_wait3A_1645 = arith.constant 1 : i32
    %dma_wait3A_1646 = arith.constant 1 : i32
    %dma_wait3A_1647 = arith.constant 1 : i32
    %dma_wait3A_1648 = arith.constant 0 : i32
    %dma_wait3A_1649 = arith.constant 0 : i32
    %dma_wait3A_1650 = arith.constant 0 : i32
    %dma_wait3A_1651 = tpu.memref_slice %arg6[%dma_wait3A_1645, %dma_wait3A_1648, %dma_wait3A_1649, %dma_wait3A_1650] : memref<2x8x50x64xf32, #tpu.memory_space<vmem>> -> memref<1x8x50x64xf32, #tpu.memory_space<vmem>>
    %dma_wait3A_1652 = tpu.memref_squeeze %dma_wait3A_1651 : memref<1x8x50x64xf32, #tpu.memory_space<vmem>> -> memref<8x50x64xf32, #tpu.memory_space<vmem>>
    %dma_wait3A_1653 = arith.constant 0 : i32
    %dma_wait3A_1654 = arith.constant 0 : i32
    %dma_wait3A_1655 = tpu.memref_slice %dma_wait3A_1652[%dma_wait3A_1646, %dma_wait3A_1653, %dma_wait3A_1654] : memref<8x50x64xf32, #tpu.memory_space<vmem>> -> memref<1x50x64xf32, #tpu.memory_space<vmem>>
    %dma_wait3A_1656 = tpu.memref_squeeze %dma_wait3A_1655 : memref<1x50x64xf32, #tpu.memory_space<vmem>> -> memref<50x64xf32, #tpu.memory_space<vmem>>
    %dma_wait3A_1657 = arith.constant 0 : i32
    %dma_wait3A_1658 = arith.constant 0 : i32
    %dma_wait3A_1659 = tpu.memref_slice %arg4[%add3A_1644, %dma_wait3A_1657, %dma_wait3A_1658] : memref<16384x56x128xf32, #tpu.memory_space<hbm>> -> memref<1x56x128xf32, #tpu.memory_space<hbm>>
    %dma_wait3A_1660 = tpu.memref_squeeze %dma_wait3A_1659 : memref<1x56x128xf32, #tpu.memory_space<hbm>> -> memref<56x128xf32, #tpu.memory_space<hbm>>
    %dma_wait3A_1661 = arith.constant 0 : i32
    %dma_wait3A_1662 = arith.constant 0 : i32
    %dma_wait3A_1663 = tpu.memref_slice %dma_wait3A_1660[%dma_wait3A_1661, %dma_wait3A_1662] : memref<56x128xf32, #tpu.memory_space<hbm>> -> memref<50x64xf32, #tpu.memory_space<hbm>>
    %dma_wait3A_1664 = tpu.memref_slice %arg8[%dma_wait3A_1647] : memref<2x!tpu.dma_semaphore, #tpu.memory_space<semaphore_mem>> -> memref<1x!tpu.dma_semaphore, #tpu.memory_space<semaphore_mem>>
    %dma_wait3A_1665 = tpu.memref_squeeze %dma_wait3A_1664 : memref<1x!tpu.dma_semaphore, #tpu.memory_space<semaphore_mem>> -> memref<!tpu.dma_semaphore, #tpu.memory_space<semaphore_mem>>
    %dma_wait3A_1666 = arith.constant 0 : i32
    %dma_wait3A_1667 = arith.constant 0 : i32
    %dma_wait3A_1668 = tpu.memref_slice %arg4[%add3A_1644, %dma_wait3A_1666, %dma_wait3A_1667] : memref<16384x56x128xf32, #tpu.memory_space<hbm>> -> memref<1x56x128xf32, #tpu.memory_space<hbm>>
    %dma_wait3A_1669 = tpu.memref_squeeze %dma_wait3A_1668 : memref<1x56x128xf32, #tpu.memory_space<hbm>> -> memref<56x128xf32, #tpu.memory_space<hbm>>
    %dma_wait3A_1670 = arith.constant 0 : i32
    %dma_wait3A_1671 = arith.constant 0 : i32
    %dma_wait3A_1672 = tpu.memref_slice %dma_wait3A_1669[%dma_wait3A_1670, %dma_wait3A_1671] : memref<56x128xf32, #tpu.memory_space<hbm>> -> memref<50x64xf32, #tpu.memory_space<hbm>>
    %dma_wait3A_1673 = arith.constant 0 : i32
    %dma_wait3A_1674 = arith.constant 0 : i32
    %dma_wait3A_1675 = arith.constant 0 : i32
    %dma_wait3A_1676 = tpu.memref_slice %arg6[%dma_wait3A_1645, %dma_wait3A_1673, %dma_wait3A_1674, %dma_wait3A_1675] : memref<2x8x50x64xf32, #tpu.memory_space<vmem>> -> memref<1x8x50x64xf32, #tpu.memory_space<vmem>>
    %dma_wait3A_1677 = tpu.memref_squeeze %dma_wait3A_1676 : memref<1x8x50x64xf32, #tpu.memory_space<vmem>> -> memref<8x50x64xf32, #tpu.memory_space<vmem>>
    %dma_wait3A_1678 = arith.constant 0 : i32
    %dma_wait3A_1679 = arith.constant 0 : i32
    %dma_wait3A_1680 = tpu.memref_slice %dma_wait3A_1677[%dma_wait3A_1646, %dma_wait3A_1678, %dma_wait3A_1679] : memref<8x50x64xf32, #tpu.memory_space<vmem>> -> memref<1x50x64xf32, #tpu.memory_space<vmem>>
    %dma_wait3A_1681 = tpu.memref_squeeze %dma_wait3A_1680 : memref<1x50x64xf32, #tpu.memory_space<vmem>> -> memref<50x64xf32, #tpu.memory_space<vmem>>
    tpu.wait_dma2 semaphore(%dma_wait3A_1665 : memref<!tpu.dma_semaphore, #tpu.memory_space<semaphore_mem>>) src(%dma_wait3A_1681 : memref<50x64xf32, #tpu.memory_space<vmem>>) dst(%dma_wait3A_1672 : memref<50x64xf32, #tpu.memory_space<hbm>>)
    %add3A_1682 = arith.constant 504 : i32
    %add3A_1683 = arith.addi %mul3A_2, %add3A_1682 : i32
    %add3A_1684 = arith.constant 2 : i32
    %add3A_1685 = arith.addi %add3A_1683, %add3A_1684 : i32
    %dma_wait3A_1686 = arith.constant 1 : i32
    %dma_wait3A_1687 = arith.constant 2 : i32
    %dma_wait3A_1688 = arith.constant 1 : i32
    %dma_wait3A_1689 = arith.constant 0 : i32
    %dma_wait3A_1690 = arith.constant 0 : i32
    %dma_wait3A_1691 = arith.constant 0 : i32
    %dma_wait3A_1692 = tpu.memref_slice %arg6[%dma_wait3A_1686, %dma_wait3A_1689, %dma_wait3A_1690, %dma_wait3A_1691] : memref<2x8x50x64xf32, #tpu.memory_space<vmem>> -> memref<1x8x50x64xf32, #tpu.memory_space<vmem>>
    %dma_wait3A_1693 = tpu.memref_squeeze %dma_wait3A_1692 : memref<1x8x50x64xf32, #tpu.memory_space<vmem>> -> memref<8x50x64xf32, #tpu.memory_space<vmem>>
    %dma_wait3A_1694 = arith.constant 0 : i32
    %dma_wait3A_1695 = arith.constant 0 : i32
    %dma_wait3A_1696 = tpu.memref_slice %dma_wait3A_1693[%dma_wait3A_1687, %dma_wait3A_1694, %dma_wait3A_1695] : memref<8x50x64xf32, #tpu.memory_space<vmem>> -> memref<1x50x64xf32, #tpu.memory_space<vmem>>
    %dma_wait3A_1697 = tpu.memref_squeeze %dma_wait3A_1696 : memref<1x50x64xf32, #tpu.memory_space<vmem>> -> memref<50x64xf32, #tpu.memory_space<vmem>>
    %dma_wait3A_1698 = arith.constant 0 : i32
    %dma_wait3A_1699 = arith.constant 0 : i32
    %dma_wait3A_1700 = tpu.memref_slice %arg4[%add3A_1685, %dma_wait3A_1698, %dma_wait3A_1699] : memref<16384x56x128xf32, #tpu.memory_space<hbm>> -> memref<1x56x128xf32, #tpu.memory_space<hbm>>
    %dma_wait3A_1701 = tpu.memref_squeeze %dma_wait3A_1700 : memref<1x56x128xf32, #tpu.memory_space<hbm>> -> memref<56x128xf32, #tpu.memory_space<hbm>>
    %dma_wait3A_1702 = arith.constant 0 : i32
    %dma_wait3A_1703 = arith.constant 0 : i32
    %dma_wait3A_1704 = tpu.memref_slice %dma_wait3A_1701[%dma_wait3A_1702, %dma_wait3A_1703] : memref<56x128xf32, #tpu.memory_space<hbm>> -> memref<50x64xf32, #tpu.memory_space<hbm>>
    %dma_wait3A_1705 = tpu.memref_slice %arg8[%dma_wait3A_1688] : memref<2x!tpu.dma_semaphore, #tpu.memory_space<semaphore_mem>> -> memref<1x!tpu.dma_semaphore, #tpu.memory_space<semaphore_mem>>
    %dma_wait3A_1706 = tpu.memref_squeeze %dma_wait3A_1705 : memref<1x!tpu.dma_semaphore, #tpu.memory_space<semaphore_mem>> -> memref<!tpu.dma_semaphore, #tpu.memory_space<semaphore_mem>>
    %dma_wait3A_1707 = arith.constant 0 : i32
    %dma_wait3A_1708 = arith.constant 0 : i32
    %dma_wait3A_1709 = tpu.memref_slice %arg4[%add3A_1685, %dma_wait3A_1707, %dma_wait3A_1708] : memref<16384x56x128xf32, #tpu.memory_space<hbm>> -> memref<1x56x128xf32, #tpu.memory_space<hbm>>
    %dma_wait3A_1710 = tpu.memref_squeeze %dma_wait3A_1709 : memref<1x56x128xf32, #tpu.memory_space<hbm>> -> memref<56x128xf32, #tpu.memory_space<hbm>>
    %dma_wait3A_1711 = arith.constant 0 : i32
    %dma_wait3A_1712 = arith.constant 0 : i32
    %dma_wait3A_1713 = tpu.memref_slice %dma_wait3A_1710[%dma_wait3A_1711, %dma_wait3A_1712] : memref<56x128xf32, #tpu.memory_space<hbm>> -> memref<50x64xf32, #tpu.memory_space<hbm>>
    %dma_wait3A_1714 = arith.constant 0 : i32
    %dma_wait3A_1715 = arith.constant 0 : i32
    %dma_wait3A_1716 = arith.constant 0 : i32
    %dma_wait3A_1717 = tpu.memref_slice %arg6[%dma_wait3A_1686, %dma_wait3A_1714, %dma_wait3A_1715, %dma_wait3A_1716] : memref<2x8x50x64xf32, #tpu.memory_space<vmem>> -> memref<1x8x50x64xf32, #tpu.memory_space<vmem>>
    %dma_wait3A_1718 = tpu.memref_squeeze %dma_wait3A_1717 : memref<1x8x50x64xf32, #tpu.memory_space<vmem>> -> memref<8x50x64xf32, #tpu.memory_space<vmem>>
    %dma_wait3A_1719 = arith.constant 0 : i32
    %dma_wait3A_1720 = arith.constant 0 : i32
    %dma_wait3A_1721 = tpu.memref_slice %dma_wait3A_1718[%dma_wait3A_1687, %dma_wait3A_1719, %dma_wait3A_1720] : memref<8x50x64xf32, #tpu.memory_space<vmem>> -> memref<1x50x64xf32, #tpu.memory_space<vmem>>
    %dma_wait3A_1722 = tpu.memref_squeeze %dma_wait3A_1721 : memref<1x50x64xf32, #tpu.memory_space<vmem>> -> memref<50x64xf32, #tpu.memory_space<vmem>>
    tpu.wait_dma2 semaphore(%dma_wait3A_1706 : memref<!tpu.dma_semaphore, #tpu.memory_space<semaphore_mem>>) src(%dma_wait3A_1722 : memref<50x64xf32, #tpu.memory_space<vmem>>) dst(%dma_wait3A_1713 : memref<50x64xf32, #tpu.memory_space<hbm>>)
    %add3A_1723 = arith.constant 504 : i32
    %add3A_1724 = arith.addi %mul3A_2, %add3A_1723 : i32
    %add3A_1725 = arith.constant 3 : i32
    %add3A_1726 = arith.addi %add3A_1724, %add3A_1725 : i32
    %dma_wait3A_1727 = arith.constant 1 : i32
    %dma_wait3A_1728 = arith.constant 3 : i32
    %dma_wait3A_1729 = arith.constant 1 : i32
    %dma_wait3A_1730 = arith.constant 0 : i32
    %dma_wait3A_1731 = arith.constant 0 : i32
    %dma_wait3A_1732 = arith.constant 0 : i32
    %dma_wait3A_1733 = tpu.memref_slice %arg6[%dma_wait3A_1727, %dma_wait3A_1730, %dma_wait3A_1731, %dma_wait3A_1732] : memref<2x8x50x64xf32, #tpu.memory_space<vmem>> -> memref<1x8x50x64xf32, #tpu.memory_space<vmem>>
    %dma_wait3A_1734 = tpu.memref_squeeze %dma_wait3A_1733 : memref<1x8x50x64xf32, #tpu.memory_space<vmem>> -> memref<8x50x64xf32, #tpu.memory_space<vmem>>
    %dma_wait3A_1735 = arith.constant 0 : i32
    %dma_wait3A_1736 = arith.constant 0 : i32
    %dma_wait3A_1737 = tpu.memref_slice %dma_wait3A_1734[%dma_wait3A_1728, %dma_wait3A_1735, %dma_wait3A_1736] : memref<8x50x64xf32, #tpu.memory_space<vmem>> -> memref<1x50x64xf32, #tpu.memory_space<vmem>>
    %dma_wait3A_1738 = tpu.memref_squeeze %dma_wait3A_1737 : memref<1x50x64xf32, #tpu.memory_space<vmem>> -> memref<50x64xf32, #tpu.memory_space<vmem>>
    %dma_wait3A_1739 = arith.constant 0 : i32
    %dma_wait3A_1740 = arith.constant 0 : i32
    %dma_wait3A_1741 = tpu.memref_slice %arg4[%add3A_1726, %dma_wait3A_1739, %dma_wait3A_1740] : memref<16384x56x128xf32, #tpu.memory_space<hbm>> -> memref<1x56x128xf32, #tpu.memory_space<hbm>>
    %dma_wait3A_1742 = tpu.memref_squeeze %dma_wait3A_1741 : memref<1x56x128xf32, #tpu.memory_space<hbm>> -> memref<56x128xf32, #tpu.memory_space<hbm>>
    %dma_wait3A_1743 = arith.constant 0 : i32
    %dma_wait3A_1744 = arith.constant 0 : i32
    %dma_wait3A_1745 = tpu.memref_slice %dma_wait3A_1742[%dma_wait3A_1743, %dma_wait3A_1744] : memref<56x128xf32, #tpu.memory_space<hbm>> -> memref<50x64xf32, #tpu.memory_space<hbm>>
    %dma_wait3A_1746 = tpu.memref_slice %arg8[%dma_wait3A_1729] : memref<2x!tpu.dma_semaphore, #tpu.memory_space<semaphore_mem>> -> memref<1x!tpu.dma_semaphore, #tpu.memory_space<semaphore_mem>>
    %dma_wait3A_1747 = tpu.memref_squeeze %dma_wait3A_1746 : memref<1x!tpu.dma_semaphore, #tpu.memory_space<semaphore_mem>> -> memref<!tpu.dma_semaphore, #tpu.memory_space<semaphore_mem>>
    %dma_wait3A_1748 = arith.constant 0 : i32
    %dma_wait3A_1749 = arith.constant 0 : i32
    %dma_wait3A_1750 = tpu.memref_slice %arg4[%add3A_1726, %dma_wait3A_1748, %dma_wait3A_1749] : memref<16384x56x128xf32, #tpu.memory_space<hbm>> -> memref<1x56x128xf32, #tpu.memory_space<hbm>>
    %dma_wait3A_1751 = tpu.memref_squeeze %dma_wait3A_1750 : memref<1x56x128xf32, #tpu.memory_space<hbm>> -> memref<56x128xf32, #tpu.memory_space<hbm>>
    %dma_wait3A_1752 = arith.constant 0 : i32
    %dma_wait3A_1753 = arith.constant 0 : i32
    %dma_wait3A_1754 = tpu.memref_slice %dma_wait3A_1751[%dma_wait3A_1752, %dma_wait3A_1753] : memref<56x128xf32, #tpu.memory_space<hbm>> -> memref<50x64xf32, #tpu.memory_space<hbm>>
    %dma_wait3A_1755 = arith.constant 0 : i32
    %dma_wait3A_1756 = arith.constant 0 : i32
    %dma_wait3A_1757 = arith.constant 0 : i32
    %dma_wait3A_1758 = tpu.memref_slice %arg6[%dma_wait3A_1727, %dma_wait3A_1755, %dma_wait3A_1756, %dma_wait3A_1757] : memref<2x8x50x64xf32, #tpu.memory_space<vmem>> -> memref<1x8x50x64xf32, #tpu.memory_space<vmem>>
    %dma_wait3A_1759 = tpu.memref_squeeze %dma_wait3A_1758 : memref<1x8x50x64xf32, #tpu.memory_space<vmem>> -> memref<8x50x64xf32, #tpu.memory_space<vmem>>
    %dma_wait3A_1760 = arith.constant 0 : i32
    %dma_wait3A_1761 = arith.constant 0 : i32
    %dma_wait3A_1762 = tpu.memref_slice %dma_wait3A_1759[%dma_wait3A_1728, %dma_wait3A_1760, %dma_wait3A_1761] : memref<8x50x64xf32, #tpu.memory_space<vmem>> -> memref<1x50x64xf32, #tpu.memory_space<vmem>>
    %dma_wait3A_1763 = tpu.memref_squeeze %dma_wait3A_1762 : memref<1x50x64xf32, #tpu.memory_space<vmem>> -> memref<50x64xf32, #tpu.memory_space<vmem>>
    tpu.wait_dma2 semaphore(%dma_wait3A_1747 : memref<!tpu.dma_semaphore, #tpu.memory_space<semaphore_mem>>) src(%dma_wait3A_1763 : memref<50x64xf32, #tpu.memory_space<vmem>>) dst(%dma_wait3A_1754 : memref<50x64xf32, #tpu.memory_space<hbm>>)
    %add3A_1764 = arith.constant 504 : i32
    %add3A_1765 = arith.addi %mul3A_2, %add3A_1764 : i32
    %add3A_1766 = arith.constant 4 : i32
    %add3A_1767 = arith.addi %add3A_1765, %add3A_1766 : i32
    %dma_wait3A_1768 = arith.constant 1 : i32
    %dma_wait3A_1769 = arith.constant 4 : i32
    %dma_wait3A_1770 = arith.constant 1 : i32
    %dma_wait3A_1771 = arith.constant 0 : i32
    %dma_wait3A_1772 = arith.constant 0 : i32
    %dma_wait3A_1773 = arith.constant 0 : i32
    %dma_wait3A_1774 = tpu.memref_slice %arg6[%dma_wait3A_1768, %dma_wait3A_1771, %dma_wait3A_1772, %dma_wait3A_1773] : memref<2x8x50x64xf32, #tpu.memory_space<vmem>> -> memref<1x8x50x64xf32, #tpu.memory_space<vmem>>
    %dma_wait3A_1775 = tpu.memref_squeeze %dma_wait3A_1774 : memref<1x8x50x64xf32, #tpu.memory_space<vmem>> -> memref<8x50x64xf32, #tpu.memory_space<vmem>>
    %dma_wait3A_1776 = arith.constant 0 : i32
    %dma_wait3A_1777 = arith.constant 0 : i32
    %dma_wait3A_1778 = tpu.memref_slice %dma_wait3A_1775[%dma_wait3A_1769, %dma_wait3A_1776, %dma_wait3A_1777] : memref<8x50x64xf32, #tpu.memory_space<vmem>> -> memref<1x50x64xf32, #tpu.memory_space<vmem>>
    %dma_wait3A_1779 = tpu.memref_squeeze %dma_wait3A_1778 : memref<1x50x64xf32, #tpu.memory_space<vmem>> -> memref<50x64xf32, #tpu.memory_space<vmem>>
    %dma_wait3A_1780 = arith.constant 0 : i32
    %dma_wait3A_1781 = arith.constant 0 : i32
    %dma_wait3A_1782 = tpu.memref_slice %arg4[%add3A_1767, %dma_wait3A_1780, %dma_wait3A_1781] : memref<16384x56x128xf32, #tpu.memory_space<hbm>> -> memref<1x56x128xf32, #tpu.memory_space<hbm>>
    %dma_wait3A_1783 = tpu.memref_squeeze %dma_wait3A_1782 : memref<1x56x128xf32, #tpu.memory_space<hbm>> -> memref<56x128xf32, #tpu.memory_space<hbm>>
    %dma_wait3A_1784 = arith.constant 0 : i32
    %dma_wait3A_1785 = arith.constant 0 : i32
    %dma_wait3A_1786 = tpu.memref_slice %dma_wait3A_1783[%dma_wait3A_1784, %dma_wait3A_1785] : memref<56x128xf32, #tpu.memory_space<hbm>> -> memref<50x64xf32, #tpu.memory_space<hbm>>
    %dma_wait3A_1787 = tpu.memref_slice %arg8[%dma_wait3A_1770] : memref<2x!tpu.dma_semaphore, #tpu.memory_space<semaphore_mem>> -> memref<1x!tpu.dma_semaphore, #tpu.memory_space<semaphore_mem>>
    %dma_wait3A_1788 = tpu.memref_squeeze %dma_wait3A_1787 : memref<1x!tpu.dma_semaphore, #tpu.memory_space<semaphore_mem>> -> memref<!tpu.dma_semaphore, #tpu.memory_space<semaphore_mem>>
    %dma_wait3A_1789 = arith.constant 0 : i32
    %dma_wait3A_1790 = arith.constant 0 : i32
    %dma_wait3A_1791 = tpu.memref_slice %arg4[%add3A_1767, %dma_wait3A_1789, %dma_wait3A_1790] : memref<16384x56x128xf32, #tpu.memory_space<hbm>> -> memref<1x56x128xf32, #tpu.memory_space<hbm>>
    %dma_wait3A_1792 = tpu.memref_squeeze %dma_wait3A_1791 : memref<1x56x128xf32, #tpu.memory_space<hbm>> -> memref<56x128xf32, #tpu.memory_space<hbm>>
    %dma_wait3A_1793 = arith.constant 0 : i32
    %dma_wait3A_1794 = arith.constant 0 : i32
    %dma_wait3A_1795 = tpu.memref_slice %dma_wait3A_1792[%dma_wait3A_1793, %dma_wait3A_1794] : memref<56x128xf32, #tpu.memory_space<hbm>> -> memref<50x64xf32, #tpu.memory_space<hbm>>
    %dma_wait3A_1796 = arith.constant 0 : i32
    %dma_wait3A_1797 = arith.constant 0 : i32
    %dma_wait3A_1798 = arith.constant 0 : i32
    %dma_wait3A_1799 = tpu.memref_slice %arg6[%dma_wait3A_1768, %dma_wait3A_1796, %dma_wait3A_1797, %dma_wait3A_1798] : memref<2x8x50x64xf32, #tpu.memory_space<vmem>> -> memref<1x8x50x64xf32, #tpu.memory_space<vmem>>
    %dma_wait3A_1800 = tpu.memref_squeeze %dma_wait3A_1799 : memref<1x8x50x64xf32, #tpu.memory_space<vmem>> -> memref<8x50x64xf32, #tpu.memory_space<vmem>>
    %dma_wait3A_1801 = arith.constant 0 : i32
    %dma_wait3A_1802 = arith.constant 0 : i32
    %dma_wait3A_1803 = tpu.memref_slice %dma_wait3A_1800[%dma_wait3A_1769, %dma_wait3A_1801, %dma_wait3A_1802] : memref<8x50x64xf32, #tpu.memory_space<vmem>> -> memref<1x50x64xf32, #tpu.memory_space<vmem>>
    %dma_wait3A_1804 = tpu.memref_squeeze %dma_wait3A_1803 : memref<1x50x64xf32, #tpu.memory_space<vmem>> -> memref<50x64xf32, #tpu.memory_space<vmem>>
    tpu.wait_dma2 semaphore(%dma_wait3A_1788 : memref<!tpu.dma_semaphore, #tpu.memory_space<semaphore_mem>>) src(%dma_wait3A_1804 : memref<50x64xf32, #tpu.memory_space<vmem>>) dst(%dma_wait3A_1795 : memref<50x64xf32, #tpu.memory_space<hbm>>)
    %add3A_1805 = arith.constant 504 : i32
    %add3A_1806 = arith.addi %mul3A_2, %add3A_1805 : i32
    %add3A_1807 = arith.constant 5 : i32
    %add3A_1808 = arith.addi %add3A_1806, %add3A_1807 : i32
    %dma_wait3A_1809 = arith.constant 1 : i32
    %dma_wait3A_1810 = arith.constant 5 : i32
    %dma_wait3A_1811 = arith.constant 1 : i32
    %dma_wait3A_1812 = arith.constant 0 : i32
    %dma_wait3A_1813 = arith.constant 0 : i32
    %dma_wait3A_1814 = arith.constant 0 : i32
    %dma_wait3A_1815 = tpu.memref_slice %arg6[%dma_wait3A_1809, %dma_wait3A_1812, %dma_wait3A_1813, %dma_wait3A_1814] : memref<2x8x50x64xf32, #tpu.memory_space<vmem>> -> memref<1x8x50x64xf32, #tpu.memory_space<vmem>>
    %dma_wait3A_1816 = tpu.memref_squeeze %dma_wait3A_1815 : memref<1x8x50x64xf32, #tpu.memory_space<vmem>> -> memref<8x50x64xf32, #tpu.memory_space<vmem>>
    %dma_wait3A_1817 = arith.constant 0 : i32
    %dma_wait3A_1818 = arith.constant 0 : i32
    %dma_wait3A_1819 = tpu.memref_slice %dma_wait3A_1816[%dma_wait3A_1810, %dma_wait3A_1817, %dma_wait3A_1818] : memref<8x50x64xf32, #tpu.memory_space<vmem>> -> memref<1x50x64xf32, #tpu.memory_space<vmem>>
    %dma_wait3A_1820 = tpu.memref_squeeze %dma_wait3A_1819 : memref<1x50x64xf32, #tpu.memory_space<vmem>> -> memref<50x64xf32, #tpu.memory_space<vmem>>
    %dma_wait3A_1821 = arith.constant 0 : i32
    %dma_wait3A_1822 = arith.constant 0 : i32
    %dma_wait3A_1823 = tpu.memref_slice %arg4[%add3A_1808, %dma_wait3A_1821, %dma_wait3A_1822] : memref<16384x56x128xf32, #tpu.memory_space<hbm>> -> memref<1x56x128xf32, #tpu.memory_space<hbm>>
    %dma_wait3A_1824 = tpu.memref_squeeze %dma_wait3A_1823 : memref<1x56x128xf32, #tpu.memory_space<hbm>> -> memref<56x128xf32, #tpu.memory_space<hbm>>
    %dma_wait3A_1825 = arith.constant 0 : i32
    %dma_wait3A_1826 = arith.constant 0 : i32
    %dma_wait3A_1827 = tpu.memref_slice %dma_wait3A_1824[%dma_wait3A_1825, %dma_wait3A_1826] : memref<56x128xf32, #tpu.memory_space<hbm>> -> memref<50x64xf32, #tpu.memory_space<hbm>>
    %dma_wait3A_1828 = tpu.memref_slice %arg8[%dma_wait3A_1811] : memref<2x!tpu.dma_semaphore, #tpu.memory_space<semaphore_mem>> -> memref<1x!tpu.dma_semaphore, #tpu.memory_space<semaphore_mem>>
    %dma_wait3A_1829 = tpu.memref_squeeze %dma_wait3A_1828 : memref<1x!tpu.dma_semaphore, #tpu.memory_space<semaphore_mem>> -> memref<!tpu.dma_semaphore, #tpu.memory_space<semaphore_mem>>
    %dma_wait3A_1830 = arith.constant 0 : i32
    %dma_wait3A_1831 = arith.constant 0 : i32
    %dma_wait3A_1832 = tpu.memref_slice %arg4[%add3A_1808, %dma_wait3A_1830, %dma_wait3A_1831] : memref<16384x56x128xf32, #tpu.memory_space<hbm>> -> memref<1x56x128xf32, #tpu.memory_space<hbm>>
    %dma_wait3A_1833 = tpu.memref_squeeze %dma_wait3A_1832 : memref<1x56x128xf32, #tpu.memory_space<hbm>> -> memref<56x128xf32, #tpu.memory_space<hbm>>
    %dma_wait3A_1834 = arith.constant 0 : i32
    %dma_wait3A_1835 = arith.constant 0 : i32
    %dma_wait3A_1836 = tpu.memref_slice %dma_wait3A_1833[%dma_wait3A_1834, %dma_wait3A_1835] : memref<56x128xf32, #tpu.memory_space<hbm>> -> memref<50x64xf32, #tpu.memory_space<hbm>>
    %dma_wait3A_1837 = arith.constant 0 : i32
    %dma_wait3A_1838 = arith.constant 0 : i32
    %dma_wait3A_1839 = arith.constant 0 : i32
    %dma_wait3A_1840 = tpu.memref_slice %arg6[%dma_wait3A_1809, %dma_wait3A_1837, %dma_wait3A_1838, %dma_wait3A_1839] : memref<2x8x50x64xf32, #tpu.memory_space<vmem>> -> memref<1x8x50x64xf32, #tpu.memory_space<vmem>>
    %dma_wait3A_1841 = tpu.memref_squeeze %dma_wait3A_1840 : memref<1x8x50x64xf32, #tpu.memory_space<vmem>> -> memref<8x50x64xf32, #tpu.memory_space<vmem>>
    %dma_wait3A_1842 = arith.constant 0 : i32
    %dma_wait3A_1843 = arith.constant 0 : i32
    %dma_wait3A_1844 = tpu.memref_slice %dma_wait3A_1841[%dma_wait3A_1810, %dma_wait3A_1842, %dma_wait3A_1843] : memref<8x50x64xf32, #tpu.memory_space<vmem>> -> memref<1x50x64xf32, #tpu.memory_space<vmem>>
    %dma_wait3A_1845 = tpu.memref_squeeze %dma_wait3A_1844 : memref<1x50x64xf32, #tpu.memory_space<vmem>> -> memref<50x64xf32, #tpu.memory_space<vmem>>
    tpu.wait_dma2 semaphore(%dma_wait3A_1829 : memref<!tpu.dma_semaphore, #tpu.memory_space<semaphore_mem>>) src(%dma_wait3A_1845 : memref<50x64xf32, #tpu.memory_space<vmem>>) dst(%dma_wait3A_1836 : memref<50x64xf32, #tpu.memory_space<hbm>>)
    %add3A_1846 = arith.constant 504 : i32
    %add3A_1847 = arith.addi %mul3A_2, %add3A_1846 : i32
    %add3A_1848 = arith.constant 6 : i32
    %add3A_1849 = arith.addi %add3A_1847, %add3A_1848 : i32
    %dma_wait3A_1850 = arith.constant 1 : i32
    %dma_wait3A_1851 = arith.constant 6 : i32
    %dma_wait3A_1852 = arith.constant 1 : i32
    %dma_wait3A_1853 = arith.constant 0 : i32
    %dma_wait3A_1854 = arith.constant 0 : i32
    %dma_wait3A_1855 = arith.constant 0 : i32
    %dma_wait3A_1856 = tpu.memref_slice %arg6[%dma_wait3A_1850, %dma_wait3A_1853, %dma_wait3A_1854, %dma_wait3A_1855] : memref<2x8x50x64xf32, #tpu.memory_space<vmem>> -> memref<1x8x50x64xf32, #tpu.memory_space<vmem>>
    %dma_wait3A_1857 = tpu.memref_squeeze %dma_wait3A_1856 : memref<1x8x50x64xf32, #tpu.memory_space<vmem>> -> memref<8x50x64xf32, #tpu.memory_space<vmem>>
    %dma_wait3A_1858 = arith.constant 0 : i32
    %dma_wait3A_1859 = arith.constant 0 : i32
    %dma_wait3A_1860 = tpu.memref_slice %dma_wait3A_1857[%dma_wait3A_1851, %dma_wait3A_1858, %dma_wait3A_1859] : memref<8x50x64xf32, #tpu.memory_space<vmem>> -> memref<1x50x64xf32, #tpu.memory_space<vmem>>
    %dma_wait3A_1861 = tpu.memref_squeeze %dma_wait3A_1860 : memref<1x50x64xf32, #tpu.memory_space<vmem>> -> memref<50x64xf32, #tpu.memory_space<vmem>>
    %dma_wait3A_1862 = arith.constant 0 : i32
    %dma_wait3A_1863 = arith.constant 0 : i32
    %dma_wait3A_1864 = tpu.memref_slice %arg4[%add3A_1849, %dma_wait3A_1862, %dma_wait3A_1863] : memref<16384x56x128xf32, #tpu.memory_space<hbm>> -> memref<1x56x128xf32, #tpu.memory_space<hbm>>
    %dma_wait3A_1865 = tpu.memref_squeeze %dma_wait3A_1864 : memref<1x56x128xf32, #tpu.memory_space<hbm>> -> memref<56x128xf32, #tpu.memory_space<hbm>>
    %dma_wait3A_1866 = arith.constant 0 : i32
    %dma_wait3A_1867 = arith.constant 0 : i32
    %dma_wait3A_1868 = tpu.memref_slice %dma_wait3A_1865[%dma_wait3A_1866, %dma_wait3A_1867] : memref<56x128xf32, #tpu.memory_space<hbm>> -> memref<50x64xf32, #tpu.memory_space<hbm>>
    %dma_wait3A_1869 = tpu.memref_slice %arg8[%dma_wait3A_1852] : memref<2x!tpu.dma_semaphore, #tpu.memory_space<semaphore_mem>> -> memref<1x!tpu.dma_semaphore, #tpu.memory_space<semaphore_mem>>
    %dma_wait3A_1870 = tpu.memref_squeeze %dma_wait3A_1869 : memref<1x!tpu.dma_semaphore, #tpu.memory_space<semaphore_mem>> -> memref<!tpu.dma_semaphore, #tpu.memory_space<semaphore_mem>>
    %dma_wait3A_1871 = arith.constant 0 : i32
    %dma_wait3A_1872 = arith.constant 0 : i32
    %dma_wait3A_1873 = tpu.memref_slice %arg4[%add3A_1849, %dma_wait3A_1871, %dma_wait3A_1872] : memref<16384x56x128xf32, #tpu.memory_space<hbm>> -> memref<1x56x128xf32, #tpu.memory_space<hbm>>
    %dma_wait3A_1874 = tpu.memref_squeeze %dma_wait3A_1873 : memref<1x56x128xf32, #tpu.memory_space<hbm>> -> memref<56x128xf32, #tpu.memory_space<hbm>>
    %dma_wait3A_1875 = arith.constant 0 : i32
    %dma_wait3A_1876 = arith.constant 0 : i32
    %dma_wait3A_1877 = tpu.memref_slice %dma_wait3A_1874[%dma_wait3A_1875, %dma_wait3A_1876] : memref<56x128xf32, #tpu.memory_space<hbm>> -> memref<50x64xf32, #tpu.memory_space<hbm>>
    %dma_wait3A_1878 = arith.constant 0 : i32
    %dma_wait3A_1879 = arith.constant 0 : i32
    %dma_wait3A_1880 = arith.constant 0 : i32
    %dma_wait3A_1881 = tpu.memref_slice %arg6[%dma_wait3A_1850, %dma_wait3A_1878, %dma_wait3A_1879, %dma_wait3A_1880] : memref<2x8x50x64xf32, #tpu.memory_space<vmem>> -> memref<1x8x50x64xf32, #tpu.memory_space<vmem>>
    %dma_wait3A_1882 = tpu.memref_squeeze %dma_wait3A_1881 : memref<1x8x50x64xf32, #tpu.memory_space<vmem>> -> memref<8x50x64xf32, #tpu.memory_space<vmem>>
    %dma_wait3A_1883 = arith.constant 0 : i32
    %dma_wait3A_1884 = arith.constant 0 : i32
    %dma_wait3A_1885 = tpu.memref_slice %dma_wait3A_1882[%dma_wait3A_1851, %dma_wait3A_1883, %dma_wait3A_1884] : memref<8x50x64xf32, #tpu.memory_space<vmem>> -> memref<1x50x64xf32, #tpu.memory_space<vmem>>
    %dma_wait3A_1886 = tpu.memref_squeeze %dma_wait3A_1885 : memref<1x50x64xf32, #tpu.memory_space<vmem>> -> memref<50x64xf32, #tpu.memory_space<vmem>>
    tpu.wait_dma2 semaphore(%dma_wait3A_1870 : memref<!tpu.dma_semaphore, #tpu.memory_space<semaphore_mem>>) src(%dma_wait3A_1886 : memref<50x64xf32, #tpu.memory_space<vmem>>) dst(%dma_wait3A_1877 : memref<50x64xf32, #tpu.memory_space<hbm>>)
    %add3A_1887 = arith.constant 504 : i32
    %add3A_1888 = arith.addi %mul3A_2, %add3A_1887 : i32
    %add3A_1889 = arith.constant 7 : i32
    %add3A_1890 = arith.addi %add3A_1888, %add3A_1889 : i32
    %dma_wait3A_1891 = arith.constant 1 : i32
    %dma_wait3A_1892 = arith.constant 7 : i32
    %dma_wait3A_1893 = arith.constant 1 : i32
    %dma_wait3A_1894 = arith.constant 0 : i32
    %dma_wait3A_1895 = arith.constant 0 : i32
    %dma_wait3A_1896 = arith.constant 0 : i32
    %dma_wait3A_1897 = tpu.memref_slice %arg6[%dma_wait3A_1891, %dma_wait3A_1894, %dma_wait3A_1895, %dma_wait3A_1896] : memref<2x8x50x64xf32, #tpu.memory_space<vmem>> -> memref<1x8x50x64xf32, #tpu.memory_space<vmem>>
    %dma_wait3A_1898 = tpu.memref_squeeze %dma_wait3A_1897 : memref<1x8x50x64xf32, #tpu.memory_space<vmem>> -> memref<8x50x64xf32, #tpu.memory_space<vmem>>
    %dma_wait3A_1899 = arith.constant 0 : i32
    %dma_wait3A_1900 = arith.constant 0 : i32
    %dma_wait3A_1901 = tpu.memref_slice %dma_wait3A_1898[%dma_wait3A_1892, %dma_wait3A_1899, %dma_wait3A_1900] : memref<8x50x64xf32, #tpu.memory_space<vmem>> -> memref<1x50x64xf32, #tpu.memory_space<vmem>>
    %dma_wait3A_1902 = tpu.memref_squeeze %dma_wait3A_1901 : memref<1x50x64xf32, #tpu.memory_space<vmem>> -> memref<50x64xf32, #tpu.memory_space<vmem>>
    %dma_wait3A_1903 = arith.constant 0 : i32
    %dma_wait3A_1904 = arith.constant 0 : i32
    %dma_wait3A_1905 = tpu.memref_slice %arg4[%add3A_1890, %dma_wait3A_1903, %dma_wait3A_1904] : memref<16384x56x128xf32, #tpu.memory_space<hbm>> -> memref<1x56x128xf32, #tpu.memory_space<hbm>>
    %dma_wait3A_1906 = tpu.memref_squeeze %dma_wait3A_1905 : memref<1x56x128xf32, #tpu.memory_space<hbm>> -> memref<56x128xf32, #tpu.memory_space<hbm>>
    %dma_wait3A_1907 = arith.constant 0 : i32
    %dma_wait3A_1908 = arith.constant 0 : i32
    %dma_wait3A_1909 = tpu.memref_slice %dma_wait3A_1906[%dma_wait3A_1907, %dma_wait3A_1908] : memref<56x128xf32, #tpu.memory_space<hbm>> -> memref<50x64xf32, #tpu.memory_space<hbm>>
    %dma_wait3A_1910 = tpu.memref_slice %arg8[%dma_wait3A_1893] : memref<2x!tpu.dma_semaphore, #tpu.memory_space<semaphore_mem>> -> memref<1x!tpu.dma_semaphore, #tpu.memory_space<semaphore_mem>>
    %dma_wait3A_1911 = tpu.memref_squeeze %dma_wait3A_1910 : memref<1x!tpu.dma_semaphore, #tpu.memory_space<semaphore_mem>> -> memref<!tpu.dma_semaphore, #tpu.memory_space<semaphore_mem>>
    %dma_wait3A_1912 = arith.constant 0 : i32
    %dma_wait3A_1913 = arith.constant 0 : i32
    %dma_wait3A_1914 = tpu.memref_slice %arg4[%add3A_1890, %dma_wait3A_1912, %dma_wait3A_1913] : memref<16384x56x128xf32, #tpu.memory_space<hbm>> -> memref<1x56x128xf32, #tpu.memory_space<hbm>>
    %dma_wait3A_1915 = tpu.memref_squeeze %dma_wait3A_1914 : memref<1x56x128xf32, #tpu.memory_space<hbm>> -> memref<56x128xf32, #tpu.memory_space<hbm>>
    %dma_wait3A_1916 = arith.constant 0 : i32
    %dma_wait3A_1917 = arith.constant 0 : i32
    %dma_wait3A_1918 = tpu.memref_slice %dma_wait3A_1915[%dma_wait3A_1916, %dma_wait3A_1917] : memref<56x128xf32, #tpu.memory_space<hbm>> -> memref<50x64xf32, #tpu.memory_space<hbm>>
    %dma_wait3A_1919 = arith.constant 0 : i32
    %dma_wait3A_1920 = arith.constant 0 : i32
    %dma_wait3A_1921 = arith.constant 0 : i32
    %dma_wait3A_1922 = tpu.memref_slice %arg6[%dma_wait3A_1891, %dma_wait3A_1919, %dma_wait3A_1920, %dma_wait3A_1921] : memref<2x8x50x64xf32, #tpu.memory_space<vmem>> -> memref<1x8x50x64xf32, #tpu.memory_space<vmem>>
    %dma_wait3A_1923 = tpu.memref_squeeze %dma_wait3A_1922 : memref<1x8x50x64xf32, #tpu.memory_space<vmem>> -> memref<8x50x64xf32, #tpu.memory_space<vmem>>
    %dma_wait3A_1924 = arith.constant 0 : i32
    %dma_wait3A_1925 = arith.constant 0 : i32
    %dma_wait3A_1926 = tpu.memref_slice %dma_wait3A_1923[%dma_wait3A_1892, %dma_wait3A_1924, %dma_wait3A_1925] : memref<8x50x64xf32, #tpu.memory_space<vmem>> -> memref<1x50x64xf32, #tpu.memory_space<vmem>>
    %dma_wait3A_1927 = tpu.memref_squeeze %dma_wait3A_1926 : memref<1x50x64xf32, #tpu.memory_space<vmem>> -> memref<50x64xf32, #tpu.memory_space<vmem>>
    tpu.wait_dma2 semaphore(%dma_wait3A_1911 : memref<!tpu.dma_semaphore, #tpu.memory_space<semaphore_mem>>) src(%dma_wait3A_1927 : memref<50x64xf32, #tpu.memory_space<vmem>>) dst(%dma_wait3A_1918 : memref<50x64xf32, #tpu.memory_space<hbm>>)
    return
  }
}

</mosaic_0001>

<sc_bundles>
// kernel: kernel.3.cloned.1.call-start
scs
__scs_entry_jumppad:
0x0: {  	(pc) =	sbr.rel $0x88, $3  }
0x1: {  	(tag) =	ssettag $0x0;
	lr =	simm.s32 $0x1  }
0x2: {  	[smem:$0x3F9F] =	sst lr;
	_ =	strace $0xD0000000  }
0x3: {  	_ = 	snop  }
0x4: {  	_ = 	snop  }
0x5: {  	_ = 	snop  }
0x6: {  	_ = 	snop  }
0x7: {  	_ = 	snop  }
__scs_overlays_trampoline_lowered:
0x8: {  	[smem:$0x3FAE] =	sst s0  }
0x9: {  	[smem:$0x3FAF] =	sst s1  }
0xa: {  	[smem:$0x3FB0] =	sst s2  }
0xb: {  	[smem:$0x3FB1] =	sst s3  }
0xc: {  	[smem:$0x3FB2] =	sst s4  }
0xd: {  	[smem:$0x3FB3] =	sst s5  }
0xe: {  	[smem:$0x3FB4] =	sst s6  }
0xf: {  	[smem:$0x3FB5] =	sst s7  }
0x10: {  	[smem:$0x3FB6] =	sst s8  }
0x11: {  	[smem:$0x3FB7] =	sst s9;
	s0 =	simm.s32 @!p0 $0x0  }
0x12: {  	s1 =	sld [smem:$0x3F9D];
	s0 =	simm.s32 @p0 $0x1  }
0x13: {  	[smem:$0x3FB8] =	sst s0;
	s0 =	simm.s32 @!p1 $0x0  }
0x14: {  	s2 =	sld [smem:$0x3F9C];
	s0 =	simm.s32 @p1 $0x1  }
0x15: {  	[smem:$0x3FB9] =	sst s0;
	s0 =	simm.s32 @!p2 $0x0  }
0x16: {  	s3 =	sld [smem:$0x3FDB];
	s0 =	simm.s32 @p2 $0x1  }
0x17: {  	s4 =	simm.s32 $0x1BF5;
	[smem:$0x3FBB] =	sst s0  }
0x18: {  	s0 =	sld [smem:$0x3F9E];
	_ =	swait.ge [sflag:s4], $0x0  }
0x19: {  	s7 =	sld [smem:$0x3F9F]  }
0x1a: {  	s8 =	sadd.s32 $0xFFFFE003, lr  }
0x1b: {  	s9 =	sadd.s32 $0xFFFFFEF7, lr;
	s5 =	simm.s32 $0xFFFFFFFF;
	p2 =	slt.u32 s8, $0xFFFFF086  }
0x1c: {  	p1 =	slt.u32 s9, $0xF7A;
	s5 =	simm.s32 @!p2 $0x0  }
0x1d: {  	s5 =	simm.s32 @p1 $0x1;
	p0 =	seq.s32 s7, s2  }
0x1e: {  	s7 =	smul.u32 @!p0 $0xF7A, s2;
	p2 =	seq.s32 @!p0 s5, $0x0  }
0x1f: {  	s9 =	smul.u32 $0xF7A, s1;
	s8 =	simm.s32 @!p0 $0x1BF5;
	p2 =	por !p2, p0  }
0x20: {  	[sflag:s8] =	ssyncset.s32 @!p0 $0xFFFFF086;
	s6 =	sadd.s32 @!p0 s3, s7;
	s7 =	simm.s32 @!p0 $0x108  }
0x21: {  	s3 =	sadd.s32 s3, s9;
	s6 =	sadd.s32 @!p0 $0x88, s6;
	s7 =	simm.s32 @p2 $0x1082  }
0x22: {  	[simem:s7], [sflag:s8] =	dma.local @!p0 [hbm:s6], $0xF7A  }
0x23: {  	s9 =	sor.u32 $0xD0000000, s2;
	s6 =	simm.s32 $0x108;
	_ =	swait.ge @!p0 [sflag:s8], $0x0  }
0x24: {  	s3 =	sadd.s32 $0x88, s3;
	s6 =	simm.s32 @!p1 $0x1082;
	[sflag:s4] =	ssyncset.s32 $0xFFFFF086  }
0x25: {  	[simem:s6], [sflag:s4] =	dma.local [hbm:s3], $0xF7A  }
0x26: {  	[smem:$0x3F9F] =	sst s1;
	(tag) =	ssettag s2;
	_ =	strace s9  }
0x27: {  	s1 =	sld [smem:$0x3FAF]  }
0x28: {  	s2 =	sld [smem:$0x3FB0]  }
0x29: {  	s4 =	sld [smem:$0x3FB2]  }
0x2a: {  	p0 =	seq.s32 s5, $0x0;
	s5 =	sld [smem:$0x3FB3]  }
0x2b: {  	s6 =	sld [smem:$0x3FB4]  }
0x2c: {  	s7 =	sld [smem:$0x3FB5]  }
0x2d: {  	s3 =	simm.s32 $0x108;
	s8 =	sld [smem:$0x3FB6]  }
0x2e: {  	s3 =	simm.s32 @!p0 $0x1082;
	s9 =	sld [smem:$0x3FB7]  }
0x2f: {  	lr =	sadd.s32 s0, s3;
	s0 =	sld [smem:$0x3FAE]  }
0x30: {  	s3 =	sld [smem:$0x3FB1]  }
0x31: {  	[smem:$0x3FBA] =	sst s10  }
0x32: {  	s10 =	sld [smem:$0x3FB8];
	_ =	sdelay $0x3  }
0x33: {  	p0 =	seq.s32 s10, $0x1;
	s10 =	sld [smem:$0x3FBA];
	_ =	sdelay $0x3  }
0x34: {  	[smem:$0x3FBA] =	sst s10  }
0x35: {  	s10 =	sld [smem:$0x3FB9];
	_ =	sdelay $0x3  }
0x36: {  	p1 =	seq.s32 s10, $0x1;
	s10 =	sld [smem:$0x3FBA];
	_ =	sdelay $0x3  }
0x37: {  	[smem:$0x3FBA] =	sst s10  }
0x38: {  	s10 =	sld [smem:$0x3FBB]  }
0x39: {  	_ = 	snop;
	(pc) =	sbr.ind lr, $3  }
0x3a: {  	_ = 	snop  }
0x3b: {  	_ = 	snop  }
0x3c: {  	p2 =	seq.s32 s10, $0x1;
	s10 =	sld [smem:$0x3FBA]  }
0x3d: {  	_ =	shalt  }
0x3e: {  	_ =	shalt  }
0x3f: {  	_ =	shalt  }
0x40: {  	_ =	shalt  }
0x41: {  	_ =	shalt  }
0x42: {  	_ =	shalt  }
0x43: {  	_ =	shalt  }
0x44: {  	_ =	shalt  }
0x45: {  	_ =	shalt  }
0x46: {  	_ =	shalt  }
0x47: {  	_ =	shalt  }
0x48: {  	_ =	shalt  }
0x49: {  	_ =	shalt  }
0x4a: {  	_ =	shalt  }
0x4b: {  	_ =	shalt  }
0x4c: {  	_ =	shalt  }
0x4d: {  	_ =	shalt  }
0x4e: {  	_ =	shalt  }
0x4f: {  	_ =	shalt  }
0x50: {  	_ =	shalt  }
0x51: {  	_ =	shalt  }
0x52: {  	_ =	shalt  }
0x53: {  	_ =	shalt  }
0x54: {  	_ =	shalt  }
0x55: {  	_ =	shalt  }
0x56: {  	_ =	shalt  }
0x57: {  	_ =	shalt  }
0x58: {  	_ =	shalt  }
0x59: {  	_ =	shalt  }
0x5a: {  	_ =	shalt  }
0x5b: {  	_ =	shalt  }
0x5c: {  	_ =	shalt  }
0x5d: {  	_ =	shalt  }
0x5e: {  	_ =	shalt  }
0x5f: {  	_ =	shalt  }
0x60: {  	_ =	shalt  }
0x61: {  	_ =	shalt  }
0x62: {  	_ =	shalt  }
0x63: {  	_ =	shalt  }
0x64: {  	_ =	shalt  }
0x65: {  	_ =	shalt  }
0x66: {  	_ =	shalt  }
0x67: {  	_ =	shalt  }
0x68: {  	_ =	shalt  }
0x69: {  	_ =	shalt  }
0x6a: {  	_ =	shalt  }
0x6b: {  	_ =	shalt  }
0x6c: {  	_ =	shalt  }
0x6d: {  	_ =	shalt  }
0x6e: {  	_ =	shalt  }
0x6f: {  	_ =	shalt  }
0x70: {  	_ =	shalt  }
0x71: {  	_ =	shalt  }
0x72: {  	_ =	shalt  }
0x73: {  	_ =	shalt  }
0x74: {  	_ =	shalt  }
0x75: {  	_ =	shalt  }
0x76: {  	_ =	shalt  }
0x77: {  	_ =	shalt  }
0x78: {  	_ =	shalt  }
0x79: {  	_ =	shalt  }
0x7a: {  	_ =	shalt  }
0x7b: {  	_ =	shalt  }
0x7c: {  	_ =	shalt  }
0x7d: {  	_ =	shalt  }
0x7e: {  	_ =	shalt  }
0x7f: {  	_ =	shalt  }
0x80: {  	_ =	shalt  }
0x81: {  	_ =	shalt  }
0x82: {  	_ =	shalt  }
0x83: {  	_ =	shalt  }
0x84: {  	_ =	shalt  }
0x85: {  	_ =	shalt  }
0x86: {  	_ =	shalt  }
0x87: {  	_ =	shalt  }
.Lfunc_end0:
.L_simem_size_0:
called_computation.1_lowered:
.L_overlay_start_0:
0x88: {  	s2 =	sld [smem:$0x3FD9]  }
0x89: {  	s3 =	sld [smem:$0x3FFE];
	_ =	sdelay $0x1  }
0x8a: {  	s1 =	srdreg.scid  }
0x8b: {  	s0 =	sand.u32 $0x1, s1  }
0x8c: {  	s17 =	sshll.u32 s0, $0xA;
	s2 =	sadd.s32 s3, s2  }
0x8d: {  	s2 =	sadd.s32 s2, s17  }
0x8e: {  	[smem:$0x3FC6] =	sst s2  }
0x8f: {  	_ = 	snop  }
0x90: {  	s2 =	sld [smem:$0x3FD0];
	(tm) =	ssettm $0x1  }
0x91: {  	s18 =	sld [smem:$0x3FFB];
	_ =	sdelay $0x3  }
0x92: {  	_ =	strace s18  }
0x93: {  	s3 =	sld [smem:$0x3FFC];
	_ =	sdelay $0x3  }
0x94: {  	_ =	strace s3  }
0x95: {  	s3 =	sld [smem:$0x3FFD];
	_ =	sdelay $0x3  }
0x96: {  	_ =	strace s3  }
0x97: {  	_ =	strace $0x8FFFFFFF  }
0x98: {  	s19 =	sld [smem:$0x3FDB];
	_ =	sdelay $0x1  }
0x99: {  	s4 =	simm.s32 $_scs_section_size  }
0x9a: {  	s5 =	simm.s32 $_size__tile_overlayer_lowered;
	s6 =	simm.s32 $_tile_overlayer_lowered  }
0x9b: {  	s22 =	simm.s32 $0x1BFF;
	s21 =	sshll.u32 s6, $0x1;
	s3 =	sadd.s32 s4, s19  }
0x9c: {  	s7 =	simm.s32 $0x0;
	s20 =	sshll.u32 s5, $0x1;
	s5 =	sadd.s32 s21, s3  }
0x9d: {  	[timem:s7], [sflag:s22] =	dma.local [hbm:s5], s20  }
0x9e: {  	_ =	swait.ge [sflag:s22], s20  }
0x9f: {  	s4 =	ssub.s32 $0x0, s20;
	[sflag:s22] =	ssyncset.done $0x0  }
0xa0: {  	[sflag:s22] =	ssyncadd.s32 s4;
	_ =	sdelay $0x1  }
0xa1: {  	s23 =	simm.s32 $0x1B8B  }
0xa2: {  	_ =	swait.ge [sflag:s23], $0x1  }
0xa3: {  	[sflag:s23] =	ssyncset.done $0x0  }
0xa4: {  	s25 =	simm.s32 $0x1B8E;
	s24 =	sld [smem:$0x3FFE];
	[sflag:s23] =	ssyncadd.s32 $0xFFFFFFFF  }
0xa5: {  	s26 =	simm.s32 $execute0_lowered;
	[smem:$0x3FD2] =	sst s25  }
0xa6: {  	s5 =	sshll.u32 s26, $0x1;
	_ =	strace $0x80000046;
	[dreg:$0x1] =	wrdreg $0xFFFFFFFF  }
0xa7: {  	s28 =	simm.s32 $_size_execute0_lowered;
	s3 =	sadd.s32 s3, s5;
	[dreg:$0x0] =	wrdreg $0x0  }
0xa8: {  	s5 =	sshll.u32 s28, $0x1;
	[dreg:$0x2] =	wrdreg s3  }
0xa9: {  	[dreg:$0x3] =	wrdreg s5  }
0xaa: {  	[dreg:$0x4] =	wrdreg $0xC0  }
0xab: {  	_ =	task [dreg:s7], $0x5FFFF  }
0xac: {  	[dreg:$0x1] =	wrdreg $0xFFFFFFFF  }
0xad: {  	[dreg:$0x0] =	wrdreg $0x60  }
0xae: {  	[dreg:$0x2] =	wrdreg s2  }
0xaf: {  	[dreg:$0x3] =	wrdreg s24  }
0xb0: {  	[dreg:$0x4] =	wrdreg $0x9  }
0xb1: {  	_ =	task.clear_ibuf [dreg:s7], $0x5FFFF;
	_ =	strace $0x90000046  }
0xb2: {  	s29 =	simm.s32 $0x9;
	_ =	strace $0x80000048  }
0xb3: {  	_ =	swait.ge [sflag:s29], $0x1  }
0xb4: {  	[sflag:s29] =	ssyncadd.s32 $0xFFFFFFFF  }
0xb5: {  	_ =	strace $0x90000048  }
0xb6: {  	_ =	sfence  }
0xb7: {  	s30 =	sld [smem:$0x0];
	_ =	sdelay $0x2  }
0xb8: {  	s31 =	sshll.u32 s1, $0xD;
	s1 =	sshrl.u32 s1, $0x2  }
0xb9: {  	s3 =	sand.u32 $0x4000, s31;
	s1 =	sadd.s32 s1, s30  }
0xba: {  	s0 =	sor.u32 s3, s0;
	s1 =	sshll.u32 s1, $0x11  }
0xbb: {  	s0 =	sor.u32 s1, s0  }
0xbc: {  	s0 =	sadd.s32 $0x8F2B, s0  }
0xbd: {  	[sflag:s0] =	ssyncadd.remote.s32 $0x1  }
0xbe: {  	_ =	sfence.sel $0xFFFF  }
0xbf: {  	[dreg:$0x0] =	wrdreg $0xFFFFFFFF;
	(pc) =	sbr.abs _section_cstart, $3  }
0xc0: {  	[dreg:$0x1] =	wrdreg $0xFFFFFFFF  }
0xc1: {  	_ =	task.clear_ibuf [dreg:s7], $0x2FFFF;
	_ =	strace $0x9FFFFFFF  }
0xc2: {  	(tm) =	ssettm $0x7FFFFFFF  }
0xc3: {  	_ =	shalt  }
tec
execute0_lowered:
.L_overlay_start_1:
0x0: {  	(tag) =	ssettag $0x1  }
0x1: {  	s2 =	rddreg [dreg:$0x0]  }
0x2: {  	s1 =	srdreg.scid;
	s9 =	stileid.u32  }
0x3: {  	s0 =	rddreg [dreg:$0x1];
	s4 =	sand.u32 $0x1, s1;
	s13 =	sshll.u32 s9, $0x1  }
0x4: {  	s3 =	simm.s32 $0x0;
	s15 =	smul.u32 $0x700000, s9;
	s1 =	sor.u32 s4, s13  }
0x5: {  	[smem:$0x7FF] =	sst s3;
	s3 =	sadd.s32 $0xF42E00, s0;
	s6 =	smul.u32 $0x380000, s1  }
0x6: {  	s0 =	sadd.s32 $0xA00, s0;
	s5 =	ssub.s32 $0x2, s4;
	s8 =	smul.u32 $0xE00, s1  }
0x7: {  	_ =	strace $0x80000047;
	s18 =	smul.u32 $0x380000, s4;
	s7 =	sshrl.u32 s5, $0x1  }
0x8: {  	s1 =	ssub.s32 s5, s7;
	s14 =	sshrl.u32 s6, $0x3;
	s2 =	sadd.s32 s2, s8  }
0x9: {  	s1 =	smax.u32 s1, $0x1;
	[dreg:$0xf] =	wrdreg s2;
	s2 =	sadd.s32 s0, s14  }
0xa: {  	s4 =	smul.u32 $0x70000, s4;
	[smem:$0x7FD] =	sst s1;
	s16 =	sadd.s32 $0x6C800, s2  }
0xb: {  	s5 =	sadd.s32 s18, s15;
	s17 =	sadd.s32 $0x6CB80, s2;
	[dreg:$0x10] =	wrdreg s16  }
0xc: {  	s18 =	smul.u32 $0xE0000, s9;
	s19 =	sadd.s32 $0x6CF00, s2;
	[dreg:$0x11] =	wrdreg s17  }
0xd: {  	s9 =	simm.s32 $0x12B80;
	s20 =	sadd.s32 $0x6D280, s2;
	[dreg:$0x12] =	wrdreg s19  }
0xe: {  	s26 =	sor.u32 $0x1A400, s5;
	s21 =	sadd.s32 $0x6D600, s2;
	[dreg:$0x13] =	wrdreg s20  }
0xf: {  	s31 =	sor.u32 $0x18800, s5;
	s22 =	sadd.s32 $0x6D980, s2;
	[dreg:$0x14] =	wrdreg s21  }
0x10: {  	s8 =	sor.u32 $0x16C00, s5;
	s23 =	sadd.s32 $0x6DD00, s2;
	[dreg:$0x15] =	wrdreg s22  }
0x11: {  	s10 =	sor.u32 $0x15000, s5;
	s24 =	sadd.s32 $0x6E080, s2;
	[dreg:$0x16] =	wrdreg s23  }
0x12: {  	s6 =	sshrl.u32 s26, $0x3;
	s25 =	sadd.s32 $0x6E400, s2;
	[dreg:$0x17] =	wrdreg s24  }
0x13: {  	s7 =	sshrl.u32 s31, $0x3;
	s28 =	sadd.s32 $0x6E780, s2;
	[dreg:$0x18] =	wrdreg s25  }
0x14: {  	s12 =	sshrl.u32 s10, $0x3;
	s29 =	sadd.s32 $0x6EB00, s2;
	[dreg:$0x19] =	wrdreg s28  }
0x15: {  	s14 =	sor.u32 $0x13400, s5;
	s30 =	sadd.s32 $0x6EE80, s2;
	[dreg:$0x1a] =	wrdreg s29  }
0x16: {  	s10 =	simm.s32 $0x1;
	s6 =	sadd.s32 s6, s0;
	[dreg:$0x1b] =	wrdreg s30  }
0x17: {  	s13 =	sadd.s32 s12, s0;
	s15 =	sadd.s32 $0x6F200, s2;
	[dreg:$0x3] =	wrdreg s6  }
0x18: {  	s12 =	simm.s32 $0x80;
	s6 =	sadd.s32 s7, s0;
	[dreg:$0x1c] =	wrdreg s15  }
0x19: {  	s7 =	sshrl.u32 s8, $0x3;
	[dreg:$0x6] =	wrdreg s13;
	s16 =	sshrl.u32 s14, $0x3  }
0x1a: {  	s17 =	sor.u32 $0x11800, s5;
	s20 =	sadd.s32 $0x6F580, s2;
	s21 =	sadd.s32 s18, s0  }
0x1b: {  	s22 =	sor.u32 $0xC400, s5;
	s24 =	sor.u32 $0xA800, s5;
	s25 =	sadd.s32 $0x6F900, s2  }
0x1c: {  	s28 =	sor.u32 $0x8C00, s5;
	s30 =	sor.u32 $0x7000, s5;
	s5 =	sor.u32 $0x5400, s5  }
0x1d: {  	s2 =	sadd.s32 $0x6FC80, s2;
	s8 =	simm.s32 $0x11F00;
	s13 =	simm.s32 $0x3  }
0x1e: {  	s14 =	simm.s32 $0x2;
	s15 =	simm.s32 $0x4;
	[dreg:$0x4] =	wrdreg s6  }
0x1f: {  	s11 =	sadd.s32 s7, s0;
	s6 =	sadd.s32 s16, s0;
	[dreg:$0x1d] =	wrdreg s20  }
0x20: {  	s19 =	sshrl.u32 s17, $0x3;
	s4 =	sadd.s32 s4, s21;
	[dreg:$0x1e] =	wrdreg s25  }
0x21: {  	s23 =	sshrl.u32 s22, $0x3;
	s29 =	sshrl.u32 s28, $0x3;
	[dreg:$0x1f] =	wrdreg s2  }
0x22: {  	s5 =	sshrl.u32 s5, $0x3;
	s25 =	simm.s32 $0xD400;
	[dreg:$0x5] =	wrdreg s11  }
0x23: {  	s2 =	simm.s32 $0xE080;
	s7 =	simm.s32 $0x11280;
	[dreg:$0x7] =	wrdreg s6  }
0x24: {  	s6 =	sadd.s32 s19, s0;
	[dreg:$0x9] =	wrdreg s4;
	s4 =	sadd.s32 s23, s0  }
0x25: {  	s23 =	simm.s32 $0x32;
	s11 =	simm.s32 $0x40;
	[dreg:$0x8] =	wrdreg s6  }
0x26: {  	s6 =	sshrl.u32 s24, $0x3;
	[dreg:$0xa] =	wrdreg s4;
	s4 =	sadd.s32 s29, s0  }
0x27: {  	s26 =	sadd.s32 s6, s0;
	s6 =	sshrl.u32 s30, $0x3;
	[dreg:$0xc] =	wrdreg s4  }
0x28: {  	s4 =	simm.s32 $0xED00;
	[dreg:$0xb] =	wrdreg s26;
	s31 =	sadd.s32 s6, s0  }
0x29: {  	s0 =	sadd.s32 s5, s0;
	s5 =	simm.s32 $0xF980;
	[dreg:$0xd] =	wrdreg s31  }
0x2a: {  	s6 =	simm.s32 $0x10600;
	[dreg:$0xe] =	wrdreg s0;
	s0 =	simm.s32 $0x0  }
.LBB2_1:
0x2b: {  	[smem:$0x7FC] =	sst s0  }
0x2c: {  	s16 =	simm.s32 $0x0;
	s17 =	rddreg [dreg:$0xf];
	s28 =	simm.s32 $0x5  }
0x2d: {  	[tilespmem:s16], [sflag:$0x5] =	stream.linear.gather [hbm4b:s17+s16], $0x7000, $0x38;
	[tilespmem:$0x13800] =	vst v63  }
0x2e: {  	_ =	swait.ge [sflag:s28], $0x7000  }
0x2f: {  	[sflag:s28] =	ssyncset.done $0x0  }
0x30: {  	s20 =	simm.s32 $0x7000;
	[sflag:s28] =	ssyncadd.s32 $0xFFFF9000  }
0x31: {  	[tilespmem:s20], [sflag:$0x1] =	stream.indirect.gather [hbm4b:s3+s23], $0x40, s16, s23, $0xb8;
	[tilespmem:$0x13800] =	vst v63  }
0x32: {  	s29 =	simm.s32 $0x38;
	s21 =	simm.s32 $0x7C80  }
0x33: {  	[tilespmem:s21], [sflag:$0x1] =	stream.indirect.gather [hbm4b:s3+s23], $0x40, s29, s23, $0xb8;
	[tilespmem:$0x13800] =	vst v63  }
0x34: {  	s30 =	simm.s32 $0x70;
	s22 =	simm.s32 $0x8900  }
0x35: {  	[tilespmem:s22], [sflag:$0x1] =	stream.indirect.gather [hbm4b:s3+s23], $0x40, s30, s23, $0xb8;
	[tilespmem:$0x13800] =	vst v63  }
0x36: {  	s31 =	simm.s32 $0xA8;
	s24 =	simm.s32 $0x9580  }
0x37: {  	[tilespmem:s24], [sflag:$0x1] =	stream.indirect.gather [hbm4b:s3+s23], $0x40, s31, s23, $0xb8;
	[tilespmem:$0x13800] =	vst v63  }
0x38: {  	s1 =	simm.s32 $0xE0;
	s16 =	simm.s32 $0xA200  }
0x39: {  	[tilespmem:s16], [sflag:$0x1] =	stream.indirect.gather [hbm4b:s3+s23], $0x40, s1, s23, $0xb8;
	[tilespmem:$0x13800] =	vst v63  }
0x3a: {  	s0 =	simm.s32 $0x118;
	s26 =	simm.s32 $0xAE80  }
0x3b: {  	[tilespmem:s26], [sflag:$0x1] =	stream.indirect.gather [hbm4b:s3+s23], $0x40, s0, s23, $0xb8;
	[tilespmem:$0x13800] =	vst v63  }
0x3c: {  	s17 =	simm.s32 $0x150;
	s1 =	simm.s32 $0xBB00  }
0x3d: {  	[tilespmem:s1], [sflag:$0x1] =	stream.indirect.gather [hbm4b:s3+s23], $0x40, s17, s23, $0xb8;
	[tilespmem:$0x13800] =	vst v63  }
0x3e: {  	s18 =	simm.s32 $0x188;
	s28 =	simm.s32 $0xC780  }
0x3f: {  	[tilespmem:s28], [sflag:$0x1] =	stream.indirect.gather [hbm4b:s3+s23], $0x40, s18, s23, $0xb8;
	[tilespmem:$0x13800] =	vst v63  }
0x40: {  	s19 =	simm.s32 $0x1C0  }
0x41: {  	[tilespmem:s25], [sflag:$0x2] =	stream.indirect.gather [hbm4b:s3+s23], $0x40, s19, s23, $0xb8;
	[tilespmem:$0x13800] =	vst v63  }
0x42: {  	s29 =	simm.s32 $0x1F8  }
0x43: {  	[tilespmem:s2], [sflag:$0x2] =	stream.indirect.gather [hbm4b:s3+s23], $0x40, s29, s23, $0xb8;
	[tilespmem:$0x13800] =	vst v63  }
0x44: {  	s30 =	simm.s32 $0x230  }
0x45: {  	[tilespmem:s4], [sflag:$0x2] =	stream.indirect.gather [hbm4b:s3+s23], $0x40, s30, s23, $0xb8;
	[tilespmem:$0x13800] =	vst v63  }
0x46: {  	s31 =	simm.s32 $0x268  }
0x47: {  	[tilespmem:s5], [sflag:$0x2] =	stream.indirect.gather [hbm4b:s3+s23], $0x40, s31, s23, $0xb8;
	[tilespmem:$0x13800] =	vst v63  }
0x48: {  	s17 =	simm.s32 $0x2A0  }
0x49: {  	[tilespmem:s6], [sflag:$0x2] =	stream.indirect.gather [hbm4b:s3+s23], $0x40, s17, s23, $0xb8;
	[tilespmem:$0x13800] =	vst v63  }
0x4a: {  	s18 =	simm.s32 $0x2D8  }
0x4b: {  	[tilespmem:s7], [sflag:$0x2] =	stream.indirect.gather [hbm4b:s3+s23], $0x40, s18, s23, $0xb8;
	[tilespmem:$0x13800] =	vst v63  }
0x4c: {  	s19 =	simm.s32 $0x310  }
0x4d: {  	[tilespmem:s8], [sflag:$0x2] =	stream.indirect.gather [hbm4b:s3+s23], $0x40, s19, s23, $0xb8;
	[tilespmem:$0x13800] =	vst v63  }
0x4e: {  	s29 =	simm.s32 $0x348  }
0x4f: {  	[tilespmem:s9], [sflag:$0x2] =	stream.indirect.gather [hbm4b:s3+s23], $0x40, s29, s23, $0xb8;
	[tilespmem:$0x13800] =	vst v63  }
0x50: {  	_ =	swait.ge [sflag:s10], $0xC80  }
0x51: {  	[sflag:s10] =	ssyncset.done $0x0  }
0x52: {  	[sflag:s10] =	ssyncadd.s32 $0xFFFFF380  }
0x53: {  	_ =	swait.ge [sflag:s10], $0xC80  }
0x54: {  	[sflag:s10] =	ssyncset.done $0x0  }
0x55: {  	[sflag:s10] =	ssyncadd.s32 $0xFFFFF380  }
0x56: {  	_ =	swait.ge [sflag:s10], $0xC80  }
0x57: {  	[sflag:s10] =	ssyncset.done $0x0  }
0x58: {  	[sflag:s10] =	ssyncadd.s32 $0xFFFFF380  }
0x59: {  	_ =	swait.ge [sflag:s10], $0xC80  }
0x5a: {  	[sflag:s10] =	ssyncset.done $0x0  }
0x5b: {  	[sflag:s10] =	ssyncadd.s32 $0xFFFFF380  }
0x5c: {  	_ =	swait.ge [sflag:s10], $0xC80  }
0x5d: {  	[sflag:s10] =	ssyncset.done $0x0  }
0x5e: {  	[sflag:s10] =	ssyncadd.s32 $0xFFFFF380  }
0x5f: {  	_ =	swait.ge [sflag:s10], $0xC80  }
0x60: {  	[sflag:s10] =	ssyncset.done $0x0  }
0x61: {  	[sflag:s10] =	ssyncadd.s32 $0xFFFFF380  }
0x62: {  	_ =	swait.ge [sflag:s10], $0xC80  }
0x63: {  	[sflag:s10] =	ssyncset.done $0x0  }
0x64: {  	[sflag:s10] =	ssyncadd.s32 $0xFFFFF380  }
0x65: {  	_ =	swait.ge [sflag:s10], $0xC80  }
0x66: {  	s30 =	rddreg [dreg:$0x9];
	[sflag:s10] =	ssyncset.done $0x0  }
0x67: {  	[sflag:s10] =	ssyncadd.s32 $0xFFFFF380;
	s17 =	sadd.s32 $0x0, s30  }
0x68: {  	[hbm4b:s17+s11] =	stream.strided.scatter [tilespmem:s20], [sflag:$0x3], $0xC80, s12, s11, $0x38;
	[tilespmem:$0x13800] =	vst v63  }
0x69: {  	s18 =	sadd.s32 $0x380, s17  }
0x6a: {  	[hbm4b:s18+s11] =	stream.strided.scatter [tilespmem:s21], [sflag:$0x3], $0xC80, s12, s11, $0x38;
	[tilespmem:$0x13800] =	vst v63  }
0x6b: {  	s19 =	rddreg [dreg:$0xe];
	s31 =	sadd.s32 $0x700, s17  }
0x6c: {  	[hbm4b:s31+s11] =	stream.strided.scatter [tilespmem:s22], [sflag:$0x3], $0xC80, s12, s11, $0x38;
	[tilespmem:$0x13800] =	vst v63  }
0x6d: {  	s0 =	rddreg [dreg:$0xd];
	s19 =	sadd.s32 $0x0, s19  }
0x6e: {  	[hbm4b:s19+s11] =	stream.strided.scatter [tilespmem:s24], [sflag:$0x3], $0xC80, s12, s11, $0x38;
	[tilespmem:$0x13800] =	vst v63  }
0x6f: {  	s29 =	rddreg [dreg:$0xc];
	s18 =	sadd.s32 $0x0, s0  }
0x70: {  	[hbm4b:s18+s11] =	stream.strided.scatter [tilespmem:s16], [sflag:$0x3], $0xC80, s12, s11, $0x38;
	[tilespmem:$0x13800] =	vst v63  }
0x71: {  	s30 =	rddreg [dreg:$0xb];
	s19 =	sadd.s32 $0x0, s29  }
0x72: {  	[hbm4b:s19+s11] =	stream.strided.scatter [tilespmem:s26], [sflag:$0x3], $0xC80, s12, s11, $0x38;
	[tilespmem:$0x13800] =	vst v63  }
0x73: {  	s31 =	rddreg [dreg:$0xa];
	s18 =	sadd.s32 $0x0, s30  }
0x74: {  	[hbm4b:s18+s11] =	stream.strided.scatter [tilespmem:s1], [sflag:$0x3], $0xC80, s12, s11, $0x38;
	[tilespmem:$0x13800] =	vst v63  }
0x75: {  	s0 =	sadd.s32 $0x0, s31  }
0x76: {  	[hbm4b:s0+s11] =	stream.strided.scatter [tilespmem:s28], [sflag:$0x3], $0xC80, s12, s11, $0x38;
	[tilespmem:$0x13800] =	vst v63  }
0x77: {  	_ =	swait.ge [sflag:s13], $0xC80  }
0x78: {  	[sflag:s13] =	ssyncset.done $0x0  }
0x79: {  	[sflag:s13] =	ssyncadd.s32 $0xFFFFF380  }
0x7a: {  	_ =	swait.ge [sflag:s13], $0xC80  }
0x7b: {  	[sflag:s13] =	ssyncset.done $0x0  }
0x7c: {  	[sflag:s13] =	ssyncadd.s32 $0xFFFFF380  }
0x7d: {  	_ =	swait.ge [sflag:s13], $0xC80  }
0x7e: {  	[sflag:s13] =	ssyncset.done $0x0  }
0x7f: {  	[sflag:s13] =	ssyncadd.s32 $0xFFFFF380  }
0x80: {  	_ =	swait.ge [sflag:s13], $0xC80  }
0x81: {  	[sflag:s13] =	ssyncset.done $0x0  }
0x82: {  	[sflag:s13] =	ssyncadd.s32 $0xFFFFF380  }
0x83: {  	_ =	swait.ge [sflag:s13], $0xC80  }
0x84: {  	[sflag:s13] =	ssyncset.done $0x0  }
0x85: {  	[sflag:s13] =	ssyncadd.s32 $0xFFFFF380  }
0x86: {  	_ =	swait.ge [sflag:s13], $0xC80  }
0x87: {  	[sflag:s13] =	ssyncset.done $0x0  }
0x88: {  	[sflag:s13] =	ssyncadd.s32 $0xFFFFF380  }
0x89: {  	_ =	swait.ge [sflag:s13], $0xC80  }
0x8a: {  	[sflag:s13] =	ssyncset.done $0x0  }
0x8b: {  	[sflag:s13] =	ssyncadd.s32 $0xFFFFF380  }
0x8c: {  	_ =	swait.ge [sflag:s13], $0xC80  }
0x8d: {  	[sflag:s13] =	ssyncset.done $0x0  }
0x8e: {  	s19 =	simm.s32 $0x380;
	[sflag:s13] =	ssyncadd.s32 $0xFFFFF380  }
0x8f: {  	[tilespmem:s20], [sflag:$0x1] =	stream.indirect.gather [hbm4b:s3+s23], $0x40, s19, s23, $0xb8;
	[tilespmem:$0x13800] =	vst v63  }
0x90: {  	s29 =	simm.s32 $0x3B8  }
0x91: {  	[tilespmem:s21], [sflag:$0x1] =	stream.indirect.gather [hbm4b:s3+s23], $0x40, s29, s23, $0xb8;
	[tilespmem:$0x13800] =	vst v63  }
0x92: {  	s30 =	simm.s32 $0x3F0  }
0x93: {  	[tilespmem:s22], [sflag:$0x1] =	stream.indirect.gather [hbm4b:s3+s23], $0x40, s30, s23, $0xb8;
	[tilespmem:$0x13800] =	vst v63  }
0x94: {  	s31 =	simm.s32 $0x428  }
0x95: {  	[tilespmem:s24], [sflag:$0x1] =	stream.indirect.gather [hbm4b:s3+s23], $0x40, s31, s23, $0xb8;
	[tilespmem:$0x13800] =	vst v63  }
0x96: {  	s0 =	simm.s32 $0x460  }
0x97: {  	[tilespmem:s16], [sflag:$0x1] =	stream.indirect.gather [hbm4b:s3+s23], $0x40, s0, s23, $0xb8;
	[tilespmem:$0x13800] =	vst v63  }
0x98: {  	s16 =	simm.s32 $0x498  }
0x99: {  	[tilespmem:s26], [sflag:$0x1] =	stream.indirect.gather [hbm4b:s3+s23], $0x40, s16, s23, $0xb8;
	[tilespmem:$0x13800] =	vst v63  }
0x9a: {  	s19 =	simm.s32 $0x4D0  }
0x9b: {  	[tilespmem:s1], [sflag:$0x1] =	stream.indirect.gather [hbm4b:s3+s23], $0x40, s19, s23, $0xb8;
	[tilespmem:$0x13800] =	vst v63  }
0x9c: {  	s20 =	simm.s32 $0x508  }
0x9d: {  	[tilespmem:s28], [sflag:$0x1] =	stream.indirect.gather [hbm4b:s3+s23], $0x40, s20, s23, $0xb8;
	[tilespmem:$0x13800] =	vst v63  }
0x9e: {  	_ =	swait.ge [sflag:s14], $0xC80  }
0x9f: {  	[sflag:s14] =	ssyncset.done $0x0  }
0xa0: {  	[sflag:s14] =	ssyncadd.s32 $0xFFFFF380  }
0xa1: {  	_ =	swait.ge [sflag:s14], $0xC80  }
0xa2: {  	[sflag:s14] =	ssyncset.done $0x0  }
0xa3: {  	[sflag:s14] =	ssyncadd.s32 $0xFFFFF380  }
0xa4: {  	_ =	swait.ge [sflag:s14], $0xC80  }
0xa5: {  	[sflag:s14] =	ssyncset.done $0x0  }
0xa6: {  	[sflag:s14] =	ssyncadd.s32 $0xFFFFF380  }
0xa7: {  	_ =	swait.ge [sflag:s14], $0xC80  }
0xa8: {  	[sflag:s14] =	ssyncset.done $0x0  }
0xa9: {  	[sflag:s14] =	ssyncadd.s32 $0xFFFFF380  }
0xaa: {  	_ =	swait.ge [sflag:s14], $0xC80  }
0xab: {  	[sflag:s14] =	ssyncset.done $0x0  }
0xac: {  	[sflag:s14] =	ssyncadd.s32 $0xFFFFF380  }
0xad: {  	_ =	swait.ge [sflag:s14], $0xC80  }
0xae: {  	[sflag:s14] =	ssyncset.done $0x0  }
0xaf: {  	[sflag:s14] =	ssyncadd.s32 $0xFFFFF380  }
0xb0: {  	_ =	swait.ge [sflag:s14], $0xC80  }
0xb1: {  	[sflag:s14] =	ssyncset.done $0x0  }
0xb2: {  	[sflag:s14] =	ssyncadd.s32 $0xFFFFF380  }
0xb3: {  	_ =	swait.ge [sflag:s14], $0xC80  }
0xb4: {  	[sflag:s14] =	ssyncset.done $0x0  }
0xb5: {  	s21 =	sadd.s32 $0x1C00, s17;
	[sflag:s14] =	ssyncadd.s32 $0xFFFFF380  }
0xb6: {  	[hbm4b:s21+s11] =	stream.strided.scatter [tilespmem:s25], [sflag:$0x4], $0xC80, s12, s11, $0x38;
	[tilespmem:$0x13800] =	vst v63  }
0xb7: {  	s17 =	sadd.s32 $0x1F80, s17;
	s22 =	rddreg [dreg:$0x8]  }
0xb8: {  	[hbm4b:s17+s11] =	stream.strided.scatter [tilespmem:s2], [sflag:$0x4], $0xC80, s12, s11, $0x38;
	[tilespmem:$0x13800] =	vst v63  }
0xb9: {  	s24 =	rddreg [dreg:$0x7];
	s26 =	sadd.s32 $0x0, s22  }
0xba: {  	[hbm4b:s26+s11] =	stream.strided.scatter [tilespmem:s4], [sflag:$0x4], $0xC80, s12, s11, $0x38;
	[tilespmem:$0x13800] =	vst v63  }
0xbb: {  	s28 =	rddreg [dreg:$0x6];
	s29 =	sadd.s32 $0x0, s24  }
0xbc: {  	[hbm4b:s29+s11] =	stream.strided.scatter [tilespmem:s5], [sflag:$0x4], $0xC80, s12, s11, $0x38;
	[tilespmem:$0x13800] =	vst v63  }
0xbd: {  	s30 =	rddreg [dreg:$0x5];
	s31 =	sadd.s32 $0x0, s28  }
0xbe: {  	[hbm4b:s31+s11] =	stream.strided.scatter [tilespmem:s6], [sflag:$0x4], $0xC80, s12, s11, $0x38;
	[tilespmem:$0x13800] =	vst v63  }
0xbf: {  	s0 =	rddreg [dreg:$0x4];
	s1 =	sadd.s32 $0x0, s30  }
0xc0: {  	[hbm4b:s1+s11] =	stream.strided.scatter [tilespmem:s7], [sflag:$0x4], $0xC80, s12, s11, $0x38;
	[tilespmem:$0x13800] =	vst v63  }
0xc1: {  	s16 =	rddreg [dreg:$0x3];
	s20 =	sadd.s32 $0x0, s0  }
0xc2: {  	[hbm4b:s20+s11] =	stream.strided.scatter [tilespmem:s8], [sflag:$0x4], $0xC80, s12, s11, $0x38;
	[tilespmem:$0x13800] =	vst v63  }
0xc3: {  	s21 =	sadd.s32 $0x0, s16  }
0xc4: {  	[hbm4b:s21+s11] =	stream.strided.scatter [tilespmem:s9], [sflag:$0x4], $0xC80, s12, s11, $0x38;
	[tilespmem:$0x13800] =	vst v63  }
0xc5: {  	_ =	swait.ge [sflag:s15], $0xC80  }
0xc6: {  	[sflag:s15] =	ssyncset.done $0x0  }
0xc7: {  	[sflag:s15] =	ssyncadd.s32 $0xFFFFF380  }
0xc8: {  	_ =	swait.ge [sflag:s15], $0xC80  }
0xc9: {  	[sflag:s15] =	ssyncset.done $0x0  }
0xca: {  	[sflag:s15] =	ssyncadd.s32 $0xFFFFF380  }
0xcb: {  	_ =	swait.ge [sflag:s15], $0xC80  }
0xcc: {  	[sflag:s15] =	ssyncset.done $0x0  }
0xcd: {  	[sflag:s15] =	ssyncadd.s32 $0xFFFFF380  }
0xce: {  	_ =	swait.ge [sflag:s15], $0xC80  }
0xcf: {  	[sflag:s15] =	ssyncset.done $0x0  }
0xd0: {  	[sflag:s15] =	ssyncadd.s32 $0xFFFFF380  }
0xd1: {  	_ =	swait.ge [sflag:s15], $0xC80  }
0xd2: {  	[sflag:s15] =	ssyncset.done $0x0  }
0xd3: {  	[sflag:s15] =	ssyncadd.s32 $0xFFFFF380  }
0xd4: {  	_ =	swait.ge [sflag:s15], $0xC80  }
0xd5: {  	[sflag:s15] =	ssyncset.done $0x0  }
0xd6: {  	[sflag:s15] =	ssyncadd.s32 $0xFFFFF380  }
0xd7: {  	_ =	swait.ge [sflag:s15], $0xC80  }
0xd8: {  	[sflag:s15] =	ssyncset.done $0x0  }
0xd9: {  	[sflag:s15] =	ssyncadd.s32 $0xFFFFF380  }
0xda: {  	_ =	swait.ge [sflag:s15], $0xC80  }
0xdb: {  	[sflag:s15] =	ssyncset.done $0x0  }
0xdc: {  	s22 =	simm.s32 $0x540;
	[sflag:s15] =	ssyncadd.s32 $0xFFFFF380  }
0xdd: {  	[tilespmem:s25], [sflag:$0x2] =	stream.indirect.gather [hbm4b:s3+s23], $0x40, s22, s23, $0xb8;
	[tilespmem:$0x13800] =	vst v63  }
0xde: {  	s24 =	simm.s32 $0x578  }
0xdf: {  	[tilespmem:s2], [sflag:$0x2] =	stream.indirect.gather [hbm4b:s3+s23], $0x40, s24, s23, $0xb8;
	[tilespmem:$0x13800] =	vst v63  }
0xe0: {  	s26 =	simm.s32 $0x5B0  }
0xe1: {  	[tilespmem:s4], [sflag:$0x2] =	stream.indirect.gather [hbm4b:s3+s23], $0x40, s26, s23, $0xb8;
	[tilespmem:$0x13800] =	vst v63  }
0xe2: {  	s28 =	simm.s32 $0x5E8  }
0xe3: {  	[tilespmem:s5], [sflag:$0x2] =	stream.indirect.gather [hbm4b:s3+s23], $0x40, s28, s23, $0xb8;
	[tilespmem:$0x13800] =	vst v63  }
0xe4: {  	s29 =	simm.s32 $0x620  }
0xe5: {  	[tilespmem:s6], [sflag:$0x2] =	stream.indirect.gather [hbm4b:s3+s23], $0x40, s29, s23, $0xb8;
	[tilespmem:$0x13800] =	vst v63  }
0xe6: {  	s18 =	simm.s32 $0x3800;
	s30 =	simm.s32 $0x658  }
0xe7: {  	[tilespmem:s7], [sflag:$0x2] =	stream.indirect.gather [hbm4b:s3+s23], $0x40, s30, s23, $0xb8;
	[tilespmem:$0x13800] =	vst v63  }
0xe8: {  	s19 =	simm.s32 $0xA48;
	s17 =	simm.s32 $0x6C8;
	s31 =	simm.s32 $0x690  }
0xe9: {  	[tilespmem:s8], [sflag:$0x2] =	stream.indirect.gather [hbm4b:s3+s23], $0x40, s31, s23, $0xb8;
	[tilespmem:$0x13800] =	vst v63  }
.LBB2_2:
0xea: {  	[tilespmem:s9], [sflag:$0x2] =	stream.indirect.gather [hbm4b:s3+s23], $0x40, s17, s23, $0xb8;
	[tilespmem:$0x13800] =	vst v63  }
0xeb: {  	_ =	swait.ge [sflag:s10], $0xC80  }
0xec: {  	[sflag:s10] =	ssyncset.done $0x0  }
0xed: {  	[sflag:s10] =	ssyncadd.s32 $0xFFFFF380  }
0xee: {  	_ =	swait.ge [sflag:s10], $0xC80  }
0xef: {  	[sflag:s10] =	ssyncset.done $0x0  }
0xf0: {  	[sflag:s10] =	ssyncadd.s32 $0xFFFFF380  }
0xf1: {  	_ =	swait.ge [sflag:s10], $0xC80  }
0xf2: {  	[sflag:s10] =	ssyncset.done $0x0  }
0xf3: {  	[sflag:s10] =	ssyncadd.s32 $0xFFFFF380  }
0xf4: {  	_ =	swait.ge [sflag:s10], $0xC80  }
0xf5: {  	[sflag:s10] =	ssyncset.done $0x0  }
0xf6: {  	[sflag:s10] =	ssyncadd.s32 $0xFFFFF380  }
0xf7: {  	_ =	swait.ge [sflag:s10], $0xC80  }
0xf8: {  	[sflag:s10] =	ssyncset.done $0x0  }
0xf9: {  	[sflag:s10] =	ssyncadd.s32 $0xFFFFF380  }
0xfa: {  	_ =	swait.ge [sflag:s10], $0xC80  }
0xfb: {  	[sflag:s10] =	ssyncset.done $0x0  }
0xfc: {  	[sflag:s10] =	ssyncadd.s32 $0xFFFFF380  }
0xfd: {  	_ =	swait.ge [sflag:s10], $0xC80  }
0xfe: {  	[sflag:s10] =	ssyncset.done $0x0  }
0xff: {  	[sflag:s10] =	ssyncadd.s32 $0xFFFFF380  }
0x100: {  	_ =	swait.ge [sflag:s10], $0xC80  }
0x101: {  	s20 =	smov.u32 s18;
	s21 =	rddreg [dreg:$0x9];
	[sflag:s10] =	ssyncset.done $0x0  }
0x102: {  	s26 =	simm.s32 $0x7000;
	[sflag:s10] =	ssyncadd.s32 $0xFFFFF380;
	s21 =	sadd.s32 s20, s21  }
0x103: {  	[hbm4b:s21+s11] =	stream.strided.scatter [tilespmem:s26], [sflag:$0x3], $0xC80, s12, s11, $0x38;
	[tilespmem:$0x13800] =	vst v63  }
0x104: {  	s29 =	simm.s32 $0x7C80;
	s22 =	sadd.s32 $0x380, s21  }
0x105: {  	[hbm4b:s22+s11] =	stream.strided.scatter [tilespmem:s29], [sflag:$0x3], $0xC80, s12, s11, $0x38;
	[tilespmem:$0x13800] =	vst v63  }
0x106: {  	s31 =	simm.s32 $0x8900;
	s16 =	rddreg [dreg:$0xe];
	s1 =	sadd.s32 $0x700, s21  }
0x107: {  	[hbm4b:s1+s11] =	stream.strided.scatter [tilespmem:s31], [sflag:$0x3], $0xC80, s12, s11, $0x38;
	[tilespmem:$0x13800] =	vst v63  }
0x108: {  	s24 =	rddreg [dreg:$0xd];
	s16 =	sadd.s32 s20, s16;
	s1 =	simm.s32 $0x9580  }
0x109: {  	[hbm4b:s16+s11] =	stream.strided.scatter [tilespmem:s1], [sflag:$0x3], $0xC80, s12, s11, $0x38;
	[tilespmem:$0x13800] =	vst v63  }
0x10a: {  	s28 =	simm.s32 $0xA200;
	s0 =	sadd.s32 s20, s24;
	s22 =	rddreg [dreg:$0xc]  }
0x10b: {  	[hbm4b:s0+s11] =	stream.strided.scatter [tilespmem:s28], [sflag:$0x3], $0xC80, s12, s11, $0x38;
	[tilespmem:$0x13800] =	vst v63  }
0x10c: {  	s24 =	rddreg [dreg:$0xb];
	s16 =	sadd.s32 s20, s22;
	s0 =	simm.s32 $0xAE80  }
0x10d: {  	[hbm4b:s16+s11] =	stream.strided.scatter [tilespmem:s0], [sflag:$0x3], $0xC80, s12, s11, $0x38;
	[tilespmem:$0x13800] =	vst v63  }
0x10e: {  	s30 =	simm.s32 $0xBB00;
	s24 =	sadd.s32 s20, s24;
	s22 =	rddreg [dreg:$0xa]  }
0x10f: {  	[hbm4b:s24+s11] =	stream.strided.scatter [tilespmem:s30], [sflag:$0x3], $0xC80, s12, s11, $0x38;
	[tilespmem:$0x13800] =	vst v63  }
0x110: {  	s24 =	sadd.s32 s20, s22;
	s22 =	simm.s32 $0xC780  }
0x111: {  	[hbm4b:s24+s11] =	stream.strided.scatter [tilespmem:s22], [sflag:$0x3], $0xC80, s12, s11, $0x38;
	[tilespmem:$0x13800] =	vst v63  }
0x112: {  	_ =	swait.ge [sflag:s13], $0xC80  }
0x113: {  	[sflag:s13] =	ssyncset.done $0x0  }
0x114: {  	[sflag:s13] =	ssyncadd.s32 $0xFFFFF380  }
0x115: {  	_ =	swait.ge [sflag:s13], $0xC80  }
0x116: {  	[sflag:s13] =	ssyncset.done $0x0  }
0x117: {  	[sflag:s13] =	ssyncadd.s32 $0xFFFFF380  }
0x118: {  	_ =	swait.ge [sflag:s13], $0xC80  }
0x119: {  	[sflag:s13] =	ssyncset.done $0x0  }
0x11a: {  	[sflag:s13] =	ssyncadd.s32 $0xFFFFF380  }
0x11b: {  	_ =	swait.ge [sflag:s13], $0xC80  }
0x11c: {  	[sflag:s13] =	ssyncset.done $0x0  }
0x11d: {  	[sflag:s13] =	ssyncadd.s32 $0xFFFFF380  }
0x11e: {  	_ =	swait.ge [sflag:s13], $0xC80  }
0x11f: {  	[sflag:s13] =	ssyncset.done $0x0  }
0x120: {  	[sflag:s13] =	ssyncadd.s32 $0xFFFFF380  }
0x121: {  	_ =	swait.ge [sflag:s13], $0xC80  }
0x122: {  	[sflag:s13] =	ssyncset.done $0x0  }
0x123: {  	[sflag:s13] =	ssyncadd.s32 $0xFFFFF380  }
0x124: {  	_ =	swait.ge [sflag:s13], $0xC80  }
0x125: {  	[sflag:s13] =	ssyncset.done $0x0  }
0x126: {  	[sflag:s13] =	ssyncadd.s32 $0xFFFFF380  }
0x127: {  	_ =	swait.ge [sflag:s13], $0xC80  }
0x128: {  	[sflag:s13] =	ssyncset.done $0x0  }
0x129: {  	s16 =	sadd.s32 $0xFFFFFCB8, s19;
	[sflag:s13] =	ssyncadd.s32 $0xFFFFF380  }
0x12a: {  	[tilespmem:s26], [sflag:$0x1] =	stream.indirect.gather [hbm4b:s3+s23], $0x40, s16, s23, $0xb8;
	[tilespmem:$0x13800] =	vst v63  }
0x12b: {  	s16 =	sadd.s32 $0xFFFFFCF0, s19  }
0x12c: {  	[tilespmem:s29], [sflag:$0x1] =	stream.indirect.gather [hbm4b:s3+s23], $0x40, s16, s23, $0xb8;
	[tilespmem:$0x13800] =	vst v63  }
0x12d: {  	s16 =	sadd.s32 $0xFFFFFD28, s19  }
0x12e: {  	[tilespmem:s31], [sflag:$0x1] =	stream.indirect.gather [hbm4b:s3+s23], $0x40, s16, s23, $0xb8;
	[tilespmem:$0x13800] =	vst v63  }
0x12f: {  	s16 =	sadd.s32 $0xFFFFFD60, s19  }
0x130: {  	[tilespmem:s1], [sflag:$0x1] =	stream.indirect.gather [hbm4b:s3+s23], $0x40, s16, s23, $0xb8;
	[tilespmem:$0x13800] =	vst v63  }
0x131: {  	s16 =	sadd.s32 $0xFFFFFD98, s19  }
0x132: {  	[tilespmem:s28], [sflag:$0x1] =	stream.indirect.gather [hbm4b:s3+s23], $0x40, s16, s23, $0xb8;
	[tilespmem:$0x13800] =	vst v63  }
0x133: {  	s16 =	sadd.s32 $0xFFFFFDD0, s19  }
0x134: {  	[tilespmem:s0], [sflag:$0x1] =	stream.indirect.gather [hbm4b:s3+s23], $0x40, s16, s23, $0xb8;
	[tilespmem:$0x13800] =	vst v63  }
0x135: {  	s16 =	sadd.s32 $0xFFFFFE08, s19  }
0x136: {  	[tilespmem:s30], [sflag:$0x1] =	stream.indirect.gather [hbm4b:s3+s23], $0x40, s16, s23, $0xb8;
	[tilespmem:$0x13800] =	vst v63  }
0x137: {  	s16 =	sadd.s32 $0xFFFFFE40, s19  }
0x138: {  	[tilespmem:s22], [sflag:$0x1] =	stream.indirect.gather [hbm4b:s3+s23], $0x40, s16, s23, $0xb8;
	[tilespmem:$0x13800] =	vst v63  }
0x139: {  	_ =	swait.ge [sflag:s14], $0xC80  }
0x13a: {  	[sflag:s14] =	ssyncset.done $0x0  }
0x13b: {  	[sflag:s14] =	ssyncadd.s32 $0xFFFFF380  }
0x13c: {  	_ =	swait.ge [sflag:s14], $0xC80  }
0x13d: {  	[sflag:s14] =	ssyncset.done $0x0  }
0x13e: {  	[sflag:s14] =	ssyncadd.s32 $0xFFFFF380  }
0x13f: {  	_ =	swait.ge [sflag:s14], $0xC80  }
0x140: {  	[sflag:s14] =	ssyncset.done $0x0  }
0x141: {  	[sflag:s14] =	ssyncadd.s32 $0xFFFFF380  }
0x142: {  	_ =	swait.ge [sflag:s14], $0xC80  }
0x143: {  	[sflag:s14] =	ssyncset.done $0x0  }
0x144: {  	[sflag:s14] =	ssyncadd.s32 $0xFFFFF380  }
0x145: {  	_ =	swait.ge [sflag:s14], $0xC80  }
0x146: {  	[sflag:s14] =	ssyncset.done $0x0  }
0x147: {  	[sflag:s14] =	ssyncadd.s32 $0xFFFFF380  }
0x148: {  	_ =	swait.ge [sflag:s14], $0xC80  }
0x149: {  	[sflag:s14] =	ssyncset.done $0x0  }
0x14a: {  	[sflag:s14] =	ssyncadd.s32 $0xFFFFF380  }
0x14b: {  	_ =	swait.ge [sflag:s14], $0xC80  }
0x14c: {  	[sflag:s14] =	ssyncset.done $0x0  }
0x14d: {  	[sflag:s14] =	ssyncadd.s32 $0xFFFFF380  }
0x14e: {  	_ =	swait.ge [sflag:s14], $0xC80  }
0x14f: {  	[sflag:s14] =	ssyncset.done $0x0  }
0x150: {  	s16 =	sadd.s32 $0x1C00, s21;
	[sflag:s14] =	ssyncadd.s32 $0xFFFFF380  }
0x151: {  	[hbm4b:s16+s11] =	stream.strided.scatter [tilespmem:s25], [sflag:$0x4], $0xC80, s12, s11, $0x38;
	[tilespmem:$0x13800] =	vst v63  }
0x152: {  	s22 =	rddreg [dreg:$0x8];
	s16 =	sadd.s32 $0x1F80, s21  }
0x153: {  	[hbm4b:s16+s11] =	stream.strided.scatter [tilespmem:s2], [sflag:$0x4], $0xC80, s12, s11, $0x38;
	[tilespmem:$0x13800] =	vst v63  }
0x154: {  	s21 =	rddreg [dreg:$0x7];
	s16 =	sadd.s32 s20, s22  }
0x155: {  	[hbm4b:s16+s11] =	stream.strided.scatter [tilespmem:s4], [sflag:$0x4], $0xC80, s12, s11, $0x38;
	[tilespmem:$0x13800] =	vst v63  }
0x156: {  	s22 =	rddreg [dreg:$0x6];
	s16 =	sadd.s32 s20, s21  }
0x157: {  	[hbm4b:s16+s11] =	stream.strided.scatter [tilespmem:s5], [sflag:$0x4], $0xC80, s12, s11, $0x38;
	[tilespmem:$0x13800] =	vst v63  }
0x158: {  	s21 =	rddreg [dreg:$0x5];
	s16 =	sadd.s32 s20, s22  }
0x159: {  	[hbm4b:s16+s11] =	stream.strided.scatter [tilespmem:s6], [sflag:$0x4], $0xC80, s12, s11, $0x38;
	[tilespmem:$0x13800] =	vst v63  }
0x15a: {  	s22 =	rddreg [dreg:$0x4];
	s16 =	sadd.s32 s20, s21  }
0x15b: {  	[hbm4b:s16+s11] =	stream.strided.scatter [tilespmem:s7], [sflag:$0x4], $0xC80, s12, s11, $0x38;
	[tilespmem:$0x13800] =	vst v63  }
0x15c: {  	s22 =	sadd.s32 s20, s22;
	s21 =	rddreg [dreg:$0x3]  }
0x15d: {  	[hbm4b:s22+s11] =	stream.strided.scatter [tilespmem:s8], [sflag:$0x4], $0xC80, s12, s11, $0x38;
	[tilespmem:$0x13800] =	vst v63  }
0x15e: {  	s21 =	sadd.s32 s20, s21  }
0x15f: {  	[hbm4b:s21+s11] =	stream.strided.scatter [tilespmem:s9], [sflag:$0x4], $0xC80, s12, s11, $0x38;
	[tilespmem:$0x13800] =	vst v63  }
0x160: {  	_ =	swait.ge [sflag:s15], $0xC80  }
0x161: {  	[sflag:s15] =	ssyncset.done $0x0  }
0x162: {  	[sflag:s15] =	ssyncadd.s32 $0xFFFFF380  }
0x163: {  	_ =	swait.ge [sflag:s15], $0xC80  }
0x164: {  	[sflag:s15] =	ssyncset.done $0x0  }
0x165: {  	[sflag:s15] =	ssyncadd.s32 $0xFFFFF380  }
0x166: {  	_ =	swait.ge [sflag:s15], $0xC80  }
0x167: {  	[sflag:s15] =	ssyncset.done $0x0  }
0x168: {  	[sflag:s15] =	ssyncadd.s32 $0xFFFFF380  }
0x169: {  	_ =	swait.ge [sflag:s15], $0xC80  }
0x16a: {  	[sflag:s15] =	ssyncset.done $0x0  }
0x16b: {  	[sflag:s15] =	ssyncadd.s32 $0xFFFFF380  }
0x16c: {  	_ =	swait.ge [sflag:s15], $0xC80  }
0x16d: {  	[sflag:s15] =	ssyncset.done $0x0  }
0x16e: {  	[sflag:s15] =	ssyncadd.s32 $0xFFFFF380  }
0x16f: {  	_ =	swait.ge [sflag:s15], $0xC80  }
0x170: {  	[sflag:s15] =	ssyncset.done $0x0  }
0x171: {  	[sflag:s15] =	ssyncadd.s32 $0xFFFFF380  }
0x172: {  	_ =	swait.ge [sflag:s15], $0xC80  }
0x173: {  	[sflag:s15] =	ssyncset.done $0x0  }
0x174: {  	[sflag:s15] =	ssyncadd.s32 $0xFFFFF380  }
0x175: {  	_ =	swait.ge [sflag:s15], $0xC80  }
0x176: {  	[sflag:s15] =	ssyncset.done $0x0  }
0x177: {  	s22 =	sadd.s32 $0xFFFFFE78, s19;
	[sflag:s15] =	ssyncadd.s32 $0xFFFFF380  }
0x178: {  	[tilespmem:s25], [sflag:$0x2] =	stream.indirect.gather [hbm4b:s3+s23], $0x40, s22, s23, $0xb8;
	[tilespmem:$0x13800] =	vst v63  }
0x179: {  	s20 =	sadd.s32 $0xFFFFFEB0, s19  }
0x17a: {  	[tilespmem:s2], [sflag:$0x2] =	stream.indirect.gather [hbm4b:s3+s23], $0x40, s20, s23, $0xb8;
	[tilespmem:$0x13800] =	vst v63  }
0x17b: {  	s17 =	smov.u32 s19;
	p0 =	sne.s32 s18, $0x69000;
	s21 =	sadd.s32 $0xFFFFFEE8, s19  }
0x17c: {  	[tilespmem:s4], [sflag:$0x2] =	stream.indirect.gather [hbm4b:s3+s23], $0x40, s21, s23, $0xb8;
	[tilespmem:$0x13800] =	vst v63  }
0x17d: {  	s18 =	sadd.s32 $0x3800, s18;
	s24 =	simm.s32 $0x7000;
	s22 =	sadd.s32 $0xFFFFFF20, s19  }
0x17e: {  	[tilespmem:s5], [sflag:$0x2] =	stream.indirect.gather [hbm4b:s3+s23], $0x40, s22, s23, $0xb8;
	[tilespmem:$0x13800] =	vst v63  }
0x17f: {  	s26 =	simm.s32 $0x7C80;
	s29 =	simm.s32 $0x8900;
	s20 =	sadd.s32 $0xFFFFFF58, s19  }
0x180: {  	[tilespmem:s6], [sflag:$0x2] =	stream.indirect.gather [hbm4b:s3+s23], $0x40, s20, s23, $0xb8;
	[tilespmem:$0x13800] =	vst v63  }
.Ltmp0:
0x181: {  	s31 =	simm.s32 $0x9580;
	s1 =	simm.s32 $0xA200;
	(pc) =	sbr.rel @p0 .LBB2_2-.Ltmp0, $4  }
0x182: {  	s28 =	simm.s32 $0xAE80;
	s0 =	simm.s32 $0xBB00;
	s21 =	sadd.s32 $0xFFFFFF90, s19  }
0x183: {  	[tilespmem:s7], [sflag:$0x2] =	stream.indirect.gather [hbm4b:s3+s23], $0x40, s21, s23, $0xb8;
	[tilespmem:$0x13800] =	vst v63  }
0x184: {  	s30 =	simm.s32 $0xC780;
	s22 =	sadd.s32 $0xFFFFFFC8, s19;
	s19 =	sadd.s32 $0x380, s19  }
0x185: {  	[tilespmem:s8], [sflag:$0x2] =	stream.indirect.gather [hbm4b:s3+s23], $0x40, s22, s23, $0xb8;
	[tilespmem:$0x13800] =	vst v63  }
0x186: {  	[tilespmem:s9], [sflag:$0x2] =	stream.indirect.gather [hbm4b:s3+s23], $0x40, s17, s23, $0xb8;
	[tilespmem:$0x13800] =	vst v63  }
0x187: {  	_ =	swait.ge [sflag:s10], $0xC80  }
0x188: {  	[sflag:s10] =	ssyncset.done $0x0  }
0x189: {  	[sflag:s10] =	ssyncadd.s32 $0xFFFFF380  }
0x18a: {  	_ =	swait.ge [sflag:s10], $0xC80  }
0x18b: {  	[sflag:s10] =	ssyncset.done $0x0  }
0x18c: {  	[sflag:s10] =	ssyncadd.s32 $0xFFFFF380  }
0x18d: {  	_ =	swait.ge [sflag:s10], $0xC80  }
0x18e: {  	[sflag:s10] =	ssyncset.done $0x0  }
0x18f: {  	[sflag:s10] =	ssyncadd.s32 $0xFFFFF380  }
0x190: {  	_ =	swait.ge [sflag:s10], $0xC80  }
0x191: {  	[sflag:s10] =	ssyncset.done $0x0  }
0x192: {  	[sflag:s10] =	ssyncadd.s32 $0xFFFFF380  }
0x193: {  	_ =	swait.ge [sflag:s10], $0xC80  }
0x194: {  	[sflag:s10] =	ssyncset.done $0x0  }
0x195: {  	[sflag:s10] =	ssyncadd.s32 $0xFFFFF380  }
0x196: {  	_ =	swait.ge [sflag:s10], $0xC80  }
0x197: {  	[sflag:s10] =	ssyncset.done $0x0  }
0x198: {  	[sflag:s10] =	ssyncadd.s32 $0xFFFFF380  }
0x199: {  	_ =	swait.ge [sflag:s10], $0xC80  }
0x19a: {  	[sflag:s10] =	ssyncset.done $0x0  }
0x19b: {  	[sflag:s10] =	ssyncadd.s32 $0xFFFFF380  }
0x19c: {  	_ =	swait.ge [sflag:s10], $0xC80  }
0x19d: {  	[sflag:s10] =	ssyncset.done $0x0  }
0x19e: {  	s16 =	rddreg [dreg:$0x10];
	[sflag:s10] =	ssyncadd.s32 $0xFFFFF380  }
0x19f: {  	[hbm4b:s16+s11] =	stream.strided.scatter [tilespmem:s24], [sflag:$0x3], $0xC80, s12, s11, $0x38;
	[tilespmem:$0x13800] =	vst v63  }
0x1a0: {  	s24 =	rddreg [dreg:$0x11]  }
0x1a1: {  	[hbm4b:s24+s11] =	stream.strided.scatter [tilespmem:s26], [sflag:$0x3], $0xC80, s12, s11, $0x38;
	[tilespmem:$0x13800] =	vst v63  }
0x1a2: {  	s26 =	rddreg [dreg:$0x12]  }
0x1a3: {  	[hbm4b:s26+s11] =	stream.strided.scatter [tilespmem:s29], [sflag:$0x3], $0xC80, s12, s11, $0x38;
	[tilespmem:$0x13800] =	vst v63  }
0x1a4: {  	s29 =	rddreg [dreg:$0x13]  }
0x1a5: {  	[hbm4b:s29+s11] =	stream.strided.scatter [tilespmem:s31], [sflag:$0x3], $0xC80, s12, s11, $0x38;
	[tilespmem:$0x13800] =	vst v63  }
0x1a6: {  	s31 =	rddreg [dreg:$0x14]  }
0x1a7: {  	[hbm4b:s31+s11] =	stream.strided.scatter [tilespmem:s1], [sflag:$0x3], $0xC80, s12, s11, $0x38;
	[tilespmem:$0x13800] =	vst v63  }
0x1a8: {  	s1 =	rddreg [dreg:$0x15]  }
0x1a9: {  	[hbm4b:s1+s11] =	stream.strided.scatter [tilespmem:s28], [sflag:$0x3], $0xC80, s12, s11, $0x38;
	[tilespmem:$0x13800] =	vst v63  }
0x1aa: {  	s17 =	rddreg [dreg:$0x16]  }
0x1ab: {  	[hbm4b:s17+s11] =	stream.strided.scatter [tilespmem:s0], [sflag:$0x3], $0xC80, s12, s11, $0x38;
	[tilespmem:$0x13800] =	vst v63  }
0x1ac: {  	s18 =	rddreg [dreg:$0x17]  }
0x1ad: {  	[hbm4b:s18+s11] =	stream.strided.scatter [tilespmem:s30], [sflag:$0x3], $0xC80, s12, s11, $0x38;
	[tilespmem:$0x13800] =	vst v63  }
0x1ae: {  	_ =	swait.ge [sflag:s14], $0xC80  }
0x1af: {  	[sflag:s14] =	ssyncset.done $0x0  }
0x1b0: {  	[sflag:s14] =	ssyncadd.s32 $0xFFFFF380  }
0x1b1: {  	_ =	swait.ge [sflag:s14], $0xC80  }
0x1b2: {  	[sflag:s14] =	ssyncset.done $0x0  }
0x1b3: {  	[sflag:s14] =	ssyncadd.s32 $0xFFFFF380  }
0x1b4: {  	_ =	swait.ge [sflag:s14], $0xC80  }
0x1b5: {  	[sflag:s14] =	ssyncset.done $0x0  }
0x1b6: {  	[sflag:s14] =	ssyncadd.s32 $0xFFFFF380  }
0x1b7: {  	_ =	swait.ge [sflag:s14], $0xC80  }
0x1b8: {  	[sflag:s14] =	ssyncset.done $0x0  }
0x1b9: {  	[sflag:s14] =	ssyncadd.s32 $0xFFFFF380  }
0x1ba: {  	_ =	swait.ge [sflag:s14], $0xC80  }
0x1bb: {  	[sflag:s14] =	ssyncset.done $0x0  }
0x1bc: {  	[sflag:s14] =	ssyncadd.s32 $0xFFFFF380  }
0x1bd: {  	_ =	swait.ge [sflag:s14], $0xC80  }
0x1be: {  	[sflag:s14] =	ssyncset.done $0x0  }
0x1bf: {  	[sflag:s14] =	ssyncadd.s32 $0xFFFFF380  }
0x1c0: {  	_ =	swait.ge [sflag:s14], $0xC80  }
0x1c1: {  	[sflag:s14] =	ssyncset.done $0x0  }
0x1c2: {  	[sflag:s14] =	ssyncadd.s32 $0xFFFFF380  }
0x1c3: {  	_ =	swait.ge [sflag:s14], $0xC80  }
0x1c4: {  	[sflag:s14] =	ssyncset.done $0x0  }
0x1c5: {  	s19 =	rddreg [dreg:$0x18];
	[sflag:s14] =	ssyncadd.s32 $0xFFFFF380  }
0x1c6: {  	[hbm4b:s19+s11] =	stream.strided.scatter [tilespmem:s25], [sflag:$0x4], $0xC80, s12, s11, $0x38;
	[tilespmem:$0x13800] =	vst v63  }
0x1c7: {  	s20 =	rddreg [dreg:$0x19]  }
0x1c8: {  	[hbm4b:s20+s11] =	stream.strided.scatter [tilespmem:s2], [sflag:$0x4], $0xC80, s12, s11, $0x38;
	[tilespmem:$0x13800] =	vst v63  }
0x1c9: {  	s21 =	rddreg [dreg:$0x1a]  }
0x1ca: {  	[hbm4b:s21+s11] =	stream.strided.scatter [tilespmem:s4], [sflag:$0x4], $0xC80, s12, s11, $0x38;
	[tilespmem:$0x13800] =	vst v63  }
0x1cb: {  	s22 =	rddreg [dreg:$0x1b]  }
0x1cc: {  	[hbm4b:s22+s11] =	stream.strided.scatter [tilespmem:s5], [sflag:$0x4], $0xC80, s12, s11, $0x38;
	[tilespmem:$0x13800] =	vst v63  }
0x1cd: {  	s24 =	rddreg [dreg:$0x1c]  }
0x1ce: {  	[hbm4b:s24+s11] =	stream.strided.scatter [tilespmem:s6], [sflag:$0x4], $0xC80, s12, s11, $0x38;
	[tilespmem:$0x13800] =	vst v63  }
0x1cf: {  	s26 =	rddreg [dreg:$0x1d]  }
0x1d0: {  	[hbm4b:s26+s11] =	stream.strided.scatter [tilespmem:s7], [sflag:$0x4], $0xC80, s12, s11, $0x38;
	[tilespmem:$0x13800] =	vst v63  }
0x1d1: {  	s28 =	rddreg [dreg:$0x1e]  }
0x1d2: {  	[hbm4b:s28+s11] =	stream.strided.scatter [tilespmem:s8], [sflag:$0x4], $0xC80, s12, s11, $0x38;
	[tilespmem:$0x13800] =	vst v63  }
0x1d3: {  	s29 =	rddreg [dreg:$0x1f]  }
0x1d4: {  	[hbm4b:s29+s11] =	stream.strided.scatter [tilespmem:s9], [sflag:$0x4], $0xC80, s12, s11, $0x38;
	[tilespmem:$0x13800] =	vst v63  }
0x1d5: {  	_ =	swait.ge [sflag:s13], $0xC80  }
0x1d6: {  	[sflag:s13] =	ssyncset.done $0x0  }
0x1d7: {  	[sflag:s13] =	ssyncadd.s32 $0xFFFFF380  }
0x1d8: {  	_ =	swait.ge [sflag:s13], $0xC80  }
0x1d9: {  	[sflag:s13] =	ssyncset.done $0x0  }
0x1da: {  	[sflag:s13] =	ssyncadd.s32 $0xFFFFF380  }
0x1db: {  	_ =	swait.ge [sflag:s13], $0xC80  }
0x1dc: {  	[sflag:s13] =	ssyncset.done $0x0  }
0x1dd: {  	[sflag:s13] =	ssyncadd.s32 $0xFFFFF380  }
0x1de: {  	_ =	swait.ge [sflag:s13], $0xC80  }
0x1df: {  	[sflag:s13] =	ssyncset.done $0x0  }
0x1e0: {  	[sflag:s13] =	ssyncadd.s32 $0xFFFFF380  }
0x1e1: {  	_ =	swait.ge [sflag:s13], $0xC80  }
0x1e2: {  	[sflag:s13] =	ssyncset.done $0x0  }
0x1e3: {  	[sflag:s13] =	ssyncadd.s32 $0xFFFFF380  }
0x1e4: {  	_ =	swait.ge [sflag:s13], $0xC80  }
0x1e5: {  	[sflag:s13] =	ssyncset.done $0x0  }
0x1e6: {  	[sflag:s13] =	ssyncadd.s32 $0xFFFFF380  }
0x1e7: {  	_ =	swait.ge [sflag:s13], $0xC80  }
0x1e8: {  	[sflag:s13] =	ssyncset.done $0x0  }
0x1e9: {  	[sflag:s13] =	ssyncadd.s32 $0xFFFFF380  }
0x1ea: {  	_ =	swait.ge [sflag:s13], $0xC80  }
0x1eb: {  	[sflag:s13] =	ssyncset.done $0x0  }
0x1ec: {  	[sflag:s13] =	ssyncadd.s32 $0xFFFFF380  }
0x1ed: {  	_ =	swait.ge [sflag:s15], $0xC80  }
0x1ee: {  	[sflag:s15] =	ssyncset.done $0x0  }
0x1ef: {  	[sflag:s15] =	ssyncadd.s32 $0xFFFFF380  }
0x1f0: {  	_ =	swait.ge [sflag:s15], $0xC80  }
0x1f1: {  	[sflag:s15] =	ssyncset.done $0x0  }
0x1f2: {  	[sflag:s15] =	ssyncadd.s32 $0xFFFFF380  }
0x1f3: {  	_ =	swait.ge [sflag:s15], $0xC80  }
0x1f4: {  	[sflag:s15] =	ssyncset.done $0x0  }
0x1f5: {  	[sflag:s15] =	ssyncadd.s32 $0xFFFFF380  }
0x1f6: {  	_ =	swait.ge [sflag:s15], $0xC80  }
0x1f7: {  	[sflag:s15] =	ssyncset.done $0x0  }
0x1f8: {  	[sflag:s15] =	ssyncadd.s32 $0xFFFFF380  }
0x1f9: {  	_ =	swait.ge [sflag:s15], $0xC80  }
0x1fa: {  	[sflag:s15] =	ssyncset.done $0x0  }
0x1fb: {  	[sflag:s15] =	ssyncadd.s32 $0xFFFFF380  }
0x1fc: {  	_ =	swait.ge [sflag:s15], $0xC80  }
0x1fd: {  	[sflag:s15] =	ssyncset.done $0x0  }
0x1fe: {  	[sflag:s15] =	ssyncadd.s32 $0xFFFFF380  }
0x1ff: {  	_ =	swait.ge [sflag:s15], $0xC80  }
0x200: {  	[sflag:s15] =	ssyncset.done $0x0  }
0x201: {  	[sflag:s15] =	ssyncadd.s32 $0xFFFFF380  }
0x202: {  	_ =	swait.ge [sflag:s15], $0xC80  }
0x203: {  	s30 =	sld [smem:$0x7FC]  }
0x204: {  	s31 =	sld [smem:$0x7FD];
	_ =	sdelay $0x1  }
0x205: {  	s0 =	sadd.s32 $0x1, s30  }
0x206: {  	p0 =	sne.s32 s0, s31  }
.Ltmp1:
0x207: {  	_ = 	snop;
	(pc) =	sbr.rel @p0 .LBB2_1-.Ltmp1, $3  }
0x208: {  	_ =	sdelay $0x1  }
0x209: {  	[sflag:s15] =	ssyncset.done $0x0  }
0x20a: {  	[sflag:s15] =	ssyncadd.s32 $0xFFFFF380  }
0x20b: {  	_ =	sfence.sel $0x180000  }
0x20c: {  	[bflag:$0x0] =	sbarrier.arrive $0xFFFF  }
0x20d: {  	_ =	strace $0x90000047  }
0x20e: {  	s0 =	stileid.u32;
	[bflag:$0x2] =	sbarrier.arrive $0xFFFF  }
0x20f: {  	p0 =	sne.s32 s0, $0x0;
	s0 =	rddreg [dreg:$0x2]  }
0x210: {  	s0 =	sadd.s32 @!p0 $0x100000, s0  }
0x211: {  	[sflag:s0] =	ssyncadd.tile.s32 @!p0 $0x1;
	_ =	shalt  }
.Lfunc_end2:
_tile_overlayer_lowered:
.L_overlay_start_2:
0x212: {  	(tag) =	ssettag $0x2  }
0x213: {  	s0 =	rddreg [dreg:$0x0];
	s2 =	stileid.u32  }
0x214: {  	s1 =	rddreg [dreg:$0x1];
	p0 =	sne.s32 s2, $0x0  }
0x215: {  	s3 =	rddreg [dreg:$0x2];
	[bflag:$0x3] =	sbarrier.arrive $0xFFFF;
	s2 =	simm.s32 @!p0 $0x1C05  }
0x216: {  	[timem:s3], [sflag:s2] =	dma.local @!p0 [hbm:s0], s1  }
0x217: {  	s0 =	simm.s32 @!p0 $0x5  }
0x218: {  	_ =	swait.ge @!p0 [sflag:s0], s1  }
0x219: {  	s1 =	ssub.s32 @!p0 $0x0, s1;
	[sflag:s0] =	ssyncset.done @!p0 $0x0  }
0x21a: {  	[sflag:s0] =	ssyncadd.s32 @!p0 s1  }
0x21b: {  	[bflag:$0x3] =	sbarrier.arrive $0xFFFF  }
0x21c: {  	_ =	shalt  }

// kernel: sparse-core-data-format-call.cloned.1.call-start
scs
called_computation_lowered:
.L_overlay_start_0:
0x0: {  	s2 =	sld [smem:$0x3FD9]  }
0x1: {  	s3 =	sld [smem:$0x3FFE];
	_ =	sdelay $0x1  }
0x2: {  	s1 =	srdreg.scid  }
0x3: {  	s0 =	sand.u32 $0x1, s1  }
0x4: {  	s18 =	sshll.u32 s0, $0xA;
	s2 =	sadd.s32 s3, s2  }
0x5: {  	s2 =	sadd.s32 s2, s18  }
0x6: {  	[smem:$0x3FC6] =	sst s2  }
0x7: {  	_ = 	snop  }
0x8: {  	s2 =	sld [smem:$0x3FD0];
	(tm) =	ssettm $0x1  }
0x9: {  	s19 =	sld [smem:$0x3FFB];
	_ =	sdelay $0x3  }
0xa: {  	_ =	strace s19  }
0xb: {  	s3 =	sld [smem:$0x3FFC];
	_ =	sdelay $0x3  }
0xc: {  	_ =	strace s3  }
0xd: {  	s3 =	sld [smem:$0x3FFD];
	_ =	sdelay $0x3  }
0xe: {  	_ =	strace s3  }
0xf: {  	_ =	strace $0x8FFFFFFF  }
0x10: {  	s20 =	sld [smem:$0x3FDB];
	_ =	sdelay $0x1  }
0x11: {  	s4 =	simm.s32 $_scs_section_size  }
0x12: {  	s5 =	simm.s32 $_size__tile_overlayer_lowered;
	s6 =	simm.s32 $_tile_overlayer_lowered  }
0x13: {  	s23 =	simm.s32 $0x1BFF;
	s22 =	sshll.u32 s6, $0x1;
	s3 =	sadd.s32 s4, s20  }
0x14: {  	s7 =	simm.s32 $0x0;
	s21 =	sshll.u32 s5, $0x1;
	s5 =	sadd.s32 s22, s3  }
0x15: {  	[timem:s7], [sflag:s23] =	dma.local [hbm:s5], s21  }
0x16: {  	_ =	swait.ge [sflag:s23], s21  }
0x17: {  	s4 =	ssub.s32 $0x0, s21;
	[sflag:s23] =	ssyncset.done $0x0  }
0x18: {  	[sflag:s23] =	ssyncadd.s32 s4;
	_ =	sdelay $0x1  }
0x19: {  	s24 =	simm.s32 $0x1B8B  }
0x1a: {  	_ =	swait.ge [sflag:s24], $0x1  }
0x1b: {  	[sflag:s24] =	ssyncset.done $0x0  }
0x1c: {  	s26 =	simm.s32 $0x1B8E;
	s25 =	sld [smem:$0x3FFE];
	[sflag:s24] =	ssyncadd.s32 $0xFFFFFFFF  }
0x1d: {  	s27 =	simm.s32 $execute0_lowered;
	[smem:$0x3FD2] =	sst s26  }
0x1e: {  	s5 =	sshll.u32 s27, $0x1;
	_ =	strace $0x80000049;
	[dreg:$0x1] =	wrdreg $0xFFFFFFFF  }
0x1f: {  	s28 =	simm.s32 $_size_execute0_lowered;
	s3 =	sadd.s32 s3, s5;
	[dreg:$0x0] =	wrdreg $0x0  }
0x20: {  	s5 =	sshll.u32 s28, $0x1;
	[dreg:$0x2] =	wrdreg s3  }
0x21: {  	[dreg:$0x3] =	wrdreg s5  }
0x22: {  	[dreg:$0x4] =	wrdreg $0xC0  }
0x23: {  	_ =	task [dreg:s7], $0x5FFFF  }
0x24: {  	[dreg:$0x1] =	wrdreg $0xFFFFFFFF  }
0x25: {  	[dreg:$0x0] =	wrdreg $0x60  }
0x26: {  	[dreg:$0x2] =	wrdreg s25  }
0x27: {  	[dreg:$0x3] =	wrdreg s2  }
0x28: {  	[dreg:$0x4] =	wrdreg $0x9  }
0x29: {  	_ =	task.clear_ibuf [dreg:s7], $0x5FFFF;
	_ =	strace $0x90000049  }
0x2a: {  	s29 =	simm.s32 $0x9;
	_ =	strace $0x8000004B  }
0x2b: {  	_ =	swait.ge [sflag:s29], $0x1  }
0x2c: {  	[sflag:s29] =	ssyncadd.s32 $0xFFFFFFFF  }
0x2d: {  	_ =	strace $0x9000004B  }
0x2e: {  	_ =	sfence  }
0x2f: {  	s30 =	sld [smem:$0x0];
	_ =	sdelay $0x2  }
0x30: {  	s31 =	sshll.u32 s1, $0xD;
	s1 =	sshrl.u32 s1, $0x2  }
0x31: {  	s3 =	sand.u32 $0x4000, s31;
	s1 =	sadd.s32 s1, s30  }
0x32: {  	s0 =	sor.u32 s3, s0;
	s1 =	sshll.u32 s1, $0x11  }
0x33: {  	s0 =	sor.u32 s1, s0  }
0x34: {  	s0 =	sadd.s32 $0x8F2B, s0  }
0x35: {  	[sflag:s0] =	ssyncadd.remote.s32 $0x1  }
0x36: {  	_ =	sfence.sel $0xFFFF  }
0x37: {  	[dreg:$0x0] =	wrdreg $0xFFFFFFFF;
	(pc) =	sbr.abs _section_cstart, $3  }
0x38: {  	[dreg:$0x1] =	wrdreg $0xFFFFFFFF  }
0x39: {  	_ =	task.clear_ibuf [dreg:s7], $0x2FFFF;
	_ =	strace $0x9FFFFFFF  }
0x3a: {  	(tm) =	ssettm $0x7FFFFFFF  }
0x3b: {  	_ =	shalt  }
tec
execute0_lowered:
.L_overlay_start_1:
0x0: {  	(tag) =	ssettag $0x1  }
0x1: {  	s0 =	srdreg.scid  }
0x2: {  	s1 =	sshll.u32 s0, $0x4  }
0x3: {  	s0 =	stileid.u32;
	s1 =	sand.u32 $0x10, s1  }
0x4: {  	s1 =	sor.u32 s0, s1  }
0x5: {  	s6 =	rddreg [dreg:$0x0];
	s4 =	simm.s32 $0x1;
	s2 =	sshll.u32 s1, $0x7  }
0x6: {  	s7 =	simm.s32 $0x2;
	s12 =	simm.s32 $0x0;
	s1 =	ssub.s32 $0x4000, s2  }
0x7: {  	s8 =	simm.s32 $0x20000;
	s13 =	simm.s32 $0x0;
	s3 =	sand.u32 $0xF80, s1  }
0x8: {  	s9 =	simm.s32 $0x0;
	s5 =	sshrl.u32 s1, $0xC;
	p0 =	sne.s32 s3, $0x0  }
.Ltmp0:
0x9: {  	s1 =	rddreg [dreg:$0x2];
	s4 =	simm.s32 @!p0 $0x0;
	(pc) =	sbr.rel .LBB1_1-.Ltmp0, $4  }
0xa: {  	s11 =	simm.s32 $0x0;
	s3 =	rddreg [dreg:$0x1];
	s5 =	sadd.s32 s4, s5  }
0xb: {  	_ =	strace $0x8000004A;
	s4 =	simm.s32 $0x1;
	s5 =	smul.u32 $0x32, s5  }
0xc: {  	s6 =	sadd.s32 $0xA00, s6;
	s10 =	smov.u32 s2;
	[sflag:s4] =	ssyncpa.u1 $0x0  }
0xd: {  	p0 =	por $0x0, $0x0;
	[sflag:s7] =	ssyncpa.u1 $0x0;
	s7 =	sor.u32 $0x1, s5  }
.LBB1_4:
0xe: {  	s16 =	sshll.u32 s13, $0x3;
	s17 =	sand.u32 $0x78, s13  }
0xf: {  	s30 =	sand.u32 $0x1F800, s13;
	s12 =	sshll.u32 s12, $0x11;
	s16 =	sand.u32 $0x3C00, s16  }
0x10: {  	[tilespmem:s15+$0x810 ss:$0x81] =	vst.msk $0xffff, v2;
	s31 =	sand.u32 $0x7, s13;
	s16 =	sor.u32 s17, s16;
	s17 =	sadd.s32 s3, s30  }
0x11: {  	[tilespmem:s15+$0x1020 ss:$0x81] =	vst.msk $0xffff, v0;
	s13 =	sshll.u32 s31, $0x12;
	s12 =	sadd.s32 s12, s17;
	s16 =	sshrl.u32 s16, $0x3  }
0x12: {  	[tilespmem:s15+$0x0 ss:$0x81] =	vst.msk $0xffff, v1;
	s13 =	sor.u32 $0x400, s13;
	s12 =	sadd.s32 s16, s12  }
0x13: {  	[hbm4b:s12+s13] =	stream.strided.scatter [tilespmem:s14], [sflag:$0x2], $0x2000, s8, s13, $0x20;
	[tilespmem:$0x8080] =	vst v63  }
.LBB1_5:
0x14: {  	s14 =	sadd.s32 $0x1, s9  }
0x15: {  	s12 =	sadd.s32 $0x1000, s10;
	s16 =	smov.u32 s10;
	p2 =	sgt.s32 s14, $0x31  }
0x16: {  	s16 =	smov.u32 @p2 s12  }
0x17: {  	s14 =	simm.s32 @p2 $0x0;
	p2 =	sgt.s32 s16, $0x3FFF  }
0x18: {  	s16 =	smov.u32 @p2 s2;
	p2 =	sne.s32 s11, s7  }
.Ltmp1:
0x19: {  	p1 =	slt.u32 s11, $0x2;
	(pc) =	sbr.rel @!p2 .LBB1_6-.Ltmp1, $4  }
0x1a: {  	s15 =	simm.s32 @!p1 $0x2  }
0x1b: {  	s13 =	smov.u32 s10;
	p0 =	por !p0, !p0;
	_ =	swait.ge @!p1 [sflag:s15], $0x2000  }
0x1c: {  	s12 =	smov.u32 s9;
	[sflag:s15] =	ssyncset.done @!p1 $0x0;
	s9 =	smov.u32 s14  }
0x1d: {  	s11 =	sadd.s32 $0x1, s11;
	[sflag:s15] =	ssyncadd.s32 @!p1 $0xFFFFE000;
	s10 =	smov.u32 s16  }
.LBB1_1:
0x1e: {  	p1 =	sge.u32 s11, s5  }
0x1f: {  	s14 =	sand.u32 @!p1 $0x1FFFFFF, s9  }
0x20: {  	s15 =	smulhi.u32 @!p1 $0x4924925, s14;
	_ =	sdelay $0x1  }
0x21: {  	s15 =	smul.u32 @!p1 $0x38, s15  }
0x22: {  	s16 =	sxor.u32 @!p1 $0xFFFFFFFF, s11;
	s17 =	smul.u32 @!p1 $0x380, s10  }
0x23: {  	s31 =	sadd.s32 $0xFFFFFFFF, s11;
	s16 =	sshll.u32 @!p1 s16, $0xD;
	s14 =	ssub.s32 @!p1 s14, s15  }
0x24: {  	s15 =	sand.u32 @!p1 $0x2000, s16;
	s16 =	sadd.s32 @!p1 s6, s17;
	s14 =	sshll.u32 @!p1 s14, $0x4  }
0x25: {  	s17 =	simm.s32 @!p1 $0x1C00;
	s14 =	sadd.s32 @!p1 s14, s16;
	s16 =	simm.s32 @!p1 $0x40  }
0x26: {  	[tilespmem:s15], [sflag:$0x1] =	stream.strided.gather @!p1 [hbm4b:s14+s16], $0x2000, s17, s16, $0x38;
	[tilespmem:$0x8080] =	vst v63  }
0x27: {  	p1 =	sge.u32 s31, s5  }
.Ltmp2:
0x28: {  	_ = 	snop;
	(pc) =	sbr.rel @p1 .LBB1_5-.Ltmp2, $1  }
0x29: {  	_ =	sdelay $0x3  }
0x2a: {  	s14 =	simm.s32 $0x1  }
0x2b: {  	_ =	swait.ge [sflag:s4], $0x2000;
	s14 =	simm.s32 @!p0 $0x0  }
0x2c: {  	[sflag:s4] =	ssyncset.done $0x0;
	s15 =	sshll.u32 s14, $0xD  }
0x2d: {  	[sflag:s4] =	ssyncadd.s32 $0xFFFFE000;
	s18 =	sor.u32 $0x20, s15  }
0x2e: {  	s14 =	smul.u32 $0x8100, s14;
	v3 =	vld [tilespmem:s18+$0x10]  }
0x2f: {  	s30 =	sand.u32 $0x1, s11;
	v2 =	vld [tilespmem:s18+$0xFFFFFFF0]  }
0x30: {  	s15 =	smul.u32 $0x8100, s30;
	s14 =	sshrl.u32 s14, $0x2;
	v0 =	vld [tilespmem:s18+$0x0]  }
0x31: {  	v1 =	vld [tilespmem:s18+$0xFFFFFFE0];
	s16 =	sor.u32 $0x4000, s14  }
0x32: {  	s31 =	sshrl.u32 s15, $0x2;
	s15 =	sadd.s32 $0x0, s16  }
0x33: {  	s17 =	simm.s32 $0x4;
	s18 =	sadd.s32 $0x40, s18;
	s14 =	sor.u32 $0x4000, s31;
	[tilespmem:s15+$0x1830 ss:$0x81] =	vst.msk $0xffff, v3  }
.LBB1_3:
0x34: {  	v3 =	vld [tilespmem:s18+$0x10];
	p1 =	sne.s32 s17, $0x1FC;
	[tilespmem:s15+$0x810 ss:$0x81] =	vst.msk $0xffff, v2;
	s19 =	smov.u32 s17;
	s17 =	sadd.s32 $0x4, s17  }
.Ltmp3:
0x35: {  	v2 =	vld [tilespmem:s18+$0xFFFFFFF0];
	[tilespmem:s15+$0x1020 ss:$0x81] =	vst.msk $0xffff, v0;
	(pc) =	sbr.rel @p1 .LBB1_3-.Ltmp3, $4  }
0x36: {  	v0 =	vld [tilespmem:s18+$0x0];
	[tilespmem:s15+$0x0 ss:$0x81] =	vst.msk $0xffff, v1  }
0x37: {  	s15 =	sshra.s32 s19, $0x2;
	v1 =	vld [tilespmem:s18+$0xFFFFFFE0]  }
0x38: {  	s15 =	sadd.s32 s15, s16  }
0x39: {  	s18 =	sadd.s32 $0x40, s18;
	[tilespmem:s15+$0x1830 ss:$0x81] =	vst.msk $0xffff, v3  }
.Ltmp4:
0x3a: {  	_ = 	snop;
	(pc) =	sbr.rel .LBB1_4-.Ltmp4, $1  }
0x3b: {  	_ =	sdelay $0x3  }
.LBB1_6:
0x3c: {  	_ =	sfence.sel $0x180000  }
0x3d: {  	s2 =	simm.s32 $0x1;
	[bflag:$0x0] =	sbarrier.arrive $0xFFFF  }
0x3e: {  	s31 =	simm.s32 $0x2;
	[sflag:s2] =	ssyncpa.u1 $0x1  }
0x3f: {  	[sflag:s31] =	ssyncpa.u1 $0x1  }
0x40: {  	p0 =	sne.s32 s0, $0x0;
	_ =	strace $0x9000004A  }
0x41: {  	s0 =	sadd.s32 @!p0 $0x100000, s1;
	[bflag:$0x2] =	sbarrier.arrive $0xFFFF  }
0x42: {  	[sflag:s0] =	ssyncadd.tile.s32 @!p0 $0x1;
	_ =	shalt  }
.Lfunc_end1:
_tile_overlayer_lowered:
.L_overlay_start_2:
0x43: {  	(tag) =	ssettag $0x2  }
0x44: {  	s0 =	rddreg [dreg:$0x0];
	s2 =	stileid.u32  }
0x45: {  	s1 =	rddreg [dreg:$0x1];
	p0 =	sne.s32 s2, $0x0  }
0x46: {  	s3 =	rddreg [dreg:$0x2];
	[bflag:$0x3] =	sbarrier.arrive $0xFFFF;
	s2 =	simm.s32 @!p0 $0x1C01  }
0x47: {  	[timem:s3], [sflag:s2] =	dma.local @!p0 [hbm:s0], s1  }
0x48: {  	s0 =	simm.s32 @!p0 $0x1  }
0x49: {  	_ =	swait.ge @!p0 [sflag:s0], s1  }
0x4a: {  	s1 =	ssub.s32 @!p0 $0x0, s1;
	[sflag:s0] =	ssyncset.done @!p0 $0x0  }
0x4b: {  	[sflag:s0] =	ssyncadd.s32 @!p0 s1  }
0x4c: {  	[bflag:$0x3] =	sbarrier.arrive $0xFFFF  }
0x4d: {  	_ =	shalt  }

</sc_bundles>
